<compile_context>
chip_gen: v7x
topology: tpu7x:2x2x1
jax: 0.10.2.dev20260603
libtpu: 0.0.44.dev20260713+nightly
codegen_flags: <defaults>
</compile_context>

<pallas_src>
import functools

import jax
import jax.numpy as jnp
from jax import lax
from jax.experimental import pallas as pl
from jax.experimental.pallas import tpu as pltpu
from jax.experimental.pallas import tpu_sc as plsc

_K = 64
_MASK = 10000.0
_LANE_CAP = 21
_CW = 16 * _LANE_CAP
_RG = 4


def _monotone_u32(x):
    b = lax.bitcast_convert_type(x, jnp.uint32)
    neg = b >= jnp.uint32(0x80000000)
    return jnp.where(neg, ~b, b | jnp.uint32(0x80000000))


def _inv_monotone_u32(u):
    pos = u >= jnp.uint32(0x80000000)
    b = jnp.where(pos, u ^ jnp.uint32(0x80000000), ~u)
    return lax.bitcast_convert_type(b, jnp.float32)


def _bisect_kth_u(u, k, iters=32):
    rows = u.shape[0]
    lo0 = jnp.zeros((rows, 1), jnp.uint32)
    hi0 = jnp.full((rows, 1), 0xFFFFFFFF, jnp.uint32)

    def body(_, carry):
        lo, hi = carry
        mid = lo + ((hi - lo) // 2) + ((hi - lo) & 1)
        cnt = jnp.sum((u >= mid).astype(jnp.int32), axis=1, keepdims=True)
        ok = cnt >= k
        return jnp.where(ok, mid, lo), jnp.where(ok, hi, mid - 1)

    t_u, _ = lax.fori_loop(0, iters, body, (lo0, hi0))
    return t_u


def _topk_expsum(s, m, t_u):
    u = _monotone_u32(s)
    t_f = _inv_monotone_u32(t_u)
    keep = u >= t_u
    cnt = jnp.sum(keep.astype(jnp.float32), axis=1, keepdims=True)
    sums = jnp.sum(jnp.where(keep, jnp.exp(s - m), 0.0), axis=1, keepdims=True)
    return sums - (cnt - float(_K)) * jnp.exp(t_f - m)


def _loss_terms(diag, m, sums):
    big = jnp.maximum(m, diag)
    lse = jnp.log(jnp.exp(diag - big) + sums * jnp.exp(m - big)) + big
    return lse - diag


def _stage1_body(q_ref, k_ref, s_out, t16_out, m_out, d_out, *, blk, bsz):
    g = pl.program_id(0)
    nblk = bsz // blk
    b = g % nblk

    q = q_ref[...]
    k = k_ref[...]
    s = lax.dot_general(q, k, (((1,), (1,)), ((), ())),
                        preferred_element_type=jnp.float32)

    rows = b * blk + lax.broadcasted_iota(jnp.int32, (blk, bsz), 0)
    cols = lax.broadcasted_iota(jnp.int32, (blk, bsz), 1)
    is_diag = rows == cols
    diag = jnp.sum(jnp.where(is_diag, s, 0.0), axis=1, keepdims=True)
    s = s - jnp.where(is_diag, _MASK, 0.0)
    s_out[...] = s

    f = s
    w = bsz
    for _ in range(4):
        w //= 2
        f = jnp.maximum(f[:, :w], f[:, w:])
    ft = _monotone_u32(f).T
    lo0 = jnp.zeros((1, blk), jnp.uint32)
    hi0 = jnp.full((1, blk), 0xFFFFFFFF, jnp.uint32)

    def bis(_, carry):
        lo, hi = carry
        mid = lo + ((hi - lo) // 2) + ((hi - lo) & 1)
        cnt = jnp.sum((ft >= mid).astype(jnp.int32), axis=0, keepdims=True)
        ok = cnt >= _K
        return jnp.where(ok, mid, lo), jnp.where(ok, hi, mid - 1)

    t_u, _ = lax.fori_loop(0, 16, bis, (lo0, hi0))
    t_f = _inv_monotone_u32(t_u)

    t16_out[...] = jnp.broadcast_to(t_f.T, (blk, 16))
    m_out[...] = jnp.max(f, axis=1, keepdims=True)
    d_out[...] = diag


def _stage2_body(s_hbm, t_hbm, cand_hbm, cnt_hbm, sbuf0, sbuf1, cbuf0, cbuf1,
                 tbuf, cntbuf, ssem0, ssem1, csem0, csem1, *, rows_per_w):
    nc = plsc.get_sparse_core_info().num_cores
    wid = lax.axis_index("s") * nc + lax.axis_index("c")
    base = wid * rows_per_w

    pltpu.sync_copy(t_hbm.at[pl.ds(base * 16, rows_per_w * 16)], tbuf)

    lanes = lax.iota(jnp.int32, 16)
    neg_inf = jnp.full((16,), -jnp.inf, jnp.float32)
    ngroups = rows_per_w // _RG
    sbufs, cbufs = (sbuf0, sbuf1), (cbuf0, cbuf1)
    ssems, csems = (ssem0, ssem1), (csem0, csem1)

    def in_copy(g, b):
        return pltpu.make_async_copy(
            s_hbm.at[pl.ds(base + g * _RG, _RG)], sbufs[b], ssems[b])

    def out_copy(g, b):
        return pltpu.make_async_copy(
            cbufs[b], cand_hbm.at[pl.ds((base + g * _RG) * _CW, _RG * _CW)],
            csems[b])

    in_copy(0, 0).start()
    in_copy(1, 1).start()

    def pair_body(h, acc):
        for b in range(2):
            g = 2 * h + b
            sbuf, cbuf = sbufs[b], cbufs[b]

            @pl.when(h >= 1)
            def _(g=g, b=b):
                out_copy(g - 2, b).wait()

            in_copy(g, b).wait()

            for j in range(_RG * _CW // 16):
                cbuf[pl.ds(j * 16, 16)] = neg_inf

            for r in range(_RG):
                rl = g * _RG + r
                tb = tbuf[pl.ds(rl * 16, 16)]
                cnt0 = r * _CW + lanes * _LANE_CAP
                cap = cnt0 + (_LANE_CAP - 1)

                @plsc.parallel_loop(0, 256, unroll=16, carry=cnt0)
                def cnt_vec(j, cnt, r=r, tb=tb, cap=cap, sbuf=sbuf,
                            cbuf=cbuf):
                    x = sbuf[r, pl.ds(j * 16, 16)]
                    msk = x >= tb
                    plsc.store_scatter(
                        cbuf, [jnp.minimum(cnt, cap)], x, mask=msk)
                    return cnt + msk.astype(jnp.int32)
                cmax = jnp.max(cnt_vec - cnt0)
                acc = jnp.where(lanes == (g * _RG + r) % 16,
                                jnp.full((16,), cmax, jnp.int32), acc)

            @pl.when((g % 4) == 3)
            def _(g=g):
                cntbuf[pl.ds((g // 4) * 16, 16)] = acc

            acc = jnp.where((g % 4) == 3, jnp.zeros((16,), jnp.int32), acc)

            out_copy(g, b).start()

            @pl.when(g + 2 < ngroups)
            def _(g=g, b=b):
                in_copy(g + 2, b).start()
        return acc

    lax.fori_loop(0, ngroups // 2, pair_body, jnp.zeros((16,), jnp.int32))
    out_copy(ngroups - 2, 0).wait()
    out_copy(ngroups - 1, 1).wait()
    pltpu.sync_copy(cntbuf, cnt_hbm.at[pl.ds(base, rows_per_w)])


def _stage3_body(cand_ref, m_ref, d_ref, out_ref, *, blk, bsz):
    g = pl.program_id(0)
    ut = _monotone_u32(cand_ref[...]).T
    m = m_ref[...].reshape(1, blk)
    diag = d_ref[...].reshape(1, blk)

    lo0 = jnp.zeros((1, blk), jnp.uint32)
    hi0 = jnp.full((1, blk), 0xFFFFFFFF, jnp.uint32)

    def body(_, carry):
        lo, hi = carry
        mid = lo + ((hi - lo) // 2) + ((hi - lo) & 1)
        cnt = jnp.sum((ut >= mid).astype(jnp.int32), axis=0, keepdims=True)
        ok = cnt >= _K
        return jnp.where(ok, mid, lo), jnp.where(ok, hi, mid - 1)

    t_u, _ = lax.fori_loop(0, 32, body, (lo0, hi0))
    t_f = _inv_monotone_u32(t_u)

    ct = _inv_monotone_u32(ut)
    keep = ut >= t_u
    cnt = jnp.sum(keep.astype(jnp.float32), axis=0, keepdims=True)
    sums = jnp.sum(jnp.where(keep, jnp.exp(ct - m), 0.0), axis=0,
                   keepdims=True)
    sums = sums - (cnt - float(_K)) * jnp.exp(t_f - m)

    big = jnp.maximum(m, diag)
    lse = jnp.log(jnp.exp(diag - big) + sums * jnp.exp(m - big)) + big
    part = jnp.sum(lse - diag, keepdims=True) / float(bsz)

    @pl.when(g == 0)
    def _():
        out_ref[...] = jnp.zeros((1, 1), jnp.float32)

    out_ref[...] += part


def _full_body(q_ref, k_ref, out_ref, *, blk, bsz):
    g = pl.program_id(0)
    b = g % (bsz // blk)
    q = q_ref[...]
    k = k_ref[...]
    s = lax.dot_general(q, k, (((1,), (1,)), ((), ())),
                        preferred_element_type=jnp.float32)
    rows = b * blk + lax.broadcasted_iota(jnp.int32, (blk, bsz), 0)
    cols = lax.broadcasted_iota(jnp.int32, (blk, bsz), 1)
    is_diag = rows == cols
    diag = jnp.sum(jnp.where(is_diag, s, 0.0), axis=1, keepdims=True)
    s = s - jnp.where(is_diag, _MASK, 0.0)
    m = jnp.max(s, axis=1, keepdims=True)
    t_u = _bisect_kth_u(_monotone_u32(s), _K)
    terms = _loss_terms(diag, m, _topk_expsum(s, m, t_u))
    part = jnp.sum(terms, keepdims=True) / float(bsz)

    @pl.when(g == 0)
    def _():
        out_ref[...] = jnp.zeros((1, 1), jnp.float32)

    out_ref[...] += part


def kernel(vis_feat, text_feat):
    bsz, dim = vis_feat.shape
    blk = 512
    nblk = bsz // blk
    nrows = 2 * bsz
    rows_per_w = nrows // 32

    q = jnp.concatenate([text_feat, vis_feat], axis=0)
    km = jnp.concatenate([vis_feat, text_feat], axis=0)

    s_hbm, t16, m, diag = pl.pallas_call(
        functools.partial(_stage1_body, blk=blk, bsz=bsz),
        grid=(2 * nblk,),
        in_specs=[
            pl.BlockSpec((blk, dim), lambda g: (g, 0)),
            pl.BlockSpec((bsz, dim), lambda g, nblk=nblk: (g // nblk, 0)),
        ],
        out_specs=[
            pl.BlockSpec((blk, bsz), lambda g: (g, 0)),
            pl.BlockSpec((blk, 16), lambda g: (g, 0)),
            pl.BlockSpec((blk, 1), lambda g: (g, 0)),
            pl.BlockSpec((blk, 1), lambda g: (g, 0)),
        ],
        out_shape=[
            jax.ShapeDtypeStruct((nrows, bsz), jnp.float32),
            jax.ShapeDtypeStruct((nrows, 16), jnp.float32),
            jax.ShapeDtypeStruct((nrows, 1), jnp.float32),
            jax.ShapeDtypeStruct((nrows, 1), jnp.float32),
        ],
    )(q, km)

    mesh = plsc.VectorSubcoreMesh(core_axis_name="c", subcore_axis_name="s")
    cand_flat, cnt = pl.kernel(
        functools.partial(_stage2_body, rows_per_w=rows_per_w),
        out_type=[
            jax.ShapeDtypeStruct((nrows * _CW,), jnp.float32),
            jax.ShapeDtypeStruct((nrows,), jnp.int32),
        ],
        mesh=mesh,
        compiler_params=pltpu.CompilerParams(needs_layout_passes=False),
        scratch_types=[
            pltpu.VMEM((_RG, bsz), jnp.float32),
            pltpu.VMEM((_RG, bsz), jnp.float32),
            pltpu.VMEM((_RG * _CW,), jnp.float32),
            pltpu.VMEM((_RG * _CW,), jnp.float32),
            pltpu.VMEM((rows_per_w * 16,), jnp.float32),
            pltpu.VMEM((rows_per_w,), jnp.int32),
            pltpu.SemaphoreType.DMA,
            pltpu.SemaphoreType.DMA,
            pltpu.SemaphoreType.DMA,
            pltpu.SemaphoreType.DMA,
        ],
    )(s_hbm, t16.reshape(-1))

    def cand_select(_):
        out = pl.pallas_call(
            functools.partial(_stage3_body, blk=blk, bsz=bsz),
            grid=(2 * nblk,),
            in_specs=[
                pl.BlockSpec((blk, _CW), lambda g: (g, 0)),
                pl.BlockSpec((blk, 1), lambda g: (g, 0)),
                pl.BlockSpec((blk, 1), lambda g: (g, 0)),
            ],
            out_specs=pl.BlockSpec((1, 1), lambda g: (0, 0)),
            out_shape=jax.ShapeDtypeStruct((1, 1), jnp.float32),
        )(cand_flat.reshape(nrows, _CW), m, diag)
        return out[0, 0]

    def full_select(_):
        out = pl.pallas_call(
            functools.partial(_full_body, blk=blk, bsz=bsz),
            grid=(2 * nblk,),
            in_specs=[
                pl.BlockSpec((blk, dim), lambda g: (g, 0)),
                pl.BlockSpec((bsz, dim), lambda g, nblk=nblk: (g // nblk, 0)),
            ],
            out_specs=pl.BlockSpec((1, 1), lambda g: (0, 0)),
            out_shape=jax.ShapeDtypeStruct((1, 1), jnp.float32),
        )(q, km)
        return out[0, 0]

    overflow = jnp.max(cnt) > _LANE_CAP
    return lax.cond(overflow, full_select, cand_select, operand=None)

# --- scband reference (transcript-rebuilt; emitter-appended) ---
"""Pipeline reference for scband-hard-neg-loss-30494267801829 (READ-ONLY COPY).

The authoritative reference and input builder live on the scoring server;
editing this copy changes nothing except your own understanding.
"""

import jax, jax.numpy as jnp
import numpy as np

BSZ = 4096
DIM = 32
HARD_NEG = 64


def setup_inputs(seed: int = 0) -> dict:
    key = jax.random.key(seed)
    k1, k2 = jax.random.split(key)
    vis_feat = jax.random.normal(k1, (BSZ, DIM), dtype=jnp.float32)
    text_feat = jax.random.normal(k2, (BSZ, DIM), dtype=jnp.float32)
    return {"vis_feat": vis_feat, "text_feat": text_feat}


def _cross_entropy_label0(logits):
    # F.cross_entropy with target==0 for every row, mean reduction
    logz = jax.nn.logsumexp(logits, axis=-1)
    return jnp.mean(logz - logits[:, 0])


def reference(vis_feat, text_feat):
    sim_matrix = jnp.matmul(text_feat, vis_feat.T)
    bsz = sim_matrix.shape[0]
    retrieval_mask = jnp.eye(bsz, dtype=sim_matrix.dtype)
    hard_neg_t2v, _ = jax.lax.top_k(sim_matrix - 10000.0 * retrieval_mask, HARD_NEG)
    hard_neg_v2t, _ = jax.lax.top_k(sim_matrix.T - 10000.0 * retrieval_mask, HARD_NEG)
    diag = jnp.diagonal(sim_matrix).reshape(-1, 1)
    sample_t2v = jnp.concatenate([diag, hard_neg_t2v], axis=-1)
    sample_v2t = jnp.concatenate([diag, hard_neg_v2t], axis=-1)
    loss = _cross_entropy_label0(sample_t2v) + _cross_entropy_label0(sample_v2t)
    return loss

if __name__ == "__main__":
    import jax
    _d = setup_inputs()
    print(jax.jit(kernel)(*tuple(_d.values())))

</pallas_src>

<mosaic_0001>
#map = affine_map<(d0, d1) -> (0, 0)>
#map1 = affine_map<(d0, d1) -> (0)>
module attributes {stable_mosaic.version = 14 : i64} {
  func.func @_stage2_body(%arg0: i32, %arg1: i32, %arg2: memref<8192x4096xf32, #tpu.memory_space<hbm>>, %arg3: memref<131072xf32, #tpu.memory_space<hbm>>, %arg4: memref<2752512xf32, #tpu.memory_space<hbm>>, %arg5: memref<8192xi32, #tpu.memory_space<hbm>>, %arg6: memref<4x4096xf32, #tpu.memory_space<vmem>>, %arg7: memref<4x4096xf32, #tpu.memory_space<vmem>>, %arg8: memref<1344xf32, #tpu.memory_space<vmem>>, %arg9: memref<1344xf32, #tpu.memory_space<vmem>>, %arg10: memref<4096xf32, #tpu.memory_space<vmem>>, %arg11: memref<256xi32, #tpu.memory_space<vmem>>, %arg12: memref<!tpu.dma_semaphore, #tpu.memory_space<semaphore_mem>>, %arg13: memref<!tpu.dma_semaphore, #tpu.memory_space<semaphore_mem>>, %arg14: memref<!tpu.dma_semaphore, #tpu.memory_space<semaphore_mem>>, %arg15: memref<!tpu.dma_semaphore, #tpu.memory_space<semaphore_mem>>) attributes {dimension_semantics = [#tpu.dimension_semantics<core_parallel>, #tpu.dimension_semantics<subcore_parallel>], iteration_bounds = array<i64: 2, 16>, scalar_prefetch = 0 : i64, scratch_operands = 10 : i64, tpu.core_type = #tpu.core_type<sc_vector_subcore>, window_params = [{transform_indices = #map}, {transform_indices = #map1}, {transform_indices = #map1}, {transform_indices = #map1}]} {
    %mul3A = arith.constant 2 : i32
    %mul3A_0 = arith.muli %arg1, %mul3A : i32
    %add3A = arith.addi %mul3A_0, %arg0 : i32
    %mul3A_1 = arith.constant 256 : i32
    %mul3A_2 = arith.muli %add3A, %mul3A_1 : i32
    %mul3A_3 = arith.constant 16 : i32
    %mul3A_4 = arith.muli %mul3A_2, %mul3A_3 : i32
    "tpu.region"() ({
      %run_scoped3A = tpu.sem_alloc : memref<!tpu.dma_semaphore, #tpu.memory_space<semaphore_mem>>
      %dma_start3A_35 = tpu.memref_slice %arg3[%mul3A_4] : memref<131072xf32, #tpu.memory_space<hbm>> -> memref<4096xf32, #tpu.memory_space<hbm>>
      %dma_start3A_36 = tpu.memref_slice %arg3[%mul3A_4] : memref<131072xf32, #tpu.memory_space<hbm>> -> memref<4096xf32, #tpu.memory_space<hbm>>
      tpu.enqueue_dma source(%dma_start3A_36 : memref<4096xf32, #tpu.memory_space<hbm>>) target(%arg10 : memref<4096xf32, #tpu.memory_space<vmem>>) target_semaphore(%run_scoped3A : memref<!tpu.dma_semaphore, #tpu.memory_space<semaphore_mem>>)
      %dma_wait3A_37 = tpu.memref_slice %arg3[%mul3A_4] : memref<131072xf32, #tpu.memory_space<hbm>> -> memref<4096xf32, #tpu.memory_space<hbm>>
      %dma_wait3A_38 = tpu.memref_slice %arg3[%mul3A_4] : memref<131072xf32, #tpu.memory_space<hbm>> -> memref<4096xf32, #tpu.memory_space<hbm>>
      tpu.wait_dma2 semaphore(%run_scoped3A : memref<!tpu.dma_semaphore, #tpu.memory_space<semaphore_mem>>) src(%dma_wait3A_38 : memref<4096xf32, #tpu.memory_space<hbm>>) dst(%arg10 : memref<4096xf32, #tpu.memory_space<vmem>>)
      tpu.yield
    }) : () -> ()
    %iota3A = tpu.iota {dimensions = array<i32: 0>} : vector<16xi32>
    %broadcast_in_dim3A = arith.constant 0xFF800000 : f32
    %broadcast_in_dim3A_5 = vector.broadcast %broadcast_in_dim3A : f32 to vector<16xf32>
    %add3A_6 = arith.constant 0 : i32
    %add3A_7 = arith.addi %mul3A_2, %add3A_6 : i32
    %dma_start3A = arith.constant 0 : i32
    %dma_start3A_8 = tpu.memref_slice %arg2[%add3A_7, %dma_start3A] : memref<8192x4096xf32, #tpu.memory_space<hbm>> -> memref<4x4096xf32, #tpu.memory_space<hbm>>
    %dma_start3A_9 = arith.constant 0 : i32
    %dma_start3A_10 = tpu.memref_slice %arg2[%add3A_7, %dma_start3A_9] : memref<8192x4096xf32, #tpu.memory_space<hbm>> -> memref<4x4096xf32, #tpu.memory_space<hbm>>
    tpu.enqueue_dma source(%dma_start3A_10 : memref<4x4096xf32, #tpu.memory_space<hbm>>) target(%arg6 : memref<4x4096xf32, #tpu.memory_space<vmem>>) target_semaphore(%arg12 : memref<!tpu.dma_semaphore, #tpu.memory_space<semaphore_mem>>)
    %add3A_11 = arith.constant 4 : i32
    %add3A_12 = arith.addi %mul3A_2, %add3A_11 : i32
    %dma_start3A_13 = arith.constant 0 : i32
    %dma_start3A_14 = tpu.memref_slice %arg2[%add3A_12, %dma_start3A_13] : memref<8192x4096xf32, #tpu.memory_space<hbm>> -> memref<4x4096xf32, #tpu.memory_space<hbm>>
    %dma_start3A_15 = arith.constant 0 : i32
    %dma_start3A_16 = tpu.memref_slice %arg2[%add3A_12, %dma_start3A_15] : memref<8192x4096xf32, #tpu.memory_space<hbm>> -> memref<4x4096xf32, #tpu.memory_space<hbm>>
    tpu.enqueue_dma source(%dma_start3A_16 : memref<4x4096xf32, #tpu.memory_space<hbm>>) target(%arg7 : memref<4x4096xf32, #tpu.memory_space<vmem>>) target_semaphore(%arg13 : memref<!tpu.dma_semaphore, #tpu.memory_space<semaphore_mem>>)
    %broadcast_in_dim3A_17 = arith.constant 0 : i32
    %broadcast_in_dim3A_18 = vector.broadcast %broadcast_in_dim3A_17 : i32 to vector<16xi32>
    %scan3A = arith.constant 0 : i32
    %scan3A_19 = arith.constant 32 : i32
    %scan3A_20 = arith.addi %scan3A, %scan3A_19 : i32
    %scan3A_21 = arith.constant 1 : i32
    %scan3A_22 = scf.for %scan3A_35 = %scan3A to %scan3A_20 step %scan3A_21 iter_args(%scan3A_36 = %broadcast_in_dim3A_18) -> (vector<16xi32>)  : i32 {
      %mul3A_37 = arith.constant 2 : i32
      %mul3A_38 = arith.muli %mul3A_37, %scan3A_35 : i32
      %add3A_39 = arith.constant 0 : i32
      %add3A_40 = arith.addi %mul3A_38, %add3A_39 : i32
      %ge3A = arith.constant 1 : i32
      %ge3A_41 = arith.cmpi sge, %scan3A_35, %ge3A : i32
      %convert_element_type3A = arith.extui %ge3A_41 : i1 to i32
      %cond3A = arith.constant 0 : i32
      %cond3A_42 = arith.cmpi ne, %convert_element_type3A, %cond3A : i32
      scf.if %cond3A_42 {
        %sub3A_934 = arith.constant 2 : i32
        %sub3A_935 = arith.subi %add3A_40, %sub3A_934 : i32
        %mul3A_936 = arith.constant 4 : i32
        %mul3A_937 = arith.muli %sub3A_935, %mul3A_936 : i32
        %add3A_938 = arith.addi %mul3A_2, %mul3A_937 : i32
        %mul3A_939 = arith.constant 336 : i32
        %mul3A_940 = arith.muli %add3A_938, %mul3A_939 : i32
        %dma_wait3A_941 = tpu.memref_slice %arg4[%mul3A_940] : memref<2752512xf32, #tpu.memory_space<hbm>> -> memref<1344xf32, #tpu.memory_space<hbm>>
        %dma_wait3A_942 = tpu.memref_slice %arg4[%mul3A_940] : memref<2752512xf32, #tpu.memory_space<hbm>> -> memref<1344xf32, #tpu.memory_space<hbm>>
        tpu.wait_dma2 semaphore(%arg14 : memref<!tpu.dma_semaphore, #tpu.memory_space<semaphore_mem>>) src(%arg8 : memref<1344xf32, #tpu.memory_space<vmem>>) dst(%dma_wait3A_942 : memref<1344xf32, #tpu.memory_space<hbm>>)
      } else {
      }
      %mul3A_43 = arith.constant 4 : i32
      %mul3A_44 = arith.muli %add3A_40, %mul3A_43 : i32
      %add3A_45 = arith.addi %mul3A_2, %mul3A_44 : i32
      %dma_wait3A_46 = arith.constant 0 : i32
      %dma_wait3A_47 = tpu.memref_slice %arg2[%add3A_45, %dma_wait3A_46] : memref<8192x4096xf32, #tpu.memory_space<hbm>> -> memref<4x4096xf32, #tpu.memory_space<hbm>>
      %dma_wait3A_48 = arith.constant 0 : i32
      %dma_wait3A_49 = tpu.memref_slice %arg2[%add3A_45, %dma_wait3A_48] : memref<8192x4096xf32, #tpu.memory_space<hbm>> -> memref<4x4096xf32, #tpu.memory_space<hbm>>
      tpu.wait_dma2 semaphore(%arg12 : memref<!tpu.dma_semaphore, #tpu.memory_space<semaphore_mem>>) src(%dma_wait3A_49 : memref<4x4096xf32, #tpu.memory_space<hbm>>) dst(%arg6 : memref<4x4096xf32, #tpu.memory_space<vmem>>)
      %swap3A = arith.constant 0 : index
      %swap3A_50 = tpu.vector_load %arg8[%swap3A] {strides = array<i32>} : memref<1344xf32, #tpu.memory_space<vmem>>, vector<16xf32>,
      tpu.vector_store %arg8[%swap3A], %broadcast_in_dim3A_5 {strides = array<i32>} : memref<1344xf32, #tpu.memory_space<vmem>>, vector<16xf32>,
      %swap3A_51 = arith.constant 16 : index
      %swap3A_52 = tpu.vector_load %arg8[%swap3A_51] {strides = array<i32>} : memref<1344xf32, #tpu.memory_space<vmem>>, vector<16xf32>,
      tpu.vector_store %arg8[%swap3A_51], %broadcast_in_dim3A_5 {strides = array<i32>} : memref<1344xf32, #tpu.memory_space<vmem>>, vector<16xf32>,
      %swap3A_53 = arith.constant 32 : index
      %swap3A_54 = tpu.vector_load %arg8[%swap3A_53] {strides = array<i32>} : memref<1344xf32, #tpu.memory_space<vmem>>, vector<16xf32>,
      tpu.vector_store %arg8[%swap3A_53], %broadcast_in_dim3A_5 {strides = array<i32>} : memref<1344xf32, #tpu.memory_space<vmem>>, vector<16xf32>,
      %swap3A_55 = arith.constant 48 : index
      %swap3A_56 = tpu.vector_load %arg8[%swap3A_55] {strides = array<i32>} : memref<1344xf32, #tpu.memory_space<vmem>>, vector<16xf32>,
      tpu.vector_store %arg8[%swap3A_55], %broadcast_in_dim3A_5 {strides = array<i32>} : memref<1344xf32, #tpu.memory_space<vmem>>, vector<16xf32>,
      %swap3A_57 = arith.constant 64 : index
      %swap3A_58 = tpu.vector_load %arg8[%swap3A_57] {strides = array<i32>} : memref<1344xf32, #tpu.memory_space<vmem>>, vector<16xf32>,
      tpu.vector_store %arg8[%swap3A_57], %broadcast_in_dim3A_5 {strides = array<i32>} : memref<1344xf32, #tpu.memory_space<vmem>>, vector<16xf32>,
      %swap3A_59 = arith.constant 80 : index
      %swap3A_60 = tpu.vector_load %arg8[%swap3A_59] {strides = array<i32>} : memref<1344xf32, #tpu.memory_space<vmem>>, vector<16xf32>,
      tpu.vector_store %arg8[%swap3A_59], %broadcast_in_dim3A_5 {strides = array<i32>} : memref<1344xf32, #tpu.memory_space<vmem>>, vector<16xf32>,
      %swap3A_61 = arith.constant 96 : index
      %swap3A_62 = tpu.vector_load %arg8[%swap3A_61] {strides = array<i32>} : memref<1344xf32, #tpu.memory_space<vmem>>, vector<16xf32>,
      tpu.vector_store %arg8[%swap3A_61], %broadcast_in_dim3A_5 {strides = array<i32>} : memref<1344xf32, #tpu.memory_space<vmem>>, vector<16xf32>,
      %swap3A_63 = arith.constant 112 : index
      %swap3A_64 = tpu.vector_load %arg8[%swap3A_63] {strides = array<i32>} : memref<1344xf32, #tpu.memory_space<vmem>>, vector<16xf32>,
      tpu.vector_store %arg8[%swap3A_63], %broadcast_in_dim3A_5 {strides = array<i32>} : memref<1344xf32, #tpu.memory_space<vmem>>, vector<16xf32>,
      %swap3A_65 = arith.constant 128 : index
      %swap3A_66 = tpu.vector_load %arg8[%swap3A_65] {strides = array<i32>} : memref<1344xf32, #tpu.memory_space<vmem>>, vector<16xf32>,
      tpu.vector_store %arg8[%swap3A_65], %broadcast_in_dim3A_5 {strides = array<i32>} : memref<1344xf32, #tpu.memory_space<vmem>>, vector<16xf32>,
      %swap3A_67 = arith.constant 144 : index
      %swap3A_68 = tpu.vector_load %arg8[%swap3A_67] {strides = array<i32>} : memref<1344xf32, #tpu.memory_space<vmem>>, vector<16xf32>,
      tpu.vector_store %arg8[%swap3A_67], %broadcast_in_dim3A_5 {strides = array<i32>} : memref<1344xf32, #tpu.memory_space<vmem>>, vector<16xf32>,
      %swap3A_69 = arith.constant 160 : index
      %swap3A_70 = tpu.vector_load %arg8[%swap3A_69] {strides = array<i32>} : memref<1344xf32, #tpu.memory_space<vmem>>, vector<16xf32>,
      tpu.vector_store %arg8[%swap3A_69], %broadcast_in_dim3A_5 {strides = array<i32>} : memref<1344xf32, #tpu.memory_space<vmem>>, vector<16xf32>,
      %swap3A_71 = arith.constant 176 : index
      %swap3A_72 = tpu.vector_load %arg8[%swap3A_71] {strides = array<i32>} : memref<1344xf32, #tpu.memory_space<vmem>>, vector<16xf32>,
      tpu.vector_store %arg8[%swap3A_71], %broadcast_in_dim3A_5 {strides = array<i32>} : memref<1344xf32, #tpu.memory_space<vmem>>, vector<16xf32>,
      %swap3A_73 = arith.constant 192 : index
      %swap3A_74 = tpu.vector_load %arg8[%swap3A_73] {strides = array<i32>} : memref<1344xf32, #tpu.memory_space<vmem>>, vector<16xf32>,
      tpu.vector_store %arg8[%swap3A_73], %broadcast_in_dim3A_5 {strides = array<i32>} : memref<1344xf32, #tpu.memory_space<vmem>>, vector<16xf32>,
      %swap3A_75 = arith.constant 208 : index
      %swap3A_76 = tpu.vector_load %arg8[%swap3A_75] {strides = array<i32>} : memref<1344xf32, #tpu.memory_space<vmem>>, vector<16xf32>,
      tpu.vector_store %arg8[%swap3A_75], %broadcast_in_dim3A_5 {strides = array<i32>} : memref<1344xf32, #tpu.memory_space<vmem>>, vector<16xf32>,
      %swap3A_77 = arith.constant 224 : index
      %swap3A_78 = tpu.vector_load %arg8[%swap3A_77] {strides = array<i32>} : memref<1344xf32, #tpu.memory_space<vmem>>, vector<16xf32>,
      tpu.vector_store %arg8[%swap3A_77], %broadcast_in_dim3A_5 {strides = array<i32>} : memref<1344xf32, #tpu.memory_space<vmem>>, vector<16xf32>,
      %swap3A_79 = arith.constant 240 : index
      %swap3A_80 = tpu.vector_load %arg8[%swap3A_79] {strides = array<i32>} : memref<1344xf32, #tpu.memory_space<vmem>>, vector<16xf32>,
      tpu.vector_store %arg8[%swap3A_79], %broadcast_in_dim3A_5 {strides = array<i32>} : memref<1344xf32, #tpu.memory_space<vmem>>, vector<16xf32>,
      %swap3A_81 = arith.constant 256 : index
      %swap3A_82 = tpu.vector_load %arg8[%swap3A_81] {strides = array<i32>} : memref<1344xf32, #tpu.memory_space<vmem>>, vector<16xf32>,
      tpu.vector_store %arg8[%swap3A_81], %broadcast_in_dim3A_5 {strides = array<i32>} : memref<1344xf32, #tpu.memory_space<vmem>>, vector<16xf32>,
      %swap3A_83 = arith.constant 272 : index
      %swap3A_84 = tpu.vector_load %arg8[%swap3A_83] {strides = array<i32>} : memref<1344xf32, #tpu.memory_space<vmem>>, vector<16xf32>,
      tpu.vector_store %arg8[%swap3A_83], %broadcast_in_dim3A_5 {strides = array<i32>} : memref<1344xf32, #tpu.memory_space<vmem>>, vector<16xf32>,
      %swap3A_85 = arith.constant 288 : index
      %swap3A_86 = tpu.vector_load %arg8[%swap3A_85] {strides = array<i32>} : memref<1344xf32, #tpu.memory_space<vmem>>, vector<16xf32>,
      tpu.vector_store %arg8[%swap3A_85], %broadcast_in_dim3A_5 {strides = array<i32>} : memref<1344xf32, #tpu.memory_space<vmem>>, vector<16xf32>,
      %swap3A_87 = arith.constant 304 : index
      %swap3A_88 = tpu.vector_load %arg8[%swap3A_87] {strides = array<i32>} : memref<1344xf32, #tpu.memory_space<vmem>>, vector<16xf32>,
      tpu.vector_store %arg8[%swap3A_87], %broadcast_in_dim3A_5 {strides = array<i32>} : memref<1344xf32, #tpu.memory_space<vmem>>, vector<16xf32>,
      %swap3A_89 = arith.constant 320 : index
      %swap3A_90 = tpu.vector_load %arg8[%swap3A_89] {strides = array<i32>} : memref<1344xf32, #tpu.memory_space<vmem>>, vector<16xf32>,
      tpu.vector_store %arg8[%swap3A_89], %broadcast_in_dim3A_5 {strides = array<i32>} : memref<1344xf32, #tpu.memory_space<vmem>>, vector<16xf32>,
      %swap3A_91 = arith.constant 336 : index
      %swap3A_92 = tpu.vector_load %arg8[%swap3A_91] {strides = array<i32>} : memref<1344xf32, #tpu.memory_space<vmem>>, vector<16xf32>,
      tpu.vector_store %arg8[%swap3A_91], %broadcast_in_dim3A_5 {strides = array<i32>} : memref<1344xf32, #tpu.memory_space<vmem>>, vector<16xf32>,
      %swap3A_93 = arith.constant 352 : index
      %swap3A_94 = tpu.vector_load %arg8[%swap3A_93] {strides = array<i32>} : memref<1344xf32, #tpu.memory_space<vmem>>, vector<16xf32>,
      tpu.vector_store %arg8[%swap3A_93], %broadcast_in_dim3A_5 {strides = array<i32>} : memref<1344xf32, #tpu.memory_space<vmem>>, vector<16xf32>,
      %swap3A_95 = arith.constant 368 : index
      %swap3A_96 = tpu.vector_load %arg8[%swap3A_95] {strides = array<i32>} : memref<1344xf32, #tpu.memory_space<vmem>>, vector<16xf32>,
      tpu.vector_store %arg8[%swap3A_95], %broadcast_in_dim3A_5 {strides = array<i32>} : memref<1344xf32, #tpu.memory_space<vmem>>, vector<16xf32>,
      %swap3A_97 = arith.constant 384 : index
      %swap3A_98 = tpu.vector_load %arg8[%swap3A_97] {strides = array<i32>} : memref<1344xf32, #tpu.memory_space<vmem>>, vector<16xf32>,
      tpu.vector_store %arg8[%swap3A_97], %broadcast_in_dim3A_5 {strides = array<i32>} : memref<1344xf32, #tpu.memory_space<vmem>>, vector<16xf32>,
      %swap3A_99 = arith.constant 400 : index
      %swap3A_100 = tpu.vector_load %arg8[%swap3A_99] {strides = array<i32>} : memref<1344xf32, #tpu.memory_space<vmem>>, vector<16xf32>,
      tpu.vector_store %arg8[%swap3A_99], %broadcast_in_dim3A_5 {strides = array<i32>} : memref<1344xf32, #tpu.memory_space<vmem>>, vector<16xf32>,
      %swap3A_101 = arith.constant 416 : index
      %swap3A_102 = tpu.vector_load %arg8[%swap3A_101] {strides = array<i32>} : memref<1344xf32, #tpu.memory_space<vmem>>, vector<16xf32>,
      tpu.vector_store %arg8[%swap3A_101], %broadcast_in_dim3A_5 {strides = array<i32>} : memref<1344xf32, #tpu.memory_space<vmem>>, vector<16xf32>,
      %swap3A_103 = arith.constant 432 : index
      %swap3A_104 = tpu.vector_load %arg8[%swap3A_103] {strides = array<i32>} : memref<1344xf32, #tpu.memory_space<vmem>>, vector<16xf32>,
      tpu.vector_store %arg8[%swap3A_103], %broadcast_in_dim3A_5 {strides = array<i32>} : memref<1344xf32, #tpu.memory_space<vmem>>, vector<16xf32>,
      %swap3A_105 = arith.constant 448 : index
      %swap3A_106 = tpu.vector_load %arg8[%swap3A_105] {strides = array<i32>} : memref<1344xf32, #tpu.memory_space<vmem>>, vector<16xf32>,
      tpu.vector_store %arg8[%swap3A_105], %broadcast_in_dim3A_5 {strides = array<i32>} : memref<1344xf32, #tpu.memory_space<vmem>>, vector<16xf32>,
      %swap3A_107 = arith.constant 464 : index
      %swap3A_108 = tpu.vector_load %arg8[%swap3A_107] {strides = array<i32>} : memref<1344xf32, #tpu.memory_space<vmem>>, vector<16xf32>,
      tpu.vector_store %arg8[%swap3A_107], %broadcast_in_dim3A_5 {strides = array<i32>} : memref<1344xf32, #tpu.memory_space<vmem>>, vector<16xf32>,
      %swap3A_109 = arith.constant 480 : index
      %swap3A_110 = tpu.vector_load %arg8[%swap3A_109] {strides = array<i32>} : memref<1344xf32, #tpu.memory_space<vmem>>, vector<16xf32>,
      tpu.vector_store %arg8[%swap3A_109], %broadcast_in_dim3A_5 {strides = array<i32>} : memref<1344xf32, #tpu.memory_space<vmem>>, vector<16xf32>,
      %swap3A_111 = arith.constant 496 : index
      %swap3A_112 = tpu.vector_load %arg8[%swap3A_111] {strides = array<i32>} : memref<1344xf32, #tpu.memory_space<vmem>>, vector<16xf32>,
      tpu.vector_store %arg8[%swap3A_111], %broadcast_in_dim3A_5 {strides = array<i32>} : memref<1344xf32, #tpu.memory_space<vmem>>, vector<16xf32>,
      %swap3A_113 = arith.constant 512 : index
      %swap3A_114 = tpu.vector_load %arg8[%swap3A_113] {strides = array<i32>} : memref<1344xf32, #tpu.memory_space<vmem>>, vector<16xf32>,
      tpu.vector_store %arg8[%swap3A_113], %broadcast_in_dim3A_5 {strides = array<i32>} : memref<1344xf32, #tpu.memory_space<vmem>>, vector<16xf32>,
      %swap3A_115 = arith.constant 528 : index
      %swap3A_116 = tpu.vector_load %arg8[%swap3A_115] {strides = array<i32>} : memref<1344xf32, #tpu.memory_space<vmem>>, vector<16xf32>,
      tpu.vector_store %arg8[%swap3A_115], %broadcast_in_dim3A_5 {strides = array<i32>} : memref<1344xf32, #tpu.memory_space<vmem>>, vector<16xf32>,
      %swap3A_117 = arith.constant 544 : index
      %swap3A_118 = tpu.vector_load %arg8[%swap3A_117] {strides = array<i32>} : memref<1344xf32, #tpu.memory_space<vmem>>, vector<16xf32>,
      tpu.vector_store %arg8[%swap3A_117], %broadcast_in_dim3A_5 {strides = array<i32>} : memref<1344xf32, #tpu.memory_space<vmem>>, vector<16xf32>,
      %swap3A_119 = arith.constant 560 : index
      %swap3A_120 = tpu.vector_load %arg8[%swap3A_119] {strides = array<i32>} : memref<1344xf32, #tpu.memory_space<vmem>>, vector<16xf32>,
      tpu.vector_store %arg8[%swap3A_119], %broadcast_in_dim3A_5 {strides = array<i32>} : memref<1344xf32, #tpu.memory_space<vmem>>, vector<16xf32>,
      %swap3A_121 = arith.constant 576 : index
      %swap3A_122 = tpu.vector_load %arg8[%swap3A_121] {strides = array<i32>} : memref<1344xf32, #tpu.memory_space<vmem>>, vector<16xf32>,
      tpu.vector_store %arg8[%swap3A_121], %broadcast_in_dim3A_5 {strides = array<i32>} : memref<1344xf32, #tpu.memory_space<vmem>>, vector<16xf32>,
      %swap3A_123 = arith.constant 592 : index
      %swap3A_124 = tpu.vector_load %arg8[%swap3A_123] {strides = array<i32>} : memref<1344xf32, #tpu.memory_space<vmem>>, vector<16xf32>,
      tpu.vector_store %arg8[%swap3A_123], %broadcast_in_dim3A_5 {strides = array<i32>} : memref<1344xf32, #tpu.memory_space<vmem>>, vector<16xf32>,
      %swap3A_125 = arith.constant 608 : index
      %swap3A_126 = tpu.vector_load %arg8[%swap3A_125] {strides = array<i32>} : memref<1344xf32, #tpu.memory_space<vmem>>, vector<16xf32>,
      tpu.vector_store %arg8[%swap3A_125], %broadcast_in_dim3A_5 {strides = array<i32>} : memref<1344xf32, #tpu.memory_space<vmem>>, vector<16xf32>,
      %swap3A_127 = arith.constant 624 : index
      %swap3A_128 = tpu.vector_load %arg8[%swap3A_127] {strides = array<i32>} : memref<1344xf32, #tpu.memory_space<vmem>>, vector<16xf32>,
      tpu.vector_store %arg8[%swap3A_127], %broadcast_in_dim3A_5 {strides = array<i32>} : memref<1344xf32, #tpu.memory_space<vmem>>, vector<16xf32>,
      %swap3A_129 = arith.constant 640 : index
      %swap3A_130 = tpu.vector_load %arg8[%swap3A_129] {strides = array<i32>} : memref<1344xf32, #tpu.memory_space<vmem>>, vector<16xf32>,
      tpu.vector_store %arg8[%swap3A_129], %broadcast_in_dim3A_5 {strides = array<i32>} : memref<1344xf32, #tpu.memory_space<vmem>>, vector<16xf32>,
      %swap3A_131 = arith.constant 656 : index
      %swap3A_132 = tpu.vector_load %arg8[%swap3A_131] {strides = array<i32>} : memref<1344xf32, #tpu.memory_space<vmem>>, vector<16xf32>,
      tpu.vector_store %arg8[%swap3A_131], %broadcast_in_dim3A_5 {strides = array<i32>} : memref<1344xf32, #tpu.memory_space<vmem>>, vector<16xf32>,
      %swap3A_133 = arith.constant 672 : index
      %swap3A_134 = tpu.vector_load %arg8[%swap3A_133] {strides = array<i32>} : memref<1344xf32, #tpu.memory_space<vmem>>, vector<16xf32>,
      tpu.vector_store %arg8[%swap3A_133], %broadcast_in_dim3A_5 {strides = array<i32>} : memref<1344xf32, #tpu.memory_space<vmem>>, vector<16xf32>,
      %swap3A_135 = arith.constant 688 : index
      %swap3A_136 = tpu.vector_load %arg8[%swap3A_135] {strides = array<i32>} : memref<1344xf32, #tpu.memory_space<vmem>>, vector<16xf32>,
      tpu.vector_store %arg8[%swap3A_135], %broadcast_in_dim3A_5 {strides = array<i32>} : memref<1344xf32, #tpu.memory_space<vmem>>, vector<16xf32>,
      %swap3A_137 = arith.constant 704 : index
      %swap3A_138 = tpu.vector_load %arg8[%swap3A_137] {strides = array<i32>} : memref<1344xf32, #tpu.memory_space<vmem>>, vector<16xf32>,
      tpu.vector_store %arg8[%swap3A_137], %broadcast_in_dim3A_5 {strides = array<i32>} : memref<1344xf32, #tpu.memory_space<vmem>>, vector<16xf32>,
      %swap3A_139 = arith.constant 720 : index
      %swap3A_140 = tpu.vector_load %arg8[%swap3A_139] {strides = array<i32>} : memref<1344xf32, #tpu.memory_space<vmem>>, vector<16xf32>,
      tpu.vector_store %arg8[%swap3A_139], %broadcast_in_dim3A_5 {strides = array<i32>} : memref<1344xf32, #tpu.memory_space<vmem>>, vector<16xf32>,
      %swap3A_141 = arith.constant 736 : index
      %swap3A_142 = tpu.vector_load %arg8[%swap3A_141] {strides = array<i32>} : memref<1344xf32, #tpu.memory_space<vmem>>, vector<16xf32>,
      tpu.vector_store %arg8[%swap3A_141], %broadcast_in_dim3A_5 {strides = array<i32>} : memref<1344xf32, #tpu.memory_space<vmem>>, vector<16xf32>,
      %swap3A_143 = arith.constant 752 : index
      %swap3A_144 = tpu.vector_load %arg8[%swap3A_143] {strides = array<i32>} : memref<1344xf32, #tpu.memory_space<vmem>>, vector<16xf32>,
      tpu.vector_store %arg8[%swap3A_143], %broadcast_in_dim3A_5 {strides = array<i32>} : memref<1344xf32, #tpu.memory_space<vmem>>, vector<16xf32>,
      %swap3A_145 = arith.constant 768 : index
      %swap3A_146 = tpu.vector_load %arg8[%swap3A_145] {strides = array<i32>} : memref<1344xf32, #tpu.memory_space<vmem>>, vector<16xf32>,
      tpu.vector_store %arg8[%swap3A_145], %broadcast_in_dim3A_5 {strides = array<i32>} : memref<1344xf32, #tpu.memory_space<vmem>>, vector<16xf32>,
      %swap3A_147 = arith.constant 784 : index
      %swap3A_148 = tpu.vector_load %arg8[%swap3A_147] {strides = array<i32>} : memref<1344xf32, #tpu.memory_space<vmem>>, vector<16xf32>,
      tpu.vector_store %arg8[%swap3A_147], %broadcast_in_dim3A_5 {strides = array<i32>} : memref<1344xf32, #tpu.memory_space<vmem>>, vector<16xf32>,
      %swap3A_149 = arith.constant 800 : index
      %swap3A_150 = tpu.vector_load %arg8[%swap3A_149] {strides = array<i32>} : memref<1344xf32, #tpu.memory_space<vmem>>, vector<16xf32>,
      tpu.vector_store %arg8[%swap3A_149], %broadcast_in_dim3A_5 {strides = array<i32>} : memref<1344xf32, #tpu.memory_space<vmem>>, vector<16xf32>,
      %swap3A_151 = arith.constant 816 : index
      %swap3A_152 = tpu.vector_load %arg8[%swap3A_151] {strides = array<i32>} : memref<1344xf32, #tpu.memory_space<vmem>>, vector<16xf32>,
      tpu.vector_store %arg8[%swap3A_151], %broadcast_in_dim3A_5 {strides = array<i32>} : memref<1344xf32, #tpu.memory_space<vmem>>, vector<16xf32>,
      %swap3A_153 = arith.constant 832 : index
      %swap3A_154 = tpu.vector_load %arg8[%swap3A_153] {strides = array<i32>} : memref<1344xf32, #tpu.memory_space<vmem>>, vector<16xf32>,
      tpu.vector_store %arg8[%swap3A_153], %broadcast_in_dim3A_5 {strides = array<i32>} : memref<1344xf32, #tpu.memory_space<vmem>>, vector<16xf32>,
      %swap3A_155 = arith.constant 848 : index
      %swap3A_156 = tpu.vector_load %arg8[%swap3A_155] {strides = array<i32>} : memref<1344xf32, #tpu.memory_space<vmem>>, vector<16xf32>,
      tpu.vector_store %arg8[%swap3A_155], %broadcast_in_dim3A_5 {strides = array<i32>} : memref<1344xf32, #tpu.memory_space<vmem>>, vector<16xf32>,
      %swap3A_157 = arith.constant 864 : index
      %swap3A_158 = tpu.vector_load %arg8[%swap3A_157] {strides = array<i32>} : memref<1344xf32, #tpu.memory_space<vmem>>, vector<16xf32>,
      tpu.vector_store %arg8[%swap3A_157], %broadcast_in_dim3A_5 {strides = array<i32>} : memref<1344xf32, #tpu.memory_space<vmem>>, vector<16xf32>,
      %swap3A_159 = arith.constant 880 : index
      %swap3A_160 = tpu.vector_load %arg8[%swap3A_159] {strides = array<i32>} : memref<1344xf32, #tpu.memory_space<vmem>>, vector<16xf32>,
      tpu.vector_store %arg8[%swap3A_159], %broadcast_in_dim3A_5 {strides = array<i32>} : memref<1344xf32, #tpu.memory_space<vmem>>, vector<16xf32>,
      %swap3A_161 = arith.constant 896 : index
      %swap3A_162 = tpu.vector_load %arg8[%swap3A_161] {strides = array<i32>} : memref<1344xf32, #tpu.memory_space<vmem>>, vector<16xf32>,
      tpu.vector_store %arg8[%swap3A_161], %broadcast_in_dim3A_5 {strides = array<i32>} : memref<1344xf32, #tpu.memory_space<vmem>>, vector<16xf32>,
      %swap3A_163 = arith.constant 912 : index
      %swap3A_164 = tpu.vector_load %arg8[%swap3A_163] {strides = array<i32>} : memref<1344xf32, #tpu.memory_space<vmem>>, vector<16xf32>,
      tpu.vector_store %arg8[%swap3A_163], %broadcast_in_dim3A_5 {strides = array<i32>} : memref<1344xf32, #tpu.memory_space<vmem>>, vector<16xf32>,
      %swap3A_165 = arith.constant 928 : index
      %swap3A_166 = tpu.vector_load %arg8[%swap3A_165] {strides = array<i32>} : memref<1344xf32, #tpu.memory_space<vmem>>, vector<16xf32>,
      tpu.vector_store %arg8[%swap3A_165], %broadcast_in_dim3A_5 {strides = array<i32>} : memref<1344xf32, #tpu.memory_space<vmem>>, vector<16xf32>,
      %swap3A_167 = arith.constant 944 : index
      %swap3A_168 = tpu.vector_load %arg8[%swap3A_167] {strides = array<i32>} : memref<1344xf32, #tpu.memory_space<vmem>>, vector<16xf32>,
      tpu.vector_store %arg8[%swap3A_167], %broadcast_in_dim3A_5 {strides = array<i32>} : memref<1344xf32, #tpu.memory_space<vmem>>, vector<16xf32>,
      %swap3A_169 = arith.constant 960 : index
      %swap3A_170 = tpu.vector_load %arg8[%swap3A_169] {strides = array<i32>} : memref<1344xf32, #tpu.memory_space<vmem>>, vector<16xf32>,
      tpu.vector_store %arg8[%swap3A_169], %broadcast_in_dim3A_5 {strides = array<i32>} : memref<1344xf32, #tpu.memory_space<vmem>>, vector<16xf32>,
      %swap3A_171 = arith.constant 976 : index
      %swap3A_172 = tpu.vector_load %arg8[%swap3A_171] {strides = array<i32>} : memref<1344xf32, #tpu.memory_space<vmem>>, vector<16xf32>,
      tpu.vector_store %arg8[%swap3A_171], %broadcast_in_dim3A_5 {strides = array<i32>} : memref<1344xf32, #tpu.memory_space<vmem>>, vector<16xf32>,
      %swap3A_173 = arith.constant 992 : index
      %swap3A_174 = tpu.vector_load %arg8[%swap3A_173] {strides = array<i32>} : memref<1344xf32, #tpu.memory_space<vmem>>, vector<16xf32>,
      tpu.vector_store %arg8[%swap3A_173], %broadcast_in_dim3A_5 {strides = array<i32>} : memref<1344xf32, #tpu.memory_space<vmem>>, vector<16xf32>,
      %swap3A_175 = arith.constant 1008 : index
      %swap3A_176 = tpu.vector_load %arg8[%swap3A_175] {strides = array<i32>} : memref<1344xf32, #tpu.memory_space<vmem>>, vector<16xf32>,
      tpu.vector_store %arg8[%swap3A_175], %broadcast_in_dim3A_5 {strides = array<i32>} : memref<1344xf32, #tpu.memory_space<vmem>>, vector<16xf32>,
      %swap3A_177 = arith.constant 1024 : index
      %swap3A_178 = tpu.vector_load %arg8[%swap3A_177] {strides = array<i32>} : memref<1344xf32, #tpu.memory_space<vmem>>, vector<16xf32>,
      tpu.vector_store %arg8[%swap3A_177], %broadcast_in_dim3A_5 {strides = array<i32>} : memref<1344xf32, #tpu.memory_space<vmem>>, vector<16xf32>,
      %swap3A_179 = arith.constant 1040 : index
      %swap3A_180 = tpu.vector_load %arg8[%swap3A_179] {strides = array<i32>} : memref<1344xf32, #tpu.memory_space<vmem>>, vector<16xf32>,
      tpu.vector_store %arg8[%swap3A_179], %broadcast_in_dim3A_5 {strides = array<i32>} : memref<1344xf32, #tpu.memory_space<vmem>>, vector<16xf32>,
      %swap3A_181 = arith.constant 1056 : index
      %swap3A_182 = tpu.vector_load %arg8[%swap3A_181] {strides = array<i32>} : memref<1344xf32, #tpu.memory_space<vmem>>, vector<16xf32>,
      tpu.vector_store %arg8[%swap3A_181], %broadcast_in_dim3A_5 {strides = array<i32>} : memref<1344xf32, #tpu.memory_space<vmem>>, vector<16xf32>,
      %swap3A_183 = arith.constant 1072 : index
      %swap3A_184 = tpu.vector_load %arg8[%swap3A_183] {strides = array<i32>} : memref<1344xf32, #tpu.memory_space<vmem>>, vector<16xf32>,
      tpu.vector_store %arg8[%swap3A_183], %broadcast_in_dim3A_5 {strides = array<i32>} : memref<1344xf32, #tpu.memory_space<vmem>>, vector<16xf32>,
      %swap3A_185 = arith.constant 1088 : index
      %swap3A_186 = tpu.vector_load %arg8[%swap3A_185] {strides = array<i32>} : memref<1344xf32, #tpu.memory_space<vmem>>, vector<16xf32>,
      tpu.vector_store %arg8[%swap3A_185], %broadcast_in_dim3A_5 {strides = array<i32>} : memref<1344xf32, #tpu.memory_space<vmem>>, vector<16xf32>,
      %swap3A_187 = arith.constant 1104 : index
      %swap3A_188 = tpu.vector_load %arg8[%swap3A_187] {strides = array<i32>} : memref<1344xf32, #tpu.memory_space<vmem>>, vector<16xf32>,
      tpu.vector_store %arg8[%swap3A_187], %broadcast_in_dim3A_5 {strides = array<i32>} : memref<1344xf32, #tpu.memory_space<vmem>>, vector<16xf32>,
      %swap3A_189 = arith.constant 1120 : index
      %swap3A_190 = tpu.vector_load %arg8[%swap3A_189] {strides = array<i32>} : memref<1344xf32, #tpu.memory_space<vmem>>, vector<16xf32>,
      tpu.vector_store %arg8[%swap3A_189], %broadcast_in_dim3A_5 {strides = array<i32>} : memref<1344xf32, #tpu.memory_space<vmem>>, vector<16xf32>,
      %swap3A_191 = arith.constant 1136 : index
      %swap3A_192 = tpu.vector_load %arg8[%swap3A_191] {strides = array<i32>} : memref<1344xf32, #tpu.memory_space<vmem>>, vector<16xf32>,
      tpu.vector_store %arg8[%swap3A_191], %broadcast_in_dim3A_5 {strides = array<i32>} : memref<1344xf32, #tpu.memory_space<vmem>>, vector<16xf32>,
      %swap3A_193 = arith.constant 1152 : index
      %swap3A_194 = tpu.vector_load %arg8[%swap3A_193] {strides = array<i32>} : memref<1344xf32, #tpu.memory_space<vmem>>, vector<16xf32>,
      tpu.vector_store %arg8[%swap3A_193], %broadcast_in_dim3A_5 {strides = array<i32>} : memref<1344xf32, #tpu.memory_space<vmem>>, vector<16xf32>,
      %swap3A_195 = arith.constant 1168 : index
      %swap3A_196 = tpu.vector_load %arg8[%swap3A_195] {strides = array<i32>} : memref<1344xf32, #tpu.memory_space<vmem>>, vector<16xf32>,
      tpu.vector_store %arg8[%swap3A_195], %broadcast_in_dim3A_5 {strides = array<i32>} : memref<1344xf32, #tpu.memory_space<vmem>>, vector<16xf32>,
      %swap3A_197 = arith.constant 1184 : index
      %swap3A_198 = tpu.vector_load %arg8[%swap3A_197] {strides = array<i32>} : memref<1344xf32, #tpu.memory_space<vmem>>, vector<16xf32>,
      tpu.vector_store %arg8[%swap3A_197], %broadcast_in_dim3A_5 {strides = array<i32>} : memref<1344xf32, #tpu.memory_space<vmem>>, vector<16xf32>,
      %swap3A_199 = arith.constant 1200 : index
      %swap3A_200 = tpu.vector_load %arg8[%swap3A_199] {strides = array<i32>} : memref<1344xf32, #tpu.memory_space<vmem>>, vector<16xf32>,
      tpu.vector_store %arg8[%swap3A_199], %broadcast_in_dim3A_5 {strides = array<i32>} : memref<1344xf32, #tpu.memory_space<vmem>>, vector<16xf32>,
      %swap3A_201 = arith.constant 1216 : index
      %swap3A_202 = tpu.vector_load %arg8[%swap3A_201] {strides = array<i32>} : memref<1344xf32, #tpu.memory_space<vmem>>, vector<16xf32>,
      tpu.vector_store %arg8[%swap3A_201], %broadcast_in_dim3A_5 {strides = array<i32>} : memref<1344xf32, #tpu.memory_space<vmem>>, vector<16xf32>,
      %swap3A_203 = arith.constant 1232 : index
      %swap3A_204 = tpu.vector_load %arg8[%swap3A_203] {strides = array<i32>} : memref<1344xf32, #tpu.memory_space<vmem>>, vector<16xf32>,
      tpu.vector_store %arg8[%swap3A_203], %broadcast_in_dim3A_5 {strides = array<i32>} : memref<1344xf32, #tpu.memory_space<vmem>>, vector<16xf32>,
      %swap3A_205 = arith.constant 1248 : index
      %swap3A_206 = tpu.vector_load %arg8[%swap3A_205] {strides = array<i32>} : memref<1344xf32, #tpu.memory_space<vmem>>, vector<16xf32>,
      tpu.vector_store %arg8[%swap3A_205], %broadcast_in_dim3A_5 {strides = array<i32>} : memref<1344xf32, #tpu.memory_space<vmem>>, vector<16xf32>,
      %swap3A_207 = arith.constant 1264 : index
      %swap3A_208 = tpu.vector_load %arg8[%swap3A_207] {strides = array<i32>} : memref<1344xf32, #tpu.memory_space<vmem>>, vector<16xf32>,
      tpu.vector_store %arg8[%swap3A_207], %broadcast_in_dim3A_5 {strides = array<i32>} : memref<1344xf32, #tpu.memory_space<vmem>>, vector<16xf32>,
      %swap3A_209 = arith.constant 1280 : index
      %swap3A_210 = tpu.vector_load %arg8[%swap3A_209] {strides = array<i32>} : memref<1344xf32, #tpu.memory_space<vmem>>, vector<16xf32>,
      tpu.vector_store %arg8[%swap3A_209], %broadcast_in_dim3A_5 {strides = array<i32>} : memref<1344xf32, #tpu.memory_space<vmem>>, vector<16xf32>,
      %swap3A_211 = arith.constant 1296 : index
      %swap3A_212 = tpu.vector_load %arg8[%swap3A_211] {strides = array<i32>} : memref<1344xf32, #tpu.memory_space<vmem>>, vector<16xf32>,
      tpu.vector_store %arg8[%swap3A_211], %broadcast_in_dim3A_5 {strides = array<i32>} : memref<1344xf32, #tpu.memory_space<vmem>>, vector<16xf32>,
      %swap3A_213 = arith.constant 1312 : index
      %swap3A_214 = tpu.vector_load %arg8[%swap3A_213] {strides = array<i32>} : memref<1344xf32, #tpu.memory_space<vmem>>, vector<16xf32>,
      tpu.vector_store %arg8[%swap3A_213], %broadcast_in_dim3A_5 {strides = array<i32>} : memref<1344xf32, #tpu.memory_space<vmem>>, vector<16xf32>,
      %swap3A_215 = arith.constant 1328 : index
      %swap3A_216 = tpu.vector_load %arg8[%swap3A_215] {strides = array<i32>} : memref<1344xf32, #tpu.memory_space<vmem>>, vector<16xf32>,
      tpu.vector_store %arg8[%swap3A_215], %broadcast_in_dim3A_5 {strides = array<i32>} : memref<1344xf32, #tpu.memory_space<vmem>>, vector<16xf32>,
      %mul3A_217 = arith.constant 4 : i32
      %mul3A_218 = arith.muli %add3A_40, %mul3A_217 : i32
      %add3A_219 = arith.constant 0 : i32
      %add3A_220 = arith.addi %mul3A_218, %add3A_219 : i32
      %mul3A_221 = arith.constant 16 : i32
      %mul3A_222 = arith.muli %add3A_220, %mul3A_221 : i32
      %get3A = arith.index_cast %mul3A_222 : i32 to index
      %get3A_223 = tpu.vector_load %arg10[%get3A] {strides = array<i32>} : memref<4096xf32, #tpu.memory_space<vmem>>, vector<16xf32>,
      %mul3A_224 = arith.constant 21 : i32
      %mul3A_225 = vector.broadcast %mul3A_224 : i32 to vector<16xi32>
      %mul3A_226 = arith.muli %iota3A, %mul3A_225 : vector<16xi32>
      %add3A_227 = arith.constant 0 : i32
      %add3A_228 = vector.broadcast %add3A_227 : i32 to vector<16xi32>
      %add3A_229 = arith.addi %add3A_228, %mul3A_226 : vector<16xi32>
      %add3A_230 = arith.constant 20 : i32
      %add3A_231 = vector.broadcast %add3A_230 : i32 to vector<16xi32>
      %add3A_232 = arith.addi %add3A_229, %add3A_231 : vector<16xi32>
      %parallel_loop3A = arith.constant 0 : i32
      %parallel_loop3A_233 = arith.constant 256 : i32
      %parallel_loop3A_234 = arith.constant 1 : i32
      %parallel_loop3A_235 = scf.for %parallel_loop3A_934 = %parallel_loop3A to %parallel_loop3A_233 step %parallel_loop3A_234 iter_args(%parallel_loop3A_935 = %add3A_229) -> (vector<16xi32>)  : i32 {
        %parallel_loop3A_936 = arith.constant 16 : i32
        %parallel_loop3A_937 = arith.muli %parallel_loop3A_934, %parallel_loop3A_936 : i32
        %parallel_loop3A_938 = arith.constant 0 : i32
        %parallel_loop3A_939 = arith.index_cast %parallel_loop3A_938 : i32 to index
        %parallel_loop3A_940 = arith.index_cast %parallel_loop3A_937 : i32 to index
        %parallel_loop3A_941 = tpu.vector_load %arg6[%parallel_loop3A_939, %parallel_loop3A_940] {strides = array<i32>} : memref<4x4096xf32, #tpu.memory_space<vmem>>, vector<16xf32>,
        %parallel_loop3A_942 = arith.cmpf oge, %parallel_loop3A_941, %get3A_223 : vector<16xf32>
        %parallel_loop3A_943 = arith.minsi %parallel_loop3A_935, %add3A_232 : vector<16xi32>
        tpu.vector_store_idx %arg8[%parallel_loop3A_943], %parallel_loop3A_941 masked %parallel_loop3A_942 : memref<1344xf32, #tpu.memory_space<vmem>>[vector<16xi32>], vector<16xf32>, vector<16xi1>
        %parallel_loop3A_944 = arith.extui %parallel_loop3A_942 : vector<16xi1> to vector<16xi32>
        %parallel_loop3A_945 = arith.addi %parallel_loop3A_935, %parallel_loop3A_944 : vector<16xi32>
        scf.yield %parallel_loop3A_945 : vector<16xi32>
      } {sc.loop_unroll_factor = 16 : i64, sc.parallel_access}
      %sub3A = arith.subi %parallel_loop3A_235, %add3A_229 : vector<16xi32>
      %reduce_max3A = arith.constant true
      %reduce_max3A_236 = vector.broadcast %reduce_max3A : i1 to vector<16xi1>
      %reduce_max3A_237 = arith.constant -2147483648 : i32
      %reduce_max3A_238 = vector.broadcast %reduce_max3A_237 : i32 to vector<16xi32>
      %reduce_max3A_239 = arith.xori %sub3A, %reduce_max3A_238 : vector<16xi32>
      %reduce_max3A_240 = tpu.scan <max>, %reduce_max3A_239 masked %reduce_max3A_236 : vector<16xi32>, vector<16xi1> -> vector<16xi32>
      %reduce_max3A_241 = arith.xori %reduce_max3A_240, %reduce_max3A_238 : vector<16xi32>
      %reduce_max3A_242 = vector.extract %reduce_max3A_241[15] : i32 from vector<16xi32>
      %mul3A_243 = arith.constant 4 : i32
      %mul3A_244 = arith.muli %add3A_40, %mul3A_243 : i32
      %add3A_245 = arith.constant 0 : i32
      %add3A_246 = arith.addi %mul3A_244, %add3A_245 : i32
      %jit3A = arith.constant 16 : i32
      %eq3A = arith.constant 0 : i32
      %eq3A_247 = arith.cmpi eq, %jit3A, %eq3A : i32
      %jit3A_248 = arith.constant 1 : i32
      %select_n3A = arith.select %eq3A_247, %jit3A_248, %jit3A : i32
      %rem3A = arith.remsi %add3A_246, %select_n3A : i32
      %ne3A = arith.constant 0 : i32
      %ne3A_249 = arith.cmpi ne, %rem3A, %ne3A : i32
      %lt3A = arith.constant 0 : i32
      %lt3A_250 = arith.cmpi slt, %rem3A, %lt3A : i32
      %lt3A_251 = arith.constant 0 : i32
      %lt3A_252 = arith.cmpi slt, %select_n3A, %lt3A_251 : i32
      %ne3A_253 = arith.xori %lt3A_250, %lt3A_252 : i1
      %and3A = arith.andi %ne3A_253, %ne3A_249 : i1
      %add3A_254 = arith.addi %rem3A, %select_n3A : i32
      %select_n3A_255 = arith.select %and3A, %add3A_254, %rem3A : i32
      %eq3A_256 = vector.broadcast %select_n3A_255 : i32 to vector<16xi32>
      %eq3A_257 = arith.cmpi eq, %iota3A, %eq3A_256 : vector<16xi32>
      %broadcast_in_dim3A_258 = vector.broadcast %reduce_max3A_242 : i32 to vector<16xi32>
      %select_n3A_259 = arith.select %eq3A_257, %broadcast_in_dim3A_258, %scan3A_36 : vector<16xi1>, vector<16xi32>
      %mul3A_260 = arith.constant 4 : i32
      %mul3A_261 = arith.muli %add3A_40, %mul3A_260 : i32
      %add3A_262 = arith.constant 1 : i32
      %add3A_263 = arith.addi %mul3A_261, %add3A_262 : i32
      %mul3A_264 = arith.constant 16 : i32
      %mul3A_265 = arith.muli %add3A_263, %mul3A_264 : i32
      %get3A_266 = arith.index_cast %mul3A_265 : i32 to index
      %get3A_267 = tpu.vector_load %arg10[%get3A_266] {strides = array<i32>} : memref<4096xf32, #tpu.memory_space<vmem>>, vector<16xf32>,
      %mul3A_268 = arith.constant 21 : i32
      %mul3A_269 = vector.broadcast %mul3A_268 : i32 to vector<16xi32>
      %mul3A_270 = arith.muli %iota3A, %mul3A_269 : vector<16xi32>
      %add3A_271 = arith.constant 336 : i32
      %add3A_272 = vector.broadcast %add3A_271 : i32 to vector<16xi32>
      %add3A_273 = arith.addi %add3A_272, %mul3A_270 : vector<16xi32>
      %add3A_274 = arith.constant 20 : i32
      %add3A_275 = vector.broadcast %add3A_274 : i32 to vector<16xi32>
      %add3A_276 = arith.addi %add3A_273, %add3A_275 : vector<16xi32>
      %parallel_loop3A_277 = arith.constant 0 : i32
      %parallel_loop3A_278 = arith.constant 256 : i32
      %parallel_loop3A_279 = arith.constant 1 : i32
      %parallel_loop3A_280 = scf.for %parallel_loop3A_934 = %parallel_loop3A_277 to %parallel_loop3A_278 step %parallel_loop3A_279 iter_args(%parallel_loop3A_935 = %add3A_273) -> (vector<16xi32>)  : i32 {
        %parallel_loop3A_936 = arith.constant 16 : i32
        %parallel_loop3A_937 = arith.muli %parallel_loop3A_934, %parallel_loop3A_936 : i32
        %parallel_loop3A_938 = arith.constant 1 : i32
        %parallel_loop3A_939 = arith.index_cast %parallel_loop3A_938 : i32 to index
        %parallel_loop3A_940 = arith.index_cast %parallel_loop3A_937 : i32 to index
        %parallel_loop3A_941 = tpu.vector_load %arg6[%parallel_loop3A_939, %parallel_loop3A_940] {strides = array<i32>} : memref<4x4096xf32, #tpu.memory_space<vmem>>, vector<16xf32>,
        %parallel_loop3A_942 = arith.cmpf oge, %parallel_loop3A_941, %get3A_267 : vector<16xf32>
        %parallel_loop3A_943 = arith.minsi %parallel_loop3A_935, %add3A_276 : vector<16xi32>
        tpu.vector_store_idx %arg8[%parallel_loop3A_943], %parallel_loop3A_941 masked %parallel_loop3A_942 : memref<1344xf32, #tpu.memory_space<vmem>>[vector<16xi32>], vector<16xf32>, vector<16xi1>
        %parallel_loop3A_944 = arith.extui %parallel_loop3A_942 : vector<16xi1> to vector<16xi32>
        %parallel_loop3A_945 = arith.addi %parallel_loop3A_935, %parallel_loop3A_944 : vector<16xi32>
        scf.yield %parallel_loop3A_945 : vector<16xi32>
      } {sc.loop_unroll_factor = 16 : i64, sc.parallel_access}
      %sub3A_281 = arith.subi %parallel_loop3A_280, %add3A_273 : vector<16xi32>
      %reduce_max3A_282 = arith.constant true
      %reduce_max3A_283 = vector.broadcast %reduce_max3A_282 : i1 to vector<16xi1>
      %reduce_max3A_284 = arith.constant -2147483648 : i32
      %reduce_max3A_285 = vector.broadcast %reduce_max3A_284 : i32 to vector<16xi32>
      %reduce_max3A_286 = arith.xori %sub3A_281, %reduce_max3A_285 : vector<16xi32>
      %reduce_max3A_287 = tpu.scan <max>, %reduce_max3A_286 masked %reduce_max3A_283 : vector<16xi32>, vector<16xi1> -> vector<16xi32>
      %reduce_max3A_288 = arith.xori %reduce_max3A_287, %reduce_max3A_285 : vector<16xi32>
      %reduce_max3A_289 = vector.extract %reduce_max3A_288[15] : i32 from vector<16xi32>
      %mul3A_290 = arith.constant 4 : i32
      %mul3A_291 = arith.muli %add3A_40, %mul3A_290 : i32
      %add3A_292 = arith.constant 1 : i32
      %add3A_293 = arith.addi %mul3A_291, %add3A_292 : i32
      %jit3A_294 = arith.constant 16 : i32
      %eq3A_295 = arith.constant 0 : i32
      %eq3A_296 = arith.cmpi eq, %jit3A_294, %eq3A_295 : i32
      %jit3A_297 = arith.constant 1 : i32
      %select_n3A_298 = arith.select %eq3A_296, %jit3A_297, %jit3A_294 : i32
      %rem3A_299 = arith.remsi %add3A_293, %select_n3A_298 : i32
      %ne3A_300 = arith.constant 0 : i32
      %ne3A_301 = arith.cmpi ne, %rem3A_299, %ne3A_300 : i32
      %lt3A_302 = arith.constant 0 : i32
      %lt3A_303 = arith.cmpi slt, %rem3A_299, %lt3A_302 : i32
      %lt3A_304 = arith.constant 0 : i32
      %lt3A_305 = arith.cmpi slt, %select_n3A_298, %lt3A_304 : i32
      %ne3A_306 = arith.xori %lt3A_303, %lt3A_305 : i1
      %and3A_307 = arith.andi %ne3A_306, %ne3A_301 : i1
      %add3A_308 = arith.addi %rem3A_299, %select_n3A_298 : i32
      %select_n3A_309 = arith.select %and3A_307, %add3A_308, %rem3A_299 : i32
      %eq3A_310 = vector.broadcast %select_n3A_309 : i32 to vector<16xi32>
      %eq3A_311 = arith.cmpi eq, %iota3A, %eq3A_310 : vector<16xi32>
      %broadcast_in_dim3A_312 = vector.broadcast %reduce_max3A_289 : i32 to vector<16xi32>
      %select_n3A_313 = arith.select %eq3A_311, %broadcast_in_dim3A_312, %select_n3A_259 : vector<16xi1>, vector<16xi32>
      %mul3A_314 = arith.constant 4 : i32
      %mul3A_315 = arith.muli %add3A_40, %mul3A_314 : i32
      %add3A_316 = arith.constant 2 : i32
      %add3A_317 = arith.addi %mul3A_315, %add3A_316 : i32
      %mul3A_318 = arith.constant 16 : i32
      %mul3A_319 = arith.muli %add3A_317, %mul3A_318 : i32
      %get3A_320 = arith.index_cast %mul3A_319 : i32 to index
      %get3A_321 = tpu.vector_load %arg10[%get3A_320] {strides = array<i32>} : memref<4096xf32, #tpu.memory_space<vmem>>, vector<16xf32>,
      %mul3A_322 = arith.constant 21 : i32
      %mul3A_323 = vector.broadcast %mul3A_322 : i32 to vector<16xi32>
      %mul3A_324 = arith.muli %iota3A, %mul3A_323 : vector<16xi32>
      %add3A_325 = arith.constant 672 : i32
      %add3A_326 = vector.broadcast %add3A_325 : i32 to vector<16xi32>
      %add3A_327 = arith.addi %add3A_326, %mul3A_324 : vector<16xi32>
      %add3A_328 = arith.constant 20 : i32
      %add3A_329 = vector.broadcast %add3A_328 : i32 to vector<16xi32>
      %add3A_330 = arith.addi %add3A_327, %add3A_329 : vector<16xi32>
      %parallel_loop3A_331 = arith.constant 0 : i32
      %parallel_loop3A_332 = arith.constant 256 : i32
      %parallel_loop3A_333 = arith.constant 1 : i32
      %parallel_loop3A_334 = scf.for %parallel_loop3A_934 = %parallel_loop3A_331 to %parallel_loop3A_332 step %parallel_loop3A_333 iter_args(%parallel_loop3A_935 = %add3A_327) -> (vector<16xi32>)  : i32 {
        %parallel_loop3A_936 = arith.constant 16 : i32
        %parallel_loop3A_937 = arith.muli %parallel_loop3A_934, %parallel_loop3A_936 : i32
        %parallel_loop3A_938 = arith.constant 2 : i32
        %parallel_loop3A_939 = arith.index_cast %parallel_loop3A_938 : i32 to index
        %parallel_loop3A_940 = arith.index_cast %parallel_loop3A_937 : i32 to index
        %parallel_loop3A_941 = tpu.vector_load %arg6[%parallel_loop3A_939, %parallel_loop3A_940] {strides = array<i32>} : memref<4x4096xf32, #tpu.memory_space<vmem>>, vector<16xf32>,
        %parallel_loop3A_942 = arith.cmpf oge, %parallel_loop3A_941, %get3A_321 : vector<16xf32>
        %parallel_loop3A_943 = arith.minsi %parallel_loop3A_935, %add3A_330 : vector<16xi32>
        tpu.vector_store_idx %arg8[%parallel_loop3A_943], %parallel_loop3A_941 masked %parallel_loop3A_942 : memref<1344xf32, #tpu.memory_space<vmem>>[vector<16xi32>], vector<16xf32>, vector<16xi1>
        %parallel_loop3A_944 = arith.extui %parallel_loop3A_942 : vector<16xi1> to vector<16xi32>
        %parallel_loop3A_945 = arith.addi %parallel_loop3A_935, %parallel_loop3A_944 : vector<16xi32>
        scf.yield %parallel_loop3A_945 : vector<16xi32>
      } {sc.loop_unroll_factor = 16 : i64, sc.parallel_access}
      %sub3A_335 = arith.subi %parallel_loop3A_334, %add3A_327 : vector<16xi32>
      %reduce_max3A_336 = arith.constant true
      %reduce_max3A_337 = vector.broadcast %reduce_max3A_336 : i1 to vector<16xi1>
      %reduce_max3A_338 = arith.constant -2147483648 : i32
      %reduce_max3A_339 = vector.broadcast %reduce_max3A_338 : i32 to vector<16xi32>
      %reduce_max3A_340 = arith.xori %sub3A_335, %reduce_max3A_339 : vector<16xi32>
      %reduce_max3A_341 = tpu.scan <max>, %reduce_max3A_340 masked %reduce_max3A_337 : vector<16xi32>, vector<16xi1> -> vector<16xi32>
      %reduce_max3A_342 = arith.xori %reduce_max3A_341, %reduce_max3A_339 : vector<16xi32>
      %reduce_max3A_343 = vector.extract %reduce_max3A_342[15] : i32 from vector<16xi32>
      %mul3A_344 = arith.constant 4 : i32
      %mul3A_345 = arith.muli %add3A_40, %mul3A_344 : i32
      %add3A_346 = arith.constant 2 : i32
      %add3A_347 = arith.addi %mul3A_345, %add3A_346 : i32
      %jit3A_348 = arith.constant 16 : i32
      %eq3A_349 = arith.constant 0 : i32
      %eq3A_350 = arith.cmpi eq, %jit3A_348, %eq3A_349 : i32
      %jit3A_351 = arith.constant 1 : i32
      %select_n3A_352 = arith.select %eq3A_350, %jit3A_351, %jit3A_348 : i32
      %rem3A_353 = arith.remsi %add3A_347, %select_n3A_352 : i32
      %ne3A_354 = arith.constant 0 : i32
      %ne3A_355 = arith.cmpi ne, %rem3A_353, %ne3A_354 : i32
      %lt3A_356 = arith.constant 0 : i32
      %lt3A_357 = arith.cmpi slt, %rem3A_353, %lt3A_356 : i32
      %lt3A_358 = arith.constant 0 : i32
      %lt3A_359 = arith.cmpi slt, %select_n3A_352, %lt3A_358 : i32
      %ne3A_360 = arith.xori %lt3A_357, %lt3A_359 : i1
      %and3A_361 = arith.andi %ne3A_360, %ne3A_355 : i1
      %add3A_362 = arith.addi %rem3A_353, %select_n3A_352 : i32
      %select_n3A_363 = arith.select %and3A_361, %add3A_362, %rem3A_353 : i32
      %eq3A_364 = vector.broadcast %select_n3A_363 : i32 to vector<16xi32>
      %eq3A_365 = arith.cmpi eq, %iota3A, %eq3A_364 : vector<16xi32>
      %broadcast_in_dim3A_366 = vector.broadcast %reduce_max3A_343 : i32 to vector<16xi32>
      %select_n3A_367 = arith.select %eq3A_365, %broadcast_in_dim3A_366, %select_n3A_313 : vector<16xi1>, vector<16xi32>
      %mul3A_368 = arith.constant 4 : i32
      %mul3A_369 = arith.muli %add3A_40, %mul3A_368 : i32
      %add3A_370 = arith.constant 3 : i32
      %add3A_371 = arith.addi %mul3A_369, %add3A_370 : i32
      %mul3A_372 = arith.constant 16 : i32
      %mul3A_373 = arith.muli %add3A_371, %mul3A_372 : i32
      %get3A_374 = arith.index_cast %mul3A_373 : i32 to index
      %get3A_375 = tpu.vector_load %arg10[%get3A_374] {strides = array<i32>} : memref<4096xf32, #tpu.memory_space<vmem>>, vector<16xf32>,
      %mul3A_376 = arith.constant 21 : i32
      %mul3A_377 = vector.broadcast %mul3A_376 : i32 to vector<16xi32>
      %mul3A_378 = arith.muli %iota3A, %mul3A_377 : vector<16xi32>
      %add3A_379 = arith.constant 1008 : i32
      %add3A_380 = vector.broadcast %add3A_379 : i32 to vector<16xi32>
      %add3A_381 = arith.addi %add3A_380, %mul3A_378 : vector<16xi32>
      %add3A_382 = arith.constant 20 : i32
      %add3A_383 = vector.broadcast %add3A_382 : i32 to vector<16xi32>
      %add3A_384 = arith.addi %add3A_381, %add3A_383 : vector<16xi32>
      %parallel_loop3A_385 = arith.constant 0 : i32
      %parallel_loop3A_386 = arith.constant 256 : i32
      %parallel_loop3A_387 = arith.constant 1 : i32
      %parallel_loop3A_388 = scf.for %parallel_loop3A_934 = %parallel_loop3A_385 to %parallel_loop3A_386 step %parallel_loop3A_387 iter_args(%parallel_loop3A_935 = %add3A_381) -> (vector<16xi32>)  : i32 {
        %parallel_loop3A_936 = arith.constant 16 : i32
        %parallel_loop3A_937 = arith.muli %parallel_loop3A_934, %parallel_loop3A_936 : i32
        %parallel_loop3A_938 = arith.constant 3 : i32
        %parallel_loop3A_939 = arith.index_cast %parallel_loop3A_938 : i32 to index
        %parallel_loop3A_940 = arith.index_cast %parallel_loop3A_937 : i32 to index
        %parallel_loop3A_941 = tpu.vector_load %arg6[%parallel_loop3A_939, %parallel_loop3A_940] {strides = array<i32>} : memref<4x4096xf32, #tpu.memory_space<vmem>>, vector<16xf32>,
        %parallel_loop3A_942 = arith.cmpf oge, %parallel_loop3A_941, %get3A_375 : vector<16xf32>
        %parallel_loop3A_943 = arith.minsi %parallel_loop3A_935, %add3A_384 : vector<16xi32>
        tpu.vector_store_idx %arg8[%parallel_loop3A_943], %parallel_loop3A_941 masked %parallel_loop3A_942 : memref<1344xf32, #tpu.memory_space<vmem>>[vector<16xi32>], vector<16xf32>, vector<16xi1>
        %parallel_loop3A_944 = arith.extui %parallel_loop3A_942 : vector<16xi1> to vector<16xi32>
        %parallel_loop3A_945 = arith.addi %parallel_loop3A_935, %parallel_loop3A_944 : vector<16xi32>
        scf.yield %parallel_loop3A_945 : vector<16xi32>
      } {sc.loop_unroll_factor = 16 : i64, sc.parallel_access}
      %sub3A_389 = arith.subi %parallel_loop3A_388, %add3A_381 : vector<16xi32>
      %reduce_max3A_390 = arith.constant true
      %reduce_max3A_391 = vector.broadcast %reduce_max3A_390 : i1 to vector<16xi1>
      %reduce_max3A_392 = arith.constant -2147483648 : i32
      %reduce_max3A_393 = vector.broadcast %reduce_max3A_392 : i32 to vector<16xi32>
      %reduce_max3A_394 = arith.xori %sub3A_389, %reduce_max3A_393 : vector<16xi32>
      %reduce_max3A_395 = tpu.scan <max>, %reduce_max3A_394 masked %reduce_max3A_391 : vector<16xi32>, vector<16xi1> -> vector<16xi32>
      %reduce_max3A_396 = arith.xori %reduce_max3A_395, %reduce_max3A_393 : vector<16xi32>
      %reduce_max3A_397 = vector.extract %reduce_max3A_396[15] : i32 from vector<16xi32>
      %mul3A_398 = arith.constant 4 : i32
      %mul3A_399 = arith.muli %add3A_40, %mul3A_398 : i32
      %add3A_400 = arith.constant 3 : i32
      %add3A_401 = arith.addi %mul3A_399, %add3A_400 : i32
      %jit3A_402 = arith.constant 16 : i32
      %eq3A_403 = arith.constant 0 : i32
      %eq3A_404 = arith.cmpi eq, %jit3A_402, %eq3A_403 : i32
      %jit3A_405 = arith.constant 1 : i32
      %select_n3A_406 = arith.select %eq3A_404, %jit3A_405, %jit3A_402 : i32
      %rem3A_407 = arith.remsi %add3A_401, %select_n3A_406 : i32
      %ne3A_408 = arith.constant 0 : i32
      %ne3A_409 = arith.cmpi ne, %rem3A_407, %ne3A_408 : i32
      %lt3A_410 = arith.constant 0 : i32
      %lt3A_411 = arith.cmpi slt, %rem3A_407, %lt3A_410 : i32
      %lt3A_412 = arith.constant 0 : i32
      %lt3A_413 = arith.cmpi slt, %select_n3A_406, %lt3A_412 : i32
      %ne3A_414 = arith.xori %lt3A_411, %lt3A_413 : i1
      %and3A_415 = arith.andi %ne3A_414, %ne3A_409 : i1
      %add3A_416 = arith.addi %rem3A_407, %select_n3A_406 : i32
      %select_n3A_417 = arith.select %and3A_415, %add3A_416, %rem3A_407 : i32
      %eq3A_418 = vector.broadcast %select_n3A_417 : i32 to vector<16xi32>
      %eq3A_419 = arith.cmpi eq, %iota3A, %eq3A_418 : vector<16xi32>
      %broadcast_in_dim3A_420 = vector.broadcast %reduce_max3A_397 : i32 to vector<16xi32>
      %select_n3A_421 = arith.select %eq3A_419, %broadcast_in_dim3A_420, %select_n3A_367 : vector<16xi1>, vector<16xi32>
      %jit3A_422 = arith.constant 4 : i32
      %eq3A_423 = arith.constant 0 : i32
      %eq3A_424 = arith.cmpi eq, %jit3A_422, %eq3A_423 : i32
      %jit3A_425 = arith.constant 1 : i32
      %select_n3A_426 = arith.select %eq3A_424, %jit3A_425, %jit3A_422 : i32
      %rem3A_427 = arith.remsi %add3A_40, %select_n3A_426 : i32
      %ne3A_428 = arith.constant 0 : i32
      %ne3A_429 = arith.cmpi ne, %rem3A_427, %ne3A_428 : i32
      %lt3A_430 = arith.constant 0 : i32
      %lt3A_431 = arith.cmpi slt, %rem3A_427, %lt3A_430 : i32
      %lt3A_432 = arith.constant 0 : i32
      %lt3A_433 = arith.cmpi slt, %select_n3A_426, %lt3A_432 : i32
      %ne3A_434 = arith.xori %lt3A_431, %lt3A_433 : i1
      %and3A_435 = arith.andi %ne3A_434, %ne3A_429 : i1
      %add3A_436 = arith.addi %rem3A_427, %select_n3A_426 : i32
      %select_n3A_437 = arith.select %and3A_435, %add3A_436, %rem3A_427 : i32
      %eq3A_438 = arith.constant 3 : i32
      %eq3A_439 = arith.cmpi eq, %select_n3A_437, %eq3A_438 : i32
      %convert_element_type3A_440 = arith.extui %eq3A_439 : i1 to i32
      %cond3A_441 = arith.constant 0 : i32
      %cond3A_442 = arith.cmpi ne, %convert_element_type3A_440, %cond3A_441 : i32
      scf.if %cond3A_442 {
        %jit3A_934 = arith.constant 4 : i32
        %div3A = arith.divsi %add3A_40, %jit3A_934 : i32
        %sign3A = arith.constant 0 : i32
        %sign3A_935 = arith.cmpi sgt, %add3A_40, %sign3A : i32
        %sign3A_936 = arith.extui %sign3A_935 : i1 to i32
        %sign3A_937 = arith.constant 0 : i32
        %sign3A_938 = arith.cmpi slt, %add3A_40, %sign3A_937 : i32
        %sign3A_939 = arith.extui %sign3A_938 : i1 to i32
        %sign3A_940 = arith.subi %sign3A_936, %sign3A_939 : i32
        %sign3A_941 = arith.constant 0 : i32
        %sign3A_942 = arith.cmpi sgt, %jit3A_934, %sign3A_941 : i32
        %sign3A_943 = arith.extui %sign3A_942 : i1 to i32
        %sign3A_944 = arith.constant 0 : i32
        %sign3A_945 = arith.cmpi slt, %jit3A_934, %sign3A_944 : i32
        %sign3A_946 = arith.extui %sign3A_945 : i1 to i32
        %sign3A_947 = arith.subi %sign3A_943, %sign3A_946 : i32
        %ne3A_948 = arith.cmpi ne, %sign3A_940, %sign3A_947 : i32
        %rem3A_949 = arith.remsi %add3A_40, %jit3A_934 : i32
        %ne3A_950 = arith.constant 0 : i32
        %ne3A_951 = arith.cmpi ne, %rem3A_949, %ne3A_950 : i32
        %and3A_952 = arith.andi %ne3A_948, %ne3A_951 : i1
        %sub3A_953 = arith.constant 1 : i32
        %sub3A_954 = arith.subi %div3A, %sub3A_953 : i32
        %select_n3A_955 = arith.select %and3A_952, %sub3A_954, %div3A : i32
        %mul3A_956 = arith.constant 16 : i32
        %mul3A_957 = arith.muli %select_n3A_955, %mul3A_956 : i32
        %swap3A_958 = arith.index_cast %mul3A_957 : i32 to index
        %swap3A_959 = tpu.vector_load %arg11[%swap3A_958] {strides = array<i32>} : memref<256xi32, #tpu.memory_space<vmem>>, vector<16xi32>,
        tpu.vector_store %arg11[%swap3A_958], %select_n3A_421 {strides = array<i32>} : memref<256xi32, #tpu.memory_space<vmem>>, vector<16xi32>,
      } else {
      }
      %jit3A_443 = arith.constant 4 : i32
      %eq3A_444 = arith.constant 0 : i32
      %eq3A_445 = arith.cmpi eq, %jit3A_443, %eq3A_444 : i32
      %jit3A_446 = arith.constant 1 : i32
      %select_n3A_447 = arith.select %eq3A_445, %jit3A_446, %jit3A_443 : i32
      %rem3A_448 = arith.remsi %add3A_40, %select_n3A_447 : i32
      %ne3A_449 = arith.constant 0 : i32
      %ne3A_450 = arith.cmpi ne, %rem3A_448, %ne3A_449 : i32
      %lt3A_451 = arith.constant 0 : i32
      %lt3A_452 = arith.cmpi slt, %rem3A_448, %lt3A_451 : i32
      %lt3A_453 = arith.constant 0 : i32
      %lt3A_454 = arith.cmpi slt, %select_n3A_447, %lt3A_453 : i32
      %ne3A_455 = arith.xori %lt3A_452, %lt3A_454 : i1
      %and3A_456 = arith.andi %ne3A_455, %ne3A_450 : i1
      %add3A_457 = arith.addi %rem3A_448, %select_n3A_447 : i32
      %select_n3A_458 = arith.select %and3A_456, %add3A_457, %rem3A_448 : i32
      %eq3A_459 = arith.constant 3 : i32
      %eq3A_460 = arith.cmpi eq, %select_n3A_458, %eq3A_459 : i32
      %broadcast_in_dim3A_461 = arith.constant 0 : i32
      %broadcast_in_dim3A_462 = vector.broadcast %broadcast_in_dim3A_461 : i32 to vector<16xi32>
      %select_n3A_463 = arith.select %eq3A_460, %broadcast_in_dim3A_462, %select_n3A_421 : vector<16xi32>
      %mul3A_464 = arith.constant 4 : i32
      %mul3A_465 = arith.muli %add3A_40, %mul3A_464 : i32
      %add3A_466 = arith.addi %mul3A_2, %mul3A_465 : i32
      %mul3A_467 = arith.constant 336 : i32
      %mul3A_468 = arith.muli %add3A_466, %mul3A_467 : i32
      %dma_start3A_469 = tpu.memref_slice %arg4[%mul3A_468] : memref<2752512xf32, #tpu.memory_space<hbm>> -> memref<1344xf32, #tpu.memory_space<hbm>>
      %dma_start3A_470 = tpu.memref_slice %arg4[%mul3A_468] : memref<2752512xf32, #tpu.memory_space<hbm>> -> memref<1344xf32, #tpu.memory_space<hbm>>
      tpu.enqueue_dma source(%arg8 : memref<1344xf32, #tpu.memory_space<vmem>>) target(%dma_start3A_470 : memref<1344xf32, #tpu.memory_space<hbm>>) target_semaphore(%arg14 : memref<!tpu.dma_semaphore, #tpu.memory_space<semaphore_mem>>)
      %add3A_471 = arith.constant 2 : i32
      %add3A_472 = arith.addi %add3A_40, %add3A_471 : i32
      %lt3A_473 = arith.constant 64 : i32
      %lt3A_474 = arith.cmpi slt, %add3A_472, %lt3A_473 : i32
      %convert_element_type3A_475 = arith.extui %lt3A_474 : i1 to i32
      %cond3A_476 = arith.constant 0 : i32
      %cond3A_477 = arith.cmpi ne, %convert_element_type3A_475, %cond3A_476 : i32
      scf.if %cond3A_477 {
        %add3A_934 = arith.constant 2 : i32
        %add3A_935 = arith.addi %add3A_40, %add3A_934 : i32
        %mul3A_936 = arith.constant 4 : i32
        %mul3A_937 = arith.muli %add3A_935, %mul3A_936 : i32
        %add3A_938 = arith.addi %mul3A_2, %mul3A_937 : i32
        %dma_start3A_939 = arith.constant 0 : i32
        %dma_start3A_940 = tpu.memref_slice %arg2[%add3A_938, %dma_start3A_939] : memref<8192x4096xf32, #tpu.memory_space<hbm>> -> memref<4x4096xf32, #tpu.memory_space<hbm>>
        %dma_start3A_941 = arith.constant 0 : i32
        %dma_start3A_942 = tpu.memref_slice %arg2[%add3A_938, %dma_start3A_941] : memref<8192x4096xf32, #tpu.memory_space<hbm>> -> memref<4x4096xf32, #tpu.memory_space<hbm>>
        tpu.enqueue_dma source(%dma_start3A_942 : memref<4x4096xf32, #tpu.memory_space<hbm>>) target(%arg6 : memref<4x4096xf32, #tpu.memory_space<vmem>>) target_semaphore(%arg12 : memref<!tpu.dma_semaphore, #tpu.memory_space<semaphore_mem>>)
      } else {
      }
      %mul3A_478 = arith.constant 2 : i32
      %mul3A_479 = arith.muli %mul3A_478, %scan3A_35 : i32
      %add3A_480 = arith.constant 1 : i32
      %add3A_481 = arith.addi %mul3A_479, %add3A_480 : i32
      %ge3A_482 = arith.constant 1 : i32
      %ge3A_483 = arith.cmpi sge, %scan3A_35, %ge3A_482 : i32
      %convert_element_type3A_484 = arith.extui %ge3A_483 : i1 to i32
      %cond3A_485 = arith.constant 0 : i32
      %cond3A_486 = arith.cmpi ne, %convert_element_type3A_484, %cond3A_485 : i32
      scf.if %cond3A_486 {
        %sub3A_934 = arith.constant 2 : i32
        %sub3A_935 = arith.subi %add3A_481, %sub3A_934 : i32
        %mul3A_936 = arith.constant 4 : i32
        %mul3A_937 = arith.muli %sub3A_935, %mul3A_936 : i32
        %add3A_938 = arith.addi %mul3A_2, %mul3A_937 : i32
        %mul3A_939 = arith.constant 336 : i32
        %mul3A_940 = arith.muli %add3A_938, %mul3A_939 : i32
        %dma_wait3A_941 = tpu.memref_slice %arg4[%mul3A_940] : memref<2752512xf32, #tpu.memory_space<hbm>> -> memref<1344xf32, #tpu.memory_space<hbm>>
        %dma_wait3A_942 = tpu.memref_slice %arg4[%mul3A_940] : memref<2752512xf32, #tpu.memory_space<hbm>> -> memref<1344xf32, #tpu.memory_space<hbm>>
        tpu.wait_dma2 semaphore(%arg15 : memref<!tpu.dma_semaphore, #tpu.memory_space<semaphore_mem>>) src(%arg9 : memref<1344xf32, #tpu.memory_space<vmem>>) dst(%dma_wait3A_942 : memref<1344xf32, #tpu.memory_space<hbm>>)
      } else {
      }
      %mul3A_487 = arith.constant 4 : i32
      %mul3A_488 = arith.muli %add3A_481, %mul3A_487 : i32
      %add3A_489 = arith.addi %mul3A_2, %mul3A_488 : i32
      %dma_wait3A_490 = arith.constant 0 : i32
      %dma_wait3A_491 = tpu.memref_slice %arg2[%add3A_489, %dma_wait3A_490] : memref<8192x4096xf32, #tpu.memory_space<hbm>> -> memref<4x4096xf32, #tpu.memory_space<hbm>>
      %dma_wait3A_492 = arith.constant 0 : i32
      %dma_wait3A_493 = tpu.memref_slice %arg2[%add3A_489, %dma_wait3A_492] : memref<8192x4096xf32, #tpu.memory_space<hbm>> -> memref<4x4096xf32, #tpu.memory_space<hbm>>
      tpu.wait_dma2 semaphore(%arg13 : memref<!tpu.dma_semaphore, #tpu.memory_space<semaphore_mem>>) src(%dma_wait3A_493 : memref<4x4096xf32, #tpu.memory_space<hbm>>) dst(%arg7 : memref<4x4096xf32, #tpu.memory_space<vmem>>)
      %swap3A_494 = arith.constant 0 : index
      %swap3A_495 = tpu.vector_load %arg9[%swap3A_494] {strides = array<i32>} : memref<1344xf32, #tpu.memory_space<vmem>>, vector<16xf32>,
      tpu.vector_store %arg9[%swap3A_494], %broadcast_in_dim3A_5 {strides = array<i32>} : memref<1344xf32, #tpu.memory_space<vmem>>, vector<16xf32>,
      %swap3A_496 = arith.constant 16 : index
      %swap3A_497 = tpu.vector_load %arg9[%swap3A_496] {strides = array<i32>} : memref<1344xf32, #tpu.memory_space<vmem>>, vector<16xf32>,
      tpu.vector_store %arg9[%swap3A_496], %broadcast_in_dim3A_5 {strides = array<i32>} : memref<1344xf32, #tpu.memory_space<vmem>>, vector<16xf32>,
      %swap3A_498 = arith.constant 32 : index
      %swap3A_499 = tpu.vector_load %arg9[%swap3A_498] {strides = array<i32>} : memref<1344xf32, #tpu.memory_space<vmem>>, vector<16xf32>,
      tpu.vector_store %arg9[%swap3A_498], %broadcast_in_dim3A_5 {strides = array<i32>} : memref<1344xf32, #tpu.memory_space<vmem>>, vector<16xf32>,
      %swap3A_500 = arith.constant 48 : index
      %swap3A_501 = tpu.vector_load %arg9[%swap3A_500] {strides = array<i32>} : memref<1344xf32, #tpu.memory_space<vmem>>, vector<16xf32>,
      tpu.vector_store %arg9[%swap3A_500], %broadcast_in_dim3A_5 {strides = array<i32>} : memref<1344xf32, #tpu.memory_space<vmem>>, vector<16xf32>,
      %swap3A_502 = arith.constant 64 : index
      %swap3A_503 = tpu.vector_load %arg9[%swap3A_502] {strides = array<i32>} : memref<1344xf32, #tpu.memory_space<vmem>>, vector<16xf32>,
      tpu.vector_store %arg9[%swap3A_502], %broadcast_in_dim3A_5 {strides = array<i32>} : memref<1344xf32, #tpu.memory_space<vmem>>, vector<16xf32>,
      %swap3A_504 = arith.constant 80 : index
      %swap3A_505 = tpu.vector_load %arg9[%swap3A_504] {strides = array<i32>} : memref<1344xf32, #tpu.memory_space<vmem>>, vector<16xf32>,
      tpu.vector_store %arg9[%swap3A_504], %broadcast_in_dim3A_5 {strides = array<i32>} : memref<1344xf32, #tpu.memory_space<vmem>>, vector<16xf32>,
      %swap3A_506 = arith.constant 96 : index
      %swap3A_507 = tpu.vector_load %arg9[%swap3A_506] {strides = array<i32>} : memref<1344xf32, #tpu.memory_space<vmem>>, vector<16xf32>,
      tpu.vector_store %arg9[%swap3A_506], %broadcast_in_dim3A_5 {strides = array<i32>} : memref<1344xf32, #tpu.memory_space<vmem>>, vector<16xf32>,
      %swap3A_508 = arith.constant 112 : index
      %swap3A_509 = tpu.vector_load %arg9[%swap3A_508] {strides = array<i32>} : memref<1344xf32, #tpu.memory_space<vmem>>, vector<16xf32>,
      tpu.vector_store %arg9[%swap3A_508], %broadcast_in_dim3A_5 {strides = array<i32>} : memref<1344xf32, #tpu.memory_space<vmem>>, vector<16xf32>,
      %swap3A_510 = arith.constant 128 : index
      %swap3A_511 = tpu.vector_load %arg9[%swap3A_510] {strides = array<i32>} : memref<1344xf32, #tpu.memory_space<vmem>>, vector<16xf32>,
      tpu.vector_store %arg9[%swap3A_510], %broadcast_in_dim3A_5 {strides = array<i32>} : memref<1344xf32, #tpu.memory_space<vmem>>, vector<16xf32>,
      %swap3A_512 = arith.constant 144 : index
      %swap3A_513 = tpu.vector_load %arg9[%swap3A_512] {strides = array<i32>} : memref<1344xf32, #tpu.memory_space<vmem>>, vector<16xf32>,
      tpu.vector_store %arg9[%swap3A_512], %broadcast_in_dim3A_5 {strides = array<i32>} : memref<1344xf32, #tpu.memory_space<vmem>>, vector<16xf32>,
      %swap3A_514 = arith.constant 160 : index
      %swap3A_515 = tpu.vector_load %arg9[%swap3A_514] {strides = array<i32>} : memref<1344xf32, #tpu.memory_space<vmem>>, vector<16xf32>,
      tpu.vector_store %arg9[%swap3A_514], %broadcast_in_dim3A_5 {strides = array<i32>} : memref<1344xf32, #tpu.memory_space<vmem>>, vector<16xf32>,
      %swap3A_516 = arith.constant 176 : index
      %swap3A_517 = tpu.vector_load %arg9[%swap3A_516] {strides = array<i32>} : memref<1344xf32, #tpu.memory_space<vmem>>, vector<16xf32>,
      tpu.vector_store %arg9[%swap3A_516], %broadcast_in_dim3A_5 {strides = array<i32>} : memref<1344xf32, #tpu.memory_space<vmem>>, vector<16xf32>,
      %swap3A_518 = arith.constant 192 : index
      %swap3A_519 = tpu.vector_load %arg9[%swap3A_518] {strides = array<i32>} : memref<1344xf32, #tpu.memory_space<vmem>>, vector<16xf32>,
      tpu.vector_store %arg9[%swap3A_518], %broadcast_in_dim3A_5 {strides = array<i32>} : memref<1344xf32, #tpu.memory_space<vmem>>, vector<16xf32>,
      %swap3A_520 = arith.constant 208 : index
      %swap3A_521 = tpu.vector_load %arg9[%swap3A_520] {strides = array<i32>} : memref<1344xf32, #tpu.memory_space<vmem>>, vector<16xf32>,
      tpu.vector_store %arg9[%swap3A_520], %broadcast_in_dim3A_5 {strides = array<i32>} : memref<1344xf32, #tpu.memory_space<vmem>>, vector<16xf32>,
      %swap3A_522 = arith.constant 224 : index
      %swap3A_523 = tpu.vector_load %arg9[%swap3A_522] {strides = array<i32>} : memref<1344xf32, #tpu.memory_space<vmem>>, vector<16xf32>,
      tpu.vector_store %arg9[%swap3A_522], %broadcast_in_dim3A_5 {strides = array<i32>} : memref<1344xf32, #tpu.memory_space<vmem>>, vector<16xf32>,
      %swap3A_524 = arith.constant 240 : index
      %swap3A_525 = tpu.vector_load %arg9[%swap3A_524] {strides = array<i32>} : memref<1344xf32, #tpu.memory_space<vmem>>, vector<16xf32>,
      tpu.vector_store %arg9[%swap3A_524], %broadcast_in_dim3A_5 {strides = array<i32>} : memref<1344xf32, #tpu.memory_space<vmem>>, vector<16xf32>,
      %swap3A_526 = arith.constant 256 : index
      %swap3A_527 = tpu.vector_load %arg9[%swap3A_526] {strides = array<i32>} : memref<1344xf32, #tpu.memory_space<vmem>>, vector<16xf32>,
      tpu.vector_store %arg9[%swap3A_526], %broadcast_in_dim3A_5 {strides = array<i32>} : memref<1344xf32, #tpu.memory_space<vmem>>, vector<16xf32>,
      %swap3A_528 = arith.constant 272 : index
      %swap3A_529 = tpu.vector_load %arg9[%swap3A_528] {strides = array<i32>} : memref<1344xf32, #tpu.memory_space<vmem>>, vector<16xf32>,
      tpu.vector_store %arg9[%swap3A_528], %broadcast_in_dim3A_5 {strides = array<i32>} : memref<1344xf32, #tpu.memory_space<vmem>>, vector<16xf32>,
      %swap3A_530 = arith.constant 288 : index
      %swap3A_531 = tpu.vector_load %arg9[%swap3A_530] {strides = array<i32>} : memref<1344xf32, #tpu.memory_space<vmem>>, vector<16xf32>,
      tpu.vector_store %arg9[%swap3A_530], %broadcast_in_dim3A_5 {strides = array<i32>} : memref<1344xf32, #tpu.memory_space<vmem>>, vector<16xf32>,
      %swap3A_532 = arith.constant 304 : index
      %swap3A_533 = tpu.vector_load %arg9[%swap3A_532] {strides = array<i32>} : memref<1344xf32, #tpu.memory_space<vmem>>, vector<16xf32>,
      tpu.vector_store %arg9[%swap3A_532], %broadcast_in_dim3A_5 {strides = array<i32>} : memref<1344xf32, #tpu.memory_space<vmem>>, vector<16xf32>,
      %swap3A_534 = arith.constant 320 : index
      %swap3A_535 = tpu.vector_load %arg9[%swap3A_534] {strides = array<i32>} : memref<1344xf32, #tpu.memory_space<vmem>>, vector<16xf32>,
      tpu.vector_store %arg9[%swap3A_534], %broadcast_in_dim3A_5 {strides = array<i32>} : memref<1344xf32, #tpu.memory_space<vmem>>, vector<16xf32>,
      %swap3A_536 = arith.constant 336 : index
      %swap3A_537 = tpu.vector_load %arg9[%swap3A_536] {strides = array<i32>} : memref<1344xf32, #tpu.memory_space<vmem>>, vector<16xf32>,
      tpu.vector_store %arg9[%swap3A_536], %broadcast_in_dim3A_5 {strides = array<i32>} : memref<1344xf32, #tpu.memory_space<vmem>>, vector<16xf32>,
      %swap3A_538 = arith.constant 352 : index
      %swap3A_539 = tpu.vector_load %arg9[%swap3A_538] {strides = array<i32>} : memref<1344xf32, #tpu.memory_space<vmem>>, vector<16xf32>,
      tpu.vector_store %arg9[%swap3A_538], %broadcast_in_dim3A_5 {strides = array<i32>} : memref<1344xf32, #tpu.memory_space<vmem>>, vector<16xf32>,
      %swap3A_540 = arith.constant 368 : index
      %swap3A_541 = tpu.vector_load %arg9[%swap3A_540] {strides = array<i32>} : memref<1344xf32, #tpu.memory_space<vmem>>, vector<16xf32>,
      tpu.vector_store %arg9[%swap3A_540], %broadcast_in_dim3A_5 {strides = array<i32>} : memref<1344xf32, #tpu.memory_space<vmem>>, vector<16xf32>,
      %swap3A_542 = arith.constant 384 : index
      %swap3A_543 = tpu.vector_load %arg9[%swap3A_542] {strides = array<i32>} : memref<1344xf32, #tpu.memory_space<vmem>>, vector<16xf32>,
      tpu.vector_store %arg9[%swap3A_542], %broadcast_in_dim3A_5 {strides = array<i32>} : memref<1344xf32, #tpu.memory_space<vmem>>, vector<16xf32>,
      %swap3A_544 = arith.constant 400 : index
      %swap3A_545 = tpu.vector_load %arg9[%swap3A_544] {strides = array<i32>} : memref<1344xf32, #tpu.memory_space<vmem>>, vector<16xf32>,
      tpu.vector_store %arg9[%swap3A_544], %broadcast_in_dim3A_5 {strides = array<i32>} : memref<1344xf32, #tpu.memory_space<vmem>>, vector<16xf32>,
      %swap3A_546 = arith.constant 416 : index
      %swap3A_547 = tpu.vector_load %arg9[%swap3A_546] {strides = array<i32>} : memref<1344xf32, #tpu.memory_space<vmem>>, vector<16xf32>,
      tpu.vector_store %arg9[%swap3A_546], %broadcast_in_dim3A_5 {strides = array<i32>} : memref<1344xf32, #tpu.memory_space<vmem>>, vector<16xf32>,
      %swap3A_548 = arith.constant 432 : index
      %swap3A_549 = tpu.vector_load %arg9[%swap3A_548] {strides = array<i32>} : memref<1344xf32, #tpu.memory_space<vmem>>, vector<16xf32>,
      tpu.vector_store %arg9[%swap3A_548], %broadcast_in_dim3A_5 {strides = array<i32>} : memref<1344xf32, #tpu.memory_space<vmem>>, vector<16xf32>,
      %swap3A_550 = arith.constant 448 : index
      %swap3A_551 = tpu.vector_load %arg9[%swap3A_550] {strides = array<i32>} : memref<1344xf32, #tpu.memory_space<vmem>>, vector<16xf32>,
      tpu.vector_store %arg9[%swap3A_550], %broadcast_in_dim3A_5 {strides = array<i32>} : memref<1344xf32, #tpu.memory_space<vmem>>, vector<16xf32>,
      %swap3A_552 = arith.constant 464 : index
      %swap3A_553 = tpu.vector_load %arg9[%swap3A_552] {strides = array<i32>} : memref<1344xf32, #tpu.memory_space<vmem>>, vector<16xf32>,
      tpu.vector_store %arg9[%swap3A_552], %broadcast_in_dim3A_5 {strides = array<i32>} : memref<1344xf32, #tpu.memory_space<vmem>>, vector<16xf32>,
      %swap3A_554 = arith.constant 480 : index
      %swap3A_555 = tpu.vector_load %arg9[%swap3A_554] {strides = array<i32>} : memref<1344xf32, #tpu.memory_space<vmem>>, vector<16xf32>,
      tpu.vector_store %arg9[%swap3A_554], %broadcast_in_dim3A_5 {strides = array<i32>} : memref<1344xf32, #tpu.memory_space<vmem>>, vector<16xf32>,
      %swap3A_556 = arith.constant 496 : index
      %swap3A_557 = tpu.vector_load %arg9[%swap3A_556] {strides = array<i32>} : memref<1344xf32, #tpu.memory_space<vmem>>, vector<16xf32>,
      tpu.vector_store %arg9[%swap3A_556], %broadcast_in_dim3A_5 {strides = array<i32>} : memref<1344xf32, #tpu.memory_space<vmem>>, vector<16xf32>,
      %swap3A_558 = arith.constant 512 : index
      %swap3A_559 = tpu.vector_load %arg9[%swap3A_558] {strides = array<i32>} : memref<1344xf32, #tpu.memory_space<vmem>>, vector<16xf32>,
      tpu.vector_store %arg9[%swap3A_558], %broadcast_in_dim3A_5 {strides = array<i32>} : memref<1344xf32, #tpu.memory_space<vmem>>, vector<16xf32>,
      %swap3A_560 = arith.constant 528 : index
      %swap3A_561 = tpu.vector_load %arg9[%swap3A_560] {strides = array<i32>} : memref<1344xf32, #tpu.memory_space<vmem>>, vector<16xf32>,
      tpu.vector_store %arg9[%swap3A_560], %broadcast_in_dim3A_5 {strides = array<i32>} : memref<1344xf32, #tpu.memory_space<vmem>>, vector<16xf32>,
      %swap3A_562 = arith.constant 544 : index
      %swap3A_563 = tpu.vector_load %arg9[%swap3A_562] {strides = array<i32>} : memref<1344xf32, #tpu.memory_space<vmem>>, vector<16xf32>,
      tpu.vector_store %arg9[%swap3A_562], %broadcast_in_dim3A_5 {strides = array<i32>} : memref<1344xf32, #tpu.memory_space<vmem>>, vector<16xf32>,
      %swap3A_564 = arith.constant 560 : index
      %swap3A_565 = tpu.vector_load %arg9[%swap3A_564] {strides = array<i32>} : memref<1344xf32, #tpu.memory_space<vmem>>, vector<16xf32>,
      tpu.vector_store %arg9[%swap3A_564], %broadcast_in_dim3A_5 {strides = array<i32>} : memref<1344xf32, #tpu.memory_space<vmem>>, vector<16xf32>,
      %swap3A_566 = arith.constant 576 : index
      %swap3A_567 = tpu.vector_load %arg9[%swap3A_566] {strides = array<i32>} : memref<1344xf32, #tpu.memory_space<vmem>>, vector<16xf32>,
      tpu.vector_store %arg9[%swap3A_566], %broadcast_in_dim3A_5 {strides = array<i32>} : memref<1344xf32, #tpu.memory_space<vmem>>, vector<16xf32>,
      %swap3A_568 = arith.constant 592 : index
      %swap3A_569 = tpu.vector_load %arg9[%swap3A_568] {strides = array<i32>} : memref<1344xf32, #tpu.memory_space<vmem>>, vector<16xf32>,
      tpu.vector_store %arg9[%swap3A_568], %broadcast_in_dim3A_5 {strides = array<i32>} : memref<1344xf32, #tpu.memory_space<vmem>>, vector<16xf32>,
      %swap3A_570 = arith.constant 608 : index
      %swap3A_571 = tpu.vector_load %arg9[%swap3A_570] {strides = array<i32>} : memref<1344xf32, #tpu.memory_space<vmem>>, vector<16xf32>,
      tpu.vector_store %arg9[%swap3A_570], %broadcast_in_dim3A_5 {strides = array<i32>} : memref<1344xf32, #tpu.memory_space<vmem>>, vector<16xf32>,
      %swap3A_572 = arith.constant 624 : index
      %swap3A_573 = tpu.vector_load %arg9[%swap3A_572] {strides = array<i32>} : memref<1344xf32, #tpu.memory_space<vmem>>, vector<16xf32>,
      tpu.vector_store %arg9[%swap3A_572], %broadcast_in_dim3A_5 {strides = array<i32>} : memref<1344xf32, #tpu.memory_space<vmem>>, vector<16xf32>,
      %swap3A_574 = arith.constant 640 : index
      %swap3A_575 = tpu.vector_load %arg9[%swap3A_574] {strides = array<i32>} : memref<1344xf32, #tpu.memory_space<vmem>>, vector<16xf32>,
      tpu.vector_store %arg9[%swap3A_574], %broadcast_in_dim3A_5 {strides = array<i32>} : memref<1344xf32, #tpu.memory_space<vmem>>, vector<16xf32>,
      %swap3A_576 = arith.constant 656 : index
      %swap3A_577 = tpu.vector_load %arg9[%swap3A_576] {strides = array<i32>} : memref<1344xf32, #tpu.memory_space<vmem>>, vector<16xf32>,
      tpu.vector_store %arg9[%swap3A_576], %broadcast_in_dim3A_5 {strides = array<i32>} : memref<1344xf32, #tpu.memory_space<vmem>>, vector<16xf32>,
      %swap3A_578 = arith.constant 672 : index
      %swap3A_579 = tpu.vector_load %arg9[%swap3A_578] {strides = array<i32>} : memref<1344xf32, #tpu.memory_space<vmem>>, vector<16xf32>,
      tpu.vector_store %arg9[%swap3A_578], %broadcast_in_dim3A_5 {strides = array<i32>} : memref<1344xf32, #tpu.memory_space<vmem>>, vector<16xf32>,
      %swap3A_580 = arith.constant 688 : index
      %swap3A_581 = tpu.vector_load %arg9[%swap3A_580] {strides = array<i32>} : memref<1344xf32, #tpu.memory_space<vmem>>, vector<16xf32>,
      tpu.vector_store %arg9[%swap3A_580], %broadcast_in_dim3A_5 {strides = array<i32>} : memref<1344xf32, #tpu.memory_space<vmem>>, vector<16xf32>,
      %swap3A_582 = arith.constant 704 : index
      %swap3A_583 = tpu.vector_load %arg9[%swap3A_582] {strides = array<i32>} : memref<1344xf32, #tpu.memory_space<vmem>>, vector<16xf32>,
      tpu.vector_store %arg9[%swap3A_582], %broadcast_in_dim3A_5 {strides = array<i32>} : memref<1344xf32, #tpu.memory_space<vmem>>, vector<16xf32>,
      %swap3A_584 = arith.constant 720 : index
      %swap3A_585 = tpu.vector_load %arg9[%swap3A_584] {strides = array<i32>} : memref<1344xf32, #tpu.memory_space<vmem>>, vector<16xf32>,
      tpu.vector_store %arg9[%swap3A_584], %broadcast_in_dim3A_5 {strides = array<i32>} : memref<1344xf32, #tpu.memory_space<vmem>>, vector<16xf32>,
      %swap3A_586 = arith.constant 736 : index
      %swap3A_587 = tpu.vector_load %arg9[%swap3A_586] {strides = array<i32>} : memref<1344xf32, #tpu.memory_space<vmem>>, vector<16xf32>,
      tpu.vector_store %arg9[%swap3A_586], %broadcast_in_dim3A_5 {strides = array<i32>} : memref<1344xf32, #tpu.memory_space<vmem>>, vector<16xf32>,
      %swap3A_588 = arith.constant 752 : index
      %swap3A_589 = tpu.vector_load %arg9[%swap3A_588] {strides = array<i32>} : memref<1344xf32, #tpu.memory_space<vmem>>, vector<16xf32>,
      tpu.vector_store %arg9[%swap3A_588], %broadcast_in_dim3A_5 {strides = array<i32>} : memref<1344xf32, #tpu.memory_space<vmem>>, vector<16xf32>,
      %swap3A_590 = arith.constant 768 : index
      %swap3A_591 = tpu.vector_load %arg9[%swap3A_590] {strides = array<i32>} : memref<1344xf32, #tpu.memory_space<vmem>>, vector<16xf32>,
      tpu.vector_store %arg9[%swap3A_590], %broadcast_in_dim3A_5 {strides = array<i32>} : memref<1344xf32, #tpu.memory_space<vmem>>, vector<16xf32>,
      %swap3A_592 = arith.constant 784 : index
      %swap3A_593 = tpu.vector_load %arg9[%swap3A_592] {strides = array<i32>} : memref<1344xf32, #tpu.memory_space<vmem>>, vector<16xf32>,
      tpu.vector_store %arg9[%swap3A_592], %broadcast_in_dim3A_5 {strides = array<i32>} : memref<1344xf32, #tpu.memory_space<vmem>>, vector<16xf32>,
      %swap3A_594 = arith.constant 800 : index
      %swap3A_595 = tpu.vector_load %arg9[%swap3A_594] {strides = array<i32>} : memref<1344xf32, #tpu.memory_space<vmem>>, vector<16xf32>,
      tpu.vector_store %arg9[%swap3A_594], %broadcast_in_dim3A_5 {strides = array<i32>} : memref<1344xf32, #tpu.memory_space<vmem>>, vector<16xf32>,
      %swap3A_596 = arith.constant 816 : index
      %swap3A_597 = tpu.vector_load %arg9[%swap3A_596] {strides = array<i32>} : memref<1344xf32, #tpu.memory_space<vmem>>, vector<16xf32>,
      tpu.vector_store %arg9[%swap3A_596], %broadcast_in_dim3A_5 {strides = array<i32>} : memref<1344xf32, #tpu.memory_space<vmem>>, vector<16xf32>,
      %swap3A_598 = arith.constant 832 : index
      %swap3A_599 = tpu.vector_load %arg9[%swap3A_598] {strides = array<i32>} : memref<1344xf32, #tpu.memory_space<vmem>>, vector<16xf32>,
      tpu.vector_store %arg9[%swap3A_598], %broadcast_in_dim3A_5 {strides = array<i32>} : memref<1344xf32, #tpu.memory_space<vmem>>, vector<16xf32>,
      %swap3A_600 = arith.constant 848 : index
      %swap3A_601 = tpu.vector_load %arg9[%swap3A_600] {strides = array<i32>} : memref<1344xf32, #tpu.memory_space<vmem>>, vector<16xf32>,
      tpu.vector_store %arg9[%swap3A_600], %broadcast_in_dim3A_5 {strides = array<i32>} : memref<1344xf32, #tpu.memory_space<vmem>>, vector<16xf32>,
      %swap3A_602 = arith.constant 864 : index
      %swap3A_603 = tpu.vector_load %arg9[%swap3A_602] {strides = array<i32>} : memref<1344xf32, #tpu.memory_space<vmem>>, vector<16xf32>,
      tpu.vector_store %arg9[%swap3A_602], %broadcast_in_dim3A_5 {strides = array<i32>} : memref<1344xf32, #tpu.memory_space<vmem>>, vector<16xf32>,
      %swap3A_604 = arith.constant 880 : index
      %swap3A_605 = tpu.vector_load %arg9[%swap3A_604] {strides = array<i32>} : memref<1344xf32, #tpu.memory_space<vmem>>, vector<16xf32>,
      tpu.vector_store %arg9[%swap3A_604], %broadcast_in_dim3A_5 {strides = array<i32>} : memref<1344xf32, #tpu.memory_space<vmem>>, vector<16xf32>,
      %swap3A_606 = arith.constant 896 : index
      %swap3A_607 = tpu.vector_load %arg9[%swap3A_606] {strides = array<i32>} : memref<1344xf32, #tpu.memory_space<vmem>>, vector<16xf32>,
      tpu.vector_store %arg9[%swap3A_606], %broadcast_in_dim3A_5 {strides = array<i32>} : memref<1344xf32, #tpu.memory_space<vmem>>, vector<16xf32>,
      %swap3A_608 = arith.constant 912 : index
      %swap3A_609 = tpu.vector_load %arg9[%swap3A_608] {strides = array<i32>} : memref<1344xf32, #tpu.memory_space<vmem>>, vector<16xf32>,
      tpu.vector_store %arg9[%swap3A_608], %broadcast_in_dim3A_5 {strides = array<i32>} : memref<1344xf32, #tpu.memory_space<vmem>>, vector<16xf32>,
      %swap3A_610 = arith.constant 928 : index
      %swap3A_611 = tpu.vector_load %arg9[%swap3A_610] {strides = array<i32>} : memref<1344xf32, #tpu.memory_space<vmem>>, vector<16xf32>,
      tpu.vector_store %arg9[%swap3A_610], %broadcast_in_dim3A_5 {strides = array<i32>} : memref<1344xf32, #tpu.memory_space<vmem>>, vector<16xf32>,
      %swap3A_612 = arith.constant 944 : index
      %swap3A_613 = tpu.vector_load %arg9[%swap3A_612] {strides = array<i32>} : memref<1344xf32, #tpu.memory_space<vmem>>, vector<16xf32>,
      tpu.vector_store %arg9[%swap3A_612], %broadcast_in_dim3A_5 {strides = array<i32>} : memref<1344xf32, #tpu.memory_space<vmem>>, vector<16xf32>,
      %swap3A_614 = arith.constant 960 : index
      %swap3A_615 = tpu.vector_load %arg9[%swap3A_614] {strides = array<i32>} : memref<1344xf32, #tpu.memory_space<vmem>>, vector<16xf32>,
      tpu.vector_store %arg9[%swap3A_614], %broadcast_in_dim3A_5 {strides = array<i32>} : memref<1344xf32, #tpu.memory_space<vmem>>, vector<16xf32>,
      %swap3A_616 = arith.constant 976 : index
      %swap3A_617 = tpu.vector_load %arg9[%swap3A_616] {strides = array<i32>} : memref<1344xf32, #tpu.memory_space<vmem>>, vector<16xf32>,
      tpu.vector_store %arg9[%swap3A_616], %broadcast_in_dim3A_5 {strides = array<i32>} : memref<1344xf32, #tpu.memory_space<vmem>>, vector<16xf32>,
      %swap3A_618 = arith.constant 992 : index
      %swap3A_619 = tpu.vector_load %arg9[%swap3A_618] {strides = array<i32>} : memref<1344xf32, #tpu.memory_space<vmem>>, vector<16xf32>,
      tpu.vector_store %arg9[%swap3A_618], %broadcast_in_dim3A_5 {strides = array<i32>} : memref<1344xf32, #tpu.memory_space<vmem>>, vector<16xf32>,
      %swap3A_620 = arith.constant 1008 : index
      %swap3A_621 = tpu.vector_load %arg9[%swap3A_620] {strides = array<i32>} : memref<1344xf32, #tpu.memory_space<vmem>>, vector<16xf32>,
      tpu.vector_store %arg9[%swap3A_620], %broadcast_in_dim3A_5 {strides = array<i32>} : memref<1344xf32, #tpu.memory_space<vmem>>, vector<16xf32>,
      %swap3A_622 = arith.constant 1024 : index
      %swap3A_623 = tpu.vector_load %arg9[%swap3A_622] {strides = array<i32>} : memref<1344xf32, #tpu.memory_space<vmem>>, vector<16xf32>,
      tpu.vector_store %arg9[%swap3A_622], %broadcast_in_dim3A_5 {strides = array<i32>} : memref<1344xf32, #tpu.memory_space<vmem>>, vector<16xf32>,
      %swap3A_624 = arith.constant 1040 : index
      %swap3A_625 = tpu.vector_load %arg9[%swap3A_624] {strides = array<i32>} : memref<1344xf32, #tpu.memory_space<vmem>>, vector<16xf32>,
      tpu.vector_store %arg9[%swap3A_624], %broadcast_in_dim3A_5 {strides = array<i32>} : memref<1344xf32, #tpu.memory_space<vmem>>, vector<16xf32>,
      %swap3A_626 = arith.constant 1056 : index
      %swap3A_627 = tpu.vector_load %arg9[%swap3A_626] {strides = array<i32>} : memref<1344xf32, #tpu.memory_space<vmem>>, vector<16xf32>,
      tpu.vector_store %arg9[%swap3A_626], %broadcast_in_dim3A_5 {strides = array<i32>} : memref<1344xf32, #tpu.memory_space<vmem>>, vector<16xf32>,
      %swap3A_628 = arith.constant 1072 : index
      %swap3A_629 = tpu.vector_load %arg9[%swap3A_628] {strides = array<i32>} : memref<1344xf32, #tpu.memory_space<vmem>>, vector<16xf32>,
      tpu.vector_store %arg9[%swap3A_628], %broadcast_in_dim3A_5 {strides = array<i32>} : memref<1344xf32, #tpu.memory_space<vmem>>, vector<16xf32>,
      %swap3A_630 = arith.constant 1088 : index
      %swap3A_631 = tpu.vector_load %arg9[%swap3A_630] {strides = array<i32>} : memref<1344xf32, #tpu.memory_space<vmem>>, vector<16xf32>,
      tpu.vector_store %arg9[%swap3A_630], %broadcast_in_dim3A_5 {strides = array<i32>} : memref<1344xf32, #tpu.memory_space<vmem>>, vector<16xf32>,
      %swap3A_632 = arith.constant 1104 : index
      %swap3A_633 = tpu.vector_load %arg9[%swap3A_632] {strides = array<i32>} : memref<1344xf32, #tpu.memory_space<vmem>>, vector<16xf32>,
      tpu.vector_store %arg9[%swap3A_632], %broadcast_in_dim3A_5 {strides = array<i32>} : memref<1344xf32, #tpu.memory_space<vmem>>, vector<16xf32>,
      %swap3A_634 = arith.constant 1120 : index
      %swap3A_635 = tpu.vector_load %arg9[%swap3A_634] {strides = array<i32>} : memref<1344xf32, #tpu.memory_space<vmem>>, vector<16xf32>,
      tpu.vector_store %arg9[%swap3A_634], %broadcast_in_dim3A_5 {strides = array<i32>} : memref<1344xf32, #tpu.memory_space<vmem>>, vector<16xf32>,
      %swap3A_636 = arith.constant 1136 : index
      %swap3A_637 = tpu.vector_load %arg9[%swap3A_636] {strides = array<i32>} : memref<1344xf32, #tpu.memory_space<vmem>>, vector<16xf32>,
      tpu.vector_store %arg9[%swap3A_636], %broadcast_in_dim3A_5 {strides = array<i32>} : memref<1344xf32, #tpu.memory_space<vmem>>, vector<16xf32>,
      %swap3A_638 = arith.constant 1152 : index
      %swap3A_639 = tpu.vector_load %arg9[%swap3A_638] {strides = array<i32>} : memref<1344xf32, #tpu.memory_space<vmem>>, vector<16xf32>,
      tpu.vector_store %arg9[%swap3A_638], %broadcast_in_dim3A_5 {strides = array<i32>} : memref<1344xf32, #tpu.memory_space<vmem>>, vector<16xf32>,
      %swap3A_640 = arith.constant 1168 : index
      %swap3A_641 = tpu.vector_load %arg9[%swap3A_640] {strides = array<i32>} : memref<1344xf32, #tpu.memory_space<vmem>>, vector<16xf32>,
      tpu.vector_store %arg9[%swap3A_640], %broadcast_in_dim3A_5 {strides = array<i32>} : memref<1344xf32, #tpu.memory_space<vmem>>, vector<16xf32>,
      %swap3A_642 = arith.constant 1184 : index
      %swap3A_643 = tpu.vector_load %arg9[%swap3A_642] {strides = array<i32>} : memref<1344xf32, #tpu.memory_space<vmem>>, vector<16xf32>,
      tpu.vector_store %arg9[%swap3A_642], %broadcast_in_dim3A_5 {strides = array<i32>} : memref<1344xf32, #tpu.memory_space<vmem>>, vector<16xf32>,
      %swap3A_644 = arith.constant 1200 : index
      %swap3A_645 = tpu.vector_load %arg9[%swap3A_644] {strides = array<i32>} : memref<1344xf32, #tpu.memory_space<vmem>>, vector<16xf32>,
      tpu.vector_store %arg9[%swap3A_644], %broadcast_in_dim3A_5 {strides = array<i32>} : memref<1344xf32, #tpu.memory_space<vmem>>, vector<16xf32>,
      %swap3A_646 = arith.constant 1216 : index
      %swap3A_647 = tpu.vector_load %arg9[%swap3A_646] {strides = array<i32>} : memref<1344xf32, #tpu.memory_space<vmem>>, vector<16xf32>,
      tpu.vector_store %arg9[%swap3A_646], %broadcast_in_dim3A_5 {strides = array<i32>} : memref<1344xf32, #tpu.memory_space<vmem>>, vector<16xf32>,
      %swap3A_648 = arith.constant 1232 : index
      %swap3A_649 = tpu.vector_load %arg9[%swap3A_648] {strides = array<i32>} : memref<1344xf32, #tpu.memory_space<vmem>>, vector<16xf32>,
      tpu.vector_store %arg9[%swap3A_648], %broadcast_in_dim3A_5 {strides = array<i32>} : memref<1344xf32, #tpu.memory_space<vmem>>, vector<16xf32>,
      %swap3A_650 = arith.constant 1248 : index
      %swap3A_651 = tpu.vector_load %arg9[%swap3A_650] {strides = array<i32>} : memref<1344xf32, #tpu.memory_space<vmem>>, vector<16xf32>,
      tpu.vector_store %arg9[%swap3A_650], %broadcast_in_dim3A_5 {strides = array<i32>} : memref<1344xf32, #tpu.memory_space<vmem>>, vector<16xf32>,
      %swap3A_652 = arith.constant 1264 : index
      %swap3A_653 = tpu.vector_load %arg9[%swap3A_652] {strides = array<i32>} : memref<1344xf32, #tpu.memory_space<vmem>>, vector<16xf32>,
      tpu.vector_store %arg9[%swap3A_652], %broadcast_in_dim3A_5 {strides = array<i32>} : memref<1344xf32, #tpu.memory_space<vmem>>, vector<16xf32>,
      %swap3A_654 = arith.constant 1280 : index
      %swap3A_655 = tpu.vector_load %arg9[%swap3A_654] {strides = array<i32>} : memref<1344xf32, #tpu.memory_space<vmem>>, vector<16xf32>,
      tpu.vector_store %arg9[%swap3A_654], %broadcast_in_dim3A_5 {strides = array<i32>} : memref<1344xf32, #tpu.memory_space<vmem>>, vector<16xf32>,
      %swap3A_656 = arith.constant 1296 : index
      %swap3A_657 = tpu.vector_load %arg9[%swap3A_656] {strides = array<i32>} : memref<1344xf32, #tpu.memory_space<vmem>>, vector<16xf32>,
      tpu.vector_store %arg9[%swap3A_656], %broadcast_in_dim3A_5 {strides = array<i32>} : memref<1344xf32, #tpu.memory_space<vmem>>, vector<16xf32>,
      %swap3A_658 = arith.constant 1312 : index
      %swap3A_659 = tpu.vector_load %arg9[%swap3A_658] {strides = array<i32>} : memref<1344xf32, #tpu.memory_space<vmem>>, vector<16xf32>,
      tpu.vector_store %arg9[%swap3A_658], %broadcast_in_dim3A_5 {strides = array<i32>} : memref<1344xf32, #tpu.memory_space<vmem>>, vector<16xf32>,
      %swap3A_660 = arith.constant 1328 : index
      %swap3A_661 = tpu.vector_load %arg9[%swap3A_660] {strides = array<i32>} : memref<1344xf32, #tpu.memory_space<vmem>>, vector<16xf32>,
      tpu.vector_store %arg9[%swap3A_660], %broadcast_in_dim3A_5 {strides = array<i32>} : memref<1344xf32, #tpu.memory_space<vmem>>, vector<16xf32>,
      %mul3A_662 = arith.constant 4 : i32
      %mul3A_663 = arith.muli %add3A_481, %mul3A_662 : i32
      %add3A_664 = arith.constant 0 : i32
      %add3A_665 = arith.addi %mul3A_663, %add3A_664 : i32
      %mul3A_666 = arith.constant 16 : i32
      %mul3A_667 = arith.muli %add3A_665, %mul3A_666 : i32
      %get3A_668 = arith.index_cast %mul3A_667 : i32 to index
      %get3A_669 = tpu.vector_load %arg10[%get3A_668] {strides = array<i32>} : memref<4096xf32, #tpu.memory_space<vmem>>, vector<16xf32>,
      %mul3A_670 = arith.constant 21 : i32
      %mul3A_671 = vector.broadcast %mul3A_670 : i32 to vector<16xi32>
      %mul3A_672 = arith.muli %iota3A, %mul3A_671 : vector<16xi32>
      %add3A_673 = arith.constant 0 : i32
      %add3A_674 = vector.broadcast %add3A_673 : i32 to vector<16xi32>
      %add3A_675 = arith.addi %add3A_674, %mul3A_672 : vector<16xi32>
      %add3A_676 = arith.constant 20 : i32
      %add3A_677 = vector.broadcast %add3A_676 : i32 to vector<16xi32>
      %add3A_678 = arith.addi %add3A_675, %add3A_677 : vector<16xi32>
      %parallel_loop3A_679 = arith.constant 0 : i32
      %parallel_loop3A_680 = arith.constant 256 : i32
      %parallel_loop3A_681 = arith.constant 1 : i32
      %parallel_loop3A_682 = scf.for %parallel_loop3A_934 = %parallel_loop3A_679 to %parallel_loop3A_680 step %parallel_loop3A_681 iter_args(%parallel_loop3A_935 = %add3A_675) -> (vector<16xi32>)  : i32 {
        %parallel_loop3A_936 = arith.constant 16 : i32
        %parallel_loop3A_937 = arith.muli %parallel_loop3A_934, %parallel_loop3A_936 : i32
        %parallel_loop3A_938 = arith.constant 0 : i32
        %parallel_loop3A_939 = arith.index_cast %parallel_loop3A_938 : i32 to index
        %parallel_loop3A_940 = arith.index_cast %parallel_loop3A_937 : i32 to index
        %parallel_loop3A_941 = tpu.vector_load %arg7[%parallel_loop3A_939, %parallel_loop3A_940] {strides = array<i32>} : memref<4x4096xf32, #tpu.memory_space<vmem>>, vector<16xf32>,
        %parallel_loop3A_942 = arith.cmpf oge, %parallel_loop3A_941, %get3A_669 : vector<16xf32>
        %parallel_loop3A_943 = arith.minsi %parallel_loop3A_935, %add3A_678 : vector<16xi32>
        tpu.vector_store_idx %arg9[%parallel_loop3A_943], %parallel_loop3A_941 masked %parallel_loop3A_942 : memref<1344xf32, #tpu.memory_space<vmem>>[vector<16xi32>], vector<16xf32>, vector<16xi1>
        %parallel_loop3A_944 = arith.extui %parallel_loop3A_942 : vector<16xi1> to vector<16xi32>
        %parallel_loop3A_945 = arith.addi %parallel_loop3A_935, %parallel_loop3A_944 : vector<16xi32>
        scf.yield %parallel_loop3A_945 : vector<16xi32>
      } {sc.loop_unroll_factor = 16 : i64, sc.parallel_access}
      %sub3A_683 = arith.subi %parallel_loop3A_682, %add3A_675 : vector<16xi32>
      %reduce_max3A_684 = arith.constant true
      %reduce_max3A_685 = vector.broadcast %reduce_max3A_684 : i1 to vector<16xi1>
      %reduce_max3A_686 = arith.constant -2147483648 : i32
      %reduce_max3A_687 = vector.broadcast %reduce_max3A_686 : i32 to vector<16xi32>
      %reduce_max3A_688 = arith.xori %sub3A_683, %reduce_max3A_687 : vector<16xi32>
      %reduce_max3A_689 = tpu.scan <max>, %reduce_max3A_688 masked %reduce_max3A_685 : vector<16xi32>, vector<16xi1> -> vector<16xi32>
      %reduce_max3A_690 = arith.xori %reduce_max3A_689, %reduce_max3A_687 : vector<16xi32>
      %reduce_max3A_691 = vector.extract %reduce_max3A_690[15] : i32 from vector<16xi32>
      %mul3A_692 = arith.constant 4 : i32
      %mul3A_693 = arith.muli %add3A_481, %mul3A_692 : i32
      %add3A_694 = arith.constant 0 : i32
      %add3A_695 = arith.addi %mul3A_693, %add3A_694 : i32
      %jit3A_696 = arith.constant 16 : i32
      %eq3A_697 = arith.constant 0 : i32
      %eq3A_698 = arith.cmpi eq, %jit3A_696, %eq3A_697 : i32
      %jit3A_699 = arith.constant 1 : i32
      %select_n3A_700 = arith.select %eq3A_698, %jit3A_699, %jit3A_696 : i32
      %rem3A_701 = arith.remsi %add3A_695, %select_n3A_700 : i32
      %ne3A_702 = arith.constant 0 : i32
      %ne3A_703 = arith.cmpi ne, %rem3A_701, %ne3A_702 : i32
      %lt3A_704 = arith.constant 0 : i32
      %lt3A_705 = arith.cmpi slt, %rem3A_701, %lt3A_704 : i32
      %lt3A_706 = arith.constant 0 : i32
      %lt3A_707 = arith.cmpi slt, %select_n3A_700, %lt3A_706 : i32
      %ne3A_708 = arith.xori %lt3A_705, %lt3A_707 : i1
      %and3A_709 = arith.andi %ne3A_708, %ne3A_703 : i1
      %add3A_710 = arith.addi %rem3A_701, %select_n3A_700 : i32
      %select_n3A_711 = arith.select %and3A_709, %add3A_710, %rem3A_701 : i32
      %eq3A_712 = vector.broadcast %select_n3A_711 : i32 to vector<16xi32>
      %eq3A_713 = arith.cmpi eq, %iota3A, %eq3A_712 : vector<16xi32>
      %broadcast_in_dim3A_714 = vector.broadcast %reduce_max3A_691 : i32 to vector<16xi32>
      %select_n3A_715 = arith.select %eq3A_713, %broadcast_in_dim3A_714, %select_n3A_463 : vector<16xi1>, vector<16xi32>
      %mul3A_716 = arith.constant 4 : i32
      %mul3A_717 = arith.muli %add3A_481, %mul3A_716 : i32
      %add3A_718 = arith.constant 1 : i32
      %add3A_719 = arith.addi %mul3A_717, %add3A_718 : i32
      %mul3A_720 = arith.constant 16 : i32
      %mul3A_721 = arith.muli %add3A_719, %mul3A_720 : i32
      %get3A_722 = arith.index_cast %mul3A_721 : i32 to index
      %get3A_723 = tpu.vector_load %arg10[%get3A_722] {strides = array<i32>} : memref<4096xf32, #tpu.memory_space<vmem>>, vector<16xf32>,
      %mul3A_724 = arith.constant 21 : i32
      %mul3A_725 = vector.broadcast %mul3A_724 : i32 to vector<16xi32>
      %mul3A_726 = arith.muli %iota3A, %mul3A_725 : vector<16xi32>
      %add3A_727 = arith.constant 336 : i32
      %add3A_728 = vector.broadcast %add3A_727 : i32 to vector<16xi32>
      %add3A_729 = arith.addi %add3A_728, %mul3A_726 : vector<16xi32>
      %add3A_730 = arith.constant 20 : i32
      %add3A_731 = vector.broadcast %add3A_730 : i32 to vector<16xi32>
      %add3A_732 = arith.addi %add3A_729, %add3A_731 : vector<16xi32>
      %parallel_loop3A_733 = arith.constant 0 : i32
      %parallel_loop3A_734 = arith.constant 256 : i32
      %parallel_loop3A_735 = arith.constant 1 : i32
      %parallel_loop3A_736 = scf.for %parallel_loop3A_934 = %parallel_loop3A_733 to %parallel_loop3A_734 step %parallel_loop3A_735 iter_args(%parallel_loop3A_935 = %add3A_729) -> (vector<16xi32>)  : i32 {
        %parallel_loop3A_936 = arith.constant 16 : i32
        %parallel_loop3A_937 = arith.muli %parallel_loop3A_934, %parallel_loop3A_936 : i32
        %parallel_loop3A_938 = arith.constant 1 : i32
        %parallel_loop3A_939 = arith.index_cast %parallel_loop3A_938 : i32 to index
        %parallel_loop3A_940 = arith.index_cast %parallel_loop3A_937 : i32 to index
        %parallel_loop3A_941 = tpu.vector_load %arg7[%parallel_loop3A_939, %parallel_loop3A_940] {strides = array<i32>} : memref<4x4096xf32, #tpu.memory_space<vmem>>, vector<16xf32>,
        %parallel_loop3A_942 = arith.cmpf oge, %parallel_loop3A_941, %get3A_723 : vector<16xf32>
        %parallel_loop3A_943 = arith.minsi %parallel_loop3A_935, %add3A_732 : vector<16xi32>
        tpu.vector_store_idx %arg9[%parallel_loop3A_943], %parallel_loop3A_941 masked %parallel_loop3A_942 : memref<1344xf32, #tpu.memory_space<vmem>>[vector<16xi32>], vector<16xf32>, vector<16xi1>
        %parallel_loop3A_944 = arith.extui %parallel_loop3A_942 : vector<16xi1> to vector<16xi32>
        %parallel_loop3A_945 = arith.addi %parallel_loop3A_935, %parallel_loop3A_944 : vector<16xi32>
        scf.yield %parallel_loop3A_945 : vector<16xi32>
      } {sc.loop_unroll_factor = 16 : i64, sc.parallel_access}
      %sub3A_737 = arith.subi %parallel_loop3A_736, %add3A_729 : vector<16xi32>
      %reduce_max3A_738 = arith.constant true
      %reduce_max3A_739 = vector.broadcast %reduce_max3A_738 : i1 to vector<16xi1>
      %reduce_max3A_740 = arith.constant -2147483648 : i32
      %reduce_max3A_741 = vector.broadcast %reduce_max3A_740 : i32 to vector<16xi32>
      %reduce_max3A_742 = arith.xori %sub3A_737, %reduce_max3A_741 : vector<16xi32>
      %reduce_max3A_743 = tpu.scan <max>, %reduce_max3A_742 masked %reduce_max3A_739 : vector<16xi32>, vector<16xi1> -> vector<16xi32>
      %reduce_max3A_744 = arith.xori %reduce_max3A_743, %reduce_max3A_741 : vector<16xi32>
      %reduce_max3A_745 = vector.extract %reduce_max3A_744[15] : i32 from vector<16xi32>
      %mul3A_746 = arith.constant 4 : i32
      %mul3A_747 = arith.muli %add3A_481, %mul3A_746 : i32
      %add3A_748 = arith.constant 1 : i32
      %add3A_749 = arith.addi %mul3A_747, %add3A_748 : i32
      %jit3A_750 = arith.constant 16 : i32
      %eq3A_751 = arith.constant 0 : i32
      %eq3A_752 = arith.cmpi eq, %jit3A_750, %eq3A_751 : i32
      %jit3A_753 = arith.constant 1 : i32
      %select_n3A_754 = arith.select %eq3A_752, %jit3A_753, %jit3A_750 : i32
      %rem3A_755 = arith.remsi %add3A_749, %select_n3A_754 : i32
      %ne3A_756 = arith.constant 0 : i32
      %ne3A_757 = arith.cmpi ne, %rem3A_755, %ne3A_756 : i32
      %lt3A_758 = arith.constant 0 : i32
      %lt3A_759 = arith.cmpi slt, %rem3A_755, %lt3A_758 : i32
      %lt3A_760 = arith.constant 0 : i32
      %lt3A_761 = arith.cmpi slt, %select_n3A_754, %lt3A_760 : i32
      %ne3A_762 = arith.xori %lt3A_759, %lt3A_761 : i1
      %and3A_763 = arith.andi %ne3A_762, %ne3A_757 : i1
      %add3A_764 = arith.addi %rem3A_755, %select_n3A_754 : i32
      %select_n3A_765 = arith.select %and3A_763, %add3A_764, %rem3A_755 : i32
      %eq3A_766 = vector.broadcast %select_n3A_765 : i32 to vector<16xi32>
      %eq3A_767 = arith.cmpi eq, %iota3A, %eq3A_766 : vector<16xi32>
      %broadcast_in_dim3A_768 = vector.broadcast %reduce_max3A_745 : i32 to vector<16xi32>
      %select_n3A_769 = arith.select %eq3A_767, %broadcast_in_dim3A_768, %select_n3A_715 : vector<16xi1>, vector<16xi32>
      %mul3A_770 = arith.constant 4 : i32
      %mul3A_771 = arith.muli %add3A_481, %mul3A_770 : i32
      %add3A_772 = arith.constant 2 : i32
      %add3A_773 = arith.addi %mul3A_771, %add3A_772 : i32
      %mul3A_774 = arith.constant 16 : i32
      %mul3A_775 = arith.muli %add3A_773, %mul3A_774 : i32
      %get3A_776 = arith.index_cast %mul3A_775 : i32 to index
      %get3A_777 = tpu.vector_load %arg10[%get3A_776] {strides = array<i32>} : memref<4096xf32, #tpu.memory_space<vmem>>, vector<16xf32>,
      %mul3A_778 = arith.constant 21 : i32
      %mul3A_779 = vector.broadcast %mul3A_778 : i32 to vector<16xi32>
      %mul3A_780 = arith.muli %iota3A, %mul3A_779 : vector<16xi32>
      %add3A_781 = arith.constant 672 : i32
      %add3A_782 = vector.broadcast %add3A_781 : i32 to vector<16xi32>
      %add3A_783 = arith.addi %add3A_782, %mul3A_780 : vector<16xi32>
      %add3A_784 = arith.constant 20 : i32
      %add3A_785 = vector.broadcast %add3A_784 : i32 to vector<16xi32>
      %add3A_786 = arith.addi %add3A_783, %add3A_785 : vector<16xi32>
      %parallel_loop3A_787 = arith.constant 0 : i32
      %parallel_loop3A_788 = arith.constant 256 : i32
      %parallel_loop3A_789 = arith.constant 1 : i32
      %parallel_loop3A_790 = scf.for %parallel_loop3A_934 = %parallel_loop3A_787 to %parallel_loop3A_788 step %parallel_loop3A_789 iter_args(%parallel_loop3A_935 = %add3A_783) -> (vector<16xi32>)  : i32 {
        %parallel_loop3A_936 = arith.constant 16 : i32
        %parallel_loop3A_937 = arith.muli %parallel_loop3A_934, %parallel_loop3A_936 : i32
        %parallel_loop3A_938 = arith.constant 2 : i32
        %parallel_loop3A_939 = arith.index_cast %parallel_loop3A_938 : i32 to index
        %parallel_loop3A_940 = arith.index_cast %parallel_loop3A_937 : i32 to index
        %parallel_loop3A_941 = tpu.vector_load %arg7[%parallel_loop3A_939, %parallel_loop3A_940] {strides = array<i32>} : memref<4x4096xf32, #tpu.memory_space<vmem>>, vector<16xf32>,
        %parallel_loop3A_942 = arith.cmpf oge, %parallel_loop3A_941, %get3A_777 : vector<16xf32>
        %parallel_loop3A_943 = arith.minsi %parallel_loop3A_935, %add3A_786 : vector<16xi32>
        tpu.vector_store_idx %arg9[%parallel_loop3A_943], %parallel_loop3A_941 masked %parallel_loop3A_942 : memref<1344xf32, #tpu.memory_space<vmem>>[vector<16xi32>], vector<16xf32>, vector<16xi1>
        %parallel_loop3A_944 = arith.extui %parallel_loop3A_942 : vector<16xi1> to vector<16xi32>
        %parallel_loop3A_945 = arith.addi %parallel_loop3A_935, %parallel_loop3A_944 : vector<16xi32>
        scf.yield %parallel_loop3A_945 : vector<16xi32>
      } {sc.loop_unroll_factor = 16 : i64, sc.parallel_access}
      %sub3A_791 = arith.subi %parallel_loop3A_790, %add3A_783 : vector<16xi32>
      %reduce_max3A_792 = arith.constant true
      %reduce_max3A_793 = vector.broadcast %reduce_max3A_792 : i1 to vector<16xi1>
      %reduce_max3A_794 = arith.constant -2147483648 : i32
      %reduce_max3A_795 = vector.broadcast %reduce_max3A_794 : i32 to vector<16xi32>
      %reduce_max3A_796 = arith.xori %sub3A_791, %reduce_max3A_795 : vector<16xi32>
      %reduce_max3A_797 = tpu.scan <max>, %reduce_max3A_796 masked %reduce_max3A_793 : vector<16xi32>, vector<16xi1> -> vector<16xi32>
      %reduce_max3A_798 = arith.xori %reduce_max3A_797, %reduce_max3A_795 : vector<16xi32>
      %reduce_max3A_799 = vector.extract %reduce_max3A_798[15] : i32 from vector<16xi32>
      %mul3A_800 = arith.constant 4 : i32
      %mul3A_801 = arith.muli %add3A_481, %mul3A_800 : i32
      %add3A_802 = arith.constant 2 : i32
      %add3A_803 = arith.addi %mul3A_801, %add3A_802 : i32
      %jit3A_804 = arith.constant 16 : i32
      %eq3A_805 = arith.constant 0 : i32
      %eq3A_806 = arith.cmpi eq, %jit3A_804, %eq3A_805 : i32
      %jit3A_807 = arith.constant 1 : i32
      %select_n3A_808 = arith.select %eq3A_806, %jit3A_807, %jit3A_804 : i32
      %rem3A_809 = arith.remsi %add3A_803, %select_n3A_808 : i32
      %ne3A_810 = arith.constant 0 : i32
      %ne3A_811 = arith.cmpi ne, %rem3A_809, %ne3A_810 : i32
      %lt3A_812 = arith.constant 0 : i32
      %lt3A_813 = arith.cmpi slt, %rem3A_809, %lt3A_812 : i32
      %lt3A_814 = arith.constant 0 : i32
      %lt3A_815 = arith.cmpi slt, %select_n3A_808, %lt3A_814 : i32
      %ne3A_816 = arith.xori %lt3A_813, %lt3A_815 : i1
      %and3A_817 = arith.andi %ne3A_816, %ne3A_811 : i1
      %add3A_818 = arith.addi %rem3A_809, %select_n3A_808 : i32
      %select_n3A_819 = arith.select %and3A_817, %add3A_818, %rem3A_809 : i32
      %eq3A_820 = vector.broadcast %select_n3A_819 : i32 to vector<16xi32>
      %eq3A_821 = arith.cmpi eq, %iota3A, %eq3A_820 : vector<16xi32>
      %broadcast_in_dim3A_822 = vector.broadcast %reduce_max3A_799 : i32 to vector<16xi32>
      %select_n3A_823 = arith.select %eq3A_821, %broadcast_in_dim3A_822, %select_n3A_769 : vector<16xi1>, vector<16xi32>
      %mul3A_824 = arith.constant 4 : i32
      %mul3A_825 = arith.muli %add3A_481, %mul3A_824 : i32
      %add3A_826 = arith.constant 3 : i32
      %add3A_827 = arith.addi %mul3A_825, %add3A_826 : i32
      %mul3A_828 = arith.constant 16 : i32
      %mul3A_829 = arith.muli %add3A_827, %mul3A_828 : i32
      %get3A_830 = arith.index_cast %mul3A_829 : i32 to index
      %get3A_831 = tpu.vector_load %arg10[%get3A_830] {strides = array<i32>} : memref<4096xf32, #tpu.memory_space<vmem>>, vector<16xf32>,
      %mul3A_832 = arith.constant 21 : i32
      %mul3A_833 = vector.broadcast %mul3A_832 : i32 to vector<16xi32>
      %mul3A_834 = arith.muli %iota3A, %mul3A_833 : vector<16xi32>
      %add3A_835 = arith.constant 1008 : i32
      %add3A_836 = vector.broadcast %add3A_835 : i32 to vector<16xi32>
      %add3A_837 = arith.addi %add3A_836, %mul3A_834 : vector<16xi32>
      %add3A_838 = arith.constant 20 : i32
      %add3A_839 = vector.broadcast %add3A_838 : i32 to vector<16xi32>
      %add3A_840 = arith.addi %add3A_837, %add3A_839 : vector<16xi32>
      %parallel_loop3A_841 = arith.constant 0 : i32
      %parallel_loop3A_842 = arith.constant 256 : i32
      %parallel_loop3A_843 = arith.constant 1 : i32
      %parallel_loop3A_844 = scf.for %parallel_loop3A_934 = %parallel_loop3A_841 to %parallel_loop3A_842 step %parallel_loop3A_843 iter_args(%parallel_loop3A_935 = %add3A_837) -> (vector<16xi32>)  : i32 {
        %parallel_loop3A_936 = arith.constant 16 : i32
        %parallel_loop3A_937 = arith.muli %parallel_loop3A_934, %parallel_loop3A_936 : i32
        %parallel_loop3A_938 = arith.constant 3 : i32
        %parallel_loop3A_939 = arith.index_cast %parallel_loop3A_938 : i32 to index
        %parallel_loop3A_940 = arith.index_cast %parallel_loop3A_937 : i32 to index
        %parallel_loop3A_941 = tpu.vector_load %arg7[%parallel_loop3A_939, %parallel_loop3A_940] {strides = array<i32>} : memref<4x4096xf32, #tpu.memory_space<vmem>>, vector<16xf32>,
        %parallel_loop3A_942 = arith.cmpf oge, %parallel_loop3A_941, %get3A_831 : vector<16xf32>
        %parallel_loop3A_943 = arith.minsi %parallel_loop3A_935, %add3A_840 : vector<16xi32>
        tpu.vector_store_idx %arg9[%parallel_loop3A_943], %parallel_loop3A_941 masked %parallel_loop3A_942 : memref<1344xf32, #tpu.memory_space<vmem>>[vector<16xi32>], vector<16xf32>, vector<16xi1>
        %parallel_loop3A_944 = arith.extui %parallel_loop3A_942 : vector<16xi1> to vector<16xi32>
        %parallel_loop3A_945 = arith.addi %parallel_loop3A_935, %parallel_loop3A_944 : vector<16xi32>
        scf.yield %parallel_loop3A_945 : vector<16xi32>
      } {sc.loop_unroll_factor = 16 : i64, sc.parallel_access}
      %sub3A_845 = arith.subi %parallel_loop3A_844, %add3A_837 : vector<16xi32>
      %reduce_max3A_846 = arith.constant true
      %reduce_max3A_847 = vector.broadcast %reduce_max3A_846 : i1 to vector<16xi1>
      %reduce_max3A_848 = arith.constant -2147483648 : i32
      %reduce_max3A_849 = vector.broadcast %reduce_max3A_848 : i32 to vector<16xi32>
      %reduce_max3A_850 = arith.xori %sub3A_845, %reduce_max3A_849 : vector<16xi32>
      %reduce_max3A_851 = tpu.scan <max>, %reduce_max3A_850 masked %reduce_max3A_847 : vector<16xi32>, vector<16xi1> -> vector<16xi32>
      %reduce_max3A_852 = arith.xori %reduce_max3A_851, %reduce_max3A_849 : vector<16xi32>
      %reduce_max3A_853 = vector.extract %reduce_max3A_852[15] : i32 from vector<16xi32>
      %mul3A_854 = arith.constant 4 : i32
      %mul3A_855 = arith.muli %add3A_481, %mul3A_854 : i32
      %add3A_856 = arith.constant 3 : i32
      %add3A_857 = arith.addi %mul3A_855, %add3A_856 : i32
      %jit3A_858 = arith.constant 16 : i32
      %eq3A_859 = arith.constant 0 : i32
      %eq3A_860 = arith.cmpi eq, %jit3A_858, %eq3A_859 : i32
      %jit3A_861 = arith.constant 1 : i32
      %select_n3A_862 = arith.select %eq3A_860, %jit3A_861, %jit3A_858 : i32
      %rem3A_863 = arith.remsi %add3A_857, %select_n3A_862 : i32
      %ne3A_864 = arith.constant 0 : i32
      %ne3A_865 = arith.cmpi ne, %rem3A_863, %ne3A_864 : i32
      %lt3A_866 = arith.constant 0 : i32
      %lt3A_867 = arith.cmpi slt, %rem3A_863, %lt3A_866 : i32
      %lt3A_868 = arith.constant 0 : i32
      %lt3A_869 = arith.cmpi slt, %select_n3A_862, %lt3A_868 : i32
      %ne3A_870 = arith.xori %lt3A_867, %lt3A_869 : i1
      %and3A_871 = arith.andi %ne3A_870, %ne3A_865 : i1
      %add3A_872 = arith.addi %rem3A_863, %select_n3A_862 : i32
      %select_n3A_873 = arith.select %and3A_871, %add3A_872, %rem3A_863 : i32
      %eq3A_874 = vector.broadcast %select_n3A_873 : i32 to vector<16xi32>
      %eq3A_875 = arith.cmpi eq, %iota3A, %eq3A_874 : vector<16xi32>
      %broadcast_in_dim3A_876 = vector.broadcast %reduce_max3A_853 : i32 to vector<16xi32>
      %select_n3A_877 = arith.select %eq3A_875, %broadcast_in_dim3A_876, %select_n3A_823 : vector<16xi1>, vector<16xi32>
      %jit3A_878 = arith.constant 4 : i32
      %eq3A_879 = arith.constant 0 : i32
      %eq3A_880 = arith.cmpi eq, %jit3A_878, %eq3A_879 : i32
      %jit3A_881 = arith.constant 1 : i32
      %select_n3A_882 = arith.select %eq3A_880, %jit3A_881, %jit3A_878 : i32
      %rem3A_883 = arith.remsi %add3A_481, %select_n3A_882 : i32
      %ne3A_884 = arith.constant 0 : i32
      %ne3A_885 = arith.cmpi ne, %rem3A_883, %ne3A_884 : i32
      %lt3A_886 = arith.constant 0 : i32
      %lt3A_887 = arith.cmpi slt, %rem3A_883, %lt3A_886 : i32
      %lt3A_888 = arith.constant 0 : i32
      %lt3A_889 = arith.cmpi slt, %select_n3A_882, %lt3A_888 : i32
      %ne3A_890 = arith.xori %lt3A_887, %lt3A_889 : i1
      %and3A_891 = arith.andi %ne3A_890, %ne3A_885 : i1
      %add3A_892 = arith.addi %rem3A_883, %select_n3A_882 : i32
      %select_n3A_893 = arith.select %and3A_891, %add3A_892, %rem3A_883 : i32
      %eq3A_894 = arith.constant 3 : i32
      %eq3A_895 = arith.cmpi eq, %select_n3A_893, %eq3A_894 : i32
      %convert_element_type3A_896 = arith.extui %eq3A_895 : i1 to i32
      %cond3A_897 = arith.constant 0 : i32
      %cond3A_898 = arith.cmpi ne, %convert_element_type3A_896, %cond3A_897 : i32
      scf.if %cond3A_898 {
        %jit3A_934 = arith.constant 4 : i32
        %div3A = arith.divsi %add3A_481, %jit3A_934 : i32
        %sign3A = arith.constant 0 : i32
        %sign3A_935 = arith.cmpi sgt, %add3A_481, %sign3A : i32
        %sign3A_936 = arith.extui %sign3A_935 : i1 to i32
        %sign3A_937 = arith.constant 0 : i32
        %sign3A_938 = arith.cmpi slt, %add3A_481, %sign3A_937 : i32
        %sign3A_939 = arith.extui %sign3A_938 : i1 to i32
        %sign3A_940 = arith.subi %sign3A_936, %sign3A_939 : i32
        %sign3A_941 = arith.constant 0 : i32
        %sign3A_942 = arith.cmpi sgt, %jit3A_934, %sign3A_941 : i32
        %sign3A_943 = arith.extui %sign3A_942 : i1 to i32
        %sign3A_944 = arith.constant 0 : i32
        %sign3A_945 = arith.cmpi slt, %jit3A_934, %sign3A_944 : i32
        %sign3A_946 = arith.extui %sign3A_945 : i1 to i32
        %sign3A_947 = arith.subi %sign3A_943, %sign3A_946 : i32
        %ne3A_948 = arith.cmpi ne, %sign3A_940, %sign3A_947 : i32
        %rem3A_949 = arith.remsi %add3A_481, %jit3A_934 : i32
        %ne3A_950 = arith.constant 0 : i32
        %ne3A_951 = arith.cmpi ne, %rem3A_949, %ne3A_950 : i32
        %and3A_952 = arith.andi %ne3A_948, %ne3A_951 : i1
        %sub3A_953 = arith.constant 1 : i32
        %sub3A_954 = arith.subi %div3A, %sub3A_953 : i32
        %select_n3A_955 = arith.select %and3A_952, %sub3A_954, %div3A : i32
        %mul3A_956 = arith.constant 16 : i32
        %mul3A_957 = arith.muli %select_n3A_955, %mul3A_956 : i32
        %swap3A_958 = arith.index_cast %mul3A_957 : i32 to index
        %swap3A_959 = tpu.vector_load %arg11[%swap3A_958] {strides = array<i32>} : memref<256xi32, #tpu.memory_space<vmem>>, vector<16xi32>,
        tpu.vector_store %arg11[%swap3A_958], %select_n3A_877 {strides = array<i32>} : memref<256xi32, #tpu.memory_space<vmem>>, vector<16xi32>,
      } else {
      }
      %jit3A_899 = arith.constant 4 : i32
      %eq3A_900 = arith.constant 0 : i32
      %eq3A_901 = arith.cmpi eq, %jit3A_899, %eq3A_900 : i32
      %jit3A_902 = arith.constant 1 : i32
      %select_n3A_903 = arith.select %eq3A_901, %jit3A_902, %jit3A_899 : i32
      %rem3A_904 = arith.remsi %add3A_481, %select_n3A_903 : i32
      %ne3A_905 = arith.constant 0 : i32
      %ne3A_906 = arith.cmpi ne, %rem3A_904, %ne3A_905 : i32
      %lt3A_907 = arith.constant 0 : i32
      %lt3A_908 = arith.cmpi slt, %rem3A_904, %lt3A_907 : i32
      %lt3A_909 = arith.constant 0 : i32
      %lt3A_910 = arith.cmpi slt, %select_n3A_903, %lt3A_909 : i32
      %ne3A_911 = arith.xori %lt3A_908, %lt3A_910 : i1
      %and3A_912 = arith.andi %ne3A_911, %ne3A_906 : i1
      %add3A_913 = arith.addi %rem3A_904, %select_n3A_903 : i32
      %select_n3A_914 = arith.select %and3A_912, %add3A_913, %rem3A_904 : i32
      %eq3A_915 = arith.constant 3 : i32
      %eq3A_916 = arith.cmpi eq, %select_n3A_914, %eq3A_915 : i32
      %broadcast_in_dim3A_917 = arith.constant 0 : i32
      %broadcast_in_dim3A_918 = vector.broadcast %broadcast_in_dim3A_917 : i32 to vector<16xi32>
      %select_n3A_919 = arith.select %eq3A_916, %broadcast_in_dim3A_918, %select_n3A_877 : vector<16xi32>
      %mul3A_920 = arith.constant 4 : i32
      %mul3A_921 = arith.muli %add3A_481, %mul3A_920 : i32
      %add3A_922 = arith.addi %mul3A_2, %mul3A_921 : i32
      %mul3A_923 = arith.constant 336 : i32
      %mul3A_924 = arith.muli %add3A_922, %mul3A_923 : i32
      %dma_start3A_925 = tpu.memref_slice %arg4[%mul3A_924] : memref<2752512xf32, #tpu.memory_space<hbm>> -> memref<1344xf32, #tpu.memory_space<hbm>>
      %dma_start3A_926 = tpu.memref_slice %arg4[%mul3A_924] : memref<2752512xf32, #tpu.memory_space<hbm>> -> memref<1344xf32, #tpu.memory_space<hbm>>
      tpu.enqueue_dma source(%arg9 : memref<1344xf32, #tpu.memory_space<vmem>>) target(%dma_start3A_926 : memref<1344xf32, #tpu.memory_space<hbm>>) target_semaphore(%arg15 : memref<!tpu.dma_semaphore, #tpu.memory_space<semaphore_mem>>)
      %add3A_927 = arith.constant 2 : i32
      %add3A_928 = arith.addi %add3A_481, %add3A_927 : i32
      %lt3A_929 = arith.constant 64 : i32
      %lt3A_930 = arith.cmpi slt, %add3A_928, %lt3A_929 : i32
      %convert_element_type3A_931 = arith.extui %lt3A_930 : i1 to i32
      %cond3A_932 = arith.constant 0 : i32
      %cond3A_933 = arith.cmpi ne, %convert_element_type3A_931, %cond3A_932 : i32
      scf.if %cond3A_933 {
        %add3A_934 = arith.constant 2 : i32
        %add3A_935 = arith.addi %add3A_481, %add3A_934 : i32
        %mul3A_936 = arith.constant 4 : i32
        %mul3A_937 = arith.muli %add3A_935, %mul3A_936 : i32
        %add3A_938 = arith.addi %mul3A_2, %mul3A_937 : i32
        %dma_start3A_939 = arith.constant 0 : i32
        %dma_start3A_940 = tpu.memref_slice %arg2[%add3A_938, %dma_start3A_939] : memref<8192x4096xf32, #tpu.memory_space<hbm>> -> memref<4x4096xf32, #tpu.memory_space<hbm>>
        %dma_start3A_941 = arith.constant 0 : i32
        %dma_start3A_942 = tpu.memref_slice %arg2[%add3A_938, %dma_start3A_941] : memref<8192x4096xf32, #tpu.memory_space<hbm>> -> memref<4x4096xf32, #tpu.memory_space<hbm>>
        tpu.enqueue_dma source(%dma_start3A_942 : memref<4x4096xf32, #tpu.memory_space<hbm>>) target(%arg7 : memref<4x4096xf32, #tpu.memory_space<vmem>>) target_semaphore(%arg13 : memref<!tpu.dma_semaphore, #tpu.memory_space<semaphore_mem>>)
      } else {
      }
      scf.yield %select_n3A_919 : vector<16xi32>
    }
    %scan3A_23 = arith.constant 32 : i32
    %add3A_24 = arith.constant 248 : i32
    %add3A_25 = arith.addi %mul3A_2, %add3A_24 : i32
    %mul3A_26 = arith.constant 336 : i32
    %mul3A_27 = arith.muli %add3A_25, %mul3A_26 : i32
    %dma_wait3A = tpu.memref_slice %arg4[%mul3A_27] : memref<2752512xf32, #tpu.memory_space<hbm>> -> memref<1344xf32, #tpu.memory_space<hbm>>
    %dma_wait3A_28 = tpu.memref_slice %arg4[%mul3A_27] : memref<2752512xf32, #tpu.memory_space<hbm>> -> memref<1344xf32, #tpu.memory_space<hbm>>
    tpu.wait_dma2 semaphore(%arg14 : memref<!tpu.dma_semaphore, #tpu.memory_space<semaphore_mem>>) src(%arg8 : memref<1344xf32, #tpu.memory_space<vmem>>) dst(%dma_wait3A_28 : memref<1344xf32, #tpu.memory_space<hbm>>)
    %add3A_29 = arith.constant 252 : i32
    %add3A_30 = arith.addi %mul3A_2, %add3A_29 : i32
    %mul3A_31 = arith.constant 336 : i32
    %mul3A_32 = arith.muli %add3A_30, %mul3A_31 : i32
    %dma_wait3A_33 = tpu.memref_slice %arg4[%mul3A_32] : memref<2752512xf32, #tpu.memory_space<hbm>> -> memref<1344xf32, #tpu.memory_space<hbm>>
    %dma_wait3A_34 = tpu.memref_slice %arg4[%mul3A_32] : memref<2752512xf32, #tpu.memory_space<hbm>> -> memref<1344xf32, #tpu.memory_space<hbm>>
    tpu.wait_dma2 semaphore(%arg15 : memref<!tpu.dma_semaphore, #tpu.memory_space<semaphore_mem>>) src(%arg9 : memref<1344xf32, #tpu.memory_space<vmem>>) dst(%dma_wait3A_34 : memref<1344xf32, #tpu.memory_space<hbm>>)
    "tpu.region"() ({
      %run_scoped3A = tpu.sem_alloc : memref<!tpu.dma_semaphore, #tpu.memory_space<semaphore_mem>>
      %dma_start3A_35 = tpu.memref_slice %arg5[%mul3A_2] : memref<8192xi32, #tpu.memory_space<hbm>> -> memref<256xi32, #tpu.memory_space<hbm>>
      %dma_start3A_36 = tpu.memref_slice %arg5[%mul3A_2] : memref<8192xi32, #tpu.memory_space<hbm>> -> memref<256xi32, #tpu.memory_space<hbm>>
      tpu.enqueue_dma source(%arg11 : memref<256xi32, #tpu.memory_space<vmem>>) target(%dma_start3A_36 : memref<256xi32, #tpu.memory_space<hbm>>) target_semaphore(%run_scoped3A : memref<!tpu.dma_semaphore, #tpu.memory_space<semaphore_mem>>)
      %dma_wait3A_37 = tpu.memref_slice %arg5[%mul3A_2] : memref<8192xi32, #tpu.memory_space<hbm>> -> memref<256xi32, #tpu.memory_space<hbm>>
      %dma_wait3A_38 = tpu.memref_slice %arg5[%mul3A_2] : memref<8192xi32, #tpu.memory_space<hbm>> -> memref<256xi32, #tpu.memory_space<hbm>>
      tpu.wait_dma2 semaphore(%run_scoped3A : memref<!tpu.dma_semaphore, #tpu.memory_space<semaphore_mem>>) src(%arg11 : memref<256xi32, #tpu.memory_space<vmem>>) dst(%dma_wait3A_38 : memref<256xi32, #tpu.memory_space<hbm>>)
      tpu.yield
    }) : () -> ()
    return
  }
}

module attributes {stable_mosaic.version = 14 : i64} {
  func.func @_stage1_body(%arg0: i32, %arg1: memref<512x32xf32, #tpu.memory_space<vmem>>, %arg2: memref<4096x32xf32, #tpu.memory_space<vmem>>, %arg3: memref<512x4096xf32, #tpu.memory_space<vmem>>, %arg4: memref<512x16xf32, #tpu.memory_space<vmem>>, %arg5: memref<512x1xf32, #tpu.memory_space<vmem>>, %arg6: memref<512x1xf32, #tpu.memory_space<vmem>>) attributes {dimension_semantics = [#tpu.dimension_semantics<arbitrary>], iteration_bounds = array<i64: 16>, scalar_prefetch = 0 : i64, scratch_operands = 0 : i64, tpu.core_type = #tpu.core_type<tc>, window_params = [{transform_indices = @transform_0, window_bounds = array<i64: 512, 32>}, {transform_indices = @transform_1, window_bounds = array<i64: 4096, 32>}, {transform_indices = @transform_2, window_bounds = array<i64: 512, 4096>}, {transform_indices = @transform_3, window_bounds = array<i64: 512, 16>}, {transform_indices = @transform_4, window_bounds = array<i64: 512, 1>}, {transform_indices = @transform_5, window_bounds = array<i64: 512, 1>}]} {
    %jit3A = arith.constant 8 : i32
    %eq3A = arith.constant 0 : i32
    %eq3A_0 = arith.cmpi eq, %jit3A, %eq3A : i32
    %jit3A_1 = arith.constant 1 : i32
    %select_n3A = arith.select %eq3A_0, %jit3A_1, %jit3A : i32
    %rem3A = arith.remsi %arg0, %select_n3A : i32
    %ne3A = arith.constant 0 : i32
    %ne3A_2 = arith.cmpi ne, %rem3A, %ne3A : i32
    %lt3A = arith.constant 0 : i32
    %lt3A_3 = arith.cmpi slt, %rem3A, %lt3A : i32
    %lt3A_4 = arith.constant 0 : i32
    %lt3A_5 = arith.cmpi slt, %select_n3A, %lt3A_4 : i32
    %ne3A_6 = arith.xori %lt3A_3, %lt3A_5 : i1
    %and3A = arith.andi %ne3A_6, %ne3A_2 : i1
    %add3A = arith.addi %rem3A, %select_n3A : i32
    %select_n3A_7 = arith.select %and3A, %add3A, %rem3A : i32
    %get3A = arith.constant 0 : index
    %get3A_8 = arith.constant 0 : index
    %get3A_9 = vector.load %arg1[%get3A, %get3A_8] : memref<512x32xf32, #tpu.memory_space<vmem>>, vector<512x32xf32>
    %get3A_10 = arith.constant 0 : index
    %get3A_11 = arith.constant 0 : index
    %get3A_12 = vector.load %arg2[%get3A_10, %get3A_11] : memref<4096x32xf32, #tpu.memory_space<vmem>>, vector<4096x32xf32>
    %dot_general3A = arith.constant dense<0.000000e+00> : vector<512x4096xf32>
    %dot_general3A_13 = tpu.matmul %get3A_9, %get3A_12, %dot_general3A {dimension_numbers = #tpu.dot_dimension_numbers<[1], [1], [0], [0], [0, 0, 1, 0], [], []>, transpose_lhs_hint = false} : vector<512x32xf32>, vector<4096x32xf32>, vector<512x4096xf32> -> vector<512x4096xf32>
    %mul3A = arith.constant 512 : i32
    %mul3A_14 = arith.muli %select_n3A_7, %mul3A : i32
    %iota3A = tpu.iota {dimensions = array<i32: 0>} : vector<512x4096xi32>
    %add3A_15 = vector.broadcast %mul3A_14 : i32 to vector<512x4096xi32>
    %add3A_16 = arith.addi %add3A_15, %iota3A : vector<512x4096xi32>
    %iota3A_17 = tpu.iota {dimensions = array<i32: 1>} : vector<512x4096xi32>
    %eq3A_18 = arith.cmpi eq, %add3A_16, %iota3A_17 : vector<512x4096xi32>
    %jit3A_19 = arith.constant 0.000000e+00 : f32
    %broadcast_in_dim3A = vector.broadcast %jit3A_19 : f32 to vector<512x4096xf32>
    %select_n3A_20 = arith.select %eq3A_18, %dot_general3A_13, %broadcast_in_dim3A : vector<512x4096xi1>, vector<512x4096xf32>
    %reduce_sum3A = arith.constant dense<0.000000e+00> : vector<512xf32>
    %reduce_sum3A_21 = vector.multi_reduction <add>, %select_n3A_20, %reduce_sum3A [1] : vector<512x4096xf32> to vector<512xf32>
    %broadcast_in_dim3A_22 = vector.shape_cast %reduce_sum3A_21 : vector<512xf32> to vector<512x1xf32>
    %jit3A_23 = arith.constant 1.000000e+04 : f32
    %jit3A_24 = arith.constant 0.000000e+00 : f32
    %broadcast_in_dim3A_25 = vector.broadcast %jit3A_23 : f32 to vector<512x4096xf32>
    %broadcast_in_dim3A_26 = vector.broadcast %jit3A_24 : f32 to vector<512x4096xf32>
    %select_n3A_27 = arith.select %eq3A_18, %broadcast_in_dim3A_25, %broadcast_in_dim3A_26 : vector<512x4096xi1>, vector<512x4096xf32>
    %sub3A = arith.subf %dot_general3A_13, %select_n3A_27 : vector<512x4096xf32>
    %swap3A = arith.constant 0 : index
    %swap3A_28 = arith.constant 0 : index
    %swap3A_29 = vector.load %arg3[%swap3A, %swap3A_28] : memref<512x4096xf32, #tpu.memory_space<vmem>>, vector<512x4096xf32>
    tpu.vector_store %arg3[%swap3A, %swap3A_28], %sub3A {strides = array<i32>} : memref<512x4096xf32, #tpu.memory_space<vmem>>, vector<512x4096xf32>,
    %slice3A = vector.extract_strided_slice %sub3A {offsets = [0, 0], sizes = [512, 2048], strides = [1, 1]} : vector<512x4096xf32> to vector<512x2048xf32>
    %slice3A_30 = vector.extract_strided_slice %sub3A {offsets = [0, 2048], sizes = [512, 2048], strides = [1, 1]} : vector<512x4096xf32> to vector<512x2048xf32>
    %max3A = arith.maximumf %slice3A, %slice3A_30 : vector<512x2048xf32>
    %slice3A_31 = vector.extract_strided_slice %max3A {offsets = [0, 0], sizes = [512, 1024], strides = [1, 1]} : vector<512x2048xf32> to vector<512x1024xf32>
    %slice3A_32 = vector.extract_strided_slice %max3A {offsets = [0, 1024], sizes = [512, 1024], strides = [1, 1]} : vector<512x2048xf32> to vector<512x1024xf32>
    %max3A_33 = arith.maximumf %slice3A_31, %slice3A_32 : vector<512x1024xf32>
    %slice3A_34 = vector.extract_strided_slice %max3A_33 {offsets = [0, 0], sizes = [512, 512], strides = [1, 1]} : vector<512x1024xf32> to vector<512x512xf32>
    %slice3A_35 = vector.extract_strided_slice %max3A_33 {offsets = [0, 512], sizes = [512, 512], strides = [1, 1]} : vector<512x1024xf32> to vector<512x512xf32>
    %max3A_36 = arith.maximumf %slice3A_34, %slice3A_35 : vector<512x512xf32>
    %slice3A_37 = vector.extract_strided_slice %max3A_36 {offsets = [0, 0], sizes = [512, 256], strides = [1, 1]} : vector<512x512xf32> to vector<512x256xf32>
    %slice3A_38 = vector.extract_strided_slice %max3A_36 {offsets = [0, 256], sizes = [512, 256], strides = [1, 1]} : vector<512x512xf32> to vector<512x256xf32>
    %max3A_39 = arith.maximumf %slice3A_37, %slice3A_38 : vector<512x256xf32>
    %bitcast_convert_type3A = tpu.bitcast %max3A_39 : vector<512x256xf32> -> vector<512x256xi32>
    %ge3A = arith.constant -2147483648 : i32
    %ge3A_40 = vector.broadcast %ge3A : i32 to vector<512x256xi32>
    %ge3A_41 = arith.cmpi uge, %bitcast_convert_type3A, %ge3A_40 : vector<512x256xi32>
    %not3A = arith.constant dense<-1> : vector<512x256xi32>
    %not3A_42 = arith.xori %bitcast_convert_type3A, %not3A : vector<512x256xi32>
    %or3A = arith.constant -2147483648 : i32
    %or3A_43 = vector.broadcast %or3A : i32 to vector<512x256xi32>
    %or3A_44 = arith.ori %bitcast_convert_type3A, %or3A_43 : vector<512x256xi32>
    %select_n3A_45 = arith.select %ge3A_41, %not3A_42, %or3A_44 : vector<512x256xi1>, vector<512x256xi32>
    %transpose3A = tpu.transpose %select_n3A_45, [1, 0] : vector<512x256xi32> -> vector<256x512xi32>
    %broadcast_in_dim3A_46 = arith.constant 0 : i32
    %broadcast_in_dim3A_47 = vector.broadcast %broadcast_in_dim3A_46 : i32 to vector<1x512xi32>
    %broadcast_in_dim3A_48 = arith.constant -1 : i32
    %broadcast_in_dim3A_49 = vector.broadcast %broadcast_in_dim3A_48 : i32 to vector<1x512xi32>
    %scan3A = arith.constant 0 : i32
    %scan3A_50 = arith.constant 16 : i32
    %scan3A_51 = arith.addi %scan3A, %scan3A_50 : i32
    %scan3A_52 = arith.constant 1 : i32
    %scan3A_53:2 = scf.for %scan3A_77 = %scan3A to %scan3A_51 step %scan3A_52 iter_args(%scan3A_78 = %broadcast_in_dim3A_47, %scan3A_79 = %broadcast_in_dim3A_49) -> (vector<1x512xi32>, vector<1x512xi32>)  : i32 {
      %sub3A_80 = arith.subi %scan3A_79, %scan3A_78 : vector<1x512xi32>
      %jit3A_81 = arith.constant 2 : i32
      %div3A = vector.broadcast %jit3A_81 : i32 to vector<1x512xi32>
      %div3A_82 = arith.divui %sub3A_80, %div3A : vector<1x512xi32>
      %add3A_83 = arith.addi %scan3A_78, %div3A_82 : vector<1x512xi32>
      %sub3A_84 = arith.subi %scan3A_79, %scan3A_78 : vector<1x512xi32>
      %and3A_85 = arith.constant 1 : i32
      %and3A_86 = vector.broadcast %and3A_85 : i32 to vector<1x512xi32>
      %and3A_87 = arith.andi %sub3A_84, %and3A_86 : vector<1x512xi32>
      %add3A_88 = arith.addi %add3A_83, %and3A_87 : vector<1x512xi32>
      %ge3A_89 = vector.broadcast %add3A_88 : vector<1x512xi32> to vector<256x512xi32>
      %ge3A_90 = arith.cmpi uge, %transpose3A, %ge3A_89 : vector<256x512xi32>
      %convert_element_type3A = arith.extui %ge3A_90 : vector<256x512xi1> to vector<256x512xi32>
      %reduce_sum3A_91 = arith.constant dense<0> : vector<512xi32>
      %reduce_sum3A_92 = vector.multi_reduction <add>, %convert_element_type3A, %reduce_sum3A_91 [0] : vector<256x512xi32> to vector<512xi32>
      %broadcast_in_dim3A_93 = vector.shape_cast %reduce_sum3A_92 : vector<512xi32> to vector<1x512xi32>
      %ge3A_94 = arith.constant 64 : i32
      %ge3A_95 = vector.broadcast %ge3A_94 : i32 to vector<1x512xi32>
      %ge3A_96 = arith.cmpi sge, %broadcast_in_dim3A_93, %ge3A_95 : vector<1x512xi32>
      %select_n3A_97 = arith.select %ge3A_96, %add3A_88, %scan3A_78 : vector<1x512xi1>, vector<1x512xi32>
      %sub3A_98 = arith.constant 1 : i32
      %sub3A_99 = vector.broadcast %sub3A_98 : i32 to vector<1x512xi32>
      %sub3A_100 = arith.subi %add3A_88, %sub3A_99 : vector<1x512xi32>
      %select_n3A_101 = arith.select %ge3A_96, %scan3A_79, %sub3A_100 : vector<1x512xi1>, vector<1x512xi32>
      scf.yield %select_n3A_97, %select_n3A_101 : vector<1x512xi32>, vector<1x512xi32>
    }
    %ge3A_54 = arith.constant -2147483648 : i32
    %ge3A_55 = vector.broadcast %ge3A_54 : i32 to vector<1x512xi32>
    %ge3A_56 = arith.cmpi uge, %scan3A_53#0, %ge3A_55 : vector<1x512xi32>
    %xor3A = arith.constant -2147483648 : i32
    %xor3A_57 = vector.broadcast %xor3A : i32 to vector<1x512xi32>
    %xor3A_58 = arith.xori %scan3A_53#0, %xor3A_57 : vector<1x512xi32>
    %not3A_59 = arith.constant dense<-1> : vector<1x512xi32>
    %not3A_60 = arith.xori %scan3A_53#0, %not3A_59 : vector<1x512xi32>
    %select_n3A_61 = arith.select %ge3A_56, %xor3A_58, %not3A_60 : vector<1x512xi1>, vector<1x512xi32>
    %bitcast_convert_type3A_62 = tpu.bitcast %select_n3A_61 : vector<1x512xi32> -> vector<1x512xf32>
    %transpose3A_63 = tpu.transpose %bitcast_convert_type3A_62, [1, 0] : vector<1x512xf32> -> vector<512x1xf32>
    %broadcast_in_dim3A_64 = vector.shape_cast %transpose3A_63 : vector<512x1xf32> to vector<512x1xf32>
    %broadcast_in_dim3A_65 = vector.broadcast %broadcast_in_dim3A_64 : vector<512x1xf32> to vector<512x16xf32>
    %swap3A_66 = arith.constant 0 : index
    %swap3A_67 = arith.constant 0 : index
    %swap3A_68 = vector.load %arg4[%swap3A_66, %swap3A_67] : memref<512x16xf32, #tpu.memory_space<vmem>>, vector<512x16xf32>
    tpu.vector_store %arg4[%swap3A_66, %swap3A_67], %broadcast_in_dim3A_65 {strides = array<i32>} : memref<512x16xf32, #tpu.memory_space<vmem>>, vector<512x16xf32>,
    %reduce_max3A = arith.constant dense<0xFF800000> : vector<512xf32>
    %reduce_max3A_69 = vector.multi_reduction <maximumf>, %max3A_39, %reduce_max3A [1] : vector<512x256xf32> to vector<512xf32>
    %broadcast_in_dim3A_70 = vector.shape_cast %reduce_max3A_69 : vector<512xf32> to vector<512x1xf32>
    %swap3A_71 = arith.constant 0 : index
    %swap3A_72 = arith.constant 0 : index
    %swap3A_73 = vector.load %arg5[%swap3A_71, %swap3A_72] : memref<512x1xf32, #tpu.memory_space<vmem>>, vector<512x1xf32>
    tpu.vector_store %arg5[%swap3A_71, %swap3A_72], %broadcast_in_dim3A_70 {strides = array<i32>} : memref<512x1xf32, #tpu.memory_space<vmem>>, vector<512x1xf32>,
    %swap3A_74 = arith.constant 0 : index
    %swap3A_75 = arith.constant 0 : index
    %swap3A_76 = vector.load %arg6[%swap3A_74, %swap3A_75] : memref<512x1xf32, #tpu.memory_space<vmem>>, vector<512x1xf32>
    tpu.vector_store %arg6[%swap3A_74, %swap3A_75], %broadcast_in_dim3A_22 {strides = array<i32>} : memref<512x1xf32, #tpu.memory_space<vmem>>, vector<512x1xf32>,
    return
  }
  func.func @transform_0(%arg0: i32) -> (i32, i32) {
    %c0_i32 = arith.constant 0 : i32
    %c0_i32_0 = arith.constant 0 : i32
    return %arg0, %c0_i32 : i32, i32
  }
  func.func @transform_1(%arg0: i32) -> (i32, i32) {
    %jit3A = arith.constant 8 : i32
    %div3A = arith.divsi %arg0, %jit3A : i32
    %sign3A = arith.constant 0 : i32
    %sign3A_0 = arith.cmpi sgt, %arg0, %sign3A : i32
    %sign3A_1 = arith.extui %sign3A_0 : i1 to i32
    %sign3A_2 = arith.constant 0 : i32
    %sign3A_3 = arith.cmpi slt, %arg0, %sign3A_2 : i32
    %sign3A_4 = arith.extui %sign3A_3 : i1 to i32
    %sign3A_5 = arith.subi %sign3A_1, %sign3A_4 : i32
    %sign3A_6 = arith.constant 0 : i32
    %sign3A_7 = arith.cmpi sgt, %jit3A, %sign3A_6 : i32
    %sign3A_8 = arith.extui %sign3A_7 : i1 to i32
    %sign3A_9 = arith.constant 0 : i32
    %sign3A_10 = arith.cmpi slt, %jit3A, %sign3A_9 : i32
    %sign3A_11 = arith.extui %sign3A_10 : i1 to i32
    %sign3A_12 = arith.subi %sign3A_8, %sign3A_11 : i32
    %ne3A = arith.cmpi ne, %sign3A_5, %sign3A_12 : i32
    %rem3A = arith.remsi %arg0, %jit3A : i32
    %ne3A_13 = arith.constant 0 : i32
    %ne3A_14 = arith.cmpi ne, %rem3A, %ne3A_13 : i32
    %and3A = arith.andi %ne3A, %ne3A_14 : i1
    %sub3A = arith.constant 1 : i32
    %sub3A_15 = arith.subi %div3A, %sub3A : i32
    %select_n3A = arith.select %and3A, %sub3A_15, %div3A : i32
    %c0_i32 = arith.constant 0 : i32
    %c0_i32_16 = arith.constant 0 : i32
    return %select_n3A, %c0_i32 : i32, i32
  }
  func.func @transform_2(%arg0: i32) -> (i32, i32) {
    %c0_i32 = arith.constant 0 : i32
    %c0_i32_0 = arith.constant 0 : i32
    return %arg0, %c0_i32 : i32, i32
  }
  func.func @transform_3(%arg0: i32) -> (i32, i32) {
    %c0_i32 = arith.constant 0 : i32
    %c0_i32_0 = arith.constant 0 : i32
    return %arg0, %c0_i32 : i32, i32
  }
  func.func @transform_4(%arg0: i32) -> (i32, i32) {
    %c0_i32 = arith.constant 0 : i32
    %c0_i32_0 = arith.constant 0 : i32
    return %arg0, %c0_i32 : i32, i32
  }
  func.func @transform_5(%arg0: i32) -> (i32, i32) {
    %c0_i32 = arith.constant 0 : i32
    %c0_i32_0 = arith.constant 0 : i32
    return %arg0, %c0_i32 : i32, i32
  }
}

module attributes {stable_mosaic.version = 14 : i64} {
  func.func @_stage3_body(%arg0: i32, %arg1: memref<512x336xf32, #tpu.memory_space<vmem>>, %arg2: memref<512x1xf32, #tpu.memory_space<vmem>>, %arg3: memref<512x1xf32, #tpu.memory_space<vmem>>, %arg4: memref<1x1xf32, #tpu.memory_space<vmem>>) attributes {dimension_semantics = [#tpu.dimension_semantics<arbitrary>], iteration_bounds = array<i64: 16>, scalar_prefetch = 0 : i64, scratch_operands = 0 : i64, tpu.core_type = #tpu.core_type<tc>, window_params = [{transform_indices = @transform_0, window_bounds = array<i64: 512, 336>}, {transform_indices = @transform_1, window_bounds = array<i64: 512, 1>}, {transform_indices = @transform_2, window_bounds = array<i64: 512, 1>}, {pipeline_mode = #tpu.pipeline_mode<synchronous>, transform_indices = @transform_3, window_bounds = array<i64: 1, 1>}]} {
    %get3A = arith.constant 0 : index
    %get3A_0 = arith.constant 0 : index
    %get3A_1 = vector.load %arg1[%get3A, %get3A_0] : memref<512x336xf32, #tpu.memory_space<vmem>>, vector<512x336xf32>
    %bitcast_convert_type3A = tpu.bitcast %get3A_1 : vector<512x336xf32> -> vector<512x336xi32>
    %ge3A = arith.constant -2147483648 : i32
    %ge3A_2 = vector.broadcast %ge3A : i32 to vector<512x336xi32>
    %ge3A_3 = arith.cmpi uge, %bitcast_convert_type3A, %ge3A_2 : vector<512x336xi32>
    %not3A = arith.constant dense<-1> : vector<512x336xi32>
    %not3A_4 = arith.xori %bitcast_convert_type3A, %not3A : vector<512x336xi32>
    %or3A = arith.constant -2147483648 : i32
    %or3A_5 = vector.broadcast %or3A : i32 to vector<512x336xi32>
    %or3A_6 = arith.ori %bitcast_convert_type3A, %or3A_5 : vector<512x336xi32>
    %select_n3A = arith.select %ge3A_3, %not3A_4, %or3A_6 : vector<512x336xi1>, vector<512x336xi32>
    %transpose3A = tpu.transpose %select_n3A, [1, 0] : vector<512x336xi32> -> vector<336x512xi32>
    %get3A_7 = arith.constant 0 : index
    %get3A_8 = arith.constant 0 : index
    %get3A_9 = vector.load %arg2[%get3A_7, %get3A_8] : memref<512x1xf32, #tpu.memory_space<vmem>>, vector<512x1xf32>
    %reshape3A = vector.shape_cast %get3A_9 : vector<512x1xf32> to vector<1x512xf32>
    %get3A_10 = arith.constant 0 : index
    %get3A_11 = arith.constant 0 : index
    %get3A_12 = vector.load %arg3[%get3A_10, %get3A_11] : memref<512x1xf32, #tpu.memory_space<vmem>>, vector<512x1xf32>
    %reshape3A_13 = vector.shape_cast %get3A_12 : vector<512x1xf32> to vector<1x512xf32>
    %broadcast_in_dim3A = arith.constant 0 : i32
    %broadcast_in_dim3A_14 = vector.broadcast %broadcast_in_dim3A : i32 to vector<1x512xi32>
    %broadcast_in_dim3A_15 = arith.constant -1 : i32
    %broadcast_in_dim3A_16 = vector.broadcast %broadcast_in_dim3A_15 : i32 to vector<1x512xi32>
    %scan3A = arith.constant 0 : i32
    %scan3A_17 = arith.constant 32 : i32
    %scan3A_18 = arith.addi %scan3A, %scan3A_17 : i32
    %scan3A_19 = arith.constant 1 : i32
    %scan3A_20:2 = scf.for %scan3A_81 = %scan3A to %scan3A_18 step %scan3A_19 iter_args(%scan3A_82 = %broadcast_in_dim3A_14, %scan3A_83 = %broadcast_in_dim3A_16) -> (vector<1x512xi32>, vector<1x512xi32>)  : i32 {
      %sub3A_84 = arith.subi %scan3A_83, %scan3A_82 : vector<1x512xi32>
      %jit3A_85 = arith.constant 2 : i32
      %div3A_86 = vector.broadcast %jit3A_85 : i32 to vector<1x512xi32>
      %div3A_87 = arith.divui %sub3A_84, %div3A_86 : vector<1x512xi32>
      %add3A_88 = arith.addi %scan3A_82, %div3A_87 : vector<1x512xi32>
      %sub3A_89 = arith.subi %scan3A_83, %scan3A_82 : vector<1x512xi32>
      %and3A = arith.constant 1 : i32
      %and3A_90 = vector.broadcast %and3A : i32 to vector<1x512xi32>
      %and3A_91 = arith.andi %sub3A_89, %and3A_90 : vector<1x512xi32>
      %add3A_92 = arith.addi %add3A_88, %and3A_91 : vector<1x512xi32>
      %ge3A_93 = vector.broadcast %add3A_92 : vector<1x512xi32> to vector<336x512xi32>
      %ge3A_94 = arith.cmpi uge, %transpose3A, %ge3A_93 : vector<336x512xi32>
      %convert_element_type3A_95 = arith.extui %ge3A_94 : vector<336x512xi1> to vector<336x512xi32>
      %reduce_sum3A_96 = arith.constant dense<0> : vector<512xi32>
      %reduce_sum3A_97 = vector.multi_reduction <add>, %convert_element_type3A_95, %reduce_sum3A_96 [0] : vector<336x512xi32> to vector<512xi32>
      %broadcast_in_dim3A_98 = vector.shape_cast %reduce_sum3A_97 : vector<512xi32> to vector<1x512xi32>
      %ge3A_99 = arith.constant 64 : i32
      %ge3A_100 = vector.broadcast %ge3A_99 : i32 to vector<1x512xi32>
      %ge3A_101 = arith.cmpi sge, %broadcast_in_dim3A_98, %ge3A_100 : vector<1x512xi32>
      %select_n3A_102 = arith.select %ge3A_101, %add3A_92, %scan3A_82 : vector<1x512xi1>, vector<1x512xi32>
      %sub3A_103 = arith.constant 1 : i32
      %sub3A_104 = vector.broadcast %sub3A_103 : i32 to vector<1x512xi32>
      %sub3A_105 = arith.subi %add3A_92, %sub3A_104 : vector<1x512xi32>
      %select_n3A_106 = arith.select %ge3A_101, %scan3A_83, %sub3A_105 : vector<1x512xi1>, vector<1x512xi32>
      scf.yield %select_n3A_102, %select_n3A_106 : vector<1x512xi32>, vector<1x512xi32>
    }
    %ge3A_21 = arith.constant -2147483648 : i32
    %ge3A_22 = vector.broadcast %ge3A_21 : i32 to vector<1x512xi32>
    %ge3A_23 = arith.cmpi uge, %scan3A_20#0, %ge3A_22 : vector<1x512xi32>
    %xor3A = arith.constant -2147483648 : i32
    %xor3A_24 = vector.broadcast %xor3A : i32 to vector<1x512xi32>
    %xor3A_25 = arith.xori %scan3A_20#0, %xor3A_24 : vector<1x512xi32>
    %not3A_26 = arith.constant dense<-1> : vector<1x512xi32>
    %not3A_27 = arith.xori %scan3A_20#0, %not3A_26 : vector<1x512xi32>
    %select_n3A_28 = arith.select %ge3A_23, %xor3A_25, %not3A_27 : vector<1x512xi1>, vector<1x512xi32>
    %bitcast_convert_type3A_29 = tpu.bitcast %select_n3A_28 : vector<1x512xi32> -> vector<1x512xf32>
    %ge3A_30 = arith.constant -2147483648 : i32
    %ge3A_31 = vector.broadcast %ge3A_30 : i32 to vector<336x512xi32>
    %ge3A_32 = arith.cmpi uge, %transpose3A, %ge3A_31 : vector<336x512xi32>
    %xor3A_33 = arith.constant -2147483648 : i32
    %xor3A_34 = vector.broadcast %xor3A_33 : i32 to vector<336x512xi32>
    %xor3A_35 = arith.xori %transpose3A, %xor3A_34 : vector<336x512xi32>
    %not3A_36 = arith.constant dense<-1> : vector<336x512xi32>
    %not3A_37 = arith.xori %transpose3A, %not3A_36 : vector<336x512xi32>
    %select_n3A_38 = arith.select %ge3A_32, %xor3A_35, %not3A_37 : vector<336x512xi1>, vector<336x512xi32>
    %bitcast_convert_type3A_39 = tpu.bitcast %select_n3A_38 : vector<336x512xi32> -> vector<336x512xf32>
    %ge3A_40 = vector.broadcast %scan3A_20#0 : vector<1x512xi32> to vector<336x512xi32>
    %ge3A_41 = arith.cmpi uge, %transpose3A, %ge3A_40 : vector<336x512xi32>
    %convert_element_type3A = arith.extui %ge3A_41 : vector<336x512xi1> to vector<336x512xi32>
    %convert_element_type3A_42 = arith.sitofp %convert_element_type3A : vector<336x512xi32> to vector<336x512xf32>
    %reduce_sum3A = arith.constant dense<0.000000e+00> : vector<512xf32>
    %reduce_sum3A_43 = vector.multi_reduction <add>, %convert_element_type3A_42, %reduce_sum3A [0] : vector<336x512xf32> to vector<512xf32>
    %broadcast_in_dim3A_44 = vector.shape_cast %reduce_sum3A_43 : vector<512xf32> to vector<1x512xf32>
    %sub3A = vector.broadcast %reshape3A : vector<1x512xf32> to vector<336x512xf32>
    %sub3A_45 = arith.subf %bitcast_convert_type3A_39, %sub3A : vector<336x512xf32>
    %exp3A = math.exp %sub3A_45 : vector<336x512xf32>
    %jit3A = arith.constant 0.000000e+00 : f32
    %broadcast_in_dim3A_46 = vector.broadcast %jit3A : f32 to vector<336x512xf32>
    %select_n3A_47 = arith.select %ge3A_41, %exp3A, %broadcast_in_dim3A_46 : vector<336x512xi1>, vector<336x512xf32>
    %reduce_sum3A_48 = arith.constant dense<0.000000e+00> : vector<512xf32>
    %reduce_sum3A_49 = vector.multi_reduction <add>, %select_n3A_47, %reduce_sum3A_48 [0] : vector<336x512xf32> to vector<512xf32>
    %broadcast_in_dim3A_50 = vector.shape_cast %reduce_sum3A_49 : vector<512xf32> to vector<1x512xf32>
    %sub3A_51 = arith.constant 6.400000e+01 : f32
    %sub3A_52 = vector.broadcast %sub3A_51 : f32 to vector<1x512xf32>
    %sub3A_53 = arith.subf %broadcast_in_dim3A_44, %sub3A_52 : vector<1x512xf32>
    %sub3A_54 = arith.subf %bitcast_convert_type3A_29, %reshape3A : vector<1x512xf32>
    %exp3A_55 = math.exp %sub3A_54 : vector<1x512xf32>
    %mul3A = arith.mulf %sub3A_53, %exp3A_55 : vector<1x512xf32>
    %sub3A_56 = arith.subf %broadcast_in_dim3A_50, %mul3A : vector<1x512xf32>
    %max3A = arith.maximumf %reshape3A, %reshape3A_13 : vector<1x512xf32>
    %sub3A_57 = arith.subf %reshape3A_13, %max3A : vector<1x512xf32>
    %exp3A_58 = math.exp %sub3A_57 : vector<1x512xf32>
    %sub3A_59 = arith.subf %reshape3A, %max3A : vector<1x512xf32>
    %exp3A_60 = math.exp %sub3A_59 : vector<1x512xf32>
    %mul3A_61 = arith.mulf %sub3A_56, %exp3A_60 : vector<1x512xf32>
    %add3A = arith.addf %exp3A_58, %mul3A_61 : vector<1x512xf32>
    %log3A = math.log %add3A : vector<1x512xf32>
    %add3A_62 = arith.addf %log3A, %max3A : vector<1x512xf32>
    %sub3A_63 = arith.subf %add3A_62, %reshape3A_13 : vector<1x512xf32>
    %reduce_sum3A_64 = vector.shape_cast %sub3A_63 : vector<1x512xf32> to vector<1x1x512xf32>
    %reduce_sum3A_65 = arith.constant dense<0.000000e+00> : vector<1xf32>
    %reduce_sum3A_66 = vector.multi_reduction <add>, %reduce_sum3A_64, %reduce_sum3A_65 [1, 2] : vector<1x1x512xf32> to vector<1xf32>
    %reduce_sum3A_67 = vector.shape_cast %reduce_sum3A_66 : vector<1xf32> to vector<1x1x1xf32>
    %reduce_sum3A_68 = vector.extract %reduce_sum3A_67[0, 0, 0] : f32 from vector<1x1x1xf32>
    %broadcast_in_dim3A_69 = vector.broadcast %reduce_sum3A_68 : f32 to vector<1x1xf32>
    %div3A = arith.constant 4.096000e+03 : f32
    %div3A_70 = vector.broadcast %div3A : f32 to vector<1x1xf32>
    %div3A_71 = arith.divf %broadcast_in_dim3A_69, %div3A_70 : vector<1x1xf32>
    %eq3A = arith.constant 0 : i32
    %eq3A_72 = arith.cmpi eq, %arg0, %eq3A : i32
    %convert_element_type3A_73 = arith.extui %eq3A_72 : i1 to i32
    %cond3A = arith.constant 0 : i32
    %cond3A_74 = arith.cmpi ne, %convert_element_type3A_73, %cond3A : i32
    scf.if %cond3A_74 {
      %broadcast_in_dim3A_81 = arith.constant 0.000000e+00 : f32
      %broadcast_in_dim3A_82 = vector.broadcast %broadcast_in_dim3A_81 : f32 to vector<1x1xf32>
      %swap3A_83 = arith.constant 0 : index
      %swap3A_84 = arith.constant 0 : index
      %swap3A_85 = vector.load %arg4[%swap3A_83, %swap3A_84] : memref<1x1xf32, #tpu.memory_space<vmem>>, vector<1x1xf32>
      tpu.vector_store %arg4[%swap3A_83, %swap3A_84], %broadcast_in_dim3A_82 {strides = array<i32>} : memref<1x1xf32, #tpu.memory_space<vmem>>, vector<1x1xf32>,
    } else {
    }
    %get3A_75 = arith.constant 0 : index
    %get3A_76 = arith.constant 0 : index
    %get3A_77 = vector.load %arg4[%get3A_75, %get3A_76] : memref<1x1xf32, #tpu.memory_space<vmem>>, vector<1x1xf32>
    %add3A_78 = arith.addf %get3A_77, %div3A_71 : vector<1x1xf32>
    %swap3A = arith.constant 0 : index
    %swap3A_79 = arith.constant 0 : index
    %swap3A_80 = vector.load %arg4[%swap3A, %swap3A_79] : memref<1x1xf32, #tpu.memory_space<vmem>>, vector<1x1xf32>
    tpu.vector_store %arg4[%swap3A, %swap3A_79], %add3A_78 {strides = array<i32>} : memref<1x1xf32, #tpu.memory_space<vmem>>, vector<1x1xf32>,
    return
  }
  func.func @transform_0(%arg0: i32) -> (i32, i32) {
    %c0_i32 = arith.constant 0 : i32
    %c0_i32_0 = arith.constant 0 : i32
    return %arg0, %c0_i32 : i32, i32
  }
  func.func @transform_1(%arg0: i32) -> (i32, i32) {
    %c0_i32 = arith.constant 0 : i32
    %c0_i32_0 = arith.constant 0 : i32
    return %arg0, %c0_i32 : i32, i32
  }
  func.func @transform_2(%arg0: i32) -> (i32, i32) {
    %c0_i32 = arith.constant 0 : i32
    %c0_i32_0 = arith.constant 0 : i32
    return %arg0, %c0_i32 : i32, i32
  }
  func.func @transform_3(%arg0: i32) -> (i32, i32) {
    %c0_i32 = arith.constant 0 : i32
    %c0_i32_0 = arith.constant 0 : i32
    %c0_i32_1 = arith.constant 0 : i32
    return %c0_i32, %c0_i32_0 : i32, i32
  }
}

module attributes {stable_mosaic.version = 14 : i64} {
  func.func @_full_body(%arg0: i32, %arg1: memref<512x32xf32, #tpu.memory_space<vmem>>, %arg2: memref<4096x32xf32, #tpu.memory_space<vmem>>, %arg3: memref<1x1xf32, #tpu.memory_space<vmem>>) attributes {dimension_semantics = [#tpu.dimension_semantics<arbitrary>], iteration_bounds = array<i64: 16>, scalar_prefetch = 0 : i64, scratch_operands = 0 : i64, tpu.core_type = #tpu.core_type<tc>, window_params = [{transform_indices = @transform_0, window_bounds = array<i64: 512, 32>}, {transform_indices = @transform_1, window_bounds = array<i64: 4096, 32>}, {pipeline_mode = #tpu.pipeline_mode<synchronous>, transform_indices = @transform_2, window_bounds = array<i64: 1, 1>}]} {
    %jit3A = arith.constant 8 : i32
    %eq3A = arith.constant 0 : i32
    %eq3A_0 = arith.cmpi eq, %jit3A, %eq3A : i32
    %jit3A_1 = arith.constant 1 : i32
    %select_n3A = arith.select %eq3A_0, %jit3A_1, %jit3A : i32
    %rem3A = arith.remsi %arg0, %select_n3A : i32
    %ne3A = arith.constant 0 : i32
    %ne3A_2 = arith.cmpi ne, %rem3A, %ne3A : i32
    %lt3A = arith.constant 0 : i32
    %lt3A_3 = arith.cmpi slt, %rem3A, %lt3A : i32
    %lt3A_4 = arith.constant 0 : i32
    %lt3A_5 = arith.cmpi slt, %select_n3A, %lt3A_4 : i32
    %ne3A_6 = arith.xori %lt3A_3, %lt3A_5 : i1
    %and3A = arith.andi %ne3A_6, %ne3A_2 : i1
    %add3A = arith.addi %rem3A, %select_n3A : i32
    %select_n3A_7 = arith.select %and3A, %add3A, %rem3A : i32
    %get3A = arith.constant 0 : index
    %get3A_8 = arith.constant 0 : index
    %get3A_9 = vector.load %arg1[%get3A, %get3A_8] : memref<512x32xf32, #tpu.memory_space<vmem>>, vector<512x32xf32>
    %get3A_10 = arith.constant 0 : index
    %get3A_11 = arith.constant 0 : index
    %get3A_12 = vector.load %arg2[%get3A_10, %get3A_11] : memref<4096x32xf32, #tpu.memory_space<vmem>>, vector<4096x32xf32>
    %dot_general3A = arith.constant dense<0.000000e+00> : vector<512x4096xf32>
    %dot_general3A_13 = tpu.matmul %get3A_9, %get3A_12, %dot_general3A {dimension_numbers = #tpu.dot_dimension_numbers<[1], [1], [0], [0], [0, 0, 1, 0], [], []>, transpose_lhs_hint = false} : vector<512x32xf32>, vector<4096x32xf32>, vector<512x4096xf32> -> vector<512x4096xf32>
    %mul3A = arith.constant 512 : i32
    %mul3A_14 = arith.muli %select_n3A_7, %mul3A : i32
    %iota3A = tpu.iota {dimensions = array<i32: 0>} : vector<512x4096xi32>
    %add3A_15 = vector.broadcast %mul3A_14 : i32 to vector<512x4096xi32>
    %add3A_16 = arith.addi %add3A_15, %iota3A : vector<512x4096xi32>
    %iota3A_17 = tpu.iota {dimensions = array<i32: 1>} : vector<512x4096xi32>
    %eq3A_18 = arith.cmpi eq, %add3A_16, %iota3A_17 : vector<512x4096xi32>
    %jit3A_19 = arith.constant 0.000000e+00 : f32
    %broadcast_in_dim3A = vector.broadcast %jit3A_19 : f32 to vector<512x4096xf32>
    %select_n3A_20 = arith.select %eq3A_18, %dot_general3A_13, %broadcast_in_dim3A : vector<512x4096xi1>, vector<512x4096xf32>
    %reduce_sum3A = arith.constant dense<0.000000e+00> : vector<512xf32>
    %reduce_sum3A_21 = vector.multi_reduction <add>, %select_n3A_20, %reduce_sum3A [1] : vector<512x4096xf32> to vector<512xf32>
    %broadcast_in_dim3A_22 = vector.shape_cast %reduce_sum3A_21 : vector<512xf32> to vector<512x1xf32>
    %jit3A_23 = arith.constant 1.000000e+04 : f32
    %jit3A_24 = arith.constant 0.000000e+00 : f32
    %broadcast_in_dim3A_25 = vector.broadcast %jit3A_23 : f32 to vector<512x4096xf32>
    %broadcast_in_dim3A_26 = vector.broadcast %jit3A_24 : f32 to vector<512x4096xf32>
    %select_n3A_27 = arith.select %eq3A_18, %broadcast_in_dim3A_25, %broadcast_in_dim3A_26 : vector<512x4096xi1>, vector<512x4096xf32>
    %sub3A = arith.subf %dot_general3A_13, %select_n3A_27 : vector<512x4096xf32>
    %reduce_max3A = arith.constant dense<0xFF800000> : vector<512xf32>
    %reduce_max3A_28 = vector.multi_reduction <maximumf>, %sub3A, %reduce_max3A [1] : vector<512x4096xf32> to vector<512xf32>
    %broadcast_in_dim3A_29 = vector.shape_cast %reduce_max3A_28 : vector<512xf32> to vector<512x1xf32>
    %bitcast_convert_type3A = tpu.bitcast %sub3A : vector<512x4096xf32> -> vector<512x4096xi32>
    %ge3A = arith.constant -2147483648 : i32
    %ge3A_30 = vector.broadcast %ge3A : i32 to vector<512x4096xi32>
    %ge3A_31 = arith.cmpi uge, %bitcast_convert_type3A, %ge3A_30 : vector<512x4096xi32>
    %not3A = arith.constant dense<-1> : vector<512x4096xi32>
    %not3A_32 = arith.xori %bitcast_convert_type3A, %not3A : vector<512x4096xi32>
    %or3A = arith.constant -2147483648 : i32
    %or3A_33 = vector.broadcast %or3A : i32 to vector<512x4096xi32>
    %or3A_34 = arith.ori %bitcast_convert_type3A, %or3A_33 : vector<512x4096xi32>
    %select_n3A_35 = arith.select %ge3A_31, %not3A_32, %or3A_34 : vector<512x4096xi1>, vector<512x4096xi32>
    %broadcast_in_dim3A_36 = arith.constant 0 : i32
    %broadcast_in_dim3A_37 = vector.broadcast %broadcast_in_dim3A_36 : i32 to vector<512x1xi32>
    %broadcast_in_dim3A_38 = arith.constant -1 : i32
    %broadcast_in_dim3A_39 = vector.broadcast %broadcast_in_dim3A_38 : i32 to vector<512x1xi32>
    %scan3A = arith.constant 0 : i32
    %scan3A_40 = arith.constant 32 : i32
    %scan3A_41 = arith.addi %scan3A, %scan3A_40 : i32
    %scan3A_42 = arith.constant 1 : i32
    %scan3A_43:2 = scf.for %scan3A_110 = %scan3A to %scan3A_41 step %scan3A_42 iter_args(%scan3A_111 = %broadcast_in_dim3A_37, %scan3A_112 = %broadcast_in_dim3A_39) -> (vector<512x1xi32>, vector<512x1xi32>)  : i32 {
      %sub3A_113 = arith.subi %scan3A_112, %scan3A_111 : vector<512x1xi32>
      %jit3A_114 = arith.constant 2 : i32
      %div3A_115 = vector.broadcast %jit3A_114 : i32 to vector<512x1xi32>
      %div3A_116 = arith.divui %sub3A_113, %div3A_115 : vector<512x1xi32>
      %add3A_117 = arith.addi %scan3A_111, %div3A_116 : vector<512x1xi32>
      %sub3A_118 = arith.subi %scan3A_112, %scan3A_111 : vector<512x1xi32>
      %and3A_119 = arith.constant 1 : i32
      %and3A_120 = vector.broadcast %and3A_119 : i32 to vector<512x1xi32>
      %and3A_121 = arith.andi %sub3A_118, %and3A_120 : vector<512x1xi32>
      %add3A_122 = arith.addi %add3A_117, %and3A_121 : vector<512x1xi32>
      %ge3A_123 = vector.broadcast %add3A_122 : vector<512x1xi32> to vector<512x4096xi32>
      %ge3A_124 = arith.cmpi uge, %select_n3A_35, %ge3A_123 : vector<512x4096xi32>
      %convert_element_type3A_125 = arith.extui %ge3A_124 : vector<512x4096xi1> to vector<512x4096xi32>
      %reduce_sum3A_126 = arith.constant dense<0> : vector<512xi32>
      %reduce_sum3A_127 = vector.multi_reduction <add>, %convert_element_type3A_125, %reduce_sum3A_126 [1] : vector<512x4096xi32> to vector<512xi32>
      %broadcast_in_dim3A_128 = vector.shape_cast %reduce_sum3A_127 : vector<512xi32> to vector<512x1xi32>
      %ge3A_129 = arith.constant 64 : i32
      %ge3A_130 = vector.broadcast %ge3A_129 : i32 to vector<512x1xi32>
      %ge3A_131 = arith.cmpi sge, %broadcast_in_dim3A_128, %ge3A_130 : vector<512x1xi32>
      %select_n3A_132 = arith.select %ge3A_131, %add3A_122, %scan3A_111 : vector<512x1xi1>, vector<512x1xi32>
      %sub3A_133 = arith.constant 1 : i32
      %sub3A_134 = vector.broadcast %sub3A_133 : i32 to vector<512x1xi32>
      %sub3A_135 = arith.subi %add3A_122, %sub3A_134 : vector<512x1xi32>
      %select_n3A_136 = arith.select %ge3A_131, %scan3A_112, %sub3A_135 : vector<512x1xi1>, vector<512x1xi32>
      scf.yield %select_n3A_132, %select_n3A_136 : vector<512x1xi32>, vector<512x1xi32>
    }
    %bitcast_convert_type3A_44 = tpu.bitcast %sub3A : vector<512x4096xf32> -> vector<512x4096xi32>
    %ge3A_45 = arith.constant -2147483648 : i32
    %ge3A_46 = vector.broadcast %ge3A_45 : i32 to vector<512x4096xi32>
    %ge3A_47 = arith.cmpi uge, %bitcast_convert_type3A_44, %ge3A_46 : vector<512x4096xi32>
    %not3A_48 = arith.constant dense<-1> : vector<512x4096xi32>
    %not3A_49 = arith.xori %bitcast_convert_type3A_44, %not3A_48 : vector<512x4096xi32>
    %or3A_50 = arith.constant -2147483648 : i32
    %or3A_51 = vector.broadcast %or3A_50 : i32 to vector<512x4096xi32>
    %or3A_52 = arith.ori %bitcast_convert_type3A_44, %or3A_51 : vector<512x4096xi32>
    %select_n3A_53 = arith.select %ge3A_47, %not3A_49, %or3A_52 : vector<512x4096xi1>, vector<512x4096xi32>
    %ge3A_54 = arith.constant -2147483648 : i32
    %ge3A_55 = vector.broadcast %ge3A_54 : i32 to vector<512x1xi32>
    %ge3A_56 = arith.cmpi uge, %scan3A_43#0, %ge3A_55 : vector<512x1xi32>
    %xor3A = arith.constant -2147483648 : i32
    %xor3A_57 = vector.broadcast %xor3A : i32 to vector<512x1xi32>
    %xor3A_58 = arith.xori %scan3A_43#0, %xor3A_57 : vector<512x1xi32>
    %not3A_59 = arith.constant dense<-1> : vector<512x1xi32>
    %not3A_60 = arith.xori %scan3A_43#0, %not3A_59 : vector<512x1xi32>
    %select_n3A_61 = arith.select %ge3A_56, %xor3A_58, %not3A_60 : vector<512x1xi1>, vector<512x1xi32>
    %bitcast_convert_type3A_62 = tpu.bitcast %select_n3A_61 : vector<512x1xi32> -> vector<512x1xf32>
    %ge3A_63 = vector.broadcast %scan3A_43#0 : vector<512x1xi32> to vector<512x4096xi32>
    %ge3A_64 = arith.cmpi uge, %select_n3A_53, %ge3A_63 : vector<512x4096xi32>
    %convert_element_type3A = arith.extui %ge3A_64 : vector<512x4096xi1> to vector<512x4096xi32>
    %convert_element_type3A_65 = arith.sitofp %convert_element_type3A : vector<512x4096xi32> to vector<512x4096xf32>
    %reduce_sum3A_66 = arith.constant dense<0.000000e+00> : vector<512xf32>
    %reduce_sum3A_67 = vector.multi_reduction <add>, %convert_element_type3A_65, %reduce_sum3A_66 [1] : vector<512x4096xf32> to vector<512xf32>
    %broadcast_in_dim3A_68 = vector.shape_cast %reduce_sum3A_67 : vector<512xf32> to vector<512x1xf32>
    %sub3A_69 = vector.broadcast %broadcast_in_dim3A_29 : vector<512x1xf32> to vector<512x4096xf32>
    %sub3A_70 = arith.subf %sub3A, %sub3A_69 : vector<512x4096xf32>
    %exp3A = math.exp %sub3A_70 : vector<512x4096xf32>
    %jit3A_71 = arith.constant 0.000000e+00 : f32
    %broadcast_in_dim3A_72 = vector.broadcast %jit3A_71 : f32 to vector<512x4096xf32>
    %select_n3A_73 = arith.select %ge3A_64, %exp3A, %broadcast_in_dim3A_72 : vector<512x4096xi1>, vector<512x4096xf32>
    %reduce_sum3A_74 = arith.constant dense<0.000000e+00> : vector<512xf32>
    %reduce_sum3A_75 = vector.multi_reduction <add>, %select_n3A_73, %reduce_sum3A_74 [1] : vector<512x4096xf32> to vector<512xf32>
    %broadcast_in_dim3A_76 = vector.shape_cast %reduce_sum3A_75 : vector<512xf32> to vector<512x1xf32>
    %sub3A_77 = arith.constant 6.400000e+01 : f32
    %sub3A_78 = vector.broadcast %sub3A_77 : f32 to vector<512x1xf32>
    %sub3A_79 = arith.subf %broadcast_in_dim3A_68, %sub3A_78 : vector<512x1xf32>
    %sub3A_80 = arith.subf %bitcast_convert_type3A_62, %broadcast_in_dim3A_29 : vector<512x1xf32>
    %exp3A_81 = math.exp %sub3A_80 : vector<512x1xf32>
    %mul3A_82 = arith.mulf %sub3A_79, %exp3A_81 : vector<512x1xf32>
    %sub3A_83 = arith.subf %broadcast_in_dim3A_76, %mul3A_82 : vector<512x1xf32>
    %max3A = arith.maximumf %broadcast_in_dim3A_29, %broadcast_in_dim3A_22 : vector<512x1xf32>
    %sub3A_84 = arith.subf %broadcast_in_dim3A_22, %max3A : vector<512x1xf32>
    %exp3A_85 = math.exp %sub3A_84 : vector<512x1xf32>
    %sub3A_86 = arith.subf %broadcast_in_dim3A_29, %max3A : vector<512x1xf32>
    %exp3A_87 = math.exp %sub3A_86 : vector<512x1xf32>
    %mul3A_88 = arith.mulf %sub3A_83, %exp3A_87 : vector<512x1xf32>
    %add3A_89 = arith.addf %exp3A_85, %mul3A_88 : vector<512x1xf32>
    %log3A = math.log %add3A_89 : vector<512x1xf32>
    %add3A_90 = arith.addf %log3A, %max3A : vector<512x1xf32>
    %sub3A_91 = arith.subf %add3A_90, %broadcast_in_dim3A_22 : vector<512x1xf32>
    %reduce_sum3A_92 = vector.shape_cast %sub3A_91 : vector<512x1xf32> to vector<1x512x1xf32>
    %reduce_sum3A_93 = arith.constant dense<0.000000e+00> : vector<1xf32>
    %reduce_sum3A_94 = vector.multi_reduction <add>, %reduce_sum3A_92, %reduce_sum3A_93 [1, 2] : vector<1x512x1xf32> to vector<1xf32>
    %reduce_sum3A_95 = vector.shape_cast %reduce_sum3A_94 : vector<1xf32> to vector<1x1x1xf32>
    %reduce_sum3A_96 = vector.extract %reduce_sum3A_95[0, 0, 0] : f32 from vector<1x1x1xf32>
    %broadcast_in_dim3A_97 = vector.broadcast %reduce_sum3A_96 : f32 to vector<1x1xf32>
    %div3A = arith.constant 4.096000e+03 : f32
    %div3A_98 = vector.broadcast %div3A : f32 to vector<1x1xf32>
    %div3A_99 = arith.divf %broadcast_in_dim3A_97, %div3A_98 : vector<1x1xf32>
    %eq3A_100 = arith.constant 0 : i32
    %eq3A_101 = arith.cmpi eq, %arg0, %eq3A_100 : i32
    %convert_element_type3A_102 = arith.extui %eq3A_101 : i1 to i32
    %cond3A = arith.constant 0 : i32
    %cond3A_103 = arith.cmpi ne, %convert_element_type3A_102, %cond3A : i32
    scf.if %cond3A_103 {
      %broadcast_in_dim3A_110 = arith.constant 0.000000e+00 : f32
      %broadcast_in_dim3A_111 = vector.broadcast %broadcast_in_dim3A_110 : f32 to vector<1x1xf32>
      %swap3A_112 = arith.constant 0 : index
      %swap3A_113 = arith.constant 0 : index
      %swap3A_114 = vector.load %arg3[%swap3A_112, %swap3A_113] : memref<1x1xf32, #tpu.memory_space<vmem>>, vector<1x1xf32>
      tpu.vector_store %arg3[%swap3A_112, %swap3A_113], %broadcast_in_dim3A_111 {strides = array<i32>} : memref<1x1xf32, #tpu.memory_space<vmem>>, vector<1x1xf32>,
    } else {
    }
    %get3A_104 = arith.constant 0 : index
    %get3A_105 = arith.constant 0 : index
    %get3A_106 = vector.load %arg3[%get3A_104, %get3A_105] : memref<1x1xf32, #tpu.memory_space<vmem>>, vector<1x1xf32>
    %add3A_107 = arith.addf %get3A_106, %div3A_99 : vector<1x1xf32>
    %swap3A = arith.constant 0 : index
    %swap3A_108 = arith.constant 0 : index
    %swap3A_109 = vector.load %arg3[%swap3A, %swap3A_108] : memref<1x1xf32, #tpu.memory_space<vmem>>, vector<1x1xf32>
    tpu.vector_store %arg3[%swap3A, %swap3A_108], %add3A_107 {strides = array<i32>} : memref<1x1xf32, #tpu.memory_space<vmem>>, vector<1x1xf32>,
    return
  }
  func.func @transform_0(%arg0: i32) -> (i32, i32) {
    %c0_i32 = arith.constant 0 : i32
    %c0_i32_0 = arith.constant 0 : i32
    return %arg0, %c0_i32 : i32, i32
  }
  func.func @transform_1(%arg0: i32) -> (i32, i32) {
    %jit3A = arith.constant 8 : i32
    %div3A = arith.divsi %arg0, %jit3A : i32
    %sign3A = arith.constant 0 : i32
    %sign3A_0 = arith.cmpi sgt, %arg0, %sign3A : i32
    %sign3A_1 = arith.extui %sign3A_0 : i1 to i32
    %sign3A_2 = arith.constant 0 : i32
    %sign3A_3 = arith.cmpi slt, %arg0, %sign3A_2 : i32
    %sign3A_4 = arith.extui %sign3A_3 : i1 to i32
    %sign3A_5 = arith.subi %sign3A_1, %sign3A_4 : i32
    %sign3A_6 = arith.constant 0 : i32
    %sign3A_7 = arith.cmpi sgt, %jit3A, %sign3A_6 : i32
    %sign3A_8 = arith.extui %sign3A_7 : i1 to i32
    %sign3A_9 = arith.constant 0 : i32
    %sign3A_10 = arith.cmpi slt, %jit3A, %sign3A_9 : i32
    %sign3A_11 = arith.extui %sign3A_10 : i1 to i32
    %sign3A_12 = arith.subi %sign3A_8, %sign3A_11 : i32
    %ne3A = arith.cmpi ne, %sign3A_5, %sign3A_12 : i32
    %rem3A = arith.remsi %arg0, %jit3A : i32
    %ne3A_13 = arith.constant 0 : i32
    %ne3A_14 = arith.cmpi ne, %rem3A, %ne3A_13 : i32
    %and3A = arith.andi %ne3A, %ne3A_14 : i1
    %sub3A = arith.constant 1 : i32
    %sub3A_15 = arith.subi %div3A, %sub3A : i32
    %select_n3A = arith.select %and3A, %sub3A_15, %div3A : i32
    %c0_i32 = arith.constant 0 : i32
    %c0_i32_16 = arith.constant 0 : i32
    return %select_n3A, %c0_i32 : i32, i32
  }
  func.func @transform_2(%arg0: i32) -> (i32, i32) {
    %c0_i32 = arith.constant 0 : i32
    %c0_i32_0 = arith.constant 0 : i32
    %c0_i32_1 = arith.constant 0 : i32
    return %c0_i32, %c0_i32_0 : i32, i32
  }
}

</mosaic_0001>

<sc_bundles>
// kernel: kernel.4.cloned.1.call-start
scs
__scs_entry_jumppad:
0x0: {  	(pc) =	sbr.rel $0x88, $3  }
0x1: {  	(tag) =	ssettag $0x0;
	lr =	simm.s32 $0x1  }
0x2: {  	[smem:$0x3F9F] =	sst lr;
	_ =	strace $0xD0000000  }
0x3: {  	_ = 	snop  }
0x4: {  	_ = 	snop  }
0x5: {  	_ = 	snop  }
0x6: {  	_ = 	snop  }
0x7: {  	_ = 	snop  }
__scs_overlays_trampoline_lowered:
0x8: {  	[smem:$0x3FAE] =	sst s0  }
0x9: {  	[smem:$0x3FAF] =	sst s1  }
0xa: {  	[smem:$0x3FB0] =	sst s2  }
0xb: {  	[smem:$0x3FB1] =	sst s3  }
0xc: {  	[smem:$0x3FB2] =	sst s4  }
0xd: {  	[smem:$0x3FB3] =	sst s5  }
0xe: {  	[smem:$0x3FB4] =	sst s6  }
0xf: {  	[smem:$0x3FB5] =	sst s7  }
0x10: {  	[smem:$0x3FB6] =	sst s8  }
0x11: {  	[smem:$0x3FB7] =	sst s9;
	s0 =	simm.s32 @!p0 $0x0  }
0x12: {  	s1 =	sld [smem:$0x3F9D];
	s0 =	simm.s32 @p0 $0x1  }
0x13: {  	[smem:$0x3FB8] =	sst s0;
	s0 =	simm.s32 @!p1 $0x0  }
0x14: {  	s2 =	sld [smem:$0x3F9C];
	s0 =	simm.s32 @p1 $0x1  }
0x15: {  	[smem:$0x3FB9] =	sst s0;
	s0 =	simm.s32 @!p2 $0x0  }
0x16: {  	s3 =	sld [smem:$0x3FDB];
	s0 =	simm.s32 @p2 $0x1  }
0x17: {  	s4 =	simm.s32 $0x1BF5;
	[smem:$0x3FBB] =	sst s0  }
0x18: {  	s0 =	sld [smem:$0x3F9E];
	_ =	swait.ge [sflag:s4], $0x0  }
0x19: {  	s7 =	sld [smem:$0x3F9F]  }
0x1a: {  	s8 =	sadd.s32 $0xFFFFE003, lr  }
0x1b: {  	s9 =	sadd.s32 $0xFFFFFEF7, lr;
	s5 =	simm.s32 $0xFFFFFFFF;
	p2 =	slt.u32 s8, $0xFFFFF086  }
0x1c: {  	p1 =	slt.u32 s9, $0xF7A;
	s5 =	simm.s32 @!p2 $0x0  }
0x1d: {  	s5 =	simm.s32 @p1 $0x1;
	p0 =	seq.s32 s7, s2  }
0x1e: {  	s7 =	smul.u32 @!p0 $0xF7A, s2;
	p2 =	seq.s32 @!p0 s5, $0x0  }
0x1f: {  	s9 =	smul.u32 $0xF7A, s1;
	s8 =	simm.s32 @!p0 $0x1BF5;
	p2 =	por !p2, p0  }
0x20: {  	[sflag:s8] =	ssyncset.s32 @!p0 $0xFFFFF086;
	s6 =	sadd.s32 @!p0 s3, s7;
	s7 =	simm.s32 @!p0 $0x108  }
0x21: {  	s3 =	sadd.s32 s3, s9;
	s6 =	sadd.s32 @!p0 $0x88, s6;
	s7 =	simm.s32 @p2 $0x1082  }
0x22: {  	[simem:s7], [sflag:s8] =	dma.local @!p0 [hbm:s6], $0xF7A  }
0x23: {  	s9 =	sor.u32 $0xD0000000, s2;
	s6 =	simm.s32 $0x108;
	_ =	swait.ge @!p0 [sflag:s8], $0x0  }
0x24: {  	s3 =	sadd.s32 $0x88, s3;
	s6 =	simm.s32 @!p1 $0x1082;
	[sflag:s4] =	ssyncset.s32 $0xFFFFF086  }
0x25: {  	[simem:s6], [sflag:s4] =	dma.local [hbm:s3], $0xF7A  }
0x26: {  	[smem:$0x3F9F] =	sst s1;
	(tag) =	ssettag s2;
	_ =	strace s9  }
0x27: {  	s1 =	sld [smem:$0x3FAF]  }
0x28: {  	s2 =	sld [smem:$0x3FB0]  }
0x29: {  	s4 =	sld [smem:$0x3FB2]  }
0x2a: {  	p0 =	seq.s32 s5, $0x0;
	s5 =	sld [smem:$0x3FB3]  }
0x2b: {  	s6 =	sld [smem:$0x3FB4]  }
0x2c: {  	s7 =	sld [smem:$0x3FB5]  }
0x2d: {  	s3 =	simm.s32 $0x108;
	s8 =	sld [smem:$0x3FB6]  }
0x2e: {  	s3 =	simm.s32 @!p0 $0x1082;
	s9 =	sld [smem:$0x3FB7]  }
0x2f: {  	lr =	sadd.s32 s0, s3;
	s0 =	sld [smem:$0x3FAE]  }
0x30: {  	s3 =	sld [smem:$0x3FB1]  }
0x31: {  	[smem:$0x3FBA] =	sst s10  }
0x32: {  	s10 =	sld [smem:$0x3FB8];
	_ =	sdelay $0x3  }
0x33: {  	p0 =	seq.s32 s10, $0x1;
	s10 =	sld [smem:$0x3FBA];
	_ =	sdelay $0x3  }
0x34: {  	[smem:$0x3FBA] =	sst s10  }
0x35: {  	s10 =	sld [smem:$0x3FB9];
	_ =	sdelay $0x3  }
0x36: {  	p1 =	seq.s32 s10, $0x1;
	s10 =	sld [smem:$0x3FBA];
	_ =	sdelay $0x3  }
0x37: {  	[smem:$0x3FBA] =	sst s10  }
0x38: {  	s10 =	sld [smem:$0x3FBB]  }
0x39: {  	_ = 	snop;
	(pc) =	sbr.ind lr, $3  }
0x3a: {  	_ = 	snop  }
0x3b: {  	_ = 	snop  }
0x3c: {  	p2 =	seq.s32 s10, $0x1;
	s10 =	sld [smem:$0x3FBA]  }
0x3d: {  	_ =	shalt  }
0x3e: {  	_ =	shalt  }
0x3f: {  	_ =	shalt  }
0x40: {  	_ =	shalt  }
0x41: {  	_ =	shalt  }
0x42: {  	_ =	shalt  }
0x43: {  	_ =	shalt  }
0x44: {  	_ =	shalt  }
0x45: {  	_ =	shalt  }
0x46: {  	_ =	shalt  }
0x47: {  	_ =	shalt  }
0x48: {  	_ =	shalt  }
0x49: {  	_ =	shalt  }
0x4a: {  	_ =	shalt  }
0x4b: {  	_ =	shalt  }
0x4c: {  	_ =	shalt  }
0x4d: {  	_ =	shalt  }
0x4e: {  	_ =	shalt  }
0x4f: {  	_ =	shalt  }
0x50: {  	_ =	shalt  }
0x51: {  	_ =	shalt  }
0x52: {  	_ =	shalt  }
0x53: {  	_ =	shalt  }
0x54: {  	_ =	shalt  }
0x55: {  	_ =	shalt  }
0x56: {  	_ =	shalt  }
0x57: {  	_ =	shalt  }
0x58: {  	_ =	shalt  }
0x59: {  	_ =	shalt  }
0x5a: {  	_ =	shalt  }
0x5b: {  	_ =	shalt  }
0x5c: {  	_ =	shalt  }
0x5d: {  	_ =	shalt  }
0x5e: {  	_ =	shalt  }
0x5f: {  	_ =	shalt  }
0x60: {  	_ =	shalt  }
0x61: {  	_ =	shalt  }
0x62: {  	_ =	shalt  }
0x63: {  	_ =	shalt  }
0x64: {  	_ =	shalt  }
0x65: {  	_ =	shalt  }
0x66: {  	_ =	shalt  }
0x67: {  	_ =	shalt  }
0x68: {  	_ =	shalt  }
0x69: {  	_ =	shalt  }
0x6a: {  	_ =	shalt  }
0x6b: {  	_ =	shalt  }
0x6c: {  	_ =	shalt  }
0x6d: {  	_ =	shalt  }
0x6e: {  	_ =	shalt  }
0x6f: {  	_ =	shalt  }
0x70: {  	_ =	shalt  }
0x71: {  	_ =	shalt  }
0x72: {  	_ =	shalt  }
0x73: {  	_ =	shalt  }
0x74: {  	_ =	shalt  }
0x75: {  	_ =	shalt  }
0x76: {  	_ =	shalt  }
0x77: {  	_ =	shalt  }
0x78: {  	_ =	shalt  }
0x79: {  	_ =	shalt  }
0x7a: {  	_ =	shalt  }
0x7b: {  	_ =	shalt  }
0x7c: {  	_ =	shalt  }
0x7d: {  	_ =	shalt  }
0x7e: {  	_ =	shalt  }
0x7f: {  	_ =	shalt  }
0x80: {  	_ =	shalt  }
0x81: {  	_ =	shalt  }
0x82: {  	_ =	shalt  }
0x83: {  	_ =	shalt  }
0x84: {  	_ =	shalt  }
0x85: {  	_ =	shalt  }
0x86: {  	_ =	shalt  }
0x87: {  	_ =	shalt  }
.Lfunc_end0:
.L_simem_size_0:
called_computation_lowered:
.L_overlay_start_0:
0x88: {  	s2 =	sld [smem:$0x3FD9]  }
0x89: {  	s3 =	sld [smem:$0x3FFE];
	_ =	sdelay $0x1  }
0x8a: {  	s1 =	srdreg.scid  }
0x8b: {  	s0 =	sand.u32 $0x1, s1  }
0x8c: {  	s16 =	sshll.u32 s0, $0xA;
	s2 =	sadd.s32 s3, s2  }
0x8d: {  	s2 =	sadd.s32 s2, s16  }
0x8e: {  	[smem:$0x3FC6] =	sst s2  }
0x8f: {  	_ = 	snop  }
0x90: {  	(tm) =	ssettm $0x1  }
0x91: {  	s17 =	sld [smem:$0x3FFB];
	_ =	sdelay $0x3  }
0x92: {  	_ =	strace s17  }
0x93: {  	s2 =	sld [smem:$0x3FFC];
	_ =	sdelay $0x3  }
0x94: {  	_ =	strace s2  }
0x95: {  	s2 =	sld [smem:$0x3FFD];
	_ =	sdelay $0x3  }
0x96: {  	_ =	strace s2  }
0x97: {  	_ =	strace $0x8FFFFFFF  }
0x98: {  	s18 =	sld [smem:$0x3FDB];
	_ =	sdelay $0x1  }
0x99: {  	s19 =	simm.s32 $_scs_section_size  }
0x9a: {  	s4 =	simm.s32 $_size__tile_overlayer_lowered;
	s5 =	simm.s32 $_tile_overlayer_lowered  }
0x9b: {  	s22 =	simm.s32 $0x1BFF;
	s21 =	sshll.u32 s5, $0x1;
	s2 =	sadd.s32 s19, s18  }
0x9c: {  	s6 =	simm.s32 $0x0;
	s20 =	sshll.u32 s4, $0x1;
	s4 =	sadd.s32 s21, s2  }
0x9d: {  	[timem:s6], [sflag:s22] =	dma.local [hbm:s4], s20  }
0x9e: {  	_ =	swait.ge [sflag:s22], s20  }
0x9f: {  	s3 =	ssub.s32 $0x0, s20;
	[sflag:s22] =	ssyncset.done $0x0  }
0xa0: {  	[sflag:s22] =	ssyncadd.s32 s3;
	_ =	sdelay $0x1  }
0xa1: {  	s23 =	simm.s32 $0x1B8B  }
0xa2: {  	_ =	swait.ge [sflag:s23], $0x1  }
0xa3: {  	[sflag:s23] =	ssyncset.done $0x0  }
0xa4: {  	s25 =	simm.s32 $0x1B8E;
	s24 =	sld [smem:$0x3FFE];
	[sflag:s23] =	ssyncadd.s32 $0xFFFFFFFF  }
0xa5: {  	s26 =	simm.s32 $execute0_lowered;
	[smem:$0x3FD2] =	sst s25  }
0xa6: {  	s4 =	sshll.u32 s26, $0x1;
	_ =	strace $0x80000046;
	[dreg:$0x1] =	wrdreg $0xFFFFFFFF  }
0xa7: {  	s28 =	simm.s32 $_size_execute0_lowered;
	s2 =	sadd.s32 s2, s4;
	[dreg:$0x0] =	wrdreg $0x0  }
0xa8: {  	s4 =	sshll.u32 s28, $0x1;
	[dreg:$0x2] =	wrdreg s2  }
0xa9: {  	[dreg:$0x3] =	wrdreg s4  }
0xaa: {  	[dreg:$0x4] =	wrdreg $0xC0  }
0xab: {  	_ =	task [dreg:s6], $0x5FFFF  }
0xac: {  	[dreg:$0x1] =	wrdreg $0xFFFFFFFF  }
0xad: {  	[dreg:$0x0] =	wrdreg $0x60  }
0xae: {  	[dreg:$0x2] =	wrdreg s24  }
0xaf: {  	[dreg:$0x3] =	wrdreg $0x9  }
0xb0: {  	_ =	task.clear_ibuf [dreg:s6], $0x4FFFF;
	_ =	strace $0x90000046  }
0xb1: {  	s29 =	simm.s32 $0x9;
	_ =	strace $0x80000048  }
0xb2: {  	_ =	swait.ge [sflag:s29], $0x1  }
0xb3: {  	[sflag:s29] =	ssyncadd.s32 $0xFFFFFFFF  }
0xb4: {  	_ =	strace $0x90000048  }
0xb5: {  	_ =	sfence  }
0xb6: {  	s30 =	sld [smem:$0x0];
	_ =	sdelay $0x2  }
0xb7: {  	s31 =	sshll.u32 s1, $0xD;
	s1 =	sshrl.u32 s1, $0x2  }
0xb8: {  	s3 =	sand.u32 $0x4000, s31;
	s1 =	sadd.s32 s1, s30  }
0xb9: {  	s0 =	sor.u32 s3, s0;
	s1 =	sshll.u32 s1, $0x11  }
0xba: {  	s0 =	sor.u32 s1, s0  }
0xbb: {  	s0 =	sadd.s32 $0x8F2B, s0  }
0xbc: {  	[sflag:s0] =	ssyncadd.remote.s32 $0x1  }
0xbd: {  	_ =	sfence.sel $0xFFFF  }
0xbe: {  	[dreg:$0x0] =	wrdreg $0xFFFFFFFF;
	(pc) =	sbr.abs _section_cstart, $3  }
0xbf: {  	[dreg:$0x1] =	wrdreg $0xFFFFFFFF  }
0xc0: {  	_ =	task.clear_ibuf [dreg:s6], $0x2FFFF;
	_ =	strace $0x9FFFFFFF  }
0xc1: {  	(tm) =	ssettm $0x7FFFFFFF  }
tec
execute0_lowered:
.L_overlay_start_1:
0x0: {  	(tag) =	ssettag $0x1  }
0x1: {  	s0 =	rddreg [dreg:$0x0]  }
0x2: {  	s1 =	srdreg.scid;
	s3 =	stileid.u32  }
0x3: {  	s2 =	simm.s32 $0x0;
	s13 =	simm.s32 $0x5;
	s14 =	simm.s32 $0x200  }
0x4: {  	s15 =	simm.s32 $0x400;
	s16 =	simm.s32 $0x4000;
	s17 =	simm.s32 $0x1  }
0x5: {  	s18 =	simm.s32 $0x8000;
	s19 =	simm.s32 $0x2;
	s20 =	simm.s32 $0x8580  }
0x6: {  	s21 =	simm.s32 $0x3;
	s22 =	simm.s32 $0x4;
	s24 =	simm.s32 $0x0  }
0x7: {  	s1 =	sand.u32 $0x1, s1;
	s3 =	sshll.u32 s3, $0x1;
	[smem:$0x7FF] =	sst s2  }
0x8: {  	s4 =	sor.u32 s1, s3;
	_ =	strace $0x80000047;
	s1 =	ssub.s32 $0x2, s1  }
0x9: {  	s3 =	sshll.u32 s4, $0x11;
	s31 =	sshll.u32 s4, $0x9;
	s6 =	sshll.u32 s4, $0x5  }
.Ltmp0:
0xa: {  	v0 =	vlaneseq.u32;
	s7 =	sshrl.u32 s1, $0x1;
	s4 =	sshll.u32 s4, $0x8;
	(pc) =	sbr.rel .LBB2_1-.Ltmp0, $4  }
0xb: {  	v0 =	vmul.u32 $0x15, v0;
	s9 =	sadd.s32 s3, s0;
	s5 =	sadd.s32 s31, s0;
	s3 =	sadd.s32 $0x405200, s0  }
0xc: {  	s0 =	sadd.s32 s6, s0;
	s1 =	ssub.s32 s1, s7;
	s5 =	sadd.s32 $0x400E00, s5  }
0xd: {  	v19 =	vlaneseq.u32;
	v2 =	vimm.f32 $-Inf;
	v1 =	vadd.s32 $0x150, v0;
	[tilespmem:$0x1FFF0] =	vst v0;
	s6 =	sadd.s32 $0xE00, s9;
	s7 =	sadd.s32 $0xE40, s9;
	s8 =	sadd.s32 $0x1E00, s9  }
0xe: {  	v4 =	vimm.s32 $0x0;
	v3 =	vadd.s32 $0x14, v0;
	v6 =	vadd.s32 $0x164, v0;
	[tilespmem:$0x1FFE0] =	vst v1;
	s9 =	sadd.s32 $0x1E40, s9;
	s10 =	sadd.s32 $0x404E00, s0;
	s11 =	smax.u32 s1, $0x1  }
.LBB2_22:
0xf: {  	_ =	swait.ge [sflag:s21], $0x540  }
0x10: {  	[sflag:s21] =	ssyncset.done $0x0  }
0x11: {  	[sflag:s21] =	ssyncadd.s32 $0xFFFFFAC0  }
0x12: {  	s24 =	sadd.s32 $0x1, s24;
	_ =	swait.ge [sflag:s22], $0x540  }
0x13: {  	p0 =	sne.s32 s24, s11;
	[sflag:s22] =	ssyncset.done $0x0  }
.Ltmp1:
0x14: {  	s0 =	simm.s32 $0x9B00;
	[sflag:s22] =	ssyncadd.s32 $0xFFFFFAC0;
	(pc) =	sbr.rel @!p0 .LBB2_23-.Ltmp1, $4  }
0x15: {  	[hbm4b:s10+s2] =	stream.linear.scatter [tilespmem:s0], [sflag:$0x5], $0x100, $0x38;
	[tilespmem:$0x9C00] =	vst v63  }
0x16: {  	_ =	swait.ge [sflag:s13], $0x100  }
0x17: {  	[sflag:s13] =	ssyncset.done $0x0  }
0x18: {  	v0 =	vld [tilespmem:$0x1FFF0];
	[sflag:s13] =	ssyncadd.s32 $0xFFFFFF00  }
.LBB2_1:
0x19: {  	s0 =	simm.s32 $0x8B00  }
0x1a: {  	[tilespmem:s0], [sflag:$0x5] =	stream.linear.gather [hbm4b:s5+s2], $0x1000, $0x38;
	[tilespmem:$0x9C00] =	vst v63  }
0x1b: {  	_ =	swait.ge [sflag:s13], $0x1000  }
0x1c: {  	[sflag:s13] =	ssyncset.done $0x0  }
0x1d: {  	[sflag:s13] =	ssyncadd.s32 $0xFFFFF000  }
0x1e: {  	v1 =	vimm.s32 $0x0;
	[tilespmem:s2], [sflag:$0x1] =	stream.strided.gather [hbm4b:s6+s14], $0x4000, s15, s14, $0x38;
	[tilespmem:$0x9C00] =	vst v63  }
0x1f: {  	s25 =	simm.s32 $0x0;
	[tilespmem:$0x1FFD0] =	vst v1  }
0x20: {  	[tilespmem:s16], [sflag:$0x2] =	stream.strided.gather [hbm4b:s7+s14], $0x4000, s15, s14, $0x38;
	[tilespmem:$0x9C00] =	vst v63  }
.LBB2_2:
0x21: {  	p0 =	seq.s32 s25, $0x0  }
0x22: {  	s0 =	simm.s32 @!p0 $0x3  }
0x23: {  	_ =	swait.ge @!p0 [sflag:s0], $0x540  }
0x24: {  	[sflag:s0] =	ssyncset.done @!p0 $0x0  }
0x25: {  	[sflag:s0] =	ssyncadd.s32 @!p0 $0xFFFFFAC0  }
0x26: {  	_ =	swait.ge [sflag:s17], $0x4000  }
0x27: {  	[sflag:s17] =	ssyncset.done $0x0  }
0x28: {  	[sflag:s17] =	ssyncadd.s32 $0xFFFFC000  }
0x29: {  	[tilespmem:$0x8000] =	vst v2  }
0x2a: {  	[tilespmem:$0x8010] =	vst v2  }
0x2b: {  	[tilespmem:$0x8020] =	vst v2  }
0x2c: {  	[tilespmem:$0x8030] =	vst v2  }
0x2d: {  	[tilespmem:$0x8040] =	vst v2  }
0x2e: {  	[tilespmem:$0x8050] =	vst v2  }
0x2f: {  	[tilespmem:$0x8060] =	vst v2  }
0x30: {  	[tilespmem:$0x8070] =	vst v2  }
0x31: {  	[tilespmem:$0x8080] =	vst v2  }
0x32: {  	[tilespmem:$0x8090] =	vst v2  }
0x33: {  	[tilespmem:$0x80A0] =	vst v2  }
0x34: {  	[tilespmem:$0x80B0] =	vst v2  }
0x35: {  	[tilespmem:$0x80C0] =	vst v2  }
0x36: {  	[tilespmem:$0x80D0] =	vst v2  }
0x37: {  	[tilespmem:$0x80E0] =	vst v2  }
0x38: {  	[tilespmem:$0x80F0] =	vst v2  }
0x39: {  	[tilespmem:$0x8100] =	vst v2  }
0x3a: {  	[tilespmem:$0x8110] =	vst v2  }
0x3b: {  	[tilespmem:$0x8120] =	vst v2  }
0x3c: {  	[tilespmem:$0x8130] =	vst v2  }
0x3d: {  	[tilespmem:$0x8140] =	vst v2  }
0x3e: {  	[tilespmem:$0x8150] =	vst v2  }
0x3f: {  	[tilespmem:$0x8160] =	vst v2  }
0x40: {  	[tilespmem:$0x8170] =	vst v2  }
0x41: {  	[tilespmem:$0x8180] =	vst v2  }
0x42: {  	[tilespmem:$0x8190] =	vst v2  }
0x43: {  	[tilespmem:$0x81A0] =	vst v2  }
0x44: {  	[tilespmem:$0x81B0] =	vst v2  }
0x45: {  	[tilespmem:$0x81C0] =	vst v2  }
0x46: {  	[tilespmem:$0x81D0] =	vst v2  }
0x47: {  	[tilespmem:$0x81E0] =	vst v2  }
0x48: {  	[tilespmem:$0x81F0] =	vst v2  }
0x49: {  	[tilespmem:$0x8200] =	vst v2  }
0x4a: {  	[tilespmem:$0x8210] =	vst v2  }
0x4b: {  	[tilespmem:$0x8220] =	vst v2  }
0x4c: {  	[tilespmem:$0x8230] =	vst v2  }
0x4d: {  	[tilespmem:$0x8240] =	vst v2  }
0x4e: {  	[tilespmem:$0x8250] =	vst v2  }
0x4f: {  	[tilespmem:$0x8260] =	vst v2  }
0x50: {  	[tilespmem:$0x8270] =	vst v2  }
0x51: {  	[tilespmem:$0x8280] =	vst v2  }
0x52: {  	[tilespmem:$0x8290] =	vst v2  }
0x53: {  	[tilespmem:$0x82A0] =	vst v2  }
0x54: {  	[tilespmem:$0x82B0] =	vst v2  }
0x55: {  	[tilespmem:$0x82C0] =	vst v2  }
0x56: {  	[tilespmem:$0x82D0] =	vst v2  }
0x57: {  	[tilespmem:$0x82E0] =	vst v2  }
0x58: {  	[tilespmem:$0x82F0] =	vst v2  }
0x59: {  	[tilespmem:$0x8300] =	vst v2  }
0x5a: {  	[tilespmem:$0x8310] =	vst v2  }
0x5b: {  	[tilespmem:$0x8320] =	vst v2  }
0x5c: {  	[tilespmem:$0x8330] =	vst v2  }
0x5d: {  	[tilespmem:$0x8340] =	vst v2  }
0x5e: {  	[tilespmem:$0x8350] =	vst v2  }
0x5f: {  	[tilespmem:$0x8360] =	vst v2  }
0x60: {  	[tilespmem:$0x8370] =	vst v2  }
0x61: {  	[tilespmem:$0x8380] =	vst v2  }
0x62: {  	[tilespmem:$0x8390] =	vst v2  }
0x63: {  	[tilespmem:$0x83A0] =	vst v2  }
0x64: {  	[tilespmem:$0x83B0] =	vst v2  }
0x65: {  	[tilespmem:$0x83C0] =	vst v2  }
0x66: {  	[tilespmem:$0x83D0] =	vst v2  }
0x67: {  	[tilespmem:$0x83E0] =	vst v2  }
0x68: {  	[tilespmem:$0x83F0] =	vst v2  }
0x69: {  	[tilespmem:$0x8400] =	vst v2  }
0x6a: {  	[tilespmem:$0x8410] =	vst v2  }
0x6b: {  	[tilespmem:$0x8420] =	vst v2  }
0x6c: {  	[tilespmem:$0x8430] =	vst v2  }
0x6d: {  	[tilespmem:$0x8440] =	vst v2  }
0x6e: {  	[tilespmem:$0x8450] =	vst v2  }
0x6f: {  	[tilespmem:$0x8460] =	vst v2  }
0x70: {  	[tilespmem:$0x8470] =	vst v2  }
0x71: {  	[tilespmem:$0x8480] =	vst v2  }
0x72: {  	[tilespmem:$0x8490] =	vst v2  }
0x73: {  	[tilespmem:$0x84A0] =	vst v2  }
0x74: {  	[tilespmem:$0x84B0] =	vst v2  }
0x75: {  	[tilespmem:$0x84C0] =	vst v2  }
0x76: {  	[tilespmem:$0x84D0] =	vst v2  }
0x77: {  	[tilespmem:$0x84E0] =	vst v2  }
0x78: {  	[tilespmem:$0x84F0] =	vst v2  }
0x79: {  	[tilespmem:$0x8500] =	vst v2  }
0x7a: {  	[tilespmem:$0x8510] =	vst v2  }
0x7b: {  	s31 =	sshll.u32 s25, $0x7;
	[tilespmem:$0x8520] =	vst v2  }
0x7c: {  	s26 =	sand.u32 $0x3FFFFF80, s31;
	[tilespmem:$0x8530] =	vst v2  }
0x7d: {  	s29 =	simm.s32 $0x200;
	v14 =	vld [tilespmem:s26+$0x8B00]  }
0x7e: {  	v13 =	vld [tilespmem:s29+$0xFFFFFE00]  }
0x7f: {  	v7 =	vld [tilespmem:s29+$0xFFFFFE10]  }
0x80: {  	v8 =	vld [tilespmem:s29+$0xFFFFFE20]  }
0x81: {  	v9 =	vld [tilespmem:s29+$0xFFFFFE30]  }
0x82: {  	v12 =	vld [tilespmem:s29+$0xFFFFFE40]  }
0x83: {  	vm1 =	vlt.s32 v0, v3;
	v5 =	vimm.s32 $0x0;
	v15 =	vld [tilespmem:s29+$0xFFFFFE50];
	vm0 =	vge.f32 v13, v14  }
0x84: {  	v1 =	vsel vm1, v0, v3;
	v20 =	vld [tilespmem:s29+$0xFFFFFE60];
	vm7 =	vge.f32 v7, v14;
	v10 =	vsel vm0, $0x1, v4  }
0x85: {  	v23 =	vld [tilespmem:s29+$0xFFFFFE70];
	vm6 =	vge.f32 v8, v14;
	v11 =	vsel vm7, $0x1, v4;
	v10 =	vadd.s32 v10, v0  }
0x86: {  	v26 =	vld [tilespmem:s29+$0x0];
	vm5 =	vge.f32 v9, v14;
	v17 =	vadd.s32 v11, v10;
	v11 =	vsel vm6, $0x1, v4  }
0x87: {  	vm4 =	vge.f32 v12, v14;
	v16 =	vsel vm5, $0x1, v4;
	v21 =	vadd.s32 v11, v17;
	v11 =	vld [tilespmem:s29+$0x10]  }
0x88: {  	vm3 =	vge.f32 v15, v14;
	v22 =	vsel vm4, $0x1, v4;
	v24 =	vadd.s32 v16, v21;
	v16 =	vld [tilespmem:s29+$0x20]  }
0x89: {  	vm11 =	vge.f32 v20, v14;
	v25 =	vsel vm3, $0x1, v4;
	v27 =	vadd.s32 v22, v24;
	v22 =	vld [tilespmem:s29+$0x30]  }
0x8a: {  	vm8 =	vge.f32 v23, v14;
	v29 =	vsel vm11, $0x1, v4;
	v28 =	vadd.s32 v25, v27;
	v25 =	vld [tilespmem:s29+$0x40]  }
0x8b: {  	vm9 =	vge.f32 v26, v14;
	v31 =	vsel vm8, $0x1, v4;
	v30 =	vadd.s32 v29, v28  }
0x8c: {  	v33 =	vsel vm9, $0x1, v4;
	v29 =	vld [tilespmem:s29+$0x50];
	v32 =	vadd.s32 v31, v30;
	vm10 =	vge.f32 v11, v14  }
0x8d: {  	v31 =	vld [tilespmem:s29+$0x60];
	v34 =	vadd.s32 v33, v32;
	v35 =	vsel vm10, $0x1, v4;
	vm12 =	vge.f32 v16, v14  }
0x8e: {  	v33 =	vld [tilespmem:s29+$0x70];
	v35 =	vadd.s32 v35, v34;
	v36 =	vsel vm12, $0x1, v4;
	vm1 =	vge.f32 v22, v14  }
0x8f: {  	v36 =	vadd.s32 v36, v35;
	v37 =	vsel vm1, $0x1, v4;
	vm15 =	vge.f32 v25, v14  }
0x90: {  	v5 =	vsel vm1, $0xFFFFFFFF, v5;
	v37 =	vadd.s32 v37, v36;
	v38 =	vsel vm15, $0x1, v4  }
0x91: {  	[tilespmem:$0x1FFB0] =	vst v5;
	vm1 =	vge.f32 v29, v14;
	v5 =	vimm.s32 $0x0;
	v38 =	vadd.s32 v38, v37  }
0x92: {  	v5 =	vsel vm1, $0xFFFFFFFF, v5;
	v39 =	vsel vm1, $0x1, v4;
	vm13 =	vge.f32 v31, v14  }
0x93: {  	[tilespmem:$0x1FFC0] =	vst v5;
	v39 =	vadd.s32 v39, v38;
	v40 =	vsel vm13, $0x1, v4;
	vm14 =	vge.f32 v33, v14  }
0x94: {  	vm1 =	vlt.s32 v38, v3;
	[tilespmem:v1+s18+$0x0] =	vst.idx.msk vm0, v13;
	v40 =	vadd.s32 v40, v39;
	v13 =	vsel vm14, $0x1, v4  }
0x95: {  	s28 =	sshll.u32 s25, $0x1;
	s30 =	simm.s32 $0x0;
	vm0 =	vlt.s32 v39, v3;
	v13 =	vadd.s32 v13, v40;
	vm2 =	vlt.s32 v40, v3  }
.LBB2_3:
0x96: {  	v5 =	vimm.s32 $0x0  }
0x97: {  	v5 =	vsel vm5, $0xFFFFFFFF, v5  }
0x98: {  	[tilespmem:$0x1FF20] =	vst v5;
	v5 =	vimm.s32 $0x0  }
0x99: {  	v5 =	vsel vm7, $0xFFFFFFFF, v5  }
0x9a: {  	[tilespmem:$0x1FF00] =	vst v5;
	v5 =	vimm.s32 $0x0  }
0x9b: {  	v5 =	vsel vm6, $0xFFFFFFFF, v5  }
0x9c: {  	[tilespmem:$0x1FF10] =	vst v5;
	v5 =	vimm.s32 $0x0  }
0x9d: {  	v5 =	vsel vm4, $0xFFFFFFFF, v5  }
0x9e: {  	[tilespmem:$0x1FF30] =	vst v5;
	v5 =	vimm.s32 $0x0  }
0x9f: {  	v5 =	vsel vm11, $0xFFFFFFFF, v5  }
0xa0: {  	[tilespmem:$0x1FF50] =	vst v5;
	v5 =	vimm.s32 $0x0  }
0xa1: {  	v5 =	vsel vm3, $0xFFFFFFFF, v5  }
0xa2: {  	[tilespmem:$0x1FF40] =	vst v5;
	v5 =	vimm.s32 $0x0  }
0xa3: {  	v5 =	vsel vm12, $0xFFFFFFFF, v5  }
0xa4: {  	[tilespmem:$0x1FF70] =	vst v5;
	v5 =	vimm.s32 $0x0  }
0xa5: {  	v5 =	vsel vm15, $0xFFFFFFFF, v5  }
0xa6: {  	[tilespmem:$0x1FF60] =	vst v5;
	v5 =	vimm.s32 $0x0  }
0xa7: {  	v5 =	vsel vm10, $0xFFFFFFFF, v5  }
0xa8: {  	[tilespmem:$0x1FF80] =	vst v5;
	v5 =	vimm.s32 $0x0  }
0xa9: {  	v5 =	vsel vm8, $0xFFFFFFFF, v5  }
0xaa: {  	[tilespmem:$0x1FFA0] =	vst v5;
	v5 =	vimm.s32 $0x0  }
0xab: {  	v5 =	vsel vm9, $0xFFFFFFFF, v5  }
0xac: {  	vm5 =	vlt.s32 v24, v3;
	[tilespmem:$0x1FF90] =	vst v5;
	v5 =	vimm.s32 $0x0  }
0xad: {  	v5 =	vsel vm5, $0xFFFFFFFF, v5  }
0xae: {  	vm5 =	vlt.s32 v10, v3;
	[tilespmem:$0x1FEE0] =	vst v5;
	v5 =	vimm.s32 $0x0  }
0xaf: {  	v5 =	vsel vm5, $0xFFFFFFFF, v5  }
0xb0: {  	[tilespmem:$0x1FEF0] =	vst v5;
	v5 =	vld [tilespmem:$0x1FEE0];
	_ =	sdelay $0x4  }
0xb1: {  	v41 =	vmov v26;
	v26 =	vsel vm0, v39, v3;
	vm0 =	vnez.u8 v5;
	v5 =	vld [tilespmem:$0x1FEF0];
	_ =	sdelay $0x4  }
0xb2: {  	v48 =	vsel vm0, v24, v3;
	vm0 =	vnez.u8 v5;
	v5 =	vld [tilespmem:$0x1FF00];
	_ =	sdelay $0x4  }
0xb3: {  	v62 =	vsel vm2, v40, v3;
	v51 =	vsel vm0, v10, v3;
	vm0 =	vnez.u8 v5;
	v5 =	vld [tilespmem:$0x1FF10];
	_ =	sdelay $0x4  }
0xb4: {  	[tilespmem:v62+s18+$0x0] =	vst.idx.msk vm14, v33;
	vm14 =	vmmov vm0;
	vm0 =	vnez.u8 v5;
	v5 =	vld [tilespmem:$0x1FF20];
	_ =	sdelay $0x4  }
0xb5: {  	v38 =	vsel vm1, v38, v3;
	vm1 =	vnez.u8 v5;
	v5 =	vld [tilespmem:$0x1FF30];
	_ =	sdelay $0x4  }
0xb6: {  	vm2 =	vnez.u8 v5;
	v5 =	vld [tilespmem:$0x1FFC0];
	_ =	sdelay $0x2  }
0xb7: {  	vm15 =	vlt.s32 v35, v3  }
0xb8: {  	v35 =	vsel vm15, v35, v3;
	vm15 =	vmmov vm0  }
0xb9: {  	vm0 =	vmmov vm1;
	vm1 =	vmmov vm2;
	vm2 =	vnez.u8 v5  }
0xba: {  	v5 =	vld [tilespmem:$0x1FF40];
	_ =	sdelay $0x4  }
0xbb: {  	[tilespmem:v38+s18+$0x0] =	vst.idx.msk vm2, v29;
	vm2 =	vnez.u8 v5;
	v5 =	vld [tilespmem:$0x1FF50];
	_ =	sdelay $0x3  }
0xbc: {  	vm3 =	vlt.s32 v36, v3  }
0xbd: {  	v36 =	vsel vm3, v36, v3;
	vm3 =	vnez.u8 v5;
	v5 =	vld [tilespmem:$0x1FF60];
	_ =	sdelay $0x2  }
0xbe: {  	vm12 =	vlt.s32 v17, v3  }
0xbf: {  	vm4 =	vlt.s32 v37, v3;
	v46 =	vsel vm12, v17, v3  }
0xc0: {  	vm12 =	vmmov vm2;
	vm2 =	vmmov vm3;
	vm3 =	vnez.u8 v5  }
0xc1: {  	v37 =	vsel vm4, v37, v3;
	v5 =	vld [tilespmem:$0x1FFB0];
	_ =	sdelay $0x4  }
0xc2: {  	[tilespmem:v37+s18+$0x0] =	vst.idx.msk vm3, v25;
	vm3 =	vnez.u8 v5  }
0xc3: {  	v5 =	vld [tilespmem:$0x1FF70];
	_ =	sdelay $0x4  }
0xc4: {  	[tilespmem:v36+s18+$0x0] =	vst.idx.msk vm3, v22;
	vm3 =	vnez.u8 v5  }
0xc5: {  	v5 =	vld [tilespmem:$0x1FF80];
	_ =	sdelay $0x1  }
0xc6: {  	s29 =	sadd.s32 $0x400, s29  }
0xc7: {  	v63 =	vld [tilespmem:s29+$0xFFFFFE00]  }
0xc8: {  	v42 =	vld [tilespmem:s29+$0xFFFFFE10]  }
0xc9: {  	[tilespmem:v35+s18+$0x0] =	vst.idx.msk vm3, v16;
	vm3 =	vnez.u8 v5;
	v5 =	vld [tilespmem:$0x1FF90]  }
0xca: {  	v45 =	vld [tilespmem:s29+$0xFFFFFE20]  }
0xcb: {  	v52 =	vld [tilespmem:s29+$0xFFFFFE40]  }
0xcc: {  	v50 =	vld [tilespmem:s29+$0xFFFFFE30];
	vm7 =	vlt.s32 v34, v3;
	vm6 =	vlt.s32 v32, v3  }
0xcd: {  	v53 =	vld [tilespmem:s29+$0xFFFFFE50];
	v34 =	vsel vm7, v34, v3;
	v32 =	vsel vm6, v32, v3;
	vm8 =	vlt.s32 v13, v3  }
0xce: {  	v54 =	vld [tilespmem:s29+$0xFFFFFE60];
	[tilespmem:v26+s18+$0x0] =	vst.idx.msk vm13, v31;
	vm13 =	vge.f32 v63, v14;
	v49 =	vsel vm8, v13, v3;
	vm8 =	vnez.u8 v5  }
0xcf: {  	vm7 =	vge.f32 v42, v14;
	vm6 =	vge.f32 v45, v14;
	vm10 =	vlt.s32 v28, v3;
	v5 =	vld [tilespmem:$0x1FFA0]  }
0xd0: {  	v26 =	vld [tilespmem:s29+$0x0];
	vm4 =	vge.f32 v52, v14;
	vm11 =	vlt.s32 v30, v3;
	v44 =	vsel vm10, v28, v3  }
0xd1: {  	v31 =	vld [tilespmem:s29+$0x60];
	v28 =	vsel vm11, v30, v3;
	vm9 =	vlt.s32 v27, v3;
	vm5 =	vlt.s32 v21, v3  }
0xd2: {  	v43 =	vsel vm9, v27, v3;
	v47 =	vsel vm5, v21, v3;
	v10 =	vsel vm13, $0x1, v4;
	v25 =	vld [tilespmem:s29+$0x40]  }
0xd3: {  	vm5 =	vge.f32 v50, v14;
	v10 =	vadd.s32 v10, v13;
	v13 =	vsel vm7, $0x1, v4;
	v22 =	vld [tilespmem:s29+$0x30]  }
0xd4: {  	v17 =	vadd.s32 v13, v10;
	v13 =	vsel vm6, $0x1, v4;
	v16 =	vld [tilespmem:s29+$0x20];
	[tilespmem:v32+s18+$0x0] =	vst.idx.msk vm8, v41;
	vm8 =	vnez.u8 v5  }
0xd5: {  	v55 =	vld [tilespmem:s29+$0xFFFFFE70];
	vm11 =	vge.f32 v54, v14;
	[tilespmem:v49+s18+$0x0] =	vst.idx.msk vm13, v63;
	v21 =	vadd.s32 v13, v17;
	v13 =	vsel vm5, $0x1, v4  }
0xd6: {  	vm9 =	vge.f32 v26, v14;
	v24 =	vadd.s32 v13, v21;
	v13 =	vsel vm4, $0x1, v4;
	[tilespmem:v34+s18+$0x0] =	vst.idx.msk vm3, v11  }
0xd7: {  	vm13 =	vge.f32 v31, v14;
	v27 =	vadd.s32 v13, v24;
	[tilespmem:v46+s18+$0x0] =	vst.idx.msk vm15, v8;
	v11 =	vld [tilespmem:s29+$0x10]  }
0xd8: {  	[tilespmem:v47+s18+$0x0] =	vst.idx.msk vm0, v9;
	vm15 =	vge.f32 v25, v14;
	vm3 =	vge.f32 v53, v14  }
0xd9: {  	[tilespmem:v43+s18+$0x0] =	vst.idx.msk vm12, v15;
	vm0 =	vge.f32 v22, v14;
	vm12 =	vge.f32 v16, v14;
	v13 =	vsel vm3, $0x1, v4  }
0xda: {  	v29 =	vld [tilespmem:s29+$0x50];
	[tilespmem:v28+s18+$0x0] =	vst.idx.msk vm8, v23;
	v28 =	vadd.s32 v13, v27;
	v13 =	vsel vm11, $0x1, v4;
	vm8 =	vge.f32 v55, v14  }
0xdb: {  	v5 =	vimm.s32 $0x0;
	v30 =	vadd.s32 v13, v28;
	v13 =	vsel vm8, $0x1, v4  }
0xdc: {  	v33 =	vld [tilespmem:s29+$0x70];
	vm10 =	vge.f32 v11, v14;
	v32 =	vadd.s32 v13, v30;
	v13 =	vsel vm9, $0x1, v4  }
0xdd: {  	[tilespmem:v48+s18+$0x0] =	vst.idx.msk vm1, v12;
	v5 =	vsel vm0, $0xFFFFFFFF, v5;
	v12 =	vsel vm10, $0x1, v4;
	v34 =	vadd.s32 v13, v32  }
0xde: {  	s30 =	sadd.s32 $0x10, s30;
	v9 =	vsel vm12, $0x1, v4;
	[tilespmem:$0x1FFB0] =	vst v5;
	v5 =	vimm.s32 $0x0;
	v35 =	vadd.s32 v12, v34  }
0xdf: {  	p0 =	slt.u32 s30, $0xF0;
	v12 =	vsel vm0, $0x1, v4;
	vm0 =	vge.f32 v29, v14;
	v36 =	vadd.s32 v9, v35  }
.Ltmp2:
0xe0: {  	[tilespmem:v51+s18+$0x0] =	vst.idx.msk vm14, v7;
	v7 =	vmovc v42;
	v15 =	vsel vm15, $0x1, v4;
	v5 =	vsel vm0, $0xFFFFFFFF, v5;
	v37 =	vadd.s32 v12, v36;
	(pc) =	sbr.rel @p0 .LBB2_3-.Ltmp2, $4  }
0xe1: {  	vm14 =	vge.f32 v33, v14;
	v8 =	vmovc v45;
	[tilespmem:$0x1FFC0] =	vst v5;
	v5 =	vsel vm0, $0x1, v4;
	v38 =	vadd.s32 v15, v37  }
0xe2: {  	[tilespmem:v44+s18+$0x0] =	vst.idx.msk vm2, v20;
	v20 =	vmovc v54;
	v23 =	vmov v55;
	v13 =	vsel vm13, $0x1, v4;
	v39 =	vadd.s32 v5, v38  }
0xe3: {  	v9 =	vmovc v50;
	v12 =	vmovc v52;
	vm1 =	vlt.s32 v38, v3;
	v40 =	vadd.s32 v13, v39;
	v13 =	vsel vm14, $0x1, v4  }
0xe4: {  	v15 =	vmovc v53;
	vm0 =	vlt.s32 v39, v3;
	vm2 =	vlt.s32 v40, v3;
	v13 =	vadd.s32 v13, v40  }
0xe5: {  	v14 =	vsel vm2, v40, v3  }
0xe6: {  	v39 =	vsel vm0, v39, v3;
	_ =	sdelay $0x3  }
0xe7: {  	[tilespmem:v14+s18+$0x0] =	vst.idx.msk vm14, v33  }
0xe8: {  	[tilespmem:v39+s18+$0x0] =	vst.idx.msk vm13, v31  }
0xe9: {  	v5 =	vld [tilespmem:$0x1FFC0];
	_ =	sdelay $0x3  }
0xea: {  	v38 =	vsel vm1, v38, v3;
	vm0 =	vlt.s32 v37, v3;
	vm1 =	vlt.s32 v32, v3  }
0xeb: {  	v37 =	vsel vm0, v37, v3;
	v31 =	vsel vm1, v32, v3;
	vm1 =	vnez.u8 v5;
	_ =	sdelay $0x4  }
0xec: {  	[tilespmem:v37+s18+$0x0] =	vst.idx.msk vm15, v25  }
0xed: {  	[tilespmem:v38+s18+$0x0] =	vst.idx.msk vm1, v29  }
0xee: {  	v5 =	vld [tilespmem:$0x1FFB0];
	_ =	sdelay $0x1  }
0xef: {  	vm0 =	vlt.s32 v36, v3  }
0xf0: {  	v36 =	vsel vm0, v36, v3;
	vm0 =	vlt.s32 v35, v3  }
0xf1: {  	v35 =	vsel vm0, v35, v3;
	vm1 =	vlt.s32 v28, v3  }
0xf2: {  	v25 =	vsel vm1, v28, v3;
	vm1 =	vmmov vm3;
	vm3 =	vnez.u8 v5  }
0xf3: {  	vm0 =	vlt.s32 v34, v3  }
0xf4: {  	v14 =	vsel vm0, v34, v3  }
0xf5: {  	vm0 =	vlt.s32 v30, v3  }
0xf6: {  	v29 =	vsel vm0, v30, v3  }
0xf7: {  	vm2 =	vlt.s32 v27, v3;
	[tilespmem:v35+s18+$0x0] =	vst.idx.msk vm12, v16  }
0xf8: {  	[tilespmem:v36+s18+$0x0] =	vst.idx.msk vm3, v22;
	vm3 =	vlt.s32 v24, v3;
	v22 =	vsel vm2, v27, v3;
	vm2 =	vmmov vm4  }
0xf9: {  	[tilespmem:v14+s18+$0x0] =	vst.idx.msk vm10, v11;
	vm4 =	vlt.s32 v21, v3;
	v16 =	vsel vm3, v24, v3;
	vm3 =	vmmov vm5  }
0xfa: {  	[tilespmem:v31+s18+$0x0] =	vst.idx.msk vm9, v26;
	vm5 =	vlt.s32 v17, v3;
	v11 =	vsel vm4, v21, v3;
	vm4 =	vmmov vm6  }
0xfb: {  	[tilespmem:v29+s18+$0x0] =	vst.idx.msk vm8, v23;
	vm6 =	vlt.s32 v10, v3;
	v14 =	vsel vm5, v17, v3  }
0xfc: {  	[tilespmem:v25+s18+$0x0] =	vst.idx.msk vm11, v20;
	v10 =	vsel vm6, v10, v3  }
0xfd: {  	[tilespmem:v22+s18+$0x0] =	vst.idx.msk vm1, v15  }
0xfe: {  	[tilespmem:v16+s18+$0x0] =	vst.idx.msk vm2, v12  }
0xff: {  	[tilespmem:v11+s18+$0x0] =	vst.idx.msk vm3, v9  }
0x100: {  	[tilespmem:v14+s18+$0x0] =	vst.idx.msk vm4, v8  }
0x101: {  	[tilespmem:v10+s18+$0x0] =	vst.idx.msk vm7, v7  }
0x102: {  	s29 =	simm.s32 $0x280;
	v14 =	vld [tilespmem:s26+$0x8B10]  }
0x103: {  	v16 =	vld [tilespmem:s29+$0xFFFFFE00]  }
0x104: {  	v7 =	vld [tilespmem:s29+$0xFFFFFE10]  }
0x105: {  	v8 =	vld [tilespmem:s29+$0xFFFFFE20]  }
0x106: {  	v5 =	vld [tilespmem:$0x1FFE0]  }
0x107: {  	v9 =	vld [tilespmem:s29+$0xFFFFFE30]  }
0x108: {  	v12 =	vld [tilespmem:s29+$0xFFFFFE40]  }
0x109: {  	v15 =	vld [tilespmem:s29+$0xFFFFFE50]  }
0x10a: {  	vm0 =	vmmov vm11;
	vm5 =	vmmov vm7;
	v22 =	vld [tilespmem:s29+$0xFFFFFE60]  }
0x10b: {  	v25 =	vld [tilespmem:s29+$0xFFFFFE70];
	vm1 =	vlt.s32 v5, v6;
	vm0 =	vge.f32 v16, v14;
	vm7 =	vge.f32 v7, v14  }
0x10c: {  	v28 =	vld [tilespmem:s29+$0x0];
	vm6 =	vge.f32 v8, v14;
	vm5 =	vge.f32 v9, v14;
	v10 =	vsel vm0, $0x1, v4  }
0x10d: {  	v33 =	vld [tilespmem:s29+$0x60];
	vm4 =	vge.f32 v12, v14;
	v11 =	vsel vm7, $0x1, v4;
	v10 =	vadd.s32 v10, v5  }
0x10e: {  	vm3 =	vge.f32 v15, v14;
	v21 =	vadd.s32 v11, v10;
	v11 =	vsel vm6, $0x1, v4  }
0x10f: {  	vm11 =	vge.f32 v22, v14;
	v20 =	vsel vm5, $0x1, v4;
	v23 =	vadd.s32 v11, v21;
	v11 =	vld [tilespmem:s29+$0x10]  }
0x110: {  	vm8 =	vge.f32 v25, v14;
	v24 =	vsel vm4, $0x1, v4;
	v26 =	vadd.s32 v20, v23;
	v20 =	vld [tilespmem:s29+$0x20]  }
0x111: {  	vm9 =	vge.f32 v28, v14;
	v27 =	vsel vm3, $0x1, v4;
	v29 =	vadd.s32 v24, v26;
	v24 =	vld [tilespmem:s29+$0x30]  }
0x112: {  	vm13 =	vge.f32 v33, v14;
	v31 =	vsel vm11, $0x1, v4;
	v30 =	vadd.s32 v27, v29  }
0x113: {  	v17 =	vsel vm1, v5, v6;
	v58 =	vsel vm8, $0x1, v4;
	v27 =	vld [tilespmem:s29+$0x40];
	v32 =	vadd.s32 v31, v30  }
0x114: {  	v59 =	vsel vm9, $0x1, v4;
	v31 =	vld [tilespmem:s29+$0x50];
	v34 =	vadd.s32 v58, v32;
	vm10 =	vge.f32 v11, v14  }
0x115: {  	v36 =	vadd.s32 v59, v34;
	v60 =	vsel vm10, $0x1, v4;
	vm12 =	vge.f32 v20, v14  }
0x116: {  	v35 =	vld [tilespmem:s29+$0x70];
	v37 =	vadd.s32 v60, v36;
	v61 =	vsel vm12, $0x1, v4;
	vm1 =	vge.f32 v24, v14  }
0x117: {  	v5 =	vimm.s32 $0x0;
	v38 =	vadd.s32 v61, v37;
	v62 =	vsel vm1, $0x1, v4  }
0x118: {  	v5 =	vsel vm1, $0xFFFFFFFF, v5;
	vm15 =	vge.f32 v27, v14;
	v39 =	vadd.s32 v62, v38  }
0x119: {  	[tilespmem:$0x1FEC0] =	vst v5;
	v63 =	vsel vm15, $0x1, v4;
	vm1 =	vge.f32 v31, v14;
	v5 =	vimm.s32 $0x0  }
0x11a: {  	v40 =	vadd.s32 v63, v39;
	v5 =	vsel vm1, $0xFFFFFFFF, v5;
	v41 =	vsel vm1, $0x1, v4  }
0x11b: {  	vm14 =	vge.f32 v35, v14;
	v42 =	vsel vm13, $0x1, v4;
	[tilespmem:$0x1FED0] =	vst v5;
	v41 =	vadd.s32 v41, v40  }
0x11c: {  	vm1 =	vlt.s32 v40, v6;
	[tilespmem:v17+s18+$0x0] =	vst.idx.msk vm0, v16;
	v42 =	vadd.s32 v42, v41;
	v16 =	vsel vm14, $0x1, v4  }
0x11d: {  	s30 =	simm.s32 $0x0;
	vm0 =	vlt.s32 v41, v6;
	v16 =	vadd.s32 v16, v42;
	vm2 =	vlt.s32 v42, v6  }
.LBB2_5:
0x11e: {  	v5 =	vimm.s32 $0x0  }
0x11f: {  	v5 =	vsel vm5, $0xFFFFFFFF, v5  }
0x120: {  	[tilespmem:$0x1FE30] =	vst v5;
	v5 =	vimm.s32 $0x0  }
0x121: {  	v5 =	vsel vm7, $0xFFFFFFFF, v5  }
0x122: {  	[tilespmem:$0x1FE10] =	vst v5;
	v5 =	vimm.s32 $0x0  }
0x123: {  	v5 =	vsel vm6, $0xFFFFFFFF, v5  }
0x124: {  	[tilespmem:$0x1FE20] =	vst v5;
	v5 =	vimm.s32 $0x0  }
0x125: {  	v5 =	vsel vm4, $0xFFFFFFFF, v5  }
0x126: {  	[tilespmem:$0x1FE40] =	vst v5;
	v5 =	vimm.s32 $0x0  }
0x127: {  	v5 =	vsel vm11, $0xFFFFFFFF, v5  }
0x128: {  	[tilespmem:$0x1FE60] =	vst v5;
	v5 =	vimm.s32 $0x0  }
0x129: {  	v5 =	vsel vm3, $0xFFFFFFFF, v5  }
0x12a: {  	[tilespmem:$0x1FE50] =	vst v5;
	v5 =	vimm.s32 $0x0  }
0x12b: {  	v5 =	vsel vm12, $0xFFFFFFFF, v5  }
0x12c: {  	[tilespmem:$0x1FE80] =	vst v5;
	v5 =	vimm.s32 $0x0  }
0x12d: {  	v5 =	vsel vm15, $0xFFFFFFFF, v5  }
0x12e: {  	[tilespmem:$0x1FE70] =	vst v5;
	v5 =	vimm.s32 $0x0  }
0x12f: {  	v5 =	vsel vm10, $0xFFFFFFFF, v5  }
0x130: {  	[tilespmem:$0x1FE90] =	vst v5;
	v5 =	vimm.s32 $0x0  }
0x131: {  	v5 =	vsel vm8, $0xFFFFFFFF, v5  }
0x132: {  	[tilespmem:$0x1FEB0] =	vst v5;
	v5 =	vimm.s32 $0x0  }
0x133: {  	v5 =	vsel vm9, $0xFFFFFFFF, v5  }
0x134: {  	vm5 =	vlt.s32 v26, v6;
	[tilespmem:$0x1FEA0] =	vst v5;
	v5 =	vimm.s32 $0x0  }
0x135: {  	v5 =	vsel vm5, $0xFFFFFFFF, v5  }
0x136: {  	vm5 =	vlt.s32 v10, v6;
	[tilespmem:$0x1FDF0] =	vst v5;
	v5 =	vimm.s32 $0x0  }
0x137: {  	v5 =	vsel vm5, $0xFFFFFFFF, v5  }
0x138: {  	[tilespmem:$0x1FE00] =	vst v5;
	v5 =	vld [tilespmem:$0x1FDF0];
	_ =	sdelay $0x4  }
0x139: {  	v43 =	vmov v28;
	v28 =	vsel vm0, v41, v6;
	vm0 =	vnez.u8 v5;
	v5 =	vld [tilespmem:$0x1FE00];
	_ =	sdelay $0x4  }
0x13a: {  	v50 =	vsel vm0, v26, v6;
	vm0 =	vnez.u8 v5;
	v5 =	vld [tilespmem:$0x1FE10];
	_ =	sdelay $0x4  }
0x13b: {  	v62 =	vsel vm2, v42, v6;
	v53 =	vsel vm0, v10, v6;
	vm0 =	vnez.u8 v5;
	v5 =	vld [tilespmem:$0x1FE20];
	_ =	sdelay $0x4  }
0x13c: {  	[tilespmem:v62+s18+$0x0] =	vst.idx.msk vm14, v35;
	vm14 =	vmmov vm0;
	vm0 =	vnez.u8 v5;
	v5 =	vld [tilespmem:$0x1FE30];
	_ =	sdelay $0x4  }
0x13d: {  	v40 =	vsel vm1, v40, v6;
	vm1 =	vnez.u8 v5;
	v5 =	vld [tilespmem:$0x1FE40];
	_ =	sdelay $0x4  }
0x13e: {  	vm2 =	vnez.u8 v5;
	v5 =	vld [tilespmem:$0x1FED0];
	_ =	sdelay $0x2  }
0x13f: {  	vm15 =	vlt.s32 v37, v6  }
0x140: {  	v37 =	vsel vm15, v37, v6;
	vm15 =	vmmov vm0  }
0x141: {  	vm0 =	vmmov vm1;
	vm1 =	vmmov vm2;
	vm2 =	vnez.u8 v5  }
0x142: {  	v5 =	vld [tilespmem:$0x1FE50];
	_ =	sdelay $0x4  }
0x143: {  	[tilespmem:v40+s18+$0x0] =	vst.idx.msk vm2, v31;
	vm2 =	vnez.u8 v5;
	v5 =	vld [tilespmem:$0x1FE60];
	_ =	sdelay $0x3  }
0x144: {  	vm3 =	vlt.s32 v38, v6  }
0x145: {  	v38 =	vsel vm3, v38, v6;
	vm3 =	vnez.u8 v5;
	v5 =	vld [tilespmem:$0x1FE70];
	_ =	sdelay $0x2  }
0x146: {  	vm12 =	vlt.s32 v21, v6  }
0x147: {  	vm4 =	vlt.s32 v39, v6;
	v48 =	vsel vm12, v21, v6  }
0x148: {  	vm12 =	vmmov vm2;
	vm2 =	vmmov vm3;
	vm3 =	vnez.u8 v5  }
0x149: {  	v39 =	vsel vm4, v39, v6;
	v5 =	vld [tilespmem:$0x1FEC0];
	_ =	sdelay $0x4  }
0x14a: {  	[tilespmem:v39+s18+$0x0] =	vst.idx.msk vm3, v27;
	vm3 =	vnez.u8 v5  }
0x14b: {  	v5 =	vld [tilespmem:$0x1FE80];
	_ =	sdelay $0x4  }
0x14c: {  	[tilespmem:v38+s18+$0x0] =	vst.idx.msk vm3, v24;
	vm3 =	vnez.u8 v5  }
0x14d: {  	v5 =	vld [tilespmem:$0x1FE90];
	_ =	sdelay $0x2  }
0x14e: {  	s29 =	sadd.s32 $0x400, s29  }
0x14f: {  	v63 =	vld [tilespmem:s29+$0xFFFFFE00]  }
0x150: {  	[tilespmem:v37+s18+$0x0] =	vst.idx.msk vm3, v20;
	vm3 =	vnez.u8 v5;
	v5 =	vld [tilespmem:$0x1FEA0]  }
0x151: {  	v44 =	vld [tilespmem:s29+$0xFFFFFE10]  }
0x152: {  	v47 =	vld [tilespmem:s29+$0xFFFFFE20]  }
0x153: {  	v54 =	vld [tilespmem:s29+$0xFFFFFE40];
	vm7 =	vlt.s32 v36, v6  }
0x154: {  	v56 =	vld [tilespmem:s29+$0xFFFFFE60];
	v36 =	vsel vm7, v36, v6;
	vm8 =	vlt.s32 v16, v6  }
0x155: {  	v52 =	vld [tilespmem:s29+$0xFFFFFE30];
	vm6 =	vlt.s32 v34, v6;
	[tilespmem:v28+s18+$0x0] =	vst.idx.msk vm13, v33;
	v51 =	vsel vm8, v16, v6;
	vm8 =	vnez.u8 v5  }
0x156: {  	v34 =	vsel vm6, v34, v6;
	vm13 =	vge.f32 v63, v14;
	vm7 =	vge.f32 v44, v14;
	v5 =	vld [tilespmem:$0x1FEB0]  }
0x157: {  	v55 =	vld [tilespmem:s29+$0xFFFFFE50];
	vm6 =	vge.f32 v47, v14;
	vm11 =	vlt.s32 v32, v6;
	vm10 =	vlt.s32 v30, v6  }
0x158: {  	v28 =	vld [tilespmem:s29+$0x0];
	vm4 =	vge.f32 v54, v14;
	v46 =	vsel vm10, v30, v6;
	v30 =	vsel vm11, v32, v6  }
0x159: {  	v33 =	vld [tilespmem:s29+$0x60];
	vm11 =	vge.f32 v56, v14;
	vm9 =	vlt.s32 v29, v6;
	vm5 =	vlt.s32 v23, v6  }
0x15a: {  	v45 =	vsel vm9, v29, v6;
	v49 =	vsel vm5, v23, v6;
	v10 =	vsel vm13, $0x1, v4;
	v27 =	vld [tilespmem:s29+$0x40]  }
0x15b: {  	v10 =	vadd.s32 v10, v16;
	v16 =	vsel vm7, $0x1, v4;
	v24 =	vld [tilespmem:s29+$0x30];
	[tilespmem:v34+s18+$0x0] =	vst.idx.msk vm8, v43;
	vm8 =	vnez.u8 v5  }
0x15c: {  	v57 =	vld [tilespmem:s29+$0xFFFFFE70];
	[tilespmem:v51+s18+$0x0] =	vst.idx.msk vm13, v63;
	vm5 =	vge.f32 v52, v14;
	v21 =	vadd.s32 v16, v10;
	v16 =	vsel vm6, $0x1, v4  }
0x15d: {  	vm9 =	vge.f32 v28, v14;
	v23 =	vadd.s32 v16, v21;
	v16 =	vsel vm5, $0x1, v4;
	v20 =	vld [tilespmem:s29+$0x20];
	[tilespmem:v36+s18+$0x0] =	vst.idx.msk vm3, v11  }
0x15e: {  	vm13 =	vge.f32 v33, v14;
	v26 =	vadd.s32 v16, v23;
	v16 =	vsel vm4, $0x1, v4;
	[tilespmem:v48+s18+$0x0] =	vst.idx.msk vm15, v8;
	v11 =	vld [tilespmem:s29+$0x10]  }
0x15f: {  	v29 =	vadd.s32 v16, v26;
	[tilespmem:v45+s18+$0x0] =	vst.idx.msk vm12, v15;
	v15 =	vsel vm9, $0x1, v4;
	vm3 =	vge.f32 v55, v14  }
0x160: {  	[tilespmem:v49+s18+$0x0] =	vst.idx.msk vm0, v9;
	vm15 =	vge.f32 v27, v14;
	vm0 =	vge.f32 v24, v14;
	v16 =	vsel vm3, $0x1, v4  }
0x161: {  	v31 =	vld [tilespmem:s29+$0x50];
	[tilespmem:v30+s18+$0x0] =	vst.idx.msk vm8, v25;
	v30 =	vadd.s32 v16, v29;
	v16 =	vsel vm11, $0x1, v4;
	vm8 =	vge.f32 v57, v14  }
0x162: {  	vm12 =	vge.f32 v20, v14;
	v32 =	vadd.s32 v16, v30;
	v16 =	vsel vm8, $0x1, v4  }
0x163: {  	v35 =	vld [tilespmem:s29+$0x70];
	v5 =	vimm.s32 $0x0;
	vm10 =	vge.f32 v11, v14;
	v34 =	vadd.s32 v16, v32  }
0x164: {  	[tilespmem:v50+s18+$0x0] =	vst.idx.msk vm1, v12;
	v5 =	vsel vm0, $0xFFFFFFFF, v5;
	v12 =	vsel vm10, $0x1, v4;
	v36 =	vadd.s32 v15, v34  }
0x165: {  	s30 =	sadd.s32 $0x10, s30;
	v9 =	vsel vm12, $0x1, v4;
	[tilespmem:$0x1FEC0] =	vst v5;
	v5 =	vimm.s32 $0x0;
	v37 =	vadd.s32 v12, v36  }
0x166: {  	p0 =	slt.u32 s30, $0xF0;
	v12 =	vsel vm0, $0x1, v4;
	vm0 =	vge.f32 v31, v14;
	v38 =	vadd.s32 v9, v37  }
.Ltmp3:
0x167: {  	[tilespmem:v53+s18+$0x0] =	vst.idx.msk vm14, v7;
	v7 =	vmovc v44;
	v15 =	vsel vm15, $0x1, v4;
	v5 =	vsel vm0, $0xFFFFFFFF, v5;
	v39 =	vadd.s32 v12, v38;
	(pc) =	sbr.rel @p0 .LBB2_5-.Ltmp3, $4  }
0x168: {  	vm14 =	vge.f32 v35, v14;
	v8 =	vmovc v47;
	[tilespmem:$0x1FED0] =	vst v5;
	v5 =	vsel vm0, $0x1, v4;
	v40 =	vadd.s32 v15, v39  }
0x169: {  	[tilespmem:v46+s18+$0x0] =	vst.idx.msk vm2, v22;
	v22 =	vmovc v56;
	v25 =	vmov v57;
	v41 =	vadd.s32 v5, v40;
	v5 =	vsel vm13, $0x1, v4  }
0x16a: {  	v16 =	vsel vm14, $0x1, v4;
	v9 =	vmovc v52;
	v12 =	vmovc v54;
	vm1 =	vlt.s32 v40, v6;
	v42 =	vadd.s32 v5, v41  }
0x16b: {  	v15 =	vmovc v55;
	vm0 =	vlt.s32 v41, v6;
	vm2 =	vlt.s32 v42, v6;
	v16 =	vadd.s32 v16, v42  }
0x16c: {  	v14 =	vsel vm2, v42, v6  }
0x16d: {  	v41 =	vsel vm0, v41, v6;
	_ =	sdelay $0x3  }
0x16e: {  	[tilespmem:v14+s18+$0x0] =	vst.idx.msk vm14, v35  }
0x16f: {  	[tilespmem:v41+s18+$0x0] =	vst.idx.msk vm13, v33  }
0x170: {  	v5 =	vld [tilespmem:$0x1FED0];
	_ =	sdelay $0x3  }
0x171: {  	v40 =	vsel vm1, v40, v6;
	vm0 =	vlt.s32 v39, v6;
	vm1 =	vlt.s32 v34, v6  }
0x172: {  	v39 =	vsel vm0, v39, v6;
	v56 =	vsel vm1, v34, v6;
	vm1 =	vnez.u8 v5;
	_ =	sdelay $0x4  }
0x173: {  	[tilespmem:v39+s18+$0x0] =	vst.idx.msk vm15, v27  }
0x174: {  	[tilespmem:v40+s18+$0x0] =	vst.idx.msk vm1, v31  }
0x175: {  	v5 =	vld [tilespmem:$0x1FEC0];
	_ =	sdelay $0x1  }
0x176: {  	vm0 =	vlt.s32 v38, v6  }
0x177: {  	v38 =	vsel vm0, v38, v6;
	vm0 =	vlt.s32 v37, v6  }
0x178: {  	v37 =	vsel vm0, v37, v6;
	vm1 =	vlt.s32 v30, v6  }
0x179: {  	v27 =	vsel vm1, v30, v6;
	vm1 =	vmmov vm3;
	vm3 =	vnez.u8 v5  }
0x17a: {  	vm0 =	vlt.s32 v36, v6  }
0x17b: {  	v14 =	vsel vm0, v36, v6  }
0x17c: {  	vm0 =	vlt.s32 v32, v6  }
0x17d: {  	v31 =	vsel vm0, v32, v6  }
0x17e: {  	vm2 =	vlt.s32 v29, v6;
	[tilespmem:v37+s18+$0x0] =	vst.idx.msk vm12, v20  }
0x17f: {  	[tilespmem:v38+s18+$0x0] =	vst.idx.msk vm3, v24;
	vm3 =	vlt.s32 v26, v6;
	v24 =	vsel vm2, v29, v6;
	vm2 =	vmmov vm4  }
0x180: {  	[tilespmem:v14+s18+$0x0] =	vst.idx.msk vm10, v11;
	vm4 =	vlt.s32 v23, v6;
	v20 =	vsel vm3, v26, v6;
	vm3 =	vmmov vm5  }
0x181: {  	[tilespmem:v56+s18+$0x0] =	vst.idx.msk vm9, v28;
	vm5 =	vlt.s32 v21, v6;
	v11 =	vsel vm4, v23, v6;
	vm4 =	vmmov vm6  }
0x182: {  	[tilespmem:v31+s18+$0x0] =	vst.idx.msk vm8, v25;
	vm6 =	vlt.s32 v10, v6;
	v14 =	vsel vm5, v21, v6  }
0x183: {  	[tilespmem:v27+s18+$0x0] =	vst.idx.msk vm11, v22;
	v10 =	vsel vm6, v10, v6  }
0x184: {  	[tilespmem:v24+s18+$0x0] =	vst.idx.msk vm1, v15  }
0x185: {  	[tilespmem:v20+s18+$0x0] =	vst.idx.msk vm2, v12  }
0x186: {  	[tilespmem:v11+s18+$0x0] =	vst.idx.msk vm3, v9  }
0x187: {  	[tilespmem:v14+s18+$0x0] =	vst.idx.msk vm4, v8  }
0x188: {  	[tilespmem:v10+s18+$0x0] =	vst.idx.msk vm7, v7  }
0x189: {  	s0 =	simm.s32 $0x300;
	v8 =	vld [tilespmem:s26+$0x8B20]  }
0x18a: {  	v25 =	vld [tilespmem:s0+$0xFFFFFE00]  }
0x18b: {  	v10 =	vld [tilespmem:s0+$0xFFFFFE10]  }
0x18c: {  	v12 =	vld [tilespmem:s0+$0xFFFFFE20]  }
0x18d: {  	v14 =	vld [tilespmem:s0+$0xFFFFFE30]  }
0x18e: {  	v20 =	vld [tilespmem:s0+$0xFFFFFE40]  }
0x18f: {  	v24 =	vld [tilespmem:s0+$0xFFFFFE70]  }
0x190: {  	v23 =	vld [tilespmem:s0+$0xFFFFFE50]  }
0x191: {  	vm0 =	vmmov vm11;
	v5 =	vimm.s32 $0x0;
	v21 =	vld [tilespmem:s0+$0xFFFFFE60]  }
0x192: {  	vm5 =	vmmov vm7;
	v11 =	vadd.s32 $0x2A0, v0;
	v27 =	vld [tilespmem:s0+$0x0];
	vm7 =	vge.f32 v25, v8  }
0x193: {  	v15 =	vld [tilespmem:s0+$0x10];
	vm0 =	vge.f32 v10, v8;
	vm1 =	vge.f32 v12, v8;
	vm8 =	vge.f32 v14, v8  }
0x194: {  	v30 =	vld [tilespmem:s0+$0x40];
	vm2 =	vge.f32 v20, v8;
	vm4 =	vge.f32 v24, v8;
	v7 =	vsel vm7, $0x1, v4  }
0x195: {  	v22 =	vld [tilespmem:s0+$0x20];
	v5 =	vsel vm4, $0xFFFFFFFF, v5;
	v31 =	vadd.s32 v7, v11;
	v7 =	vsel vm0, $0x1, v4  }
0x196: {  	v26 =	vld [tilespmem:s0+$0x30];
	vm3 =	vge.f32 v23, v8;
	[tilespmem:$0x1FDA0] =	vst v5;
	v28 =	vadd.s32 v7, v31;
	v7 =	vsel vm1, $0x1, v4  }
0x197: {  	vm5 =	vge.f32 v21, v8;
	v46 =	vld [tilespmem:s0+$0x50];
	v29 =	vadd.s32 v7, v28;
	v7 =	vsel vm8, $0x1, v4  }
0x198: {  	vm13 =	vge.f32 v27, v8;
	v32 =	vadd.s32 v7, v29;
	v7 =	vsel vm2, $0x1, v4  }
0x199: {  	vm6 =	vge.f32 v30, v8;
	v33 =	vadd.s32 v7, v32;
	v7 =	vsel vm3, $0x1, v4  }
0x19a: {  	v5 =	vimm.s32 $0x0;
	v34 =	vadd.s32 v7, v33;
	v7 =	vsel vm5, $0x1, v4  }
0x19b: {  	v50 =	vld [tilespmem:s0+$0x60];
	v35 =	vadd.s32 v7, v34;
	v7 =	vsel vm4, $0x1, v4;
	vm4 =	vge.f32 v15, v8  }
0x19c: {  	vm10 =	vge.f32 v46, v8;
	v57 =	vadd.s32 v7, v35;
	v7 =	vsel vm13, $0x1, v4  }
0x19d: {  	v5 =	vsel vm4, $0xFFFFFFFF, v5;
	v58 =	vadd.s32 v7, v57;
	v7 =	vsel vm4, $0x1, v4  }
0x19e: {  	[tilespmem:$0x1FDB0] =	vst v5;
	vm4 =	vge.f32 v22, v8;
	v5 =	vimm.s32 $0x0;
	v59 =	vadd.s32 v7, v58  }
0x19f: {  	v5 =	vsel vm4, $0xFFFFFFFF, v5;
	v7 =	vsel vm4, $0x1, v4;
	vm4 =	vge.f32 v26, v8  }
0x1a0: {  	vm9 =	vge.f32 v50, v8;
	v60 =	vadd.s32 v7, v59;
	v7 =	vsel vm4, $0x1, v4  }
0x1a1: {  	[tilespmem:$0x1FDC0] =	vst v5;
	v5 =	vimm.s32 $0x0;
	v61 =	vadd.s32 v7, v60;
	v7 =	vsel vm6, $0x1, v4  }
0x1a2: {  	v9 =	vsel vm10, $0x1, v4;
	v5 =	vsel vm4, $0xFFFFFFFF, v5;
	v62 =	vadd.s32 v7, v61  }
0x1a3: {  	v7 =	vadd.s32 $0x2B4, v0;
	v63 =	vadd.s32 v9, v62;
	v9 =	vsel vm9, $0x1, v4  }
0x1a4: {  	vm11 =	vlt.s32 v11, v7;
	vm15 =	vlt.s32 v34, v7;
	v49 =	vadd.s32 v9, v63  }
0x1a5: {  	[tilespmem:$0x1FDD0] =	vst v5;
	vm14 =	vlt.s32 v63, v7;
	v5 =	vsel vm11, v11, v7;
	v40 =	vsel vm15, v34, v7  }
0x1a6: {  	v52 =	vsel vm14, v63, v7;
	vm11 =	vlt.s32 v49, v7;
	vm14 =	vlt.s32 v61, v7  }
0x1a7: {  	v51 =	vld [tilespmem:s0+$0x70];
	v53 =	vsel vm11, v49, v7;
	vm11 =	vlt.s32 v60, v7;
	v48 =	vsel vm14, v61, v7  }
0x1a8: {  	vm14 =	vlt.s32 v58, v7;
	v45 =	vsel vm11, v60, v7;
	vm11 =	vlt.s32 v62, v7  }
0x1a9: {  	v44 =	vsel vm14, v58, v7;
	vm14 =	vlt.s32 v33, v7;
	v54 =	vsel vm11, v62, v7  }
0x1aa: {  	vm11 =	vlt.s32 v57, v7;
	v38 =	vsel vm14, v33, v7;
	vm14 =	vlt.s32 v35, v7  }
0x1ab: {  	v42 =	vsel vm11, v57, v7;
	vm11 =	vlt.s32 v59, v7;
	v43 =	vsel vm14, v35, v7  }
0x1ac: {  	s29 =	simm.s32 $0x700;
	[tilespmem:$0x1FDE0] =	vst v5;
	vm14 =	vlt.s32 v28, v7;
	v47 =	vsel vm11, v59, v7;
	vm11 =	vge.f32 v51, v8  }
0x1ad: {  	v34 =	vld [tilespmem:s29+$0xFFFFFE00];
	[tilespmem:v5+s18+$0x0] =	vst.idx.msk vm7, v25;
	vm7 =	vlt.s32 v29, v7;
	v35 =	vsel vm14, v28, v7  }
0x1ae: {  	v33 =	vld [tilespmem:s29+$0xFFFFFE50];
	v39 =	vsel vm7, v29, v7;
	vm7 =	vlt.s32 v32, v7;
	v25 =	vsel vm11, $0x1, v4  }
0x1af: {  	v28 =	vld [tilespmem:s29+$0xFFFFFE10];
	[tilespmem:v52+s18+$0x0] =	vst.idx.msk vm9, v50;
	vm9 =	vmmov vm1;
	vm1 =	vmmov vm3;
	v49 =	vadd.s32 v25, v49  }
0x1b0: {  	v29 =	vld [tilespmem:s29+$0xFFFFFE20];
	v41 =	vsel vm7, v32, v7;
	vm7 =	vlt.s32 v31, v7;
	vm14 =	vlt.s32 v49, v7  }
0x1b1: {  	v32 =	vld [tilespmem:s29+$0xFFFFFE40];
	v37 =	vsel vm7, v31, v7;
	vm7 =	vmmov vm0;
	[tilespmem:v54+s18+$0x0] =	vst.idx.msk vm10, v46;
	v36 =	vsel vm14, v49, v7  }
0x1b2: {  	s30 =	simm.s32 $0x10;
	v31 =	vld [tilespmem:s29+$0xFFFFFE30];
	vm0 =	vmmov vm2;
	v25 =	vmovc v7;
	[tilespmem:v53+s18+$0x0] =	vst.idx.msk vm11, v51;
	vm11 =	vmmov vm8;
	vm8 =	vge.f32 v34, v8  }
.LBB2_7:
0x1b3: {  	_ =	sdelay $0x3  }
0x1b4: {  	v5 =	vimm.s32 $0x0;
	vm2 =	vge.f32 v28, v8  }
0x1b5: {  	v5 =	vsel vm2, $0xFFFFFFFF, v5  }
0x1b6: {  	vm3 =	vge.f32 v29, v8;
	[tilespmem:$0x1FD40] =	vst v5;
	v5 =	vimm.s32 $0x0  }
0x1b7: {  	v5 =	vsel vm3, $0xFFFFFFFF, v5  }
0x1b8: {  	[tilespmem:$0x1FD50] =	vst v5;
	v5 =	vld [tilespmem:$0x1FDD0];
	_ =	sdelay $0x4  }
0x1b9: {  	[tilespmem:v48+s18+$0x0] =	vst.idx.msk vm6, v30;
	v30 =	vsel vm2, $0x1, v4;
	vm2 =	vnez.u8 v5;
	_ =	sdelay $0x5  }
0x1ba: {  	v5 =	vimm.s32 $0x0;
	[tilespmem:v45+s18+$0x0] =	vst.idx.msk vm2, v26;
	v26 =	vsel vm3, $0x1, v4;
	vm3 =	vge.f32 v31, v8  }
0x1bb: {  	v5 =	vsel vm3, $0xFFFFFFFF, v5  }
0x1bc: {  	[tilespmem:$0x1FD60] =	vst v5;
	v5 =	vld [tilespmem:$0x1FDC0];
	_ =	sdelay $0x4  }
0x1bd: {  	vm2 =	vnez.u8 v5;
	_ =	sdelay $0x5  }
0x1be: {  	v5 =	vimm.s32 $0x0;
	[tilespmem:v47+s18+$0x0] =	vst.idx.msk vm2, v22;
	v22 =	vsel vm3, $0x1, v4;
	vm3 =	vge.f32 v32, v8  }
0x1bf: {  	v5 =	vsel vm3, $0xFFFFFFFF, v5  }
0x1c0: {  	[tilespmem:$0x1FD80] =	vst v5;
	v5 =	vld [tilespmem:$0x1FDB0];
	_ =	sdelay $0x4  }
0x1c1: {  	vm2 =	vnez.u8 v5;
	_ =	sdelay $0x2  }
0x1c2: {  	v50 =	vld [tilespmem:s29+$0xFFFFFE60]  }
0x1c3: {  	v46 =	vsel vm8, $0x1, v4  }
0x1c4: {  	v46 =	vadd.s32 v46, v49  }
0x1c5: {  	v51 =	vadd.s32 v30, v46;
	v5 =	vimm.s32 $0x0;
	[tilespmem:v44+s18+$0x0] =	vst.idx.msk vm2, v15;
	vm2 =	vge.f32 v33, v8  }
0x1c6: {  	v52 =	vadd.s32 v26, v51;
	v5 =	vsel vm2, $0xFFFFFFFF, v5  }
0x1c7: {  	v26 =	vsel vm3, $0x1, v4;
	vm3 =	vge.f32 v50, v8;
	[tilespmem:$0x1FD90] =	vst v5;
	v5 =	vimm.s32 $0x0  }
0x1c8: {  	v5 =	vsel vm3, $0xFFFFFFFF, v5  }
0x1c9: {  	[tilespmem:$0x1FD10] =	vst v5;
	v5 =	vld [tilespmem:$0x1FDA0];
	_ =	sdelay $0x4  }
0x1ca: {  	v63 =	vld [tilespmem:s29+$0x0];
	[tilespmem:v42+s18+$0x0] =	vst.idx.msk vm13, v27;
	v27 =	vsel vm2, $0x1, v4;
	vm2 =	vnez.u8 v5  }
0x1cb: {  	vm6 =	vmmov vm5;
	v62 =	vld [tilespmem:s29+$0xFFFFFE70];
	_ =	sdelay $0x1  }
0x1cc: {  	v53 =	vadd.s32 v22, v52;
	v22 =	vld [tilespmem:s29+$0x20]  }
0x1cd: {  	v15 =	vld [tilespmem:s29+$0x10]  }
0x1ce: {  	[tilespmem:v38+s18+$0x0] =	vst.idx.msk vm1, v23  }
0x1cf: {  	v5 =	vimm.s32 $0x0;
	[tilespmem:v43+s18+$0x0] =	vst.idx.msk vm2, v24;
	vm2 =	vge.f32 v62, v8  }
0x1d0: {  	[tilespmem:v40+s18+$0x0] =	vst.idx.msk vm6, v21;
	v54 =	vadd.s32 v26, v53;
	v5 =	vsel vm2, $0xFFFFFFFF, v5  }
0x1d1: {  	v21 =	vsel vm2, $0x1, v4;
	vm2 =	vge.f32 v63, v8;
	[tilespmem:$0x1FDA0] =	vst v5;
	v5 =	vimm.s32 $0x0  }
0x1d2: {  	[tilespmem:v41+s18+$0x0] =	vst.idx.msk vm0, v20;
	v26 =	vld [tilespmem:s29+$0x30];
	vm0 =	vge.f32 v22, v8;
	vm1 =	vge.f32 v15, v8;
	v5 =	vsel vm2, $0xFFFFFFFF, v5  }
0x1d3: {  	v43 =	vadd.s32 v27, v54;
	v24 =	vsel vm3, $0x1, v4;
	[tilespmem:$0x1FCF0] =	vst v5;
	v5 =	vimm.s32 $0x0  }
0x1d4: {  	[tilespmem:v39+s18+$0x0] =	vst.idx.msk vm11, v14;
	v30 =	vld [tilespmem:s29+$0x40];
	v14 =	vsel vm0, $0x1, v4;
	v55 =	vadd.s32 v24, v43;
	v5 =	vsel vm1, $0xFFFFFFFF, v5  }
0x1d5: {  	v38 =	vadd.s32 v21, v55;
	v21 =	vsel vm2, $0x1, v4;
	[tilespmem:$0x1FDB0] =	vst v5;
	v5 =	vimm.s32 $0x0  }
0x1d6: {  	v56 =	vld [tilespmem:s29+$0x50];
	v20 =	vsel vm1, $0x1, v4;
	v40 =	vadd.s32 v21, v38;
	v5 =	vsel vm0, $0xFFFFFFFF, v5  }
0x1d7: {  	v39 =	vadd.s32 v20, v40;
	vm0 =	vge.f32 v26, v8;
	[tilespmem:$0x1FDC0] =	vst v5;
	v5 =	vimm.s32 $0x0  }
0x1d8: {  	v57 =	vld [tilespmem:s29+$0x60];
	[tilespmem:v35+s18+$0x0] =	vst.idx.msk vm9, v12;
	v41 =	vadd.s32 v14, v39;
	v5 =	vsel vm0, $0xFFFFFFFF, v5  }
0x1d9: {  	v12 =	vsel vm0, $0x1, v4;
	vm0 =	vge.f32 v30, v8;
	[tilespmem:$0x1FDD0] =	vst v5;
	v5 =	vimm.s32 $0x0  }
0x1da: {  	v58 =	vld [tilespmem:s29+$0x70];
	v42 =	vadd.s32 v12, v41;
	v5 =	vsel vm0, $0xFFFFFFFF, v5  }
0x1db: {  	v12 =	vsel vm0, $0x1, v4;
	vm0 =	vge.f32 v56, v8;
	[tilespmem:$0x1FD00] =	vst v5;
	v5 =	vimm.s32 $0x0  }
0x1dc: {  	v59 =	vadd.s32 v12, v42;
	v5 =	vsel vm0, $0xFFFFFFFF, v5  }
0x1dd: {  	v9 =	vsel vm0, $0x1, v4;
	vm0 =	vge.f32 v57, v8;
	[tilespmem:$0x1FD70] =	vst v5;
	v5 =	vimm.s32 $0x0  }
0x1de: {  	v60 =	vadd.s32 v9, v59;
	v5 =	vsel vm0, $0xFFFFFFFF, v5  }
0x1df: {  	v9 =	vsel vm0, $0x1, v4;
	vm0 =	vge.f32 v58, v8;
	[tilespmem:$0x1FD30] =	vst v5;
	v5 =	vimm.s32 $0x0  }
0x1e0: {  	[tilespmem:v37+s18+$0x0] =	vst.idx.msk vm7, v10;
	v5 =	vsel vm0, $0xFFFFFFFF, v5  }
0x1e1: {  	v10 =	vmov v28;
	v28 =	vadd.s32 v9, v60;
	[tilespmem:$0x1FD20] =	vst v5;
	v5 =	vsel vm0, $0x1, v4  }
0x1e2: {  	v49 =	vadd.s32 v5, v28;
	v5 =	vld [tilespmem:$0x1FCF0];
	_ =	sdelay $0x3  }
0x1e3: {  	vm13 =	vlt.s32 v38, v25;
	vm3 =	vlt.s32 v42, v25  }
0x1e4: {  	v48 =	vsel vm3, v42, v25;
	v42 =	vsel vm13, v38, v25;
	vm13 =	vnez.u8 v5;
	v5 =	vld [tilespmem:$0x1FD00];
	_ =	sdelay $0x3  }
0x1e5: {  	vm6 =	vlt.s32 v54, v25  }
0x1e6: {  	v38 =	vsel vm6, v54, v25;
	vm6 =	vnez.u8 v5;
	v5 =	vld [tilespmem:$0x1FD10];
	_ =	sdelay $0x3  }
0x1e7: {  	vm5 =	vlt.s32 v49, v7  }
0x1e8: {  	[tilespmem:v36+s18+$0x0] =	vst.idx.msk vm8, v34;
	v36 =	vsel vm5, v49, v7;
	vm5 =	vnez.u8 v5;
	v5 =	vld [tilespmem:$0x1FD20];
	_ =	sdelay $0x2  }
0x1e9: {  	vm4 =	vlt.s32 v40, v25  }
0x1ea: {  	v44 =	vsel vm4, v40, v25;
	vm0 =	vlt.s32 v43, v25  }
0x1eb: {  	vm11 =	vlt.s32 v28, v25;
	v40 =	vsel vm0, v43, v25;
	vm0 =	vnez.u8 v5  }
0x1ec: {  	v24 =	vmov v62;
	v62 =	vsel vm11, v28, v25;
	v5 =	vld [tilespmem:$0x1FD30];
	_ =	sdelay $0x4  }
0x1ed: {  	vm15 =	vlt.s32 v60, v25;
	[tilespmem:v62+s18+$0x0] =	vst.idx.msk vm0, v58;
	vm0 =	vnez.u8 v5  }
0x1ee: {  	v61 =	vsel vm15, v60, v25;
	v5 =	vld [tilespmem:$0x1FD40];
	_ =	sdelay $0x4  }
0x1ef: {  	[tilespmem:v61+s18+$0x0] =	vst.idx.msk vm0, v57;
	vm0 =	vnez.u8 v5;
	v5 =	vld [tilespmem:$0x1FD50];
	_ =	sdelay $0x3  }
0x1f0: {  	vm7 =	vlt.s32 v46, v25  }
0x1f1: {  	v37 =	vsel vm7, v46, v25;
	vm7 =	vmmov vm0;
	vm0 =	vnez.u8 v5;
	v5 =	vld [tilespmem:$0x1FD60];
	_ =	sdelay $0x3  }
0x1f2: {  	vm9 =	vlt.s32 v59, v25  }
0x1f3: {  	v27 =	vmovc v63;
	v63 =	vsel vm9, v59, v25;
	vm9 =	vmmov vm0;
	vm0 =	vnez.u8 v5;
	v5 =	vld [tilespmem:$0x1FD70];
	_ =	sdelay $0x4  }
0x1f4: {  	vm11 =	vmmov vm0;
	vm0 =	vnez.u8 v5;
	v5 =	vld [tilespmem:$0x1FD80];
	_ =	sdelay $0x2  }
0x1f5: {  	s29 =	sadd.s32 $0x400, s29  }
0x1f6: {  	v34 =	vld [tilespmem:s29+$0xFFFFFE00];
	vm1 =	vlt.s32 v51, v25  }
0x1f7: {  	s30 =	sadd.s32 $0x10, s30;
	v35 =	vsel vm1, v51, v25;
	vm1 =	vnez.u8 v5;
	v5 =	vld [tilespmem:$0x1FD90]  }
0x1f8: {  	p0 =	slt.u32 s30, $0xF0  }
.Ltmp4:
0x1f9: {  	v23 =	vmov v33;
	vm14 =	vlt.s32 v53, v25;
	v33 =	vld [tilespmem:s29+$0xFFFFFE50];
	vm12 =	vlt.s32 v55, v25;
	(pc) =	sbr.rel @p0 .LBB2_7-.Ltmp4, $4  }
0x1fa: {  	vm2 =	vlt.s32 v52, v25;
	v20 =	vmovc v32;
	v32 =	vld [tilespmem:s29+$0xFFFFFE40];
	vm8 =	vlt.s32 v39, v25;
	vm10 =	vlt.s32 v41, v25  }
0x1fb: {  	v14 =	vmovc v31;
	v31 =	vld [tilespmem:s29+$0xFFFFFE30];
	v47 =	vsel vm8, v39, v25;
	v39 =	vsel vm2, v52, v25;
	vm8 =	vge.f32 v34, v8  }
0x1fc: {  	v21 =	vmovc v50;
	v45 =	vsel vm10, v41, v25;
	v41 =	vsel vm14, v53, v25;
	v12 =	vmovc v29;
	v29 =	vld [tilespmem:s29+$0xFFFFFE20];
	vm2 =	vnez.u8 v5  }
0x1fd: {  	v28 =	vld [tilespmem:s29+$0xFFFFFE10];
	v43 =	vsel vm12, v55, v25;
	v25 =	vmovc v7;
	[tilespmem:v63+s18+$0x0] =	vst.idx.msk vm0, v56;
	vm0 =	vmmov vm1;
	vm1 =	vmmov vm2  }
0x1fe: {  	_ =	sdelay $0x3  }
0x1ff: {  	v5 =	vimm.s32 $0x0;
	vm2 =	vge.f32 v28, v8  }
0x200: {  	v5 =	vsel vm2, $0xFFFFFFFF, v5  }
0x201: {  	vm3 =	vmmov vm5;
	[tilespmem:$0x1FC80] =	vst v5;
	v5 =	vimm.s32 $0x0  }
0x202: {  	v5 =	vsel vm3, $0xFFFFFFFF, v5  }
0x203: {  	v63 =	vsel vm2, $0x1, v4;
	vm2 =	vge.f32 v29, v8;
	v50 =	vld [tilespmem:s29+$0xFFFFFE60];
	[tilespmem:$0x1FC40] =	vst v5;
	v5 =	vimm.s32 $0x0  }
0x204: {  	v5 =	vsel vm2, $0xFFFFFFFF, v5  }
0x205: {  	[tilespmem:$0x1FC70] =	vst v5  }
0x206: {  	v52 =	vsel vm2, $0x1, v4;
	vm2 =	vge.f32 v31, v8;
	v5 =	vimm.s32 $0x0;
	v51 =	vld [tilespmem:s29+$0xFFFFFE70]  }
0x207: {  	v5 =	vsel vm2, $0xFFFFFFFF, v5  }
0x208: {  	v54 =	vsel vm2, $0x1, v4;
	vm2 =	vge.f32 v32, v8;
	[tilespmem:$0x1FC60] =	vst v5;
	v5 =	vimm.s32 $0x0  }
0x209: {  	v53 =	vld [tilespmem:s29+$0x0];
	v5 =	vsel vm2, $0xFFFFFFFF, v5  }
0x20a: {  	v55 =	vld [tilespmem:s29+$0x10];
	[tilespmem:$0x1FC50] =	vst v5  }
0x20b: {  	v56 =	vsel vm2, $0x1, v4;
	v5 =	vimm.s32 $0x0;
	v57 =	vld [tilespmem:s29+$0x20];
	vm2 =	vge.f32 v51, v8  }
0x20c: {  	v59 =	vld [tilespmem:s29+$0x30];
	v5 =	vsel vm2, $0xFFFFFFFF, v5  }
0x20d: {  	v61 =	vld [tilespmem:s29+$0x40];
	[tilespmem:$0x1FC90] =	vst v5  }
0x20e: {  	[tilespmem:v48+s18+$0x0] =	vst.idx.msk vm6, v30  }
0x20f: {  	v9 =	vld [tilespmem:$0x1FDD0];
	_ =	sdelay $0x4  }
0x210: {  	v62 =	vsel vm2, $0x1, v4;
	vm2 =	vnez.u8 v9;
	_ =	sdelay $0x5  }
0x211: {  	[tilespmem:v45+s18+$0x0] =	vst.idx.msk vm2, v26  }
0x212: {  	v9 =	vld [tilespmem:$0x1FDC0];
	_ =	sdelay $0x4  }
0x213: {  	vm2 =	vnez.u8 v9;
	_ =	sdelay $0x5  }
0x214: {  	[tilespmem:v47+s18+$0x0] =	vst.idx.msk vm2, v22  }
0x215: {  	v9 =	vld [tilespmem:$0x1FDB0];
	_ =	sdelay $0x4  }
0x216: {  	vm2 =	vnez.u8 v9;
	_ =	sdelay $0x4  }
0x217: {  	[tilespmem:v42+s18+$0x0] =	vst.idx.msk vm13, v27  }
0x218: {  	[tilespmem:v44+s18+$0x0] =	vst.idx.msk vm2, v15  }
0x219: {  	v9 =	vld [tilespmem:$0x1FDA0];
	_ =	sdelay $0x2  }
0x21a: {  	v46 =	vsel vm8, $0x1, v4  }
0x21b: {  	v46 =	vadd.s32 v46, v49  }
0x21c: {  	v49 =	vadd.s32 v63, v46;
	vm15 =	vnez.u8 v9  }
0x21d: {  	v52 =	vadd.s32 v52, v49  }
0x21e: {  	vm12 =	vge.f32 v33, v8;
	v54 =	vadd.s32 v54, v52  }
0x21f: {  	v58 =	vsel vm12, $0x1, v4;
	vm4 =	vge.f32 v50, v8;
	v56 =	vadd.s32 v56, v54  }
0x220: {  	v60 =	vsel vm4, $0x1, v4;
	v58 =	vadd.s32 v58, v56  }
0x221: {  	v60 =	vadd.s32 v60, v58;
	v18 =	vld [tilespmem:s29+$0x60]  }
0x222: {  	vm14 =	vge.f32 v53, v8;
	vm10 =	vge.f32 v55, v8;
	v63 =	vld [tilespmem:s29+$0x50];
	[tilespmem:v43+s18+$0x0] =	vst.idx.msk vm15, v24  }
0x223: {  	v62 =	vadd.s32 v62, v60;
	v5 =	vsel vm14, $0x1, v4;
	v30 =	vsel vm10, $0x1, v4;
	v9 =	vld [tilespmem:$0x1FC40]  }
0x224: {  	v5 =	vadd.s32 v5, v62;
	vm6 =	vge.f32 v57, v8;
	vm5 =	vge.f32 v59, v8  }
0x225: {  	vm3 =	vge.f32 v61, v8;
	v26 =	vadd.s32 v30, v5;
	v30 =	vsel vm6, $0x1, v4  }
0x226: {  	v48 =	vsel vm5, $0x1, v4;
	v30 =	vadd.s32 v30, v26;
	vm13 =	vge.f32 v18, v8  }
0x227: {  	v15 =	vadd.s32 v48, v30;
	v48 =	vsel vm3, $0x1, v4;
	vm2 =	vge.f32 v63, v8  }
0x228: {  	v27 =	vadd.s32 v48, v15;
	v48 =	vsel vm2, $0x1, v4;
	[tilespmem:v38+s18+$0x0] =	vst.idx.msk vm1, v23;
	vm15 =	vnez.u8 v9  }
0x229: {  	v22 =	vld [tilespmem:s29+$0x70];
	v42 =	vadd.s32 v48, v27;
	v24 =	vsel vm13, $0x1, v4;
	[tilespmem:v41+s18+$0x0] =	vst.idx.msk vm0, v20  }
0x22a: {  	v24 =	vadd.s32 v24, v42;
	vm0 =	vlt.s32 v42, v25;
	[tilespmem:v39+s18+$0x0] =	vst.idx.msk vm11, v14  }
0x22b: {  	[tilespmem:v35+s18+$0x0] =	vst.idx.msk vm9, v12;
	v14 =	vsel vm0, v42, v25;
	vm0 =	vlt.s32 v27, v25  }
0x22c: {  	[tilespmem:v37+s18+$0x0] =	vst.idx.msk vm7, v10;
	v12 =	vsel vm0, v27, v25;
	vm0 =	vlt.s32 v15, v25  }
0x22d: {  	vm1 =	vlt.s32 v24, v25;
	v10 =	vsel vm0, v15, v25;
	vm0 =	vlt.s32 v30, v25  }
0x22e: {  	v15 =	vsel vm0, v30, v25;
	[tilespmem:v40+s18+$0x0] =	vst.idx.msk vm15, v21;
	vm15 =	vge.f32 v22, v8  }
0x22f: {  	[tilespmem:v36+s18+$0x0] =	vst.idx.msk vm8, v34;
	v8 =	vsel vm1, v24, v25  }
0x230: {  	[tilespmem:v14+s18+$0x0] =	vst.idx.msk vm13, v18  }
0x231: {  	[tilespmem:v12+s18+$0x0] =	vst.idx.msk vm2, v63  }
0x232: {  	[tilespmem:v10+s18+$0x0] =	vst.idx.msk vm3, v61  }
0x233: {  	vm0 =	vlt.s32 v26, v25;
	[tilespmem:v15+s18+$0x0] =	vst.idx.msk vm5, v59  }
0x234: {  	v20 =	vsel vm0, v26, v25;
	[tilespmem:v8+s18+$0x0] =	vst.idx.msk vm15, v22  }
0x235: {  	v9 =	vld [tilespmem:$0x1FC50];
	_ =	sdelay $0x2  }
0x236: {  	vm0 =	vlt.s32 v5, v25  }
0x237: {  	v5 =	vsel vm0, v5, v25;
	vm2 =	vlt.s32 v56, v25;
	[tilespmem:v20+s18+$0x0] =	vst.idx.msk vm6, v57  }
0x238: {  	v14 =	vsel vm2, v56, v25;
	vm2 =	vnez.u8 v9;
	v9 =	vld [tilespmem:$0x1FC60];
	_ =	sdelay $0x2  }
0x239: {  	vm0 =	vlt.s32 v62, v25  }
0x23a: {  	vm3 =	vlt.s32 v54, v25;
	v8 =	vsel vm0, v62, v25;
	[tilespmem:v5+s18+$0x0] =	vst.idx.msk vm10, v55  }
0x23b: {  	v15 =	vsel vm3, v54, v25;
	vm3 =	vnez.u8 v9;
	v9 =	vld [tilespmem:$0x1FC70];
	_ =	sdelay $0x2  }
0x23c: {  	vm1 =	vlt.s32 v60, v25  }
0x23d: {  	v12 =	vsel vm1, v60, v25;
	vm1 =	vmmov vm4;
	vm4 =	vlt.s32 v52, v25;
	[tilespmem:v8+s18+$0x0] =	vst.idx.msk vm14, v53  }
0x23e: {  	v5 =	vsel vm4, v52, v25;
	vm4 =	vnez.u8 v9;
	v9 =	vld [tilespmem:$0x1FC80];
	_ =	sdelay $0x3  }
0x23f: {  	vm5 =	vlt.s32 v49, v25  }
0x240: {  	v8 =	vsel vm5, v49, v25;
	vm5 =	vnez.u8 v9;
	v9 =	vld [tilespmem:$0x1FC90];
	_ =	sdelay $0x3  }
0x241: {  	vm0 =	vlt.s32 v58, v25  }
0x242: {  	v10 =	vsel vm0, v58, v25;
	vm7 =	vnez.u8 v9;
	_ =	sdelay $0x1  }
0x243: {  	vm2 =	vmmov vm2  }
0x244: {  	vm3 =	vmmov vm3  }
0x245: {  	vm4 =	vmmov vm4  }
0x246: {  	vm6 =	vlt.s32 v46, v25;
	[tilespmem:v10+s18+$0x0] =	vst.idx.msk vm1, v50;
	vm5 =	vmmov vm5  }
0x247: {  	[tilespmem:v12+s18+$0x0] =	vst.idx.msk vm7, v51;
	v12 =	vsel vm6, v46, v25  }
0x248: {  	[tilespmem:v14+s18+$0x0] =	vst.idx.msk vm12, v33  }
0x249: {  	[tilespmem:v15+s18+$0x0] =	vst.idx.msk vm2, v32  }
0x24a: {  	[tilespmem:v5+s18+$0x0] =	vst.idx.msk vm3, v31  }
0x24b: {  	[tilespmem:v8+s18+$0x0] =	vst.idx.msk vm4, v29  }
0x24c: {  	[tilespmem:v12+s18+$0x0] =	vst.idx.msk vm5, v28  }
0x24d: {  	s0 =	simm.s32 $0x380;
	v20 =	vld [tilespmem:s26+$0x8B30]  }
0x24e: {  	v5 =	vld [tilespmem:s0+$0xFFFFFE00]  }
0x24f: {  	v21 =	vld [tilespmem:s0+$0xFFFFFE10]  }
0x250: {  	v22 =	vld [tilespmem:s0+$0xFFFFFE20]  }
0x251: {  	v15 =	vld [tilespmem:s0+$0xFFFFFE30]  }
0x252: {  	v23 =	vld [tilespmem:s0+$0xFFFFFE40]  }
0x253: {  	vm0 =	vmmov vm12;
	v28 =	vld [tilespmem:s0+$0xFFFFFE50];
	vm7 =	vge.f32 v5, v20  }
0x254: {  	v12 =	vadd.s32 $0x3F0, v0;
	v25 =	vld [tilespmem:s0+$0xFFFFFE60];
	vm0 =	vge.f32 v21, v20;
	v8 =	vsel vm7, $0x1, v4  }
0x255: {  	v30 =	vld [tilespmem:s0+$0xFFFFFE70];
	vm1 =	vge.f32 v22, v20;
	v18 =	vadd.s32 v8, v12;
	v8 =	vsel vm0, $0x1, v4  }
0x256: {  	vm8 =	vge.f32 v15, v20;
	v27 =	vadd.s32 v8, v18;
	v8 =	vsel vm1, $0x1, v4  }
0x257: {  	v35 =	vld [tilespmem:s0+$0x0];
	vm2 =	vge.f32 v23, v20;
	v29 =	vadd.s32 v8, v27;
	v8 =	vsel vm8, $0x1, v4  }
0x258: {  	vm3 =	vge.f32 v28, v20;
	v32 =	vadd.s32 v8, v29;
	v8 =	vsel vm2, $0x1, v4  }
0x259: {  	vm5 =	vge.f32 v25, v20;
	v33 =	vadd.s32 v8, v32;
	v8 =	vsel vm3, $0x1, v4  }
0x25a: {  	v14 =	vld [tilespmem:s0+$0x10];
	vm14 =	vge.f32 v30, v20;
	v34 =	vadd.s32 v8, v33;
	v8 =	vsel vm5, $0x1, v4  }
0x25b: {  	v26 =	vld [tilespmem:s0+$0x20];
	v36 =	vadd.s32 v8, v34;
	v8 =	vsel vm14, $0x1, v4  }
0x25c: {  	v31 =	vld [tilespmem:s0+$0x30];
	vm4 =	vge.f32 v35, v20;
	v38 =	vadd.s32 v8, v36;
	v8 =	vimm.s32 $0x0  }
0x25d: {  	v37 =	vld [tilespmem:s0+$0x40];
	v8 =	vsel vm4, $0xFFFFFFFF, v8  }
0x25e: {  	v50 =	vld [tilespmem:s0+$0x50];
	[tilespmem:$0x1FCA0] =	vst v8;
	v8 =	vsel vm4, $0x1, v4  }
0x25f: {  	vm4 =	vge.f32 v14, v20;
	v39 =	vadd.s32 v8, v38;
	v8 =	vimm.s32 $0x0  }
0x260: {  	v8 =	vsel vm4, $0xFFFFFFFF, v8  }
0x261: {  	v53 =	vld [tilespmem:s0+$0x60];
	[tilespmem:$0x1FCB0] =	vst v8;
	v8 =	vsel vm4, $0x1, v4  }
0x262: {  	vm4 =	vge.f32 v26, v20;
	v40 =	vadd.s32 v8, v39;
	v8 =	vimm.s32 $0x0  }
0x263: {  	v8 =	vsel vm4, $0xFFFFFFFF, v8  }
0x264: {  	[tilespmem:$0x1FCC0] =	vst v8;
	v8 =	vsel vm4, $0x1, v4  }
0x265: {  	vm4 =	vge.f32 v31, v20;
	v51 =	vadd.s32 v8, v40;
	v8 =	vimm.s32 $0x0  }
0x266: {  	v8 =	vsel vm4, $0xFFFFFFFF, v8  }
0x267: {  	vm6 =	vge.f32 v37, v20;
	[tilespmem:$0x1FCD0] =	vst v8;
	v8 =	vsel vm4, $0x1, v4  }
0x268: {  	vm11 =	vge.f32 v50, v20;
	v42 =	vadd.s32 v8, v51;
	v8 =	vsel vm6, $0x1, v4  }
0x269: {  	vm9 =	vge.f32 v53, v20;
	v63 =	vadd.s32 v8, v42;
	v8 =	vsel vm11, $0x1, v4  }
0x26a: {  	v10 =	vsel vm9, $0x1, v4;
	v59 =	vadd.s32 v8, v63  }
0x26b: {  	v55 =	vsel vm15, $0x1, v4;
	v8 =	vadd.s32 $0x404, v0;
	v60 =	vadd.s32 v10, v59  }
0x26c: {  	v57 =	vld [tilespmem:s0+$0x70];
	vm10 =	vlt.s32 v12, v8;
	vm12 =	vlt.s32 v59, v8;
	vm4 =	vlt.s32 v60, v8  }
0x26d: {  	v0 =	vsel vm10, v12, v8;
	v61 =	vsel vm12, v59, v8;
	vm10 =	vlt.s32 v63, v8  }
0x26e: {  	vm12 =	vlt.s32 v51, v8;
	v62 =	vsel vm4, v60, v8;
	vm4 =	vlt.s32 v42, v8  }
0x26f: {  	v49 =	vsel vm12, v51, v8;
	v63 =	vsel vm10, v63, v8;
	vm10 =	vlt.s32 v40, v8  }
0x270: {  	vm12 =	vlt.s32 v38, v8;
	v54 =	vsel vm4, v42, v8;
	vm4 =	vlt.s32 v39, v8  }
0x271: {  	v46 =	vsel vm12, v38, v8;
	v52 =	vsel vm10, v40, v8;
	vm10 =	vge.f32 v57, v20  }
0x272: {  	vm12 =	vlt.s32 v33, v8;
	v48 =	vsel vm4, v39, v8;
	vm4 =	vlt.s32 v34, v8  }
0x273: {  	s29 =	simm.s32 $0x780;
	[tilespmem:$0x1FCE0] =	vst v0;
	v43 =	vsel vm12, v33, v8;
	vm12 =	vlt.s32 v36, v8;
	v33 =	vadd.s32 v55, v24  }
0x274: {  	v38 =	vld [tilespmem:s29+$0xFFFFFE00];
	v44 =	vsel vm4, v34, v8;
	v47 =	vsel vm12, v36, v8;
	[tilespmem:v0+s18+$0x0] =	vst.idx.msk vm7, v5  }
0x275: {  	v5 =	vsel vm10, $0x1, v4;
	vm7 =	vlt.s32 v27, v8;
	[tilespmem:v61+s18+$0x0] =	vst.idx.msk vm9, v53;
	vm9 =	vmmov vm1  }
0x276: {  	v34 =	vld [tilespmem:s29+$0xFFFFFE40];
	v51 =	vadd.s32 v5, v60;
	v40 =	vsel vm7, v27, v8;
	vm7 =	vlt.s32 v29, v8  }
0x277: {  	v36 =	vld [tilespmem:s29+$0xFFFFFE50];
	v42 =	vsel vm7, v29, v8;
	vm7 =	vlt.s32 v32, v8;
	vm12 =	vlt.s32 v51, v8  }
0x278: {  	vm1 =	vmmov vm3;
	v27 =	vld [tilespmem:s29+$0xFFFFFE10];
	v45 =	vsel vm7, v32, v8;
	v39 =	vsel vm12, v51, v8  }
0x279: {  	v29 =	vld [tilespmem:s29+$0xFFFFFE20];
	vm7 =	vlt.s32 v18, v8;
	[tilespmem:v62+s18+$0x0] =	vst.idx.msk vm10, v57;
	vm10 =	vmmov vm8;
	vm8 =	vge.f32 v38, v20  }
0x27a: {  	s30 =	simm.s32 $0x10;
	v24 =	vmovc v8;
	[tilespmem:v63+s18+$0x0] =	vst.idx.msk vm11, v50;
	v32 =	vld [tilespmem:s29+$0xFFFFFE30];
	v41 =	vsel vm7, v18, v8;
	vm7 =	vmmov vm0;
	vm0 =	vmmov vm2  }
.LBB2_9:
0x27b: {  	_ =	sdelay $0x2  }
0x27c: {  	v0 =	vimm.s32 $0x0;
	vm2 =	vge.f32 v27, v20  }
0x27d: {  	v0 =	vsel vm2, $0xFFFFFFFF, v0  }
0x27e: {  	vm3 =	vge.f32 v29, v20;
	[tilespmem:$0x1FBE0] =	vst v0;
	v0 =	vimm.s32 $0x0  }
0x27f: {  	v0 =	vsel vm3, $0xFFFFFFFF, v0  }
0x280: {  	[tilespmem:$0x1FBF0] =	vst v0;
	v0 =	vld [tilespmem:$0x1FCD0];
	_ =	sdelay $0x3  }
0x281: {  	v5 =	vsel vm8, $0x1, v4  }
0x282: {  	v50 =	vadd.s32 v5, v51;
	v5 =	vsel vm2, $0x1, v4;
	vm2 =	vnez.u8 v0;
	_ =	sdelay $0x5  }
0x283: {  	v0 =	vimm.s32 $0x0;
	[tilespmem:v49+s18+$0x0] =	vst.idx.msk vm2, v31;
	v31 =	vsel vm3, $0x1, v4;
	vm3 =	vge.f32 v32, v20  }
0x284: {  	v0 =	vsel vm3, $0xFFFFFFFF, v0  }
0x285: {  	[tilespmem:$0x1FC00] =	vst v0;
	v0 =	vld [tilespmem:$0x1FCC0];
	_ =	sdelay $0x4  }
0x286: {  	vm2 =	vnez.u8 v0;
	_ =	sdelay $0x5  }
0x287: {  	v0 =	vimm.s32 $0x0;
	[tilespmem:v52+s18+$0x0] =	vst.idx.msk vm2, v26;
	v26 =	vsel vm3, $0x1, v4;
	vm3 =	vge.f32 v34, v20  }
0x288: {  	v0 =	vsel vm3, $0xFFFFFFFF, v0  }
0x289: {  	[tilespmem:$0x1FC20] =	vst v0;
	v0 =	vld [tilespmem:$0x1FCB0];
	_ =	sdelay $0x2  }
0x28a: {  	v5 =	vadd.s32 v5, v50  }
0x28b: {  	v53 =	vadd.s32 v31, v5;
	v31 =	vsel vm3, $0x1, v4  }
0x28c: {  	vm3 =	vge.f32 v36, v20;
	vm2 =	vnez.u8 v0;
	v0 =	vimm.s32 $0x0  }
0x28d: {  	v0 =	vsel vm3, $0xFFFFFFFF, v0  }
0x28e: {  	[tilespmem:$0x1FC30] =	vst v0;
	v0 =	vld [tilespmem:$0x1FCA0];
	_ =	sdelay $0x4  }
0x28f: {  	[tilespmem:v48+s18+$0x0] =	vst.idx.msk vm2, v14;
	vm2 =	vnez.u8 v0  }
0x290: {  	v18 =	vld [tilespmem:s29+$0xFFFFFE60];
	_ =	sdelay $0x1  }
0x291: {  	[tilespmem:v54+s18+$0x0] =	vst.idx.msk vm6, v37;
	vm6 =	vmmov vm5;
	v51 =	vld [tilespmem:s29+$0xFFFFFE70];
	_ =	sdelay $0x1  }
0x292: {  	[tilespmem:v43+s18+$0x0] =	vst.idx.msk vm1, v28;
	v49 =	vld [tilespmem:s29+$0x0]  }
0x293: {  	v55 =	vadd.s32 v26, v53;
	v26 =	vld [tilespmem:s29+$0x20];
	v0 =	vimm.s32 $0x0;
	[tilespmem:v46+s18+$0x0] =	vst.idx.msk vm2, v35;
	vm2 =	vge.f32 v18, v20  }
0x294: {  	[tilespmem:v47+s18+$0x0] =	vst.idx.msk vm14, v30;
	v14 =	vld [tilespmem:s29+$0x10];
	v0 =	vsel vm2, $0xFFFFFFFF, v0  }
0x295: {  	v30 =	vsel vm2, $0x1, v4;
	vm2 =	vge.f32 v51, v20;
	[tilespmem:$0x1FBA0] =	vst v0;
	v0 =	vimm.s32 $0x0  }
0x296: {  	[tilespmem:v44+s18+$0x0] =	vst.idx.msk vm6, v25;
	v56 =	vadd.s32 v31, v55;
	v60 =	vsel vm3, $0x1, v4;
	v0 =	vsel vm2, $0xFFFFFFFF, v0  }
0x297: {  	v25 =	vsel vm2, $0x1, v4;
	vm2 =	vge.f32 v49, v20;
	[tilespmem:$0x1FB90] =	vst v0;
	v0 =	vimm.s32 $0x0  }
0x298: {  	[tilespmem:v45+s18+$0x0] =	vst.idx.msk vm0, v23;
	v31 =	vld [tilespmem:s29+$0x30];
	v47 =	vadd.s32 v60, v56;
	v0 =	vsel vm2, $0xFFFFFFFF, v0  }
0x299: {  	vm0 =	vge.f32 v26, v20;
	vm1 =	vge.f32 v14, v20;
	[tilespmem:$0x1FCA0] =	vst v0;
	v0 =	vimm.s32 $0x0  }
0x29a: {  	[tilespmem:v42+s18+$0x0] =	vst.idx.msk vm10, v15;
	v37 =	vld [tilespmem:s29+$0x40];
	v15 =	vsel vm0, $0x1, v4;
	v57 =	vadd.s32 v30, v47;
	v0 =	vsel vm1, $0xFFFFFFFF, v0  }
0x29b: {  	v43 =	vadd.s32 v25, v57;
	v25 =	vsel vm2, $0x1, v4;
	[tilespmem:$0x1FCB0] =	vst v0;
	v0 =	vimm.s32 $0x0  }
0x29c: {  	v58 =	vld [tilespmem:s29+$0x50];
	v23 =	vsel vm1, $0x1, v4;
	v44 =	vadd.s32 v25, v43;
	v0 =	vsel vm0, $0xFFFFFFFF, v0  }
0x29d: {  	v42 =	vadd.s32 v23, v44;
	vm0 =	vge.f32 v31, v20;
	[tilespmem:$0x1FCC0] =	vst v0;
	v0 =	vimm.s32 $0x0  }
0x29e: {  	v59 =	vld [tilespmem:s29+$0x60];
	v61 =	vadd.s32 v15, v42;
	v0 =	vsel vm0, $0xFFFFFFFF, v0  }
0x29f: {  	v15 =	vsel vm0, $0x1, v4;
	vm0 =	vge.f32 v37, v20;
	[tilespmem:$0x1FCD0] =	vst v0;
	v0 =	vimm.s32 $0x0  }
0x2a0: {  	v60 =	vld [tilespmem:s29+$0x70];
	v62 =	vadd.s32 v15, v61;
	v0 =	vsel vm0, $0xFFFFFFFF, v0  }
0x2a1: {  	v15 =	vsel vm0, $0x1, v4;
	vm0 =	vge.f32 v58, v20;
	[tilespmem:$0x1FBB0] =	vst v0;
	v0 =	vimm.s32 $0x0  }
0x2a2: {  	v0 =	vsel vm0, $0xFFFFFFFF, v0  }
0x2a3: {  	v10 =	vsel vm0, $0x1, v4;
	vm0 =	vge.f32 v59, v20;
	[tilespmem:$0x1FC10] =	vst v0;
	v0 =	vimm.s32 $0x0  }
0x2a4: {  	v63 =	vadd.s32 v15, v62;
	v0 =	vsel vm0, $0xFFFFFFFF, v0  }
0x2a5: {  	v9 =	vsel vm0, $0x1, v4;
	vm0 =	vge.f32 v60, v20;
	[tilespmem:$0x1FBD0] =	vst v0;
	v0 =	vimm.s32 $0x0  }
0x2a6: {  	[tilespmem:v41+s18+$0x0] =	vst.idx.msk vm7, v21;
	v25 =	vmov v18;
	v18 =	vadd.s32 v10, v63;
	v0 =	vsel vm0, $0xFFFFFFFF, v0  }
0x2a7: {  	v21 =	vmov v27;
	v27 =	vadd.s32 v9, v18;
	[tilespmem:$0x1FBC0] =	vst v0;
	v0 =	vsel vm0, $0x1, v4  }
0x2a8: {  	v30 =	vmov v51;
	v51 =	vadd.s32 v0, v27;
	v0 =	vld [tilespmem:$0x1FB90];
	_ =	sdelay $0x3  }
0x2a9: {  	vm14 =	vlt.s32 v44, v24  }
0x2aa: {  	v48 =	vsel vm14, v44, v24;
	vm14 =	vnez.u8 v0;
	v0 =	vld [tilespmem:$0x1FBA0];
	_ =	sdelay $0x3  }
0x2ab: {  	vm5 =	vlt.s32 v47, v24  }
0x2ac: {  	v44 =	vsel vm5, v47, v24;
	vm5 =	vnez.u8 v0;
	v0 =	vld [tilespmem:$0x1FBB0];
	_ =	sdelay $0x3  }
0x2ad: {  	vm6 =	vlt.s32 v50, v24  }
0x2ae: {  	v41 =	vsel vm6, v50, v24;
	vm6 =	vnez.u8 v0;
	v0 =	vld [tilespmem:$0x1FBC0];
	_ =	sdelay $0x3  }
0x2af: {  	vm0 =	vlt.s32 v5, v24  }
0x2b0: {  	[tilespmem:v40+s18+$0x0] =	vst.idx.msk vm9, v22;
	vm10 =	vlt.s32 v27, v24;
	v40 =	vsel vm0, v5, v24;
	vm0 =	vnez.u8 v0  }
0x2b1: {  	v23 =	vmov v34;
	v34 =	vsel vm10, v27, v24;
	v0 =	vld [tilespmem:$0x1FBD0];
	_ =	sdelay $0x3  }
0x2b2: {  	[tilespmem:v39+s18+$0x0] =	vst.idx.msk vm8, v38  }
0x2b3: {  	vm8 =	vlt.s32 v18, v24;
	[tilespmem:v34+s18+$0x0] =	vst.idx.msk vm0, v60;
	vm0 =	vnez.u8 v0  }
0x2b4: {  	v18 =	vsel vm8, v18, v24;
	v0 =	vld [tilespmem:$0x1FBE0];
	_ =	sdelay $0x4  }
0x2b5: {  	[tilespmem:v18+s18+$0x0] =	vst.idx.msk vm0, v59;
	vm0 =	vnez.u8 v0;
	v0 =	vld [tilespmem:$0x1FBF0];
	_ =	sdelay $0x3  }
0x2b6: {  	vm7 =	vlt.s32 v42, v24  }
0x2b7: {  	v52 =	vsel vm7, v42, v24;
	vm7 =	vmmov vm0;
	vm0 =	vnez.u8 v0;
	v0 =	vld [tilespmem:$0x1FC00];
	_ =	sdelay $0x2  }
0x2b8: {  	vm11 =	vlt.s32 v61, v24  }
0x2b9: {  	v35 =	vmov v49;
	v49 =	vsel vm11, v61, v24;
	vm9 =	vlt.s32 v63, v24  }
0x2ba: {  	v61 =	vsel vm9, v63, v24;
	vm9 =	vmmov vm0;
	vm0 =	vnez.u8 v0;
	v0 =	vld [tilespmem:$0x1FC10];
	_ =	sdelay $0x4  }
0x2bb: {  	vm10 =	vmmov vm0;
	vm0 =	vnez.u8 v0;
	v0 =	vld [tilespmem:$0x1FC20];
	_ =	sdelay $0x3  }
0x2bc: {  	vm1 =	vlt.s32 v53, v24  }
0x2bd: {  	s30 =	sadd.s32 $0x10, s30;
	s29 =	sadd.s32 $0x400, s29;
	v42 =	vsel vm1, v53, v24;
	vm1 =	vnez.u8 v0;
	v0 =	vld [tilespmem:$0x1FC30]  }
0x2be: {  	p0 =	slt.u32 s30, $0xF0;
	vm4 =	vlt.s32 v55, v24;
	v38 =	vld [tilespmem:s29+$0xFFFFFE00]  }
.Ltmp5:
0x2bf: {  	v22 =	vmovc v29;
	vm15 =	vlt.s32 v56, v24;
	v45 =	vsel vm4, v55, v24;
	v29 =	vld [tilespmem:s29+$0xFFFFFE20];
	vm13 =	vlt.s32 v43, v24;
	(pc) =	sbr.rel @p0 .LBB2_9-.Ltmp5, $4  }
0x2c0: {  	v28 =	vmovc v36;
	v36 =	vld [tilespmem:s29+$0xFFFFFE50];
	vm12 =	vlt.s32 v57, v24;
	v46 =	vsel vm13, v43, v24;
	v43 =	vsel vm15, v56, v24  }
0x2c1: {  	v47 =	vsel vm12, v57, v24;
	vm3 =	vlt.s32 v62, v24;
	v15 =	vmovc v32;
	v32 =	vld [tilespmem:s29+$0xFFFFFE30];
	vm2 =	vlt.s32 v51, v8  }
0x2c2: {  	v54 =	vsel vm3, v62, v24;
	v27 =	vld [tilespmem:s29+$0xFFFFFE10];
	v39 =	vsel vm2, v51, v8;
	vm2 =	vnez.u8 v0  }
0x2c3: {  	vm8 =	vge.f32 v38, v20;
	v24 =	vmovc v8;
	v34 =	vld [tilespmem:s29+$0xFFFFFE40];
	[tilespmem:v61+s18+$0x0] =	vst.idx.msk vm0, v58;
	vm0 =	vmmov vm1;
	vm1 =	vmmov vm2  }
0x2c4: {  	_ =	sdelay $0x2  }
0x2c5: {  	v0 =	vimm.s32 $0x0;
	vm2 =	vge.f32 v27, v20  }
0x2c6: {  	v0 =	vsel vm2, $0xFFFFFFFF, v0  }
0x2c7: {  	vm13 =	vmmov vm5;
	vm5 =	vge.f32 v29, v20;
	[tilespmem:$0x1FB80] =	vst v0;
	v0 =	vimm.s32 $0x0  }
0x2c8: {  	v0 =	vsel vm5, $0xFFFFFFFF, v0  }
0x2c9: {  	vm11 =	vge.f32 v32, v20;
	v50 =	vld [tilespmem:s29+$0xFFFFFE60];
	[tilespmem:$0x1FB60] =	vst v0;
	v0 =	vimm.s32 $0x0  }
0x2ca: {  	v53 =	vld [tilespmem:s29+$0xFFFFFE70];
	v0 =	vsel vm11, $0xFFFFFFFF, v0  }
0x2cb: {  	vm12 =	vge.f32 v34, v20;
	[tilespmem:$0x1FB50] =	vst v0;
	v0 =	vimm.s32 $0x0  }
0x2cc: {  	v55 =	vld [tilespmem:s29+$0x0];
	v0 =	vsel vm12, $0xFFFFFFFF, v0  }
0x2cd: {  	vm15 =	vge.f32 v36, v20;
	v57 =	vld [tilespmem:s29+$0x10];
	[tilespmem:$0x1FB40] =	vst v0;
	v0 =	vimm.s32 $0x0  }
0x2ce: {  	v0 =	vsel vm15, $0xFFFFFFFF, v0  }
0x2cf: {  	v59 =	vld [tilespmem:s29+$0x20];
	[tilespmem:$0x1FB30] =	vst v0;
	vm4 =	vge.f32 v53, v20;
	v0 =	vimm.s32 $0x0  }
0x2d0: {  	v61 =	vld [tilespmem:s29+$0x30];
	v0 =	vsel vm4, $0xFFFFFFFF, v0  }
0x2d1: {  	v63 =	vld [tilespmem:s29+$0x40];
	[tilespmem:$0x1FB70] =	vst v0  }
0x2d2: {  	v9 =	vld [tilespmem:s29+$0x50];
	[tilespmem:v54+s18+$0x0] =	vst.idx.msk vm6, v37  }
0x2d3: {  	v37 =	vld [tilespmem:s29+$0x60];
	[tilespmem:$0x1FAF0] =	vst v1  }
0x2d4: {  	v1 =	vld [tilespmem:$0x1FCD0];
	_ =	sdelay $0x1  }
0x2d5: {  	v5 =	vsel vm8, $0x1, v4  }
0x2d6: {  	v51 =	vadd.s32 v5, v51;
	v5 =	vsel vm2, $0x1, v4  }
0x2d7: {  	v18 =	vsel vm5, $0x1, v4;
	v5 =	vadd.s32 v5, v51  }
0x2d8: {  	v56 =	vsel vm11, $0x1, v4;
	v18 =	vadd.s32 v18, v5;
	vm5 =	vnez.u8 v1  }
0x2d9: {  	v58 =	vsel vm12, $0x1, v4;
	v56 =	vadd.s32 v56, v18  }
0x2da: {  	v60 =	vsel vm15, $0x1, v4;
	v58 =	vadd.s32 v58, v56;
	vm11 =	vge.f32 v50, v20  }
0x2db: {  	v60 =	vadd.s32 v60, v58;
	v62 =	vsel vm11, $0x1, v4  }
0x2dc: {  	v62 =	vadd.s32 v62, v60;
	v0 =	vsel vm4, $0x1, v4;
	vm15 =	vge.f32 v55, v20  }
0x2dd: {  	vm12 =	vge.f32 v57, v20;
	v0 =	vadd.s32 v0, v62;
	v10 =	vsel vm15, $0x1, v4  }
0x2de: {  	v54 =	vsel vm12, $0x1, v4;
	v10 =	vadd.s32 v10, v0;
	v1 =	vld [tilespmem:$0x1FAF0];
	[tilespmem:v49+s18+$0x0] =	vst.idx.msk vm5, v31  }
0x2df: {  	v31 =	vadd.s32 v54, v10;
	v54 =	vld [tilespmem:$0x1FCC0];
	_ =	sdelay $0x4  }
0x2e0: {  	vm4 =	vnez.u8 v54;
	_ =	sdelay $0x5  }
0x2e1: {  	[tilespmem:v52+s18+$0x0] =	vst.idx.msk vm4, v26  }
0x2e2: {  	v52 =	vld [tilespmem:$0x1FCB0];
	_ =	sdelay $0x4  }
0x2e3: {  	vm2 =	vnez.u8 v52;
	_ =	sdelay $0x5  }
0x2e4: {  	[tilespmem:v48+s18+$0x0] =	vst.idx.msk vm2, v14  }
0x2e5: {  	v54 =	vld [tilespmem:$0x1FCA0];
	_ =	sdelay $0x4  }
0x2e6: {  	vm2 =	vnez.u8 v54  }
0x2e7: {  	vm6 =	vge.f32 v59, v20  }
0x2e8: {  	v49 =	vsel vm6, $0x1, v4;
	vm5 =	vge.f32 v61, v20  }
0x2e9: {  	v26 =	vadd.s32 v49, v31;
	v49 =	vsel vm5, $0x1, v4;
	vm4 =	vge.f32 v63, v20  }
0x2ea: {  	vm3 =	vge.f32 v9, v20;
	v48 =	vadd.s32 v49, v26;
	v14 =	vsel vm4, $0x1, v4  }
0x2eb: {  	v49 =	vadd.s32 v14, v48;
	v14 =	vsel vm3, $0x1, v4;
	[tilespmem:v44+s18+$0x0] =	vst.idx.msk vm13, v25;
	v25 =	vld [tilespmem:s29+$0x70]  }
0x2ec: {  	v14 =	vadd.s32 v14, v49;
	[tilespmem:v46+s18+$0x0] =	vst.idx.msk vm2, v35;
	vm2 =	vge.f32 v37, v20  }
0x2ed: {  	[tilespmem:v47+s18+$0x0] =	vst.idx.msk vm14, v30;
	vm13 =	vlt.s32 v14, v24;
	v52 =	vsel vm2, $0x1, v4  }
0x2ee: {  	[tilespmem:v43+s18+$0x0] =	vst.idx.msk vm1, v28;
	v28 =	vsel vm13, v14, v24;
	v30 =	vadd.s32 v52, v14;
	v14 =	vmul.u32 $0xFFFFFFEB, v19  }
0x2ef: {  	[tilespmem:v45+s18+$0x0] =	vst.idx.msk vm0, v23  }
0x2f0: {  	[tilespmem:v42+s18+$0x0] =	vst.idx.msk vm10, v15;
	vm0 =	vge.f32 v25, v20;
	v13 =	vadd.s32 v14, v13  }
0x2f1: {  	[tilespmem:v40+s18+$0x0] =	vst.idx.msk vm9, v22;
	vm14 =	vlt.s32 v30, v24;
	v15 =	vadd.s32 $0xFFFFFEB0, v14;
	v13 =	vxor.u32 $0x80000000, v13  }
0x2f2: {  	v54 =	vsel vm14, v30, v24;
	[tilespmem:$0x1FB00] =	vst v15;
	(xrf0) =	vmax.scan.msk.u32 $0xffff, v13;
	v13 =	vsel vm0, $0x1, v4  }
0x2f3: {  	vm9 =	vlt.s32 v49, v24;
	[tilespmem:v41+s18+$0x0] =	vst.idx.msk vm7, v21;
	v46 =	vadd.s32 v13, v30;
	v13 =	vadd.s32 $0xFFFFFD60, v14  }
0x2f4: {  	v45 =	vsel vm9, v49, v24;
	vm13 =	vlt.s32 v26, v24;
	vm14 =	vlt.s32 v48, v24;
	[tilespmem:$0x1FB10] =	vst v13  }
0x2f5: {  	v42 =	vsel vm14, v48, v24;
	v47 =	vadd.s32 v13, v33;
	v13 =	vadd.s32 $0xFFFFFC10, v14;
	[tilespmem:v39+s18+$0x0] =	vst.idx.msk vm8, v38  }
0x2f6: {  	v26 =	vsel vm13, v26, v24;
	[tilespmem:$0x1FB20] =	vst v13  }
0x2f7: {  	[tilespmem:v54+s18+$0x0] =	vst.idx.msk vm0, v25  }
0x2f8: {  	[tilespmem:v28+s18+$0x0] =	vst.idx.msk vm2, v37  }
0x2f9: {  	[tilespmem:v45+s18+$0x0] =	vst.idx.msk vm3, v9  }
0x2fa: {  	vm13 =	vlt.s32 v31, v24;
	[tilespmem:v42+s18+$0x0] =	vst.idx.msk vm4, v63  }
0x2fb: {  	v49 =	vsel vm13, v31, v24;
	vm14 =	vlt.s32 v10, v24;
	[tilespmem:v26+s18+$0x0] =	vst.idx.msk vm5, v61  }
0x2fc: {  	vm10 =	vlt.s32 v0, v24;
	v10 =	vsel vm14, v10, v24;
	v22 =	vadd.s32 v13, v46;
	v13 =	vld [tilespmem:$0x1FB30]  }
0x2fd: {  	v0 =	vsel vm10, v0, v24;
	_ =	sdelay $0x2  }
0x2fe: {  	[tilespmem:v49+s18+$0x0] =	vst.idx.msk vm6, v59  }
0x2ff: {  	vm5 =	vnez.u8 v13;
	v13 =	vld [tilespmem:$0x1FB40];
	[tilespmem:v10+s18+$0x0] =	vst.idx.msk vm12, v57  }
0x300: {  	v10 =	vld [tilespmem:$0x1FB50];
	[tilespmem:v0+s18+$0x0] =	vst.idx.msk vm15, v55  }
0x301: {  	v0 =	vld [tilespmem:$0x1FB60]  }
0x302: {  	v16 =	vadd.s32 v15, v16  }
0x303: {  	v16 =	vxor.u32 $0x80000000, v16  }
0x304: {  	vm10 =	vlt.s32 v58, v24;
	(xrf0) =	vmax.scan.msk.u32 $0xffff, v16  }
0x305: {  	v54 =	vsel vm10, v58, v24;
	vm10 =	vlt.s32 v5, v24  }
0x306: {  	vm12 =	vnez.u8 v0;
	v0 =	vsel vm10, v5, v24;
	v5 =	vld [tilespmem:$0x1FB70];
	_ =	sdelay $0x2  }
0x307: {  	vm9 =	vlt.s32 v62, v24;
	v52, _, _ =	vpop (xrf0)  }
0x308: {  	vm13 =	vlt.s32 v60, v24;
	v21 =	vxor.u32 $0x80000000, v47;
	v9, _, _ =	vpop (xrf0);
	(v2sf) =	vpush v52, $0xF  }
0x309: {  	(v2sf) =	vpush v9, $0xF;
	v9 =	vsel vm13, v60, v24;
	vm13 =	vnez.u8 v5  }
0x30a: {  	(xrf0) =	vmax.scan.msk.u32 $0xffff, v21;
	v58 =	vsel vm9, v62, v24  }
0x30b: {  	v48 =	vxor.u32 $0x80000000, v22  }
0x30c: {  	(xrf0) =	vmax.scan.msk.u32 $0xffff, v48;
	_ =	sdelay $0x2  }
0x30d: {  	[tilespmem:v58+s18+$0x0] =	vst.idx.msk vm13, v53  }
0x30e: {  	v62, _, _ =	vpop (xrf0);
	v5 =	vld [tilespmem:$0x1FB80]  }
0x30f: {  	vm14 =	vmmov vm11;
	(v2sf) =	vpush v62, $0xF  }
0x310: {  	vm2 =	vmmov vm5;
	vm8 =	vnez.u8 v13;
	vm9 =	vnez.u8 v10;
	v10, _, _ =	vpop (xrf0)  }
0x311: {  	vm7 =	vlt.s32 v56, v24;
	vm3 =	vmmov vm8;
	(v2sf) =	vpush v10, $0xF  }
0x312: {  	vm4 =	vlt.s32 v18, v24;
	v63 =	vsel vm7, v56, v24;
	vm0 =	vmmov vm9  }
0x313: {  	v18 =	vsel vm4, v18, v24;
	vm5 =	vmmov vm12;
	vm15 =	vnez.u8 v5  }
0x314: {  	vm14 =	vlt.s32 v51, v24;
	vm6 =	vmmov vm15  }
0x315: {  	[tilespmem:v9+s18+$0x0] =	vst.idx.msk vm11, v50;
	v5 =	vsel vm14, v51, v24  }
0x316: {  	s0 =	sshll.u32 s25, $0x3;
	[tilespmem:v54+s18+$0x0] =	vst.idx.msk vm2, v36  }
0x317: {  	s1 =	sadd.s32 s4, s0;
	[tilespmem:v63+s18+$0x0] =	vst.idx.msk vm3, v34  }
0x318: {  	p0 =	seq.s32 s25, $0x1F;
	s1 =	smul.u32 $0x2A, s1;
	[tilespmem:v18+s18+$0x0] =	vst.idx.msk vm0, v32  }
0x319: {  	s12 =	sshll.u32 @!p0 s25, $0xC;
	p1 =	seq.s32 @!p0 s25, $0x0;
	[tilespmem:v0+s18+$0x0] =	vst.idx.msk vm5, v29  }
0x31a: {  	s30 =	simm.s32 @!p0 $0x200;
	p1 =	por p0, !p1;
	s1 =	sadd.s32 s3, s1;
	[tilespmem:v5+s18+$0x0] =	vst.idx.msk vm6, v27  }
0x31b: {  	[hbm4b:s1+s2] =	stream.linear.scatter [tilespmem:s18], [sflag:$0x3], $0x540, $0x38;
	[tilespmem:$0x9C00] =	vst v63  }
.Ltmp6:
0x31c: {  	s31 =	simm.s32 @!p0 $0x400;
	s1 =	spop (v2sf);
	(pc) =	sbr.rel @!p1 .LBB2_12-.Ltmp6, $4  }
0x31d: {  	s23 =	simm.s32 @!p0 $0x0;
	s12 =	sadd.s32 @!p0 s12, s8;
	s29 =	spop (v2sf)  }
0x31e: {  	[tilespmem:s23], [sflag:$0x1] =	stream.strided.gather @!p0 [hbm4b:s12+s30], $0x4000, s31, s30, $0x38;
	[tilespmem:$0x9C00] =	vst v63  }
0x31f: {  	s31 =	spop (v2sf)  }
0x320: {  	s28 =	sor.u32 @!p0 $0x1, s28;
	s30 =	spop (v2sf)  }
0x321: {  	_ =	swait.ge [sflag:s22], $0x540  }
0x322: {  	[sflag:s22] =	ssyncset.done $0x0  }
0x323: {  	s28 =	simm.s32 @p0 $0x3F;
	[sflag:s22] =	ssyncadd.s32 $0xFFFFFAC0  }
.LBB2_12:
0x324: {  	_ =	swait.ge [sflag:s19], $0x4000  }
0x325: {  	[sflag:s19] =	ssyncset.done $0x0  }
0x326: {  	[sflag:s19] =	ssyncadd.s32 $0xFFFFC000  }
0x327: {  	[tilespmem:$0x8580] =	vst v2  }
0x328: {  	[tilespmem:$0x8590] =	vst v2  }
0x329: {  	[tilespmem:$0x85A0] =	vst v2  }
0x32a: {  	[tilespmem:$0x85B0] =	vst v2  }
0x32b: {  	[tilespmem:$0x85C0] =	vst v2  }
0x32c: {  	[tilespmem:$0x85D0] =	vst v2  }
0x32d: {  	[tilespmem:$0x85E0] =	vst v2  }
0x32e: {  	[tilespmem:$0x85F0] =	vst v2  }
0x32f: {  	[tilespmem:$0x8600] =	vst v2  }
0x330: {  	[tilespmem:$0x8610] =	vst v2  }
0x331: {  	[tilespmem:$0x8620] =	vst v2  }
0x332: {  	[tilespmem:$0x8630] =	vst v2  }
0x333: {  	[tilespmem:$0x8640] =	vst v2  }
0x334: {  	[tilespmem:$0x8650] =	vst v2  }
0x335: {  	[tilespmem:$0x8660] =	vst v2  }
0x336: {  	[tilespmem:$0x8670] =	vst v2  }
0x337: {  	[tilespmem:$0x8680] =	vst v2  }
0x338: {  	[tilespmem:$0x8690] =	vst v2  }
0x339: {  	[tilespmem:$0x86A0] =	vst v2  }
0x33a: {  	[tilespmem:$0x86B0] =	vst v2  }
0x33b: {  	[tilespmem:$0x86C0] =	vst v2  }
0x33c: {  	[tilespmem:$0x86D0] =	vst v2  }
0x33d: {  	[tilespmem:$0x86E0] =	vst v2  }
0x33e: {  	[tilespmem:$0x86F0] =	vst v2  }
0x33f: {  	[tilespmem:$0x8700] =	vst v2  }
0x340: {  	[tilespmem:$0x8710] =	vst v2  }
0x341: {  	[tilespmem:$0x8720] =	vst v2  }
0x342: {  	[tilespmem:$0x8730] =	vst v2  }
0x343: {  	[tilespmem:$0x8740] =	vst v2  }
0x344: {  	[tilespmem:$0x8750] =	vst v2  }
0x345: {  	[tilespmem:$0x8760] =	vst v2  }
0x346: {  	[tilespmem:$0x8770] =	vst v2  }
0x347: {  	[tilespmem:$0x8780] =	vst v2  }
0x348: {  	[tilespmem:$0x8790] =	vst v2  }
0x349: {  	[tilespmem:$0x87A0] =	vst v2  }
0x34a: {  	[tilespmem:$0x87B0] =	vst v2  }
0x34b: {  	[tilespmem:$0x87C0] =	vst v2  }
0x34c: {  	[tilespmem:$0x87D0] =	vst v2  }
0x34d: {  	[tilespmem:$0x87E0] =	vst v2  }
0x34e: {  	[tilespmem:$0x87F0] =	vst v2  }
0x34f: {  	[tilespmem:$0x8800] =	vst v2  }
0x350: {  	[tilespmem:$0x8810] =	vst v2  }
0x351: {  	[tilespmem:$0x8820] =	vst v2  }
0x352: {  	[tilespmem:$0x8830] =	vst v2  }
0x353: {  	[tilespmem:$0x8840] =	vst v2  }
0x354: {  	[tilespmem:$0x8850] =	vst v2  }
0x355: {  	[tilespmem:$0x8860] =	vst v2  }
0x356: {  	[tilespmem:$0x8870] =	vst v2  }
0x357: {  	[tilespmem:$0x8880] =	vst v2  }
0x358: {  	[tilespmem:$0x8890] =	vst v2  }
0x359: {  	[tilespmem:$0x88A0] =	vst v2  }
0x35a: {  	[tilespmem:$0x88B0] =	vst v2  }
0x35b: {  	[tilespmem:$0x88C0] =	vst v2  }
0x35c: {  	[tilespmem:$0x88D0] =	vst v2  }
0x35d: {  	[tilespmem:$0x88E0] =	vst v2  }
0x35e: {  	[tilespmem:$0x88F0] =	vst v2  }
0x35f: {  	[tilespmem:$0x8900] =	vst v2  }
0x360: {  	[tilespmem:$0x8910] =	vst v2  }
0x361: {  	[tilespmem:$0x8920] =	vst v2  }
0x362: {  	[tilespmem:$0x8930] =	vst v2  }
0x363: {  	[tilespmem:$0x8940] =	vst v2  }
0x364: {  	[tilespmem:$0x8950] =	vst v2  }
0x365: {  	[tilespmem:$0x8960] =	vst v2  }
0x366: {  	[tilespmem:$0x8970] =	vst v2  }
0x367: {  	[tilespmem:$0x8980] =	vst v2  }
0x368: {  	[tilespmem:$0x8990] =	vst v2  }
0x369: {  	[tilespmem:$0x89A0] =	vst v2  }
0x36a: {  	[tilespmem:$0x89B0] =	vst v2  }
0x36b: {  	[tilespmem:$0x89C0] =	vst v2  }
0x36c: {  	[tilespmem:$0x89D0] =	vst v2  }
0x36d: {  	[tilespmem:$0x89E0] =	vst v2  }
0x36e: {  	[tilespmem:$0x89F0] =	vst v2  }
0x36f: {  	[tilespmem:$0x8A00] =	vst v2  }
0x370: {  	[tilespmem:$0x8A10] =	vst v2  }
0x371: {  	[tilespmem:$0x8A20] =	vst v2  }
0x372: {  	[tilespmem:$0x8A30] =	vst v2  }
0x373: {  	[tilespmem:$0x8A40] =	vst v2  }
0x374: {  	[tilespmem:$0x8A50] =	vst v2  }
0x375: {  	[tilespmem:$0x8A60] =	vst v2  }
0x376: {  	[tilespmem:$0x8A70] =	vst v2  }
0x377: {  	[tilespmem:$0x8A80] =	vst v2  }
0x378: {  	s0 =	sand.u32 $0x8, s0;
	[tilespmem:$0x8A90] =	vst v2  }
0x379: {  	v13 =	vlaneseq.u32;
	v5 =	vmov s0;
	v15 =	vld [tilespmem:$0x1FFF0];
	[tilespmem:$0x8AA0] =	vst v2  }
0x37a: {  	vm0 =	veq.s32 v5, v13;
	v5 =	vld [tilespmem:$0x1FFD0];
	[tilespmem:$0x8AB0] =	vst v2  }
0x37b: {  	s12 =	simm.s32 $0x4200;
	v20 =	vld [tilespmem:s26+$0x8B40]  }
0x37c: {  	v0 =	vld [tilespmem:s12+$0xFFFFFE00]  }
0x37d: {  	v21 =	vld [tilespmem:s12+$0xFFFFFE10]  }
0x37e: {  	v22 =	vld [tilespmem:s12+$0xFFFFFE20]  }
0x37f: {  	v23 =	vld [tilespmem:s12+$0xFFFFFE30]  }
0x380: {  	s23 =	sor.u32 $0x1, s0;
	v25 =	vld [tilespmem:s12+$0xFFFFFE40]  }
0x381: {  	s1 =	sxor.u32 $0x80000000, s1;
	v9 =	vmov s23;
	s23 =	sor.u32 $0x2, s0;
	v28 =	vld [tilespmem:s12+$0xFFFFFE50]  }
0x382: {  	v10 =	vmov s23;
	s23 =	sxor.u32 $0x80000000, s29;
	vm11 =	veq.s32 v9, v13;
	v26 =	vld [tilespmem:s12+$0xFFFFFE60];
	v5 =	vsel vm0, s1, v5  }
0x383: {  	v29 =	vld [tilespmem:s12+$0xFFFFFE70];
	v5 =	vsel vm11, s23, v5;
	vm11 =	veq.s32 v10, v13  }
0x384: {  	v31 =	vld [tilespmem:s12+$0x0];
	vm7 =	vge.f32 v0, v20;
	vm0 =	vge.f32 v21, v20;
	vm1 =	vge.f32 v22, v20  }
0x385: {  	vm8 =	vge.f32 v23, v20;
	vm2 =	vge.f32 v25, v20;
	v18 =	vsel vm7, $0x1, v4  }
0x386: {  	vm3 =	vge.f32 v28, v20;
	v35 =	vadd.s32 v18, v15;
	v18 =	vsel vm0, $0x1, v4  }
0x387: {  	vm10 =	vge.f32 v26, v20;
	v24 =	vsel vm1, $0x1, v4;
	v18 =	vadd.s32 v18, v35  }
0x388: {  	vm4 =	vge.f32 v29, v20;
	v27 =	vsel vm8, $0x1, v4;
	v32 =	vadd.s32 v24, v18;
	v24 =	vld [tilespmem:s12+$0x10]  }
0x389: {  	vm12 =	vge.f32 v31, v20;
	v30 =	vsel vm2, $0x1, v4;
	v34 =	vadd.s32 v27, v32;
	v27 =	vld [tilespmem:s12+$0x20]  }
0x38a: {  	v33 =	vsel vm3, $0x1, v4;
	v15 =	vimm.s32 $0x0;
	v36 =	vadd.s32 v30, v34  }
0x38b: {  	v38 =	vsel vm10, $0x1, v4;
	v15 =	vsel vm4, $0xFFFFFFFF, v15;
	v30 =	vld [tilespmem:s12+$0x30];
	v37 =	vadd.s32 v33, v36  }
0x38c: {  	v39 =	vsel vm4, $0x1, v4;
	v40 =	vsel vm12, $0x1, v4;
	v33 =	vld [tilespmem:s12+$0x40];
	[tilespmem:$0x1FAB0] =	vst v15;
	v38 =	vadd.s32 v38, v37  }
0x38d: {  	v15 =	vimm.s32 $0x0;
	v51 =	vld [tilespmem:s12+$0x50];
	v39 =	vadd.s32 v39, v38;
	vm15 =	vge.f32 v24, v20  }
0x38e: {  	v54 =	vld [tilespmem:s12+$0x60];
	v40 =	vadd.s32 v40, v39;
	v41 =	vsel vm15, $0x1, v4;
	vm4 =	vge.f32 v27, v20  }
0x38f: {  	v41 =	vadd.s32 v41, v40;
	v15 =	vsel vm4, $0xFFFFFFFF, v15;
	v42 =	vsel vm4, $0x1, v4  }
0x390: {  	vm4 =	vge.f32 v30, v20;
	[tilespmem:$0x1FAC0] =	vst v15;
	v42 =	vadd.s32 v42, v41;
	v15 =	vimm.s32 $0x0  }
0x391: {  	v43 =	vsel vm4, $0x1, v4;
	vm6 =	vge.f32 v33, v20;
	v15 =	vsel vm4, $0xFFFFFFFF, v15  }
0x392: {  	v43 =	vadd.s32 v43, v42;
	v44 =	vsel vm6, $0x1, v4;
	vm4 =	vge.f32 v51, v20  }
0x393: {  	s23 =	sxor.u32 $0x80000000, s31;
	vm9 =	vge.f32 v54, v20;
	v44 =	vadd.s32 v44, v43;
	v45 =	vsel vm4, $0x1, v4  }
0x394: {  	s0 =	sor.u32 $0x3, s0;
	v5 =	vsel vm11, s23, v5;
	[tilespmem:$0x1FAD0] =	vst v15;
	v63 =	vsel vm9, $0x1, v4;
	v9 =	vadd.s32 v45, v44  }
0x395: {  	vm5 =	vlt.s32 v18, v3;
	[tilespmem:v1+s20+$0x0] =	vst.idx.msk vm7, v0;
	v0 =	vmov s0;
	v10 =	vadd.s32 v63, v9  }
0x396: {  	s31 =	sxor.u32 $0x80000000, s30;
	vm11 =	vlt.s32 v9, v3;
	vm7 =	veq.s32 v0, v13;
	vm14 =	vlt.s32 v10, v3  }
0x397: {  	v9 =	vsel vm11, v9, v3;
	vm11 =	vlt.s32 v42, v3;
	v0 =	vsel vm7, s31, v5  }
0x398: {  	v55 =	vld [tilespmem:s12+$0x70];
	v56 =	vsel vm14, v10, v3;
	v49 =	vsel vm11, v42, v3;
	vm11 =	vlt.s32 v44, v3  }
0x399: {  	vm14 =	vlt.s32 v43, v3;
	v57 =	vsel vm11, v44, v3;
	vm11 =	vlt.s32 v39, v3  }
0x39a: {  	v52 =	vsel vm14, v43, v3;
	vm14 =	vlt.s32 v40, v3;
	v45 =	vsel vm11, v39, v3  }
0x39b: {  	vm11 =	vlt.s32 v41, v3;
	v48 =	vsel vm14, v40, v3;
	vm14 =	vlt.s32 v37, v3  }
0x39c: {  	v50 =	vsel vm11, v41, v3;
	vm11 =	vlt.s32 v36, v3;
	v44 =	vsel vm14, v37, v3  }
0x39d: {  	s29 =	simm.s32 $0x4600;
	vm14 =	vlt.s32 v38, v3;
	v42 =	vsel vm11, v36, v3;
	vm11 =	vge.f32 v55, v20  }
0x39e: {  	vm7 =	vmmov vm0;
	v47 =	vsel vm14, v38, v3;
	vm14 =	vlt.s32 v32, v3;
	v38 =	vld [tilespmem:s29+$0xFFFFFE00]  }
0x39f: {  	v39 =	vsel vm5, v18, v3;
	v41 =	vsel vm14, v32, v3;
	vm14 =	vlt.s32 v34, v3;
	v32 =	vld [tilespmem:s29+$0xFFFFFE10]  }
0x3a0: {  	v18 =	vsel vm11, $0x1, v4;
	v46 =	vsel vm14, v34, v3;
	v34 =	vld [tilespmem:s29+$0xFFFFFE20];
	vm14 =	vlt.s32 v35, v3;
	[tilespmem:$0x1FAE0] =	vst v0  }
0x3a1: {  	vm0 =	vmmov vm2;
	v53 =	vadd.s32 v18, v10;
	v43 =	vsel vm14, v35, v3;
	v35 =	vld [tilespmem:s29+$0xFFFFFE30];
	[tilespmem:v9+s20+$0x0] =	vst.idx.msk vm9, v54  }
0x3a2: {  	v19 =	vmovc v3;
	vm5 =	vlt.s32 v53, v3;
	v36 =	vld [tilespmem:s29+$0xFFFFFE40];
	vm9 =	vmmov vm1;
	[tilespmem:v57+s20+$0x0] =	vst.idx.msk vm4, v51;
	vm1 =	vmmov vm3  }
0x3a3: {  	s30 =	simm.s32 $0x10;
	v37 =	vld [tilespmem:s29+$0xFFFFFE50];
	v40 =	vsel vm5, v53, v3;
	[tilespmem:v56+s20+$0x0] =	vst.idx.msk vm11, v55;
	vm11 =	vmmov vm8;
	vm8 =	vge.f32 v38, v20  }
.LBB2_13:
0x3a4: {  	_ =	sdelay $0x1  }
0x3a5: {  	v1 =	vimm.s32 $0x0;
	vm2 =	vge.f32 v32, v20  }
0x3a6: {  	v1 =	vsel vm2, $0xFFFFFFFF, v1  }
0x3a7: {  	vm3 =	vge.f32 v34, v20;
	[tilespmem:$0x1FA50] =	vst v1;
	v1 =	vimm.s32 $0x0  }
0x3a8: {  	v1 =	vsel vm3, $0xFFFFFFFF, v1  }
0x3a9: {  	[tilespmem:$0x1FA60] =	vst v1;
	v1 =	vld [tilespmem:$0x1FAD0];
	_ =	sdelay $0x2  }
0x3aa: {  	v0 =	vsel vm8, $0x1, v4  }
0x3ab: {  	v51 =	vadd.s32 v0, v53;
	v0 =	vsel vm2, $0x1, v4;
	v10 =	vsel vm3, $0x1, v4  }
0x3ac: {  	vm3 =	vge.f32 v35, v20;
	vm2 =	vnez.u8 v1;
	v1 =	vimm.s32 $0x0  }
0x3ad: {  	v1 =	vsel vm3, $0xFFFFFFFF, v1  }
0x3ae: {  	[tilespmem:$0x1FA70] =	vst v1;
	v1 =	vld [tilespmem:$0x1FAC0];
	_ =	sdelay $0x4  }
0x3af: {  	[tilespmem:v49+s20+$0x0] =	vst.idx.msk vm2, v30;
	vm2 =	vnez.u8 v1;
	_ =	sdelay $0x4  }
0x3b0: {  	v5 =	vld [tilespmem:s29+$0xFFFFFE60]  }
0x3b1: {  	v1 =	vimm.s32 $0x0;
	[tilespmem:v50+s20+$0x0] =	vst.idx.msk vm2, v27;
	vm2 =	vge.f32 v36, v20  }
0x3b2: {  	v1 =	vsel vm2, $0xFFFFFFFF, v1  }
0x3b3: {  	v30 =	vsel vm2, $0x1, v4;
	vm2 =	vge.f32 v37, v20;
	[tilespmem:$0x1FA90] =	vst v1;
	v1 =	vimm.s32 $0x0  }
0x3b4: {  	v1 =	vsel vm2, $0xFFFFFFFF, v1  }
0x3b5: {  	v27 =	vsel vm3, $0x1, v4;
	vm3 =	vge.f32 v5, v20;
	[tilespmem:$0x1FAA0] =	vst v1;
	v1 =	vimm.s32 $0x0  }
0x3b6: {  	v1 =	vsel vm3, $0xFFFFFFFF, v1  }
0x3b7: {  	[tilespmem:$0x1F9F0] =	vst v1;
	v1 =	vld [tilespmem:$0x1FAB0];
	_ =	sdelay $0x4  }
0x3b8: {  	v60 =	vld [tilespmem:s29+$0x0];
	[tilespmem:v45+s20+$0x0] =	vst.idx.msk vm12, v31;
	v31 =	vsel vm2, $0x1, v4;
	vm2 =	vnez.u8 v1  }
0x3b9: {  	[tilespmem:v52+s20+$0x0] =	vst.idx.msk vm6, v33;
	vm6 =	vmmov vm10;
	v9 =	vld [tilespmem:s29+$0xFFFFFE70];
	_ =	sdelay $0x2  }
0x3ba: {  	[tilespmem:v48+s20+$0x0] =	vst.idx.msk vm15, v24  }
0x3bb: {  	v24 =	vld [tilespmem:s29+$0x10];
	v0 =	vadd.s32 v0, v51  }
0x3bc: {  	v10 =	vadd.s32 v10, v0;
	v1 =	vimm.s32 $0x0;
	[tilespmem:v47+s20+$0x0] =	vst.idx.msk vm2, v29;
	vm2 =	vge.f32 v9, v20  }
0x3bd: {  	[tilespmem:v44+s20+$0x0] =	vst.idx.msk vm6, v26;
	v54 =	vadd.s32 v27, v10;
	v27 =	vld [tilespmem:s29+$0x20];
	v1 =	vsel vm2, $0xFFFFFFFF, v1  }
0x3be: {  	v26 =	vsel vm2, $0x1, v4;
	vm2 =	vge.f32 v60, v20;
	[tilespmem:$0x1FAB0] =	vst v1;
	v1 =	vimm.s32 $0x0  }
0x3bf: {  	[tilespmem:v42+s20+$0x0] =	vst.idx.msk vm1, v28;
	v55 =	vadd.s32 v30, v54;
	v30 =	vld [tilespmem:s29+$0x30];
	v1 =	vsel vm2, $0xFFFFFFFF, v1  }
0x3c0: {  	vm1 =	vge.f32 v24, v20;
	[tilespmem:$0x1FA20] =	vst v1;
	v1 =	vimm.s32 $0x0  }
0x3c1: {  	[tilespmem:v46+s20+$0x0] =	vst.idx.msk vm0, v25;
	v33 =	vld [tilespmem:s29+$0x40];
	v1 =	vsel vm1, $0xFFFFFFFF, v1  }
0x3c2: {  	vm0 =	vge.f32 v27, v20;
	[tilespmem:$0x1FA00] =	vst v1;
	v1 =	vimm.s32 $0x0  }
0x3c3: {  	v57 =	vld [tilespmem:s29+$0x50];
	[tilespmem:v41+s20+$0x0] =	vst.idx.msk vm11, v23;
	v1 =	vsel vm0, $0xFFFFFFFF, v1  }
0x3c4: {  	v23 =	vsel vm0, $0x1, v4;
	vm0 =	vge.f32 v30, v20;
	[tilespmem:$0x1FAC0] =	vst v1;
	v1 =	vimm.s32 $0x0  }
0x3c5: {  	v58 =	vld [tilespmem:s29+$0x60];
	[tilespmem:v39+s20+$0x0] =	vst.idx.msk vm9, v22;
	v1 =	vsel vm0, $0xFFFFFFFF, v1  }
0x3c6: {  	v22 =	vsel vm0, $0x1, v4;
	vm0 =	vge.f32 v33, v20;
	[tilespmem:$0x1FAD0] =	vst v1;
	v1 =	vimm.s32 $0x0  }
0x3c7: {  	v59 =	vld [tilespmem:s29+$0x70];
	v47 =	vadd.s32 v31, v55;
	v29 =	vsel vm3, $0x1, v4;
	v1 =	vsel vm0, $0xFFFFFFFF, v1  }
0x3c8: {  	v15 =	vsel vm0, $0x1, v4;
	vm0 =	vge.f32 v57, v20;
	[tilespmem:$0x1FA10] =	vst v1;
	v1 =	vimm.s32 $0x0  }
0x3c9: {  	v56 =	vadd.s32 v29, v47;
	v1 =	vsel vm0, $0xFFFFFFFF, v1  }
0x3ca: {  	v13 =	vsel vm0, $0x1, v4;
	vm0 =	vge.f32 v58, v20;
	[tilespmem:$0x1FA80] =	vst v1;
	v1 =	vimm.s32 $0x0  }
0x3cb: {  	v42 =	vadd.s32 v26, v56;
	v26 =	vsel vm2, $0x1, v4;
	v1 =	vsel vm0, $0xFFFFFFFF, v1  }
0x3cc: {  	v29 =	vmovc v9;
	v9 =	vsel vm0, $0x1, v4;
	vm0 =	vge.f32 v59, v20;
	[tilespmem:$0x1FA40] =	vst v1;
	v1 =	vimm.s32 $0x0  }
0x3cd: {  	v25 =	vsel vm1, $0x1, v4;
	v44 =	vadd.s32 v26, v42;
	v1 =	vsel vm0, $0xFFFFFFFF, v1  }
0x3ce: {  	v41 =	vadd.s32 v25, v44;
	[tilespmem:$0x1FA30] =	vst v1;
	v1 =	vsel vm0, $0x1, v4;
	vm0 =	vlt.s32 v0, v19  }
0x3cf: {  	v61 =	vadd.s32 v23, v41;
	v39 =	vsel vm0, v0, v19;
	v0 =	vld [tilespmem:$0x1FA30]  }
0x3d0: {  	v62 =	vadd.s32 v22, v61  }
0x3d1: {  	v63 =	vadd.s32 v15, v62  }
0x3d2: {  	v26 =	vmov v5;
	v5 =	vadd.s32 v13, v63  }
0x3d3: {  	v9 =	vadd.s32 v9, v5  }
0x3d4: {  	vm11 =	vlt.s32 v9, v19;
	vm0 =	vnez.u8 v0  }
0x3d5: {  	v53 =	vadd.s32 v1, v9;
	v9 =	vsel vm11, v9, v19;
	v0 =	vld [tilespmem:$0x1FA40];
	_ =	sdelay $0x4  }
0x3d6: {  	vm14 =	vlt.s32 v5, v19;
	[tilespmem:v9+s20+$0x0] =	vst.idx.msk vm0, v59;
	vm0 =	vnez.u8 v0  }
0x3d7: {  	v5 =	vsel vm14, v5, v19;
	v0 =	vld [tilespmem:$0x1FA50];
	_ =	sdelay $0x4  }
0x3d8: {  	[tilespmem:v5+s20+$0x0] =	vst.idx.msk vm0, v58;
	vm0 =	vnez.u8 v0;
	v0 =	vld [tilespmem:$0x1FA60];
	_ =	sdelay $0x3  }
0x3d9: {  	[tilespmem:v43+s20+$0x0] =	vst.idx.msk vm7, v21;
	vm7 =	vlt.s32 v51, v19  }
0x3da: {  	v43 =	vsel vm7, v51, v19;
	vm7 =	vmmov vm0;
	vm0 =	vnez.u8 v0;
	v0 =	vld [tilespmem:$0x1FA70]  }
0x3db: {  	v1 =	vld [tilespmem:$0x1F9F0];
	_ =	sdelay $0x2  }
0x3dc: {  	vm10 =	vlt.s32 v62, v19;
	vm9 =	vlt.s32 v63, v19  }
0x3dd: {  	v31 =	vmovc v60;
	v60 =	vsel vm9, v63, v19;
	vm9 =	vmmov vm0;
	vm0 =	vnez.u8 v0;
	v0 =	vld [tilespmem:$0x1FA80]  }
0x3de: {  	v52 =	vsel vm10, v62, v19;
	vm10 =	vnez.u8 v1;
	v1 =	vld [tilespmem:$0x1FA00];
	_ =	sdelay $0x2  }
0x3df: {  	vm15 =	vlt.s32 v55, v19  }
0x3e0: {  	vm4 =	vlt.s32 v42, v19;
	vm11 =	vmmov vm0;
	vm0 =	vnez.u8 v0;
	v0 =	vld [tilespmem:$0x1FA90]  }
0x3e1: {  	v45 =	vsel vm4, v42, v19;
	v42 =	vsel vm15, v55, v19;
	vm15 =	vnez.u8 v1;
	v1 =	vld [tilespmem:$0x1FA10];
	_ =	sdelay $0x1  }
0x3e2: {  	[tilespmem:v40+s20+$0x0] =	vst.idx.msk vm8, v38;
	s29 =	sadd.s32 $0x400, s29;
	vm6 =	vlt.s32 v47, v19  }
0x3e3: {  	v38 =	vld [tilespmem:s29+$0xFFFFFE00];
	vm13 =	vlt.s32 v44, v19;
	vm8 =	vlt.s32 v41, v19;
	vm1 =	vlt.s32 v10, v19  }
0x3e4: {  	s30 =	sadd.s32 $0x10, s30;
	v50 =	vsel vm8, v41, v19;
	v41 =	vsel vm1, v10, v19;
	vm1 =	vnez.u8 v0;
	v0 =	vld [tilespmem:$0x1FAA0]  }
0x3e5: {  	p1 =	slt.u32 s30, $0xF0;
	v48 =	vsel vm13, v44, v19;
	v44 =	vsel vm6, v47, v19;
	vm6 =	vnez.u8 v1;
	v1 =	vld [tilespmem:$0x1FA20]  }
.Ltmp7:
0x3e6: {  	v21 =	vmov v32;
	vm5 =	vlt.s32 v54, v19;
	v32 =	vld [tilespmem:s29+$0xFFFFFE10];
	vm12 =	vlt.s32 v56, v19;
	(pc) =	sbr.rel @p1 .LBB2_13-.Ltmp7, $4  }
0x3e7: {  	v28 =	vmov v37;
	v46 =	vsel vm5, v54, v19;
	v37 =	vld [tilespmem:s29+$0xFFFFFE50];
	v47 =	vsel vm12, v56, v19  }
0x3e8: {  	v25 =	vmovc v36;
	v36 =	vld [tilespmem:s29+$0xFFFFFE40];
	vm3 =	vlt.s32 v61, v19;
	vm8 =	vge.f32 v38, v20;
	vm2 =	vlt.s32 v53, v3  }
0x3e9: {  	v23 =	vmovc v35;
	v35 =	vld [tilespmem:s29+$0xFFFFFE30];
	v49 =	vsel vm3, v61, v19;
	v40 =	vsel vm2, v53, v3;
	vm2 =	vnez.u8 v0  }
0x3ea: {  	v22 =	vmovc v34;
	v34 =	vld [tilespmem:s29+$0xFFFFFE20];
	v19 =	vmovc v3;
	vm12 =	vnez.u8 v1;
	[tilespmem:v60+s20+$0x0] =	vst.idx.msk vm0, v57;
	vm0 =	vmmov vm1;
	vm1 =	vmmov vm2  }
0x3eb: {  	vm2 =	vge.f32 v32, v20;
	v1 =	vimm.s32 $0x0  }
0x3ec: {  	v1 =	vsel vm2, $0xFFFFFFFF, v1  }
0x3ed: {  	vm3 =	vmmov vm10;
	[tilespmem:$0x1F990] =	vst v1;
	v1 =	vimm.s32 $0x0  }
0x3ee: {  	v1 =	vsel vm3, $0xFFFFFFFF, v1  }
0x3ef: {  	v9 =	vsel vm2, $0x1, v4;
	v5 =	vld [tilespmem:s29+$0xFFFFFE60];
	[tilespmem:$0x1F950] =	vst v1;
	vm2 =	vge.f32 v34, v20;
	v1 =	vimm.s32 $0x0  }
0x3f0: {  	v1 =	vsel vm2, $0xFFFFFFFF, v1  }
0x3f1: {  	[tilespmem:$0x1F980] =	vst v1  }
0x3f2: {  	v51 =	vsel vm2, $0x1, v4;
	vm2 =	vge.f32 v35, v20;
	v1 =	vimm.s32 $0x0;
	v10 =	vld [tilespmem:s29+$0xFFFFFE70]  }
0x3f3: {  	v0 =	vsel vm8, $0x1, v4;
	v1 =	vsel vm2, $0xFFFFFFFF, v1  }
0x3f4: {  	v54 =	vsel vm2, $0x1, v4;
	vm2 =	vge.f32 v36, v20;
	[tilespmem:$0x1F970] =	vst v1;
	v1 =	vimm.s32 $0x0  }
0x3f5: {  	v0 =	vadd.s32 v0, v53;
	v53 =	vld [tilespmem:s29+$0x0];
	v1 =	vsel vm2, $0xFFFFFFFF, v1  }
0x3f6: {  	v55 =	vld [tilespmem:s29+$0x10];
	[tilespmem:$0x1F960] =	vst v1  }
0x3f7: {  	v56 =	vsel vm2, $0x1, v4;
	v1 =	vimm.s32 $0x0;
	v57 =	vld [tilespmem:s29+$0x20];
	vm2 =	vge.f32 v10, v20  }
0x3f8: {  	v59 =	vld [tilespmem:s29+$0x30];
	v1 =	vsel vm2, $0xFFFFFFFF, v1  }
0x3f9: {  	v61 =	vld [tilespmem:s29+$0x40];
	[tilespmem:$0x1F9A0] =	vst v1  }
0x3fa: {  	[tilespmem:v52+s20+$0x0] =	vst.idx.msk vm6, v33  }
0x3fb: {  	v1 =	vld [tilespmem:$0x1FAD0];
	_ =	sdelay $0x4  }
0x3fc: {  	v62 =	vsel vm2, $0x1, v4;
	vm2 =	vnez.u8 v1;
	_ =	sdelay $0x5  }
0x3fd: {  	[tilespmem:v49+s20+$0x0] =	vst.idx.msk vm2, v30  }
0x3fe: {  	v1 =	vld [tilespmem:$0x1FAC0];
	_ =	sdelay $0x4  }
0x3ff: {  	vm2 =	vnez.u8 v1;
	_ =	sdelay $0x3  }
0x400: {  	[tilespmem:v48+s20+$0x0] =	vst.idx.msk vm15, v24  }
0x401: {  	[tilespmem:v45+s20+$0x0] =	vst.idx.msk vm12, v31  }
0x402: {  	[tilespmem:v50+s20+$0x0] =	vst.idx.msk vm2, v27  }
0x403: {  	v1 =	vld [tilespmem:$0x1FAB0];
	_ =	sdelay $0x4  }
0x404: {  	vm12 =	vnez.u8 v1;
	_ =	sdelay $0x4  }
0x405: {  	v9 =	vadd.s32 v9, v0  }
0x406: {  	v51 =	vadd.s32 v51, v9;
	[tilespmem:v47+s20+$0x0] =	vst.idx.msk vm12, v29  }
0x407: {  	vm13 =	vge.f32 v37, v20;
	v54 =	vadd.s32 v54, v51;
	v1 =	vld [tilespmem:$0x1F950]  }
0x408: {  	v58 =	vsel vm13, $0x1, v4;
	vm4 =	vge.f32 v5, v20;
	v56 =	vadd.s32 v56, v54  }
0x409: {  	v60 =	vsel vm4, $0x1, v4;
	v58 =	vadd.s32 v58, v56  }
0x40a: {  	v60 =	vadd.s32 v60, v58;
	vm14 =	vge.f32 v53, v20;
	vm10 =	vge.f32 v55, v20;
	v63 =	vld [tilespmem:s29+$0x50]  }
0x40b: {  	v62 =	vadd.s32 v62, v60;
	v18 =	vsel vm14, $0x1, v4;
	v52 =	vsel vm10, $0x1, v4  }
0x40c: {  	v13 =	vld [tilespmem:s29+$0x60];
	v18 =	vadd.s32 v18, v62;
	vm6 =	vge.f32 v57, v20;
	vm12 =	vnez.u8 v1  }
0x40d: {  	vm5 =	vge.f32 v59, v20;
	v30 =	vadd.s32 v52, v18;
	v49 =	vsel vm6, $0x1, v4;
	v27 =	vld [tilespmem:s29+$0x70]  }
0x40e: {  	vm3 =	vge.f32 v61, v20;
	v52 =	vsel vm5, $0x1, v4;
	v33 =	vadd.s32 v49, v30  }
0x40f: {  	v24 =	vadd.s32 v52, v33;
	v52 =	vsel vm3, $0x1, v4;
	vm2 =	vge.f32 v63, v20  }
0x410: {  	v31 =	vadd.s32 v52, v24;
	v49 =	vsel vm2, $0x1, v4  }
0x411: {  	vm15 =	vge.f32 v13, v20;
	v45 =	vadd.s32 v49, v31  }
0x412: {  	v29 =	vsel vm15, $0x1, v4;
	v1 =	vimm.s32 $0x0;
	[tilespmem:v44+s20+$0x0] =	vst.idx.msk vm12, v26;
	vm12 =	vge.f32 v27, v20  }
0x413: {  	v29 =	vadd.s32 v29, v45;
	[tilespmem:v42+s20+$0x0] =	vst.idx.msk vm1, v28;
	v1 =	vsel vm12, $0xFFFFFFFF, v1  }
0x414: {  	vm1 =	vlt.s32 v29, v19;
	[tilespmem:$0x1F9E0] =	vst v1  }
0x415: {  	v20 =	vsel vm1, v29, v19;
	[tilespmem:v46+s20+$0x0] =	vst.idx.msk vm0, v25;
	vm0 =	vlt.s32 v45, v19  }
0x416: {  	[tilespmem:v41+s20+$0x0] =	vst.idx.msk vm11, v23;
	v23 =	vsel vm0, v45, v19;
	vm0 =	vlt.s32 v31, v19  }
0x417: {  	[tilespmem:v39+s20+$0x0] =	vst.idx.msk vm9, v22;
	v22 =	vsel vm0, v31, v19;
	vm0 =	vlt.s32 v24, v19  }
0x418: {  	[tilespmem:v43+s20+$0x0] =	vst.idx.msk vm7, v21;
	v21 =	vsel vm0, v24, v19;
	vm0 =	vlt.s32 v33, v19  }
0x419: {  	[tilespmem:v40+s20+$0x0] =	vst.idx.msk vm8, v38;
	v24 =	vsel vm0, v33, v19  }
0x41a: {  	[tilespmem:v20+s20+$0x0] =	vst.idx.msk vm12, v27  }
0x41b: {  	[tilespmem:v23+s20+$0x0] =	vst.idx.msk vm15, v13  }
0x41c: {  	[tilespmem:v22+s20+$0x0] =	vst.idx.msk vm2, v63  }
0x41d: {  	vm0 =	vlt.s32 v30, v19;
	[tilespmem:v21+s20+$0x0] =	vst.idx.msk vm3, v61  }
0x41e: {  	v25 =	vsel vm0, v30, v19;
	[tilespmem:v24+s20+$0x0] =	vst.idx.msk vm5, v59  }
0x41f: {  	v1 =	vld [tilespmem:$0x1F960];
	_ =	sdelay $0x2  }
0x420: {  	vm0 =	vlt.s32 v18, v19  }
0x421: {  	v18 =	vsel vm0, v18, v19;
	vm2 =	vlt.s32 v56, v19;
	[tilespmem:v25+s20+$0x0] =	vst.idx.msk vm6, v57  }
0x422: {  	v22 =	vsel vm2, v56, v19;
	vm2 =	vnez.u8 v1;
	v1 =	vld [tilespmem:$0x1F970];
	_ =	sdelay $0x2  }
0x423: {  	vm0 =	vlt.s32 v62, v19  }
0x424: {  	v13 =	vsel vm0, v62, v19;
	vm3 =	vlt.s32 v54, v19;
	[tilespmem:v18+s20+$0x0] =	vst.idx.msk vm10, v55  }
0x425: {  	v23 =	vsel vm3, v54, v19;
	vm3 =	vnez.u8 v1;
	v1 =	vld [tilespmem:$0x1F980];
	_ =	sdelay $0x2  }
0x426: {  	vm1 =	vlt.s32 v60, v19  }
0x427: {  	v20 =	vsel vm1, v60, v19;
	vm1 =	vmmov vm4;
	vm4 =	vlt.s32 v51, v19;
	[tilespmem:v13+s20+$0x0] =	vst.idx.msk vm14, v53  }
0x428: {  	v18 =	vsel vm4, v51, v19;
	vm4 =	vnez.u8 v1;
	v1 =	vld [tilespmem:$0x1F990];
	_ =	sdelay $0x3  }
0x429: {  	vm0 =	vlt.s32 v58, v19;
	vm5 =	vlt.s32 v9, v19  }
0x42a: {  	v21 =	vsel vm0, v58, v19;
	v9 =	vsel vm5, v9, v19;
	vm5 =	vnez.u8 v1;
	v1 =	vld [tilespmem:$0x1F9A0]  }
0x42b: {  	vm2 =	vmmov vm2  }
0x42c: {  	vm3 =	vmmov vm3  }
0x42d: {  	vm4 =	vmmov vm4  }
0x42e: {  	vm6 =	vlt.s32 v0, v19;
	vm5 =	vmmov vm5  }
0x42f: {  	v0 =	vsel vm6, v0, v19;
	[tilespmem:v21+s20+$0x0] =	vst.idx.msk vm1, v5;
	vm7 =	vnez.u8 v1  }
0x430: {  	[tilespmem:v22+s20+$0x0] =	vst.idx.msk vm13, v37  }
0x431: {  	[tilespmem:v23+s20+$0x0] =	vst.idx.msk vm2, v36  }
0x432: {  	[tilespmem:v18+s20+$0x0] =	vst.idx.msk vm3, v35  }
0x433: {  	[tilespmem:v9+s20+$0x0] =	vst.idx.msk vm4, v34  }
0x434: {  	[tilespmem:v0+s20+$0x0] =	vst.idx.msk vm5, v32  }
0x435: {  	[tilespmem:v20+s20+$0x0] =	vst.idx.msk vm7, v10  }
0x436: {  	s0 =	simm.s32 $0x4280;
	v19 =	vld [tilespmem:s26+$0x8B50]  }
0x437: {  	v0 =	vld [tilespmem:s0+$0xFFFFFE00]  }
0x438: {  	v20 =	vld [tilespmem:s0+$0xFFFFFE10]  }
0x439: {  	v21 =	vld [tilespmem:s0+$0xFFFFFE20]  }
0x43a: {  	v22 =	vld [tilespmem:s0+$0xFFFFFE30]  }
0x43b: {  	v24 =	vld [tilespmem:s0+$0xFFFFFE40]  }
0x43c: {  	v27 =	vld [tilespmem:s0+$0xFFFFFE50]  }
0x43d: {  	v25 =	vld [tilespmem:s0+$0xFFFFFE60]  }
0x43e: {  	v28 =	vld [tilespmem:s0+$0xFFFFFE70];
	_ =	sdelay $0x1  }
0x43f: {  	vm0 =	vmmov vm13;
	v1 =	vld [tilespmem:$0x1FFE0]  }
0x440: {  	vm7 =	vge.f32 v0, v19;
	vm0 =	vge.f32 v20, v19;
	vm1 =	vge.f32 v21, v19  }
0x441: {  	vm8 =	vge.f32 v22, v19;
	vm3 =	vge.f32 v24, v19;
	vm10 =	vge.f32 v27, v19  }
0x442: {  	v26 =	vld [tilespmem:s0+$0x20];
	vm5 =	vge.f32 v25, v19;
	vm2 =	vge.f32 v28, v19;
	v5 =	vsel vm7, $0x1, v4  }
0x443: {  	v9 =	vsel vm0, $0x1, v4;
	v10 =	vsel vm1, $0x1, v4;
	v13 =	vsel vm8, $0x1, v4  }
0x444: {  	v30 =	vld [tilespmem:s0+$0x30];
	v18 =	vsel vm3, $0x1, v4;
	v50 =	vsel vm10, $0x1, v4;
	v5 =	vadd.s32 v5, v1  }
0x445: {  	v31 =	vld [tilespmem:s0+$0x0];
	v51 =	vsel vm5, $0x1, v4;
	v1 =	vimm.s32 $0x0;
	v9 =	vadd.s32 v9, v5  }
0x446: {  	v23 =	vld [tilespmem:s0+$0x10];
	v52 =	vsel vm2, $0x1, v4;
	v1 =	vsel vm2, $0xFFFFFFFF, v1;
	v10 =	vadd.s32 v10, v9  }
0x447: {  	v34 =	vld [tilespmem:s0+$0x40];
	vm2 =	vge.f32 v26, v19;
	[tilespmem:$0x1F9B0] =	vst v1;
	v1 =	vimm.s32 $0x0;
	v13 =	vadd.s32 v13, v10  }
0x448: {  	v55 =	vsel vm2, $0x1, v4;
	v37 =	vld [tilespmem:s0+$0x50];
	v1 =	vsel vm2, $0xFFFFFFFF, v1;
	v18 =	vadd.s32 v18, v13  }
0x449: {  	vm2 =	vge.f32 v30, v19;
	v32 =	vadd.s32 v50, v18;
	v50 =	vld [tilespmem:s0+$0x60];
	[tilespmem:$0x1F9C0] =	vst v1;
	v1 =	vimm.s32 $0x0  }
0x44a: {  	vm14 =	vge.f32 v31, v19;
	v33 =	vadd.s32 v51, v32;
	v1 =	vsel vm2, $0xFFFFFFFF, v1  }
0x44b: {  	vm15 =	vge.f32 v23, v19;
	v53 =	vsel vm14, $0x1, v4;
	v35 =	vadd.s32 v52, v33;
	[tilespmem:$0x1F9D0] =	vst v1;
	v1 =	vld [tilespmem:$0x1F9E0]  }
0x44c: {  	vm6 =	vge.f32 v34, v19;
	v54 =	vsel vm15, $0x1, v4;
	v36 =	vadd.s32 v53, v35  }
0x44d: {  	v57 =	vsel vm6, $0x1, v4;
	v38 =	vadd.s32 v54, v36  }
0x44e: {  	v56 =	vsel vm2, $0x1, v4;
	vm2 =	vge.f32 v37, v19;
	v39 =	vadd.s32 v55, v38  }
0x44f: {  	[tilespmem:v17+s20+$0x0] =	vst.idx.msk vm7, v0;
	vm7 =	vlt.s32 v9, v6;
	v58 =	vsel vm2, $0x1, v4;
	v40 =	vadd.s32 v56, v39  }
0x450: {  	vm9 =	vge.f32 v50, v19;
	v41 =	vadd.s32 v57, v40;
	vm4 =	vnez.u8 v1  }
0x451: {  	v59 =	vsel vm9, $0x1, v4;
	v42 =	vadd.s32 v58, v41;
	v54 =	vsel vm4, $0x1, v4  }
0x452: {  	vm4 =	vlt.s32 v40, v6;
	v43 =	vadd.s32 v59, v42;
	vm11 =	vlt.s32 v42, v6  }
0x453: {  	v52 =	vsel vm4, v40, v6;
	vm4 =	vlt.s32 v36, v6;
	v40 =	vsel vm7, v9, v6  }
0x454: {  	v61 =	vld [tilespmem:s0+$0x70];
	vm7 =	vlt.s32 v10, v6;
	v17 =	vadd.s32 v54, v29;
	vm12 =	vlt.s32 v43, v6  }
0x455: {  	v60 =	vsel vm11, v42, v6;
	vm11 =	vlt.s32 v41, v6;
	v48 =	vsel vm4, v36, v6  }
0x456: {  	vm4 =	vlt.s32 v32, v6;
	v62 =	vsel vm12, v43, v6;
	vm12 =	vlt.s32 v39, v6  }
0x457: {  	v63 =	vsel vm11, v41, v6;
	vm11 =	vlt.s32 v38, v6;
	v44 =	vsel vm4, v32, v6  }
0x458: {  	v49 =	vsel vm12, v39, v6;
	vm12 =	vlt.s32 v35, v6;
	v51 =	vsel vm11, v38, v6  }
0x459: {  	s29 =	simm.s32 $0x4680;
	vm11 =	vge.f32 v61, v19;
	v46 =	vsel vm12, v35, v6;
	vm12 =	vlt.s32 v18, v6  }
0x45a: {  	v38 =	vld [tilespmem:s29+$0xFFFFFE00];
	v0 =	vsel vm11, $0x1, v4;
	v42 =	vsel vm12, v18, v6;
	vm12 =	vlt.s32 v33, v6  }
0x45b: {  	v36 =	vld [tilespmem:s29+$0xFFFFFE40];
	v53 =	vadd.s32 v0, v43;
	v43 =	vsel vm7, v10, v6;
	vm7 =	vlt.s32 v13, v6  }
0x45c: {  	v32 =	vld [tilespmem:s29+$0xFFFFFE10];
	v47 =	vsel vm12, v33, v6;
	vm12 =	vlt.s32 v53, v6;
	v45 =	vsel vm7, v13, v6  }
0x45d: {  	v35 =	vld [tilespmem:s29+$0xFFFFFE30];
	vm7 =	vlt.s32 v5, v6;
	[tilespmem:v60+s20+$0x0] =	vst.idx.msk vm9, v50;
	vm9 =	vmmov vm1;
	vm1 =	vmmov vm10  }
0x45e: {  	v33 =	vld [tilespmem:s29+$0xFFFFFE20];
	v39 =	vsel vm12, v53, v6;
	v41 =	vsel vm7, v5, v6;
	vm7 =	vmmov vm0;
	[tilespmem:v63+s20+$0x0] =	vst.idx.msk vm2, v37  }
0x45f: {  	s30 =	simm.s32 $0x10;
	v29 =	vmovc v6;
	v37 =	vld [tilespmem:s29+$0xFFFFFE50];
	vm0 =	vmmov vm3;
	[tilespmem:v62+s20+$0x0] =	vst.idx.msk vm11, v61;
	vm11 =	vmmov vm8;
	vm8 =	vge.f32 v38, v19  }
.LBB2_15:
0x460: {  	_ =	sdelay $0x1  }
0x461: {  	v1 =	vimm.s32 $0x0;
	vm2 =	vge.f32 v32, v19  }
0x462: {  	v1 =	vsel vm2, $0xFFFFFFFF, v1  }
0x463: {  	vm3 =	vge.f32 v33, v19;
	[tilespmem:$0x1F8F0] =	vst v1;
	v1 =	vimm.s32 $0x0  }
0x464: {  	v1 =	vsel vm3, $0xFFFFFFFF, v1  }
0x465: {  	[tilespmem:$0x1F900] =	vst v1;
	v1 =	vld [tilespmem:$0x1F9D0];
	_ =	sdelay $0x2  }
0x466: {  	v0 =	vsel vm8, $0x1, v4  }
0x467: {  	v50 =	vadd.s32 v0, v53;
	v0 =	vsel vm2, $0x1, v4;
	v10 =	vsel vm3, $0x1, v4  }
0x468: {  	vm3 =	vge.f32 v35, v19;
	vm2 =	vnez.u8 v1;
	v1 =	vimm.s32 $0x0  }
0x469: {  	v1 =	vsel vm3, $0xFFFFFFFF, v1  }
0x46a: {  	[tilespmem:$0x1F910] =	vst v1;
	v1 =	vld [tilespmem:$0x1F9C0];
	_ =	sdelay $0x4  }
0x46b: {  	[tilespmem:v49+s20+$0x0] =	vst.idx.msk vm2, v30;
	vm2 =	vnez.u8 v1;
	_ =	sdelay $0x4  }
0x46c: {  	v5 =	vld [tilespmem:s29+$0xFFFFFE60]  }
0x46d: {  	v1 =	vimm.s32 $0x0;
	[tilespmem:v51+s20+$0x0] =	vst.idx.msk vm2, v26;
	vm2 =	vge.f32 v36, v19  }
0x46e: {  	v1 =	vsel vm2, $0xFFFFFFFF, v1  }
0x46f: {  	v30 =	vsel vm2, $0x1, v4;
	vm2 =	vge.f32 v37, v19;
	[tilespmem:$0x1F930] =	vst v1;
	v1 =	vimm.s32 $0x0  }
0x470: {  	v1 =	vsel vm2, $0xFFFFFFFF, v1  }
0x471: {  	v18 =	vsel vm3, $0x1, v4;
	vm3 =	vge.f32 v5, v19;
	[tilespmem:$0x1F940] =	vst v1;
	v1 =	vimm.s32 $0x0  }
0x472: {  	v1 =	vsel vm3, $0xFFFFFFFF, v1  }
0x473: {  	[tilespmem:$0x1F8B0] =	vst v1;
	v1 =	vld [tilespmem:$0x1F9B0];
	_ =	sdelay $0x4  }
0x474: {  	v13 =	vld [tilespmem:s29+$0x0];
	[tilespmem:v46+s20+$0x0] =	vst.idx.msk vm14, v31;
	v31 =	vsel vm2, $0x1, v4;
	vm2 =	vnez.u8 v1  }
0x475: {  	[tilespmem:v52+s20+$0x0] =	vst.idx.msk vm6, v34;
	vm6 =	vmmov vm5;
	v9 =	vld [tilespmem:s29+$0xFFFFFE70];
	_ =	sdelay $0x2  }
0x476: {  	[tilespmem:v48+s20+$0x0] =	vst.idx.msk vm15, v23  }
0x477: {  	v23 =	vld [tilespmem:s29+$0x10];
	v0 =	vadd.s32 v0, v50  }
0x478: {  	v10 =	vadd.s32 v10, v0;
	v1 =	vimm.s32 $0x0;
	[tilespmem:v47+s20+$0x0] =	vst.idx.msk vm2, v28;
	vm2 =	vge.f32 v9, v19  }
0x479: {  	[tilespmem:v44+s20+$0x0] =	vst.idx.msk vm6, v25;
	v18 =	vadd.s32 v18, v10;
	v26 =	vld [tilespmem:s29+$0x20];
	v1 =	vsel vm2, $0xFFFFFFFF, v1  }
0x47a: {  	v25 =	vsel vm2, $0x1, v4;
	vm2 =	vge.f32 v13, v19;
	[tilespmem:$0x1F9B0] =	vst v1;
	v1 =	vimm.s32 $0x0  }
0x47b: {  	[tilespmem:v42+s20+$0x0] =	vst.idx.msk vm1, v27;
	v54 =	vadd.s32 v30, v18;
	v30 =	vld [tilespmem:s29+$0x30];
	v1 =	vsel vm2, $0xFFFFFFFF, v1  }
0x47c: {  	vm1 =	vge.f32 v23, v19;
	[tilespmem:$0x1F890] =	vst v1;
	v1 =	vimm.s32 $0x0  }
0x47d: {  	[tilespmem:v45+s20+$0x0] =	vst.idx.msk vm0, v24;
	v34 =	vld [tilespmem:s29+$0x40];
	v1 =	vsel vm1, $0xFFFFFFFF, v1  }
0x47e: {  	vm0 =	vge.f32 v26, v19;
	[tilespmem:$0x1F8A0] =	vst v1;
	v1 =	vimm.s32 $0x0  }
0x47f: {  	v56 =	vld [tilespmem:s29+$0x50];
	[tilespmem:v43+s20+$0x0] =	vst.idx.msk vm11, v22;
	v1 =	vsel vm0, $0xFFFFFFFF, v1  }
0x480: {  	v22 =	vsel vm0, $0x1, v4;
	vm0 =	vge.f32 v30, v19;
	[tilespmem:$0x1F9C0] =	vst v1;
	v1 =	vimm.s32 $0x0  }
0x481: {  	v57 =	vld [tilespmem:s29+$0x60];
	[tilespmem:v40+s20+$0x0] =	vst.idx.msk vm9, v21;
	v1 =	vsel vm0, $0xFFFFFFFF, v1  }
0x482: {  	v21 =	vsel vm0, $0x1, v4;
	vm0 =	vge.f32 v34, v19;
	[tilespmem:$0x1F9D0] =	vst v1;
	v1 =	vimm.s32 $0x0  }
0x483: {  	v58 =	vld [tilespmem:s29+$0x70];
	v1 =	vsel vm0, $0xFFFFFFFF, v1  }
0x484: {  	v16 =	vsel vm0, $0x1, v4;
	vm0 =	vge.f32 v56, v19;
	[tilespmem:$0x1F8C0] =	vst v1;
	v1 =	vimm.s32 $0x0  }
0x485: {  	v47 =	vadd.s32 v31, v54;
	v28 =	vsel vm3, $0x1, v4;
	v1 =	vsel vm0, $0xFFFFFFFF, v1  }
0x486: {  	v15 =	vsel vm0, $0x1, v4;
	vm0 =	vge.f32 v57, v19;
	[tilespmem:$0x1F920] =	vst v1;
	v1 =	vimm.s32 $0x0  }
0x487: {  	v55 =	vadd.s32 v28, v47;
	v1 =	vsel vm0, $0xFFFFFFFF, v1  }
0x488: {  	v28 =	vmovc v9;
	v9 =	vsel vm0, $0x1, v4;
	vm0 =	vge.f32 v58, v19;
	[tilespmem:$0x1F8E0] =	vst v1;
	v1 =	vimm.s32 $0x0  }
0x489: {  	v31 =	vmovc v13;
	v13 =	vsel vm0, $0x1, v4;
	v1 =	vsel vm0, $0xFFFFFFFF, v1;
	vm0 =	vlt.s32 v0, v29  }
0x48a: {  	v40 =	vsel vm0, v0, v29;
	v0 =	vld [tilespmem:$0x1F8C0];
	_ =	sdelay $0x1  }
0x48b: {  	v42 =	vadd.s32 v25, v55;
	v25 =	vsel vm2, $0x1, v4  }
0x48c: {  	v24 =	vsel vm1, $0x1, v4;
	v44 =	vadd.s32 v25, v42  }
0x48d: {  	vm6 =	vlt.s32 v50, v29;
	v60 =	vadd.s32 v24, v44;
	[tilespmem:$0x1F8D0] =	vst v1  }
0x48e: {  	[tilespmem:v41+s20+$0x0] =	vst.idx.msk vm7, v20;
	v41 =	vsel vm6, v50, v29;
	v61 =	vadd.s32 v22, v60;
	vm6 =	vnez.u8 v0;
	v0 =	vld [tilespmem:$0x1F8D0]  }
0x48f: {  	v62 =	vadd.s32 v21, v61  }
0x490: {  	v63 =	vadd.s32 v16, v62  }
0x491: {  	v25 =	vmov v5;
	v5 =	vadd.s32 v15, v63  }
0x492: {  	v9 =	vadd.s32 v9, v5  }
0x493: {  	vm11 =	vlt.s32 v9, v29;
	vm0 =	vnez.u8 v0  }
0x494: {  	v53 =	vadd.s32 v13, v9;
	v9 =	vsel vm11, v9, v29;
	v0 =	vld [tilespmem:$0x1F8E0];
	_ =	sdelay $0x3  }
0x495: {  	[tilespmem:v39+s20+$0x0] =	vst.idx.msk vm8, v38  }
0x496: {  	vm8 =	vlt.s32 v5, v29;
	[tilespmem:v9+s20+$0x0] =	vst.idx.msk vm0, v58;
	vm0 =	vnez.u8 v0  }
0x497: {  	v5 =	vsel vm8, v5, v29;
	v0 =	vld [tilespmem:$0x1F8F0];
	_ =	sdelay $0x4  }
0x498: {  	[tilespmem:v5+s20+$0x0] =	vst.idx.msk vm0, v57;
	vm0 =	vnez.u8 v0;
	v0 =	vld [tilespmem:$0x1F900];
	_ =	sdelay $0x3  }
0x499: {  	vm7 =	vlt.s32 v60, v29  }
0x49a: {  	v51 =	vsel vm7, v60, v29;
	vm7 =	vmmov vm0;
	vm0 =	vnez.u8 v0;
	v0 =	vld [tilespmem:$0x1F910];
	_ =	sdelay $0x3  }
0x49b: {  	vm9 =	vlt.s32 v63, v29  }
0x49c: {  	v13 =	vsel vm9, v63, v29;
	vm9 =	vmmov vm0;
	vm0 =	vnez.u8 v0;
	v0 =	vld [tilespmem:$0x1F920]  }
0x49d: {  	v1 =	vld [tilespmem:$0x1F890];
	_ =	sdelay $0x3  }
0x49e: {  	vm14 =	vlt.s32 v44, v29;
	vm11 =	vmmov vm0;
	vm0 =	vnez.u8 v0;
	v0 =	vld [tilespmem:$0x1F930]  }
0x49f: {  	v48 =	vsel vm14, v44, v29;
	vm14 =	vnez.u8 v1;
	v1 =	vld [tilespmem:$0x1F8A0];
	_ =	sdelay $0x1  }
0x4a0: {  	vm4 =	vlt.s32 v18, v29;
	s29 =	sadd.s32 $0x400, s29  }
0x4a1: {  	vm15 =	vlt.s32 v54, v29;
	v38 =	vld [tilespmem:s29+$0xFFFFFE00];
	vm5 =	vlt.s32 v47, v29;
	vm1 =	vlt.s32 v10, v29  }
0x4a2: {  	s30 =	sadd.s32 $0x10, s30;
	vm13 =	vlt.s32 v42, v29;
	v43 =	vsel vm1, v10, v29;
	vm1 =	vnez.u8 v0;
	v0 =	vld [tilespmem:$0x1F940]  }
0x4a3: {  	p1 =	slt.u32 s30, $0xF0;
	v46 =	vsel vm13, v42, v29;
	v42 =	vsel vm15, v54, v29;
	vm15 =	vnez.u8 v1;
	v1 =	vld [tilespmem:$0x1F8B0]  }
.Ltmp8:
0x4a4: {  	v20 =	vmovc v32;
	v45 =	vsel vm4, v18, v29;
	v32 =	vld [tilespmem:s29+$0xFFFFFE10];
	vm12 =	vlt.s32 v55, v29;
	v44 =	vsel vm5, v47, v29;
	(pc) =	sbr.rel @p1 .LBB2_15-.Ltmp8, $4  }
0x4a5: {  	v27 =	vmovc v37;
	v37 =	vld [tilespmem:s29+$0xFFFFFE50];
	v47 =	vsel vm12, v55, v29;
	vm10 =	vlt.s32 v61, v29;
	vm3 =	vlt.s32 v62, v29  }
0x4a6: {  	v24 =	vmovc v36;
	v36 =	vld [tilespmem:s29+$0xFFFFFE40];
	v49 =	vsel vm10, v61, v29;
	v52 =	vsel vm3, v62, v29;
	vm2 =	vlt.s32 v53, v6  }
0x4a7: {  	v22 =	vmovc v35;
	v35 =	vld [tilespmem:s29+$0xFFFFFE30];
	vm8 =	vge.f32 v38, v19;
	v39 =	vsel vm2, v53, v6;
	vm2 =	vnez.u8 v0  }
0x4a8: {  	v21 =	vmovc v33;
	v33 =	vld [tilespmem:s29+$0xFFFFFE20];
	v29 =	vmovc v6;
	vm5 =	vnez.u8 v1;
	[tilespmem:v13+s20+$0x0] =	vst.idx.msk vm0, v56;
	vm0 =	vmmov vm1;
	vm1 =	vmmov vm2  }
0x4a9: {  	vm2 =	vge.f32 v32, v19;
	v1 =	vimm.s32 $0x0  }
0x4aa: {  	v1 =	vsel vm2, $0xFFFFFFFF, v1  }
0x4ab: {  	vm3 =	vmmov vm5;
	[tilespmem:$0x1F840] =	vst v1;
	v1 =	vimm.s32 $0x0  }
0x4ac: {  	v1 =	vsel vm3, $0xFFFFFFFF, v1  }
0x4ad: {  	v9 =	vsel vm2, $0x1, v4;
	v5 =	vld [tilespmem:s29+$0xFFFFFE60];
	[tilespmem:$0x1F800] =	vst v1;
	vm2 =	vge.f32 v33, v19;
	v1 =	vimm.s32 $0x0  }
0x4ae: {  	v1 =	vsel vm2, $0xFFFFFFFF, v1  }
0x4af: {  	[tilespmem:$0x1F830] =	vst v1  }
0x4b0: {  	v13 =	vsel vm2, $0x1, v4;
	vm2 =	vge.f32 v35, v19;
	v1 =	vimm.s32 $0x0;
	v10 =	vld [tilespmem:s29+$0xFFFFFE70]  }
0x4b1: {  	v1 =	vsel vm2, $0xFFFFFFFF, v1  }
0x4b2: {  	v50 =	vsel vm2, $0x1, v4;
	vm2 =	vge.f32 v36, v19;
	[tilespmem:$0x1F820] =	vst v1;
	v1 =	vimm.s32 $0x0  }
0x4b3: {  	v0 =	vsel vm8, $0x1, v4;
	v18 =	vld [tilespmem:s29+$0x0];
	v1 =	vsel vm2, $0xFFFFFFFF, v1  }
0x4b4: {  	v0 =	vadd.s32 v0, v53;
	v53 =	vld [tilespmem:s29+$0x10];
	[tilespmem:$0x1F810] =	vst v1  }
0x4b5: {  	v54 =	vsel vm2, $0x1, v4;
	v1 =	vimm.s32 $0x0;
	v55 =	vld [tilespmem:s29+$0x20];
	vm2 =	vge.f32 v10, v19  }
0x4b6: {  	v57 =	vld [tilespmem:s29+$0x30];
	v1 =	vsel vm2, $0xFFFFFFFF, v1  }
0x4b7: {  	v59 =	vld [tilespmem:s29+$0x40];
	[tilespmem:$0x1F850] =	vst v1  }
0x4b8: {  	[tilespmem:v52+s20+$0x0] =	vst.idx.msk vm6, v34  }
0x4b9: {  	v1 =	vld [tilespmem:$0x1F9D0];
	_ =	sdelay $0x4  }
0x4ba: {  	v60 =	vsel vm2, $0x1, v4;
	vm2 =	vnez.u8 v1;
	_ =	sdelay $0x5  }
0x4bb: {  	[tilespmem:v49+s20+$0x0] =	vst.idx.msk vm2, v30  }
0x4bc: {  	v1 =	vld [tilespmem:$0x1F9C0];
	_ =	sdelay $0x4  }
0x4bd: {  	vm2 =	vnez.u8 v1;
	_ =	sdelay $0x3  }
0x4be: {  	[tilespmem:v48+s20+$0x0] =	vst.idx.msk vm15, v23  }
0x4bf: {  	[tilespmem:v46+s20+$0x0] =	vst.idx.msk vm14, v31  }
0x4c0: {  	[tilespmem:v51+s20+$0x0] =	vst.idx.msk vm2, v26  }
0x4c1: {  	v1 =	vld [tilespmem:$0x1F9B0];
	_ =	sdelay $0x4  }
0x4c2: {  	v9 =	vadd.s32 v9, v0;
	vm15 =	vnez.u8 v1  }
0x4c3: {  	v13 =	vadd.s32 v13, v9  }
0x4c4: {  	vm12 =	vge.f32 v37, v19;
	v50 =	vadd.s32 v50, v13  }
0x4c5: {  	v56 =	vsel vm12, $0x1, v4;
	vm4 =	vge.f32 v5, v19;
	v54 =	vadd.s32 v54, v50  }
0x4c6: {  	v58 =	vsel vm4, $0x1, v4;
	v56 =	vadd.s32 v56, v54  }
0x4c7: {  	v58 =	vadd.s32 v58, v56;
	vm13 =	vge.f32 v18, v19;
	v63 =	vld [tilespmem:s29+$0x60]  }
0x4c8: {  	v60 =	vadd.s32 v60, v58;
	v61 =	vld [tilespmem:s29+$0x50];
	v62 =	vsel vm13, $0x1, v4;
	[tilespmem:v47+s20+$0x0] =	vst.idx.msk vm15, v28  }
0x4c9: {  	vm10 =	vge.f32 v53, v19;
	v34 =	vadd.s32 v62, v60;
	v1 =	vld [tilespmem:$0x1F800]  }
0x4ca: {  	v62 =	vsel vm10, $0x1, v4;
	vm6 =	vge.f32 v55, v19;
	vm5 =	vge.f32 v57, v19  }
0x4cb: {  	vm3 =	vge.f32 v59, v19;
	v52 =	vsel vm6, $0x1, v4;
	v30 =	vadd.s32 v62, v34  }
0x4cc: {  	v62 =	vsel vm5, $0x1, v4;
	v49 =	vadd.s32 v52, v30;
	vm14 =	vge.f32 v63, v19  }
0x4cd: {  	v23 =	vadd.s32 v62, v49;
	v62 =	vsel vm3, $0x1, v4;
	vm2 =	vge.f32 v61, v19  }
0x4ce: {  	v31 =	vadd.s32 v62, v23;
	v48 =	vsel vm2, $0x1, v4;
	[tilespmem:v42+s20+$0x0] =	vst.idx.msk vm1, v27;
	vm15 =	vnez.u8 v1  }
0x4cf: {  	v26 =	vld [tilespmem:s29+$0x70];
	v46 =	vadd.s32 v48, v31;
	v28 =	vsel vm14, $0x1, v4;
	[tilespmem:v45+s20+$0x0] =	vst.idx.msk vm0, v24  }
0x4d0: {  	v28 =	vadd.s32 v28, v46;
	vm0 =	vlt.s32 v46, v29;
	[tilespmem:v43+s20+$0x0] =	vst.idx.msk vm11, v22  }
0x4d1: {  	[tilespmem:v40+s20+$0x0] =	vst.idx.msk vm9, v21;
	v22 =	vsel vm0, v46, v29;
	vm0 =	vlt.s32 v31, v29  }
0x4d2: {  	[tilespmem:v41+s20+$0x0] =	vst.idx.msk vm7, v20;
	v21 =	vsel vm0, v31, v29;
	vm0 =	vlt.s32 v23, v29  }
0x4d3: {  	vm1 =	vlt.s32 v28, v29;
	v20 =	vsel vm0, v23, v29;
	vm0 =	vlt.s32 v49, v29  }
0x4d4: {  	v23 =	vsel vm0, v49, v29;
	[tilespmem:v44+s20+$0x0] =	vst.idx.msk vm15, v25;
	vm15 =	vge.f32 v26, v19  }
0x4d5: {  	[tilespmem:v39+s20+$0x0] =	vst.idx.msk vm8, v38;
	v19 =	vsel vm1, v28, v29  }
0x4d6: {  	[tilespmem:v22+s20+$0x0] =	vst.idx.msk vm14, v63  }
0x4d7: {  	[tilespmem:v21+s20+$0x0] =	vst.idx.msk vm2, v61  }
0x4d8: {  	[tilespmem:v20+s20+$0x0] =	vst.idx.msk vm3, v59  }
0x4d9: {  	vm0 =	vlt.s32 v30, v29;
	[tilespmem:v23+s20+$0x0] =	vst.idx.msk vm5, v57  }
0x4da: {  	v24 =	vsel vm0, v30, v29;
	[tilespmem:v19+s20+$0x0] =	vst.idx.msk vm15, v26  }
0x4db: {  	v1 =	vld [tilespmem:$0x1F810];
	_ =	sdelay $0x2  }
0x4dc: {  	vm0 =	vlt.s32 v34, v29  }
0x4dd: {  	vm2 =	vlt.s32 v54, v29;
	v19 =	vsel vm0, v34, v29;
	[tilespmem:v24+s20+$0x0] =	vst.idx.msk vm6, v55  }
0x4de: {  	v23 =	vsel vm2, v54, v29;
	vm2 =	vnez.u8 v1;
	v1 =	vld [tilespmem:$0x1F820];
	_ =	sdelay $0x2  }
0x4df: {  	vm0 =	vlt.s32 v60, v29  }
0x4e0: {  	vm3 =	vlt.s32 v50, v29;
	v22 =	vsel vm0, v60, v29;
	[tilespmem:v19+s20+$0x0] =	vst.idx.msk vm10, v53  }
0x4e1: {  	v24 =	vsel vm3, v50, v29;
	vm3 =	vnez.u8 v1;
	v1 =	vld [tilespmem:$0x1F830];
	_ =	sdelay $0x2  }
0x4e2: {  	vm1 =	vlt.s32 v58, v29  }
0x4e3: {  	v21 =	vsel vm1, v58, v29;
	vm1 =	vmmov vm4;
	vm4 =	vlt.s32 v13, v29;
	[tilespmem:v22+s20+$0x0] =	vst.idx.msk vm13, v18  }
0x4e4: {  	v13 =	vsel vm4, v13, v29;
	vm4 =	vnez.u8 v1;
	v1 =	vld [tilespmem:$0x1F840];
	_ =	sdelay $0x3  }
0x4e5: {  	vm5 =	vlt.s32 v9, v29;
	vm0 =	vlt.s32 v56, v29  }
0x4e6: {  	v9 =	vsel vm5, v9, v29;
	v20 =	vsel vm0, v56, v29;
	vm5 =	vnez.u8 v1;
	v1 =	vld [tilespmem:$0x1F850]  }
0x4e7: {  	vm2 =	vmmov vm2  }
0x4e8: {  	vm3 =	vmmov vm3  }
0x4e9: {  	vm4 =	vmmov vm4  }
0x4ea: {  	vm6 =	vlt.s32 v0, v29;
	vm5 =	vmmov vm5  }
0x4eb: {  	v0 =	vsel vm6, v0, v29;
	[tilespmem:v20+s20+$0x0] =	vst.idx.msk vm1, v5;
	vm7 =	vnez.u8 v1  }
0x4ec: {  	[tilespmem:v23+s20+$0x0] =	vst.idx.msk vm12, v37  }
0x4ed: {  	[tilespmem:v24+s20+$0x0] =	vst.idx.msk vm2, v36  }
0x4ee: {  	[tilespmem:v13+s20+$0x0] =	vst.idx.msk vm3, v35  }
0x4ef: {  	[tilespmem:v9+s20+$0x0] =	vst.idx.msk vm4, v33  }
0x4f0: {  	[tilespmem:v0+s20+$0x0] =	vst.idx.msk vm5, v32  }
0x4f1: {  	[tilespmem:v21+s20+$0x0] =	vst.idx.msk vm7, v10  }
0x4f2: {  	s0 =	simm.s32 $0x4300;
	v19 =	vld [tilespmem:s26+$0x8B60]  }
0x4f3: {  	v0 =	vld [tilespmem:s0+$0xFFFFFE00]  }
0x4f4: {  	v20 =	vld [tilespmem:s0+$0xFFFFFE10]  }
0x4f5: {  	v21 =	vld [tilespmem:s0+$0xFFFFFE20]  }
0x4f6: {  	v22 =	vld [tilespmem:s0+$0xFFFFFE30]  }
0x4f7: {  	v23 =	vld [tilespmem:s0+$0xFFFFFE40]  }
0x4f8: {  	v26 =	vld [tilespmem:s0+$0xFFFFFE50]  }
0x4f9: {  	v24 =	vld [tilespmem:s0+$0xFFFFFE60]  }
0x4fa: {  	v27 =	vld [tilespmem:s0+$0xFFFFFE70];
	_ =	sdelay $0x1  }
0x4fb: {  	vm0 =	vmmov vm12;
	v1 =	vimm.s32 $0x0;
	vm7 =	vge.f32 v0, v19  }
0x4fc: {  	v25 =	vld [tilespmem:s0+$0x20];
	vm0 =	vge.f32 v20, v19;
	vm1 =	vge.f32 v21, v19;
	vm8 =	vge.f32 v22, v19  }
0x4fd: {  	vm3 =	vge.f32 v23, v19;
	vm10 =	vge.f32 v26, v19;
	vm5 =	vge.f32 v24, v19  }
0x4fe: {  	v29 =	vld [tilespmem:s0+$0x30];
	vm2 =	vge.f32 v27, v19;
	v5 =	vsel vm7, $0x1, v4;
	v9 =	vsel vm0, $0x1, v4  }
0x4ff: {  	v30 =	vld [tilespmem:s0+$0x0];
	v10 =	vsel vm1, $0x1, v4;
	v13 =	vsel vm8, $0x1, v4;
	v18 =	vsel vm3, $0x1, v4  }
0x500: {  	v33 =	vld [tilespmem:s0+$0x40];
	v1 =	vsel vm2, $0xFFFFFFFF, v1;
	v52 =	vsel vm2, $0x1, v4;
	v5 =	vadd.s32 v5, v11  }
0x501: {  	vm2 =	vge.f32 v25, v19;
	v11 =	vld [tilespmem:s0+$0x10];
	[tilespmem:$0x1F860] =	vst v1;
	v1 =	vimm.s32 $0x0;
	v9 =	vadd.s32 v9, v5  }
0x502: {  	v55 =	vsel vm2, $0x1, v4;
	v36 =	vld [tilespmem:s0+$0x50];
	v1 =	vsel vm2, $0xFFFFFFFF, v1;
	v10 =	vadd.s32 v10, v9  }
0x503: {  	v49 =	vld [tilespmem:s0+$0x60];
	vm2 =	vge.f32 v29, v19;
	[tilespmem:$0x1F870] =	vst v1;
	v1 =	vimm.s32 $0x0;
	v13 =	vadd.s32 v13, v10  }
0x504: {  	v31 =	vsel vm10, $0x1, v4;
	v1 =	vsel vm2, $0xFFFFFFFF, v1;
	v18 =	vadd.s32 v18, v13  }
0x505: {  	v51 =	vsel vm5, $0x1, v4;
	[tilespmem:$0x1F880] =	vst v1;
	v1 =	vld [tilespmem:$0x1FDE0];
	v31 =	vadd.s32 v31, v18  }
0x506: {  	vm13 =	vge.f32 v30, v19;
	v32 =	vadd.s32 v51, v31  }
0x507: {  	v53 =	vsel vm13, $0x1, v4;
	vm14 =	vge.f32 v11, v19;
	v34 =	vadd.s32 v52, v32  }
0x508: {  	v54 =	vsel vm14, $0x1, v4;
	v35 =	vadd.s32 v53, v34  }
0x509: {  	v60 =	vsel vm15, $0x1, v4;
	v37 =	vadd.s32 v54, v35  }
0x50a: {  	vm6 =	vge.f32 v33, v19;
	v56 =	vsel vm2, $0x1, v4;
	v38 =	vadd.s32 v55, v37  }
0x50b: {  	v57 =	vsel vm6, $0x1, v4;
	vm2 =	vge.f32 v36, v19;
	v39 =	vadd.s32 v56, v38  }
0x50c: {  	vm9 =	vge.f32 v49, v19;
	v58 =	vsel vm2, $0x1, v4;
	v40 =	vadd.s32 v57, v39  }
0x50d: {  	v59 =	vsel vm9, $0x1, v4;
	vm4 =	vlt.s32 v39, v7;
	[tilespmem:v1+s20+$0x0] =	vst.idx.msk vm7, v0;
	vm7 =	vlt.s32 v9, v7  }
0x50e: {  	v41 =	vadd.s32 v58, v40;
	v51 =	vsel vm4, v39, v7;
	vm4 =	vlt.s32 v35, v7  }
0x50f: {  	v39 =	vsel vm7, v9, v7;
	vm7 =	vlt.s32 v10, v7;
	v9 =	vadd.s32 v60, v28  }
0x510: {  	v55 =	vld [tilespmem:s0+$0x70];
	v42 =	vadd.s32 v59, v41;
	vm11 =	vlt.s32 v41, v7;
	v47 =	vsel vm4, v35, v7  }
0x511: {  	vm4 =	vlt.s32 v31, v7;
	vm12 =	vlt.s32 v42, v7;
	v61 =	vsel vm11, v41, v7  }
0x512: {  	vm11 =	vlt.s32 v40, v7;
	v43 =	vsel vm4, v31, v7;
	v62 =	vsel vm12, v42, v7  }
0x513: {  	vm12 =	vlt.s32 v38, v7;
	v63 =	vsel vm11, v40, v7;
	vm11 =	vlt.s32 v37, v7  }
0x514: {  	v48 =	vsel vm12, v38, v7;
	vm12 =	vlt.s32 v34, v7;
	v50 =	vsel vm11, v37, v7  }
0x515: {  	s29 =	simm.s32 $0x4700;
	vm11 =	vge.f32 v55, v19;
	v45 =	vsel vm12, v34, v7;
	vm12 =	vlt.s32 v18, v7  }
0x516: {  	v37 =	vld [tilespmem:s29+$0xFFFFFE00];
	v0 =	vsel vm11, $0x1, v4;
	v41 =	vsel vm12, v18, v7;
	vm12 =	vlt.s32 v32, v7  }
0x517: {  	v35 =	vld [tilespmem:s29+$0xFFFFFE40];
	v52 =	vadd.s32 v0, v42;
	v42 =	vsel vm7, v10, v7;
	vm7 =	vlt.s32 v13, v7  }
0x518: {  	v31 =	vld [tilespmem:s29+$0xFFFFFE10];
	v46 =	vsel vm12, v32, v7;
	vm12 =	vlt.s32 v52, v7;
	v44 =	vsel vm7, v13, v7  }
0x519: {  	v34 =	vld [tilespmem:s29+$0xFFFFFE30];
	vm7 =	vlt.s32 v5, v7;
	[tilespmem:v61+s20+$0x0] =	vst.idx.msk vm9, v49;
	vm9 =	vmmov vm1;
	vm1 =	vmmov vm10  }
0x51a: {  	v32 =	vld [tilespmem:s29+$0xFFFFFE20];
	v38 =	vsel vm12, v52, v7;
	v40 =	vsel vm7, v5, v7;
	vm7 =	vmmov vm0;
	[tilespmem:v63+s20+$0x0] =	vst.idx.msk vm2, v36  }
0x51b: {  	s30 =	simm.s32 $0x10;
	v28 =	vmovc v7;
	v36 =	vld [tilespmem:s29+$0xFFFFFE50];
	vm0 =	vmmov vm3;
	[tilespmem:v62+s20+$0x0] =	vst.idx.msk vm11, v55;
	vm11 =	vmmov vm8;
	vm8 =	vge.f32 v37, v19  }
.LBB2_17:
0x51c: {  	_ =	sdelay $0x1  }
0x51d: {  	v1 =	vimm.s32 $0x0;
	vm2 =	vge.f32 v31, v19  }
0x51e: {  	v1 =	vsel vm2, $0xFFFFFFFF, v1  }
0x51f: {  	vm3 =	vge.f32 v32, v19;
	[tilespmem:$0x1F7A0] =	vst v1;
	v1 =	vimm.s32 $0x0  }
0x520: {  	v1 =	vsel vm3, $0xFFFFFFFF, v1  }
0x521: {  	[tilespmem:$0x1F7B0] =	vst v1;
	v1 =	vld [tilespmem:$0x1F880];
	_ =	sdelay $0x2  }
0x522: {  	v0 =	vsel vm8, $0x1, v4  }
0x523: {  	v49 =	vadd.s32 v0, v52;
	v0 =	vsel vm2, $0x1, v4;
	v13 =	vsel vm3, $0x1, v4  }
0x524: {  	vm3 =	vge.f32 v34, v19;
	vm2 =	vnez.u8 v1;
	v1 =	vimm.s32 $0x0  }
0x525: {  	v1 =	vsel vm3, $0xFFFFFFFF, v1  }
0x526: {  	[tilespmem:$0x1F7C0] =	vst v1;
	v1 =	vld [tilespmem:$0x1F870];
	_ =	sdelay $0x4  }
0x527: {  	[tilespmem:v48+s20+$0x0] =	vst.idx.msk vm2, v29;
	vm2 =	vnez.u8 v1;
	_ =	sdelay $0x4  }
0x528: {  	v5 =	vld [tilespmem:s29+$0xFFFFFE60]  }
0x529: {  	v1 =	vimm.s32 $0x0;
	[tilespmem:v50+s20+$0x0] =	vst.idx.msk vm2, v25;
	vm2 =	vge.f32 v35, v19  }
0x52a: {  	v1 =	vsel vm2, $0xFFFFFFFF, v1  }
0x52b: {  	v29 =	vsel vm2, $0x1, v4;
	vm2 =	vge.f32 v36, v19;
	[tilespmem:$0x1F7E0] =	vst v1;
	v1 =	vimm.s32 $0x0  }
0x52c: {  	v1 =	vsel vm2, $0xFFFFFFFF, v1  }
0x52d: {  	v25 =	vsel vm3, $0x1, v4;
	vm3 =	vge.f32 v5, v19;
	[tilespmem:$0x1F7F0] =	vst v1;
	v1 =	vimm.s32 $0x0  }
0x52e: {  	v1 =	vsel vm3, $0xFFFFFFFF, v1  }
0x52f: {  	[tilespmem:$0x1F760] =	vst v1;
	v1 =	vld [tilespmem:$0x1F860];
	_ =	sdelay $0x4  }
0x530: {  	v18 =	vld [tilespmem:s29+$0x0];
	[tilespmem:v45+s20+$0x0] =	vst.idx.msk vm13, v30;
	v30 =	vsel vm2, $0x1, v4;
	vm2 =	vnez.u8 v1  }
0x531: {  	[tilespmem:v51+s20+$0x0] =	vst.idx.msk vm6, v33;
	vm6 =	vmmov vm5;
	v10 =	vld [tilespmem:s29+$0xFFFFFE70];
	_ =	sdelay $0x2  }
0x532: {  	[tilespmem:v47+s20+$0x0] =	vst.idx.msk vm14, v11  }
0x533: {  	v11 =	vld [tilespmem:s29+$0x10];
	v0 =	vadd.s32 v0, v49  }
0x534: {  	v13 =	vadd.s32 v13, v0;
	v1 =	vimm.s32 $0x0;
	[tilespmem:v46+s20+$0x0] =	vst.idx.msk vm2, v27;
	vm2 =	vge.f32 v10, v19  }
0x535: {  	[tilespmem:v43+s20+$0x0] =	vst.idx.msk vm6, v24;
	v53 =	vadd.s32 v25, v13;
	v25 =	vld [tilespmem:s29+$0x20];
	v1 =	vsel vm2, $0xFFFFFFFF, v1  }
0x536: {  	v24 =	vsel vm2, $0x1, v4;
	vm2 =	vge.f32 v18, v19;
	[tilespmem:$0x1F860] =	vst v1;
	v1 =	vimm.s32 $0x0  }
0x537: {  	[tilespmem:v41+s20+$0x0] =	vst.idx.msk vm1, v26;
	v54 =	vadd.s32 v29, v53;
	v29 =	vld [tilespmem:s29+$0x30];
	v1 =	vsel vm2, $0xFFFFFFFF, v1  }
0x538: {  	vm1 =	vge.f32 v11, v19;
	[tilespmem:$0x1F740] =	vst v1;
	v1 =	vimm.s32 $0x0  }
0x539: {  	[tilespmem:v44+s20+$0x0] =	vst.idx.msk vm0, v23;
	v33 =	vld [tilespmem:s29+$0x40];
	v1 =	vsel vm1, $0xFFFFFFFF, v1  }
0x53a: {  	vm0 =	vge.f32 v25, v19;
	[tilespmem:$0x1F750] =	vst v1;
	v1 =	vimm.s32 $0x0  }
0x53b: {  	v56 =	vld [tilespmem:s29+$0x50];
	[tilespmem:v42+s20+$0x0] =	vst.idx.msk vm11, v22;
	v1 =	vsel vm0, $0xFFFFFFFF, v1  }
0x53c: {  	v22 =	vsel vm0, $0x1, v4;
	vm0 =	vge.f32 v29, v19;
	[tilespmem:$0x1F870] =	vst v1;
	v1 =	vimm.s32 $0x0  }
0x53d: {  	v57 =	vld [tilespmem:s29+$0x60];
	[tilespmem:v39+s20+$0x0] =	vst.idx.msk vm9, v21;
	v1 =	vsel vm0, $0xFFFFFFFF, v1  }
0x53e: {  	v21 =	vsel vm0, $0x1, v4;
	vm0 =	vge.f32 v33, v19;
	[tilespmem:$0x1F880] =	vst v1;
	v1 =	vimm.s32 $0x0  }
0x53f: {  	v58 =	vld [tilespmem:s29+$0x70];
	v1 =	vsel vm0, $0xFFFFFFFF, v1  }
0x540: {  	v16 =	vsel vm0, $0x1, v4;
	vm0 =	vge.f32 v56, v19;
	[tilespmem:$0x1F770] =	vst v1;
	v1 =	vimm.s32 $0x0  }
0x541: {  	v46 =	vadd.s32 v30, v54;
	v27 =	vsel vm3, $0x1, v4;
	v1 =	vsel vm0, $0xFFFFFFFF, v1  }
0x542: {  	v15 =	vsel vm0, $0x1, v4;
	vm0 =	vge.f32 v57, v19;
	[tilespmem:$0x1F7D0] =	vst v1;
	v1 =	vimm.s32 $0x0  }
0x543: {  	v55 =	vadd.s32 v27, v46;
	v1 =	vsel vm0, $0xFFFFFFFF, v1  }
0x544: {  	v27 =	vmovc v10;
	v10 =	vsel vm0, $0x1, v4;
	vm0 =	vge.f32 v58, v19;
	[tilespmem:$0x1F790] =	vst v1;
	v1 =	vimm.s32 $0x0  }
0x545: {  	v30 =	vmovc v18;
	v18 =	vsel vm0, $0x1, v4;
	v1 =	vsel vm0, $0xFFFFFFFF, v1;
	vm0 =	vlt.s32 v0, v28  }
0x546: {  	v39 =	vsel vm0, v0, v28;
	v0 =	vld [tilespmem:$0x1F770];
	_ =	sdelay $0x1  }
0x547: {  	v47 =	vadd.s32 v24, v55;
	v24 =	vsel vm2, $0x1, v4  }
0x548: {  	v23 =	vsel vm1, $0x1, v4;
	v43 =	vadd.s32 v24, v47  }
0x549: {  	vm6 =	vlt.s32 v49, v28;
	v60 =	vadd.s32 v23, v43;
	[tilespmem:$0x1F780] =	vst v1  }
0x54a: {  	[tilespmem:v40+s20+$0x0] =	vst.idx.msk vm7, v20;
	v40 =	vsel vm6, v49, v28;
	v61 =	vadd.s32 v22, v60;
	vm6 =	vnez.u8 v0;
	v0 =	vld [tilespmem:$0x1F780]  }
0x54b: {  	v62 =	vadd.s32 v21, v61  }
0x54c: {  	v63 =	vadd.s32 v16, v62  }
0x54d: {  	v24 =	vmov v5;
	v5 =	vadd.s32 v15, v63  }
0x54e: {  	v10 =	vadd.s32 v10, v5  }
0x54f: {  	vm11 =	vlt.s32 v10, v28;
	vm0 =	vnez.u8 v0  }
0x550: {  	v52 =	vadd.s32 v18, v10;
	v10 =	vsel vm11, v10, v28;
	v0 =	vld [tilespmem:$0x1F790];
	_ =	sdelay $0x3  }
0x551: {  	[tilespmem:v38+s20+$0x0] =	vst.idx.msk vm8, v37  }
0x552: {  	vm8 =	vlt.s32 v5, v28;
	[tilespmem:v10+s20+$0x0] =	vst.idx.msk vm0, v58;
	vm0 =	vnez.u8 v0  }
0x553: {  	v5 =	vsel vm8, v5, v28;
	v0 =	vld [tilespmem:$0x1F7A0];
	_ =	sdelay $0x4  }
0x554: {  	[tilespmem:v5+s20+$0x0] =	vst.idx.msk vm0, v57;
	vm0 =	vnez.u8 v0;
	v0 =	vld [tilespmem:$0x1F7B0];
	_ =	sdelay $0x3  }
0x555: {  	vm7 =	vlt.s32 v60, v28  }
0x556: {  	v50 =	vsel vm7, v60, v28;
	vm7 =	vmmov vm0;
	vm0 =	vnez.u8 v0;
	v0 =	vld [tilespmem:$0x1F7C0];
	_ =	sdelay $0x3  }
0x557: {  	vm9 =	vlt.s32 v63, v28  }
0x558: {  	v18 =	vsel vm9, v63, v28;
	vm9 =	vmmov vm0;
	vm0 =	vnez.u8 v0;
	v0 =	vld [tilespmem:$0x1F7D0]  }
0x559: {  	v1 =	vld [tilespmem:$0x1F740];
	_ =	sdelay $0x3  }
0x55a: {  	vm13 =	vlt.s32 v47, v28;
	vm11 =	vmmov vm0;
	vm0 =	vnez.u8 v0;
	v0 =	vld [tilespmem:$0x1F7E0]  }
0x55b: {  	v45 =	vsel vm13, v47, v28;
	vm13 =	vnez.u8 v1;
	v1 =	vld [tilespmem:$0x1F750];
	_ =	sdelay $0x1  }
0x55c: {  	vm4 =	vlt.s32 v53, v28;
	s29 =	sadd.s32 $0x400, s29  }
0x55d: {  	vm15 =	vlt.s32 v54, v28;
	v37 =	vld [tilespmem:s29+$0xFFFFFE00];
	v44 =	vsel vm4, v53, v28;
	vm1 =	vlt.s32 v13, v28  }
0x55e: {  	s30 =	sadd.s32 $0x10, s30;
	vm14 =	vlt.s32 v43, v28;
	v42 =	vsel vm1, v13, v28;
	vm1 =	vnez.u8 v0;
	v0 =	vld [tilespmem:$0x1F7F0]  }
0x55f: {  	p1 =	slt.u32 s30, $0xF0;
	vm5 =	vlt.s32 v46, v28;
	v47 =	vsel vm14, v43, v28;
	vm14 =	vnez.u8 v1;
	v1 =	vld [tilespmem:$0x1F760]  }
.Ltmp9:
0x560: {  	v20 =	vmovc v31;
	v31 =	vld [tilespmem:s29+$0xFFFFFE10];
	v41 =	vsel vm15, v54, v28;
	vm12 =	vlt.s32 v55, v28;
	v43 =	vsel vm5, v46, v28;
	(pc) =	sbr.rel @p1 .LBB2_17-.Ltmp9, $4  }
0x561: {  	v26 =	vmovc v36;
	v36 =	vld [tilespmem:s29+$0xFFFFFE50];
	v46 =	vsel vm12, v55, v28;
	vm10 =	vlt.s32 v61, v28;
	vm3 =	vlt.s32 v62, v28  }
0x562: {  	v23 =	vmovc v35;
	v35 =	vld [tilespmem:s29+$0xFFFFFE40];
	v48 =	vsel vm10, v61, v28;
	v51 =	vsel vm3, v62, v28;
	vm2 =	vlt.s32 v52, v7  }
0x563: {  	v22 =	vmovc v34;
	v34 =	vld [tilespmem:s29+$0xFFFFFE30];
	vm8 =	vge.f32 v37, v19;
	v38 =	vsel vm2, v52, v7;
	vm2 =	vnez.u8 v0  }
0x564: {  	v21 =	vmovc v32;
	v32 =	vld [tilespmem:s29+$0xFFFFFE20];
	v28 =	vmovc v7;
	vm5 =	vnez.u8 v1;
	[tilespmem:v18+s20+$0x0] =	vst.idx.msk vm0, v56;
	vm0 =	vmmov vm1;
	vm1 =	vmmov vm2  }
0x565: {  	vm2 =	vge.f32 v31, v19;
	v1 =	vimm.s32 $0x0  }
0x566: {  	v1 =	vsel vm2, $0xFFFFFFFF, v1  }
0x567: {  	vm3 =	vmmov vm5;
	[tilespmem:$0x1F6F0] =	vst v1;
	v1 =	vimm.s32 $0x0  }
0x568: {  	v1 =	vsel vm3, $0xFFFFFFFF, v1  }
0x569: {  	v7 =	vsel vm2, $0x1, v4;
	v5 =	vld [tilespmem:s29+$0xFFFFFE60];
	[tilespmem:$0x1F6B0] =	vst v1;
	vm2 =	vge.f32 v32, v19;
	v1 =	vimm.s32 $0x0  }
0x56a: {  	v1 =	vsel vm2, $0xFFFFFFFF, v1  }
0x56b: {  	[tilespmem:$0x1F6E0] =	vst v1  }
0x56c: {  	v13 =	vsel vm2, $0x1, v4;
	vm2 =	vge.f32 v34, v19;
	v1 =	vimm.s32 $0x0;
	v10 =	vld [tilespmem:s29+$0xFFFFFE70]  }
0x56d: {  	v1 =	vsel vm2, $0xFFFFFFFF, v1  }
0x56e: {  	v49 =	vsel vm2, $0x1, v4;
	vm2 =	vge.f32 v35, v19;
	[tilespmem:$0x1F6D0] =	vst v1;
	v1 =	vimm.s32 $0x0  }
0x56f: {  	v0 =	vsel vm8, $0x1, v4;
	v18 =	vld [tilespmem:s29+$0x0];
	v1 =	vsel vm2, $0xFFFFFFFF, v1  }
0x570: {  	v0 =	vadd.s32 v0, v52;
	v52 =	vld [tilespmem:s29+$0x10];
	[tilespmem:$0x1F6C0] =	vst v1  }
0x571: {  	v53 =	vsel vm2, $0x1, v4;
	v1 =	vimm.s32 $0x0;
	v54 =	vld [tilespmem:s29+$0x20];
	vm2 =	vge.f32 v10, v19  }
0x572: {  	v56 =	vld [tilespmem:s29+$0x30];
	v1 =	vsel vm2, $0xFFFFFFFF, v1  }
0x573: {  	v58 =	vld [tilespmem:s29+$0x40];
	[tilespmem:$0x1F700] =	vst v1  }
0x574: {  	[tilespmem:v51+s20+$0x0] =	vst.idx.msk vm6, v33  }
0x575: {  	v1 =	vld [tilespmem:$0x1F880];
	_ =	sdelay $0x4  }
0x576: {  	v59 =	vsel vm2, $0x1, v4;
	vm2 =	vnez.u8 v1;
	_ =	sdelay $0x5  }
0x577: {  	[tilespmem:v48+s20+$0x0] =	vst.idx.msk vm2, v29  }
0x578: {  	v1 =	vld [tilespmem:$0x1F870];
	_ =	sdelay $0x4  }
0x579: {  	vm2 =	vnez.u8 v1;
	_ =	sdelay $0x3  }
0x57a: {  	[tilespmem:v47+s20+$0x0] =	vst.idx.msk vm14, v11  }
0x57b: {  	[tilespmem:v45+s20+$0x0] =	vst.idx.msk vm13, v30  }
0x57c: {  	[tilespmem:v50+s20+$0x0] =	vst.idx.msk vm2, v25  }
0x57d: {  	v1 =	vld [tilespmem:$0x1F860];
	_ =	sdelay $0x4  }
0x57e: {  	vm13 =	vnez.u8 v1;
	_ =	sdelay $0x4  }
0x57f: {  	v7 =	vadd.s32 v7, v0  }
0x580: {  	v13 =	vadd.s32 v13, v7;
	[tilespmem:v46+s20+$0x0] =	vst.idx.msk vm13, v27  }
0x581: {  	vm12 =	vge.f32 v36, v19;
	v49 =	vadd.s32 v49, v13;
	v1 =	vld [tilespmem:$0x1F6B0]  }
0x582: {  	v55 =	vsel vm12, $0x1, v4;
	vm4 =	vge.f32 v5, v19;
	v53 =	vadd.s32 v53, v49  }
0x583: {  	v57 =	vsel vm4, $0x1, v4;
	v55 =	vadd.s32 v55, v53  }
0x584: {  	v57 =	vadd.s32 v57, v55;
	v60 =	vld [tilespmem:s29+$0x50]  }
0x585: {  	vm15 =	vge.f32 v18, v19;
	v59 =	vadd.s32 v59, v57;
	vm10 =	vge.f32 v52, v19;
	v62 =	vld [tilespmem:s29+$0x60]  }
0x586: {  	v61 =	vsel vm15, $0x1, v4;
	v63 =	vsel vm10, $0x1, v4;
	vm13 =	vnez.u8 v1  }
0x587: {  	v33 =	vadd.s32 v61, v59;
	vm6 =	vge.f32 v54, v19;
	vm5 =	vge.f32 v56, v19;
	v25 =	vld [tilespmem:s29+$0x70]  }
0x588: {  	vm3 =	vge.f32 v58, v19;
	v61 =	vsel vm6, $0x1, v4;
	v29 =	vadd.s32 v63, v33  }
0x589: {  	v51 =	vsel vm3, $0x1, v4;
	v63 =	vsel vm5, $0x1, v4;
	v48 =	vadd.s32 v61, v29  }
0x58a: {  	vm14 =	vge.f32 v62, v19;
	v11 =	vadd.s32 v63, v48;
	vm2 =	vge.f32 v60, v19  }
0x58b: {  	v63 =	vsel vm14, $0x1, v4;
	v30 =	vadd.s32 v51, v11;
	v61 =	vsel vm2, $0x1, v4  }
0x58c: {  	v27 =	vadd.s32 v61, v30;
	v1 =	vimm.s32 $0x0;
	[tilespmem:v43+s20+$0x0] =	vst.idx.msk vm13, v24;
	vm13 =	vge.f32 v25, v19  }
0x58d: {  	[tilespmem:v41+s20+$0x0] =	vst.idx.msk vm1, v26;
	v24 =	vadd.s32 v63, v27;
	v1 =	vsel vm13, $0xFFFFFFFF, v1  }
0x58e: {  	vm1 =	vlt.s32 v24, v28;
	[tilespmem:$0x1F730] =	vst v1  }
0x58f: {  	v19 =	vsel vm1, v24, v28;
	[tilespmem:v44+s20+$0x0] =	vst.idx.msk vm0, v23;
	vm0 =	vlt.s32 v27, v28  }
0x590: {  	[tilespmem:v42+s20+$0x0] =	vst.idx.msk vm11, v22;
	v22 =	vsel vm0, v27, v28;
	vm0 =	vlt.s32 v30, v28  }
0x591: {  	[tilespmem:v39+s20+$0x0] =	vst.idx.msk vm9, v21;
	v21 =	vsel vm0, v30, v28;
	vm0 =	vlt.s32 v11, v28  }
0x592: {  	[tilespmem:v40+s20+$0x0] =	vst.idx.msk vm7, v20;
	v11 =	vsel vm0, v11, v28;
	vm0 =	vlt.s32 v48, v28  }
0x593: {  	[tilespmem:v38+s20+$0x0] =	vst.idx.msk vm8, v37;
	v20 =	vsel vm0, v48, v28  }
0x594: {  	[tilespmem:v19+s20+$0x0] =	vst.idx.msk vm13, v25  }
0x595: {  	[tilespmem:v22+s20+$0x0] =	vst.idx.msk vm14, v62  }
0x596: {  	[tilespmem:v21+s20+$0x0] =	vst.idx.msk vm2, v60  }
0x597: {  	vm0 =	vlt.s32 v29, v28;
	[tilespmem:v11+s20+$0x0] =	vst.idx.msk vm3, v58  }
0x598: {  	v23 =	vsel vm0, v29, v28;
	[tilespmem:v20+s20+$0x0] =	vst.idx.msk vm5, v56  }
0x599: {  	v1 =	vld [tilespmem:$0x1F6C0];
	_ =	sdelay $0x2  }
0x59a: {  	vm0 =	vlt.s32 v33, v28  }
0x59b: {  	v19 =	vsel vm0, v33, v28;
	vm2 =	vlt.s32 v53, v28;
	[tilespmem:v23+s20+$0x0] =	vst.idx.msk vm6, v54  }
0x59c: {  	v20 =	vsel vm2, v53, v28;
	vm2 =	vnez.u8 v1;
	v1 =	vld [tilespmem:$0x1F6D0];
	_ =	sdelay $0x2  }
0x59d: {  	vm0 =	vlt.s32 v59, v28  }
0x59e: {  	v22 =	vsel vm0, v59, v28;
	vm3 =	vlt.s32 v49, v28;
	[tilespmem:v19+s20+$0x0] =	vst.idx.msk vm10, v52  }
0x59f: {  	v23 =	vsel vm3, v49, v28;
	vm3 =	vnez.u8 v1;
	v1 =	vld [tilespmem:$0x1F6E0];
	_ =	sdelay $0x2  }
0x5a0: {  	vm1 =	vlt.s32 v57, v28  }
0x5a1: {  	v21 =	vsel vm1, v57, v28;
	vm1 =	vmmov vm4;
	vm4 =	vlt.s32 v13, v28;
	[tilespmem:v22+s20+$0x0] =	vst.idx.msk vm15, v18  }
0x5a2: {  	v13 =	vsel vm4, v13, v28;
	vm4 =	vnez.u8 v1;
	v1 =	vld [tilespmem:$0x1F6F0];
	_ =	sdelay $0x3  }
0x5a3: {  	vm0 =	vlt.s32 v55, v28;
	vm5 =	vlt.s32 v7, v28  }
0x5a4: {  	v11 =	vsel vm0, v55, v28;
	v7 =	vsel vm5, v7, v28;
	vm5 =	vnez.u8 v1;
	v1 =	vld [tilespmem:$0x1F700]  }
0x5a5: {  	vm2 =	vmmov vm2  }
0x5a6: {  	vm3 =	vmmov vm3  }
0x5a7: {  	vm4 =	vmmov vm4  }
0x5a8: {  	vm6 =	vlt.s32 v0, v28;
	vm5 =	vmmov vm5  }
0x5a9: {  	v0 =	vsel vm6, v0, v28;
	[tilespmem:v11+s20+$0x0] =	vst.idx.msk vm1, v5;
	vm7 =	vnez.u8 v1  }
0x5aa: {  	[tilespmem:v20+s20+$0x0] =	vst.idx.msk vm12, v36  }
0x5ab: {  	[tilespmem:v23+s20+$0x0] =	vst.idx.msk vm2, v35  }
0x5ac: {  	[tilespmem:v13+s20+$0x0] =	vst.idx.msk vm3, v34  }
0x5ad: {  	[tilespmem:v7+s20+$0x0] =	vst.idx.msk vm4, v32  }
0x5ae: {  	[tilespmem:v0+s20+$0x0] =	vst.idx.msk vm5, v31  }
0x5af: {  	[tilespmem:v21+s20+$0x0] =	vst.idx.msk vm7, v10  }
0x5b0: {  	s0 =	simm.s32 $0x4380;
	v19 =	vld [tilespmem:s26+$0x8B70]  }
0x5b1: {  	v0 =	vld [tilespmem:s0+$0xFFFFFE00]  }
0x5b2: {  	v7 =	vld [tilespmem:s0+$0xFFFFFE10]  }
0x5b3: {  	v11 =	vld [tilespmem:s0+$0xFFFFFE20]  }
0x5b4: {  	v20 =	vld [tilespmem:s0+$0xFFFFFE30]  }
0x5b5: {  	v21 =	vld [tilespmem:s0+$0xFFFFFE40]  }
0x5b6: {  	v25 =	vld [tilespmem:s0+$0xFFFFFE50]  }
0x5b7: {  	v23 =	vld [tilespmem:s0+$0xFFFFFE60]  }
0x5b8: {  	v26 =	vld [tilespmem:s0+$0xFFFFFE70]  }
0x5b9: {  	v30 =	vld [tilespmem:s0+$0x0]  }
0x5ba: {  	vm0 =	vmmov vm12;
	v1 =	vimm.s32 $0x0;
	v22 =	vld [tilespmem:s0+$0x20]  }
0x5bb: {  	vm7 =	vge.f32 v0, v19;
	vm0 =	vge.f32 v7, v19;
	vm8 =	vge.f32 v11, v19  }
0x5bc: {  	vm10 =	vge.f32 v20, v19;
	vm2 =	vge.f32 v21, v19;
	vm3 =	vge.f32 v25, v19  }
0x5bd: {  	vm1 =	vge.f32 v23, v19;
	vm11 =	vge.f32 v26, v19;
	v5 =	vsel vm7, $0x1, v4  }
0x5be: {  	v28 =	vld [tilespmem:s0+$0x30];
	vm13 =	vge.f32 v30, v19;
	v10 =	vsel vm0, $0x1, v4;
	v5 =	vadd.s32 v5, v12  }
0x5bf: {  	vm4 =	vge.f32 v22, v19;
	v12 =	vsel vm8, $0x1, v4;
	v10 =	vadd.s32 v10, v5  }
0x5c0: {  	v18 =	vsel vm10, $0x1, v4;
	v27 =	vsel vm2, $0x1, v4;
	v13 =	vadd.s32 v12, v10;
	v12 =	vld [tilespmem:s0+$0x10]  }
0x5c1: {  	v31 =	vld [tilespmem:s0+$0x40];
	v29 =	vsel vm3, $0x1, v4;
	v45 =	vsel vm1, $0x1, v4;
	v18 =	vadd.s32 v18, v13  }
0x5c2: {  	v49 =	vld [tilespmem:s0+$0x50];
	v1 =	vsel vm4, $0xFFFFFFFF, v1;
	v55 =	vsel vm4, $0x1, v4;
	v27 =	vadd.s32 v27, v18  }
0x5c3: {  	v51 =	vld [tilespmem:s0+$0x60];
	vm4 =	vge.f32 v28, v19;
	[tilespmem:$0x1F710] =	vst v1;
	v1 =	vimm.s32 $0x0;
	v29 =	vadd.s32 v29, v27  }
0x5c4: {  	v46 =	vsel vm11, $0x1, v4;
	v1 =	vsel vm4, $0xFFFFFFFF, v1;
	v32 =	vadd.s32 v45, v29  }
0x5c5: {  	v47 =	vsel vm13, $0x1, v4;
	[tilespmem:$0x1F720] =	vst v1;
	v1 =	vld [tilespmem:$0x1F730];
	v33 =	vadd.s32 v46, v32;
	vm14 =	vge.f32 v12, v19  }
0x5c6: {  	v34 =	vadd.s32 v47, v33;
	v54 =	vsel vm14, $0x1, v4  }
0x5c7: {  	vm6 =	vge.f32 v31, v19;
	vm12 =	vge.f32 v49, v19;
	v35 =	vadd.s32 v54, v34  }
0x5c8: {  	vm9 =	vge.f32 v51, v19;
	v56 =	vsel vm4, $0x1, v4;
	v36 =	vadd.s32 v55, v35  }
0x5c9: {  	v57 =	vsel vm6, $0x1, v4;
	v58 =	vsel vm12, $0x1, v4;
	v37 =	vadd.s32 v56, v36  }
0x5ca: {  	v59 =	vsel vm9, $0x1, v4;
	vm15 =	vnez.u8 v1;
	v1 =	vld [tilespmem:$0x1FCE0];
	v38 =	vadd.s32 v57, v37  }
0x5cb: {  	v60 =	vsel vm15, $0x1, v4;
	vm15 =	vlt.s32 v37, v8;
	v39 =	vadd.s32 v58, v38  }
0x5cc: {  	v54 =	vld [tilespmem:s0+$0x70];
	v48 =	vsel vm15, v37, v8;
	vm15 =	vlt.s32 v34, v8;
	v40 =	vadd.s32 v59, v39  }
0x5cd: {  	vm5 =	vlt.s32 v39, v8;
	v45 =	vsel vm15, v34, v8;
	vm15 =	vlt.s32 v29, v8  }
0x5ce: {  	vm4 =	vlt.s32 v40, v8;
	v61 =	vsel vm5, v39, v8;
	vm5 =	vlt.s32 v38, v8  }
0x5cf: {  	v41 =	vsel vm15, v29, v8;
	v62 =	vsel vm4, v40, v8;
	vm4 =	vlt.s32 v36, v8  }
0x5d0: {  	v63 =	vsel vm5, v38, v8;
	vm5 =	vlt.s32 v35, v8;
	v46 =	vsel vm4, v36, v8  }
0x5d1: {  	vm4 =	vlt.s32 v33, v8;
	v47 =	vsel vm5, v35, v8;
	vm5 =	vge.f32 v54, v19  }
0x5d2: {  	s26 =	simm.s32 $0x4780;
	vm10 =	vmmov vm10;
	[tilespmem:v1+s20+$0x0] =	vst.idx.msk vm7, v0;
	vm7 =	vlt.s32 v10, v8;
	v35 =	vadd.s32 v60, v24  }
0x5d3: {  	v34 =	vld [tilespmem:s26+$0xFFFFFE00];
	v43 =	vsel vm4, v33, v8;
	vm4 =	vlt.s32 v27, v8;
	v0 =	vsel vm5, $0x1, v4  }
0x5d4: {  	v37 =	vsel vm7, v10, v8;
	vm7 =	vlt.s32 v13, v8;
	v39 =	vsel vm4, v27, v8  }
0x5d5: {  	v29 =	vld [tilespmem:s26+$0xFFFFFE30];
	vm4 =	vlt.s32 v32, v8;
	v50 =	vadd.s32 v0, v40;
	v40 =	vsel vm7, v13, v8  }
0x5d6: {  	v10 =	vld [tilespmem:s26+$0xFFFFFE10];
	vm7 =	vlt.s32 v18, v8;
	v44 =	vsel vm4, v32, v8;
	vm4 =	vlt.s32 v50, v8  }
0x5d7: {  	vm15 =	vmmov vm3;
	v33 =	vld [tilespmem:s26+$0xFFFFFE50];
	v42 =	vsel vm7, v18, v8;
	vm7 =	vlt.s32 v5, v8;
	[tilespmem:v61+s20+$0x0] =	vst.idx.msk vm9, v51  }
0x5d8: {  	v27 =	vld [tilespmem:s26+$0xFFFFFE20];
	vm9 =	vmmov vm8;
	vm8 =	vge.f32 v34, v19;
	v36 =	vsel vm4, v50, v8;
	[tilespmem:v63+s20+$0x0] =	vst.idx.msk vm12, v49  }
0x5d9: {  	s29 =	simm.s32 $0x10;
	v24 =	vmovc v8;
	v32 =	vld [tilespmem:s26+$0xFFFFFE40];
	v38 =	vsel vm7, v5, v8;
	vm7 =	vmmov vm0;
	vm12 =	vmmov vm2;
	[tilespmem:v62+s20+$0x0] =	vst.idx.msk vm5, v54  }
.LBB2_19:
0x5da: {  	_ =	sdelay $0x3  }
0x5db: {  	v1 =	vimm.s32 $0x0;
	vm0 =	vge.f32 v10, v19  }
0x5dc: {  	[tilespmem:v48+s20+$0x0] =	vst.idx.msk vm6, v31;
	v1 =	vsel vm0, $0xFFFFFFFF, v1  }
0x5dd: {  	vm6 =	vmmov vm1;
	vm1 =	vge.f32 v27, v19;
	[tilespmem:$0x1F650] =	vst v1;
	v1 =	vimm.s32 $0x0  }
0x5de: {  	v1 =	vsel vm1, $0xFFFFFFFF, v1  }
0x5df: {  	[tilespmem:$0x1F660] =	vst v1;
	v1 =	vld [tilespmem:$0x1F720];
	_ =	sdelay $0x2  }
0x5e0: {  	v0 =	vsel vm8, $0x1, v4  }
0x5e1: {  	v49 =	vadd.s32 v0, v50;
	v0 =	vsel vm0, $0x1, v4;
	v18 =	vsel vm1, $0x1, v4  }
0x5e2: {  	vm1 =	vge.f32 v29, v19;
	vm0 =	vnez.u8 v1;
	v1 =	vimm.s32 $0x0  }
0x5e3: {  	v1 =	vsel vm1, $0xFFFFFFFF, v1  }
0x5e4: {  	[tilespmem:$0x1F670] =	vst v1;
	v1 =	vld [tilespmem:$0x1F710];
	_ =	sdelay $0x4  }
0x5e5: {  	[tilespmem:v46+s20+$0x0] =	vst.idx.msk vm0, v28;
	vm0 =	vnez.u8 v1;
	_ =	sdelay $0x3  }
0x5e6: {  	v0 =	vadd.s32 v0, v49  }
0x5e7: {  	v5 =	vld [tilespmem:s26+$0xFFFFFE60];
	v18 =	vadd.s32 v18, v0  }
0x5e8: {  	v1 =	vimm.s32 $0x0;
	[tilespmem:v47+s20+$0x0] =	vst.idx.msk vm0, v22;
	v22 =	vsel vm1, $0x1, v4;
	vm0 =	vge.f32 v32, v19  }
0x5e9: {  	v13 =	vld [tilespmem:s26+$0xFFFFFE70];
	[tilespmem:v45+s20+$0x0] =	vst.idx.msk vm14, v12;
	v1 =	vsel vm0, $0xFFFFFFFF, v1;
	v51 =	vadd.s32 v22, v18  }
0x5ea: {  	v28 =	vsel vm0, $0x1, v4;
	vm0 =	vge.f32 v33, v19;
	[tilespmem:$0x1F690] =	vst v1;
	v1 =	vimm.s32 $0x0  }
0x5eb: {  	v46 =	vld [tilespmem:s26+$0x0];
	[tilespmem:v43+s20+$0x0] =	vst.idx.msk vm13, v30;
	v52 =	vadd.s32 v28, v51;
	v1 =	vsel vm0, $0xFFFFFFFF, v1  }
0x5ec: {  	v30 =	vsel vm0, $0x1, v4;
	vm0 =	vge.f32 v5, v19;
	[tilespmem:$0x1F6A0] =	vst v1;
	v1 =	vimm.s32 $0x0  }
0x5ed: {  	[tilespmem:v44+s20+$0x0] =	vst.idx.msk vm11, v26;
	v12 =	vld [tilespmem:s26+$0x10];
	v44 =	vadd.s32 v30, v52;
	v1 =	vsel vm0, $0xFFFFFFFF, v1  }
0x5ee: {  	v26 =	vsel vm0, $0x1, v4;
	vm0 =	vge.f32 v13, v19;
	[tilespmem:$0x1F620] =	vst v1;
	v1 =	vimm.s32 $0x0  }
0x5ef: {  	[tilespmem:v41+s20+$0x0] =	vst.idx.msk vm6, v23;
	v22 =	vld [tilespmem:s26+$0x20];
	v53 =	vadd.s32 v26, v44;
	v1 =	vsel vm0, $0xFFFFFFFF, v1  }
0x5f0: {  	v23 =	vsel vm0, $0x1, v4;
	vm0 =	vge.f32 v46, v19;
	[tilespmem:$0x1F5E0] =	vst v1;
	v1 =	vimm.s32 $0x0  }
0x5f1: {  	[tilespmem:v39+s20+$0x0] =	vst.idx.msk vm15, v25;
	v28 =	vld [tilespmem:s26+$0x30];
	v39 =	vadd.s32 v23, v53;
	v1 =	vsel vm0, $0xFFFFFFFF, v1  }
0x5f2: {  	v23 =	vsel vm0, $0x1, v4;
	vm0 =	vge.f32 v12, v19;
	[tilespmem:$0x1F5F0] =	vst v1;
	v1 =	vimm.s32 $0x0  }
0x5f3: {  	[tilespmem:v42+s20+$0x0] =	vst.idx.msk vm12, v21;
	v31 =	vld [tilespmem:s26+$0x40];
	v41 =	vadd.s32 v23, v39;
	v1 =	vsel vm0, $0xFFFFFFFF, v1  }
0x5f4: {  	v21 =	vsel vm0, $0x1, v4;
	vm0 =	vge.f32 v22, v19;
	[tilespmem:$0x1F610] =	vst v1;
	v1 =	vimm.s32 $0x0  }
0x5f5: {  	v54 =	vld [tilespmem:s26+$0x50];
	[tilespmem:v40+s20+$0x0] =	vst.idx.msk vm10, v20;
	v60 =	vadd.s32 v21, v41;
	v1 =	vsel vm0, $0xFFFFFFFF, v1  }
0x5f6: {  	v20 =	vsel vm0, $0x1, v4;
	vm0 =	vge.f32 v28, v19;
	[tilespmem:$0x1F710] =	vst v1;
	v1 =	vimm.s32 $0x0  }
0x5f7: {  	v55 =	vld [tilespmem:s26+$0x60];
	[tilespmem:v37+s20+$0x0] =	vst.idx.msk vm9, v11;
	v61 =	vadd.s32 v20, v60;
	v1 =	vsel vm0, $0xFFFFFFFF, v1  }
0x5f8: {  	v11 =	vsel vm0, $0x1, v4;
	vm0 =	vge.f32 v31, v19;
	[tilespmem:$0x1F720] =	vst v1;
	v1 =	vimm.s32 $0x0  }
0x5f9: {  	v56 =	vld [tilespmem:s26+$0x70];
	v62 =	vadd.s32 v11, v61;
	v1 =	vsel vm0, $0xFFFFFFFF, v1  }
0x5fa: {  	v11 =	vsel vm0, $0x1, v4;
	vm0 =	vge.f32 v54, v19;
	[tilespmem:$0x1F600] =	vst v1;
	v1 =	vimm.s32 $0x0  }
0x5fb: {  	v63 =	vadd.s32 v11, v62;
	v1 =	vsel vm0, $0xFFFFFFFF, v1  }
0x5fc: {  	v15 =	vsel vm0, $0x1, v4;
	vm0 =	vge.f32 v55, v19;
	[tilespmem:$0x1F680] =	vst v1;
	v1 =	vimm.s32 $0x0  }
0x5fd: {  	v23 =	vmov v5;
	v5 =	vadd.s32 v15, v63;
	v1 =	vsel vm0, $0xFFFFFFFF, v1  }
0x5fe: {  	v15 =	vsel vm0, $0x1, v4;
	vm0 =	vge.f32 v56, v19;
	[tilespmem:$0x1F640] =	vst v1;
	v1 =	vimm.s32 $0x0  }
0x5ff: {  	v26 =	vmovc v13;
	v13 =	vsel vm0, $0x1, v4;
	v1 =	vsel vm0, $0xFFFFFFFF, v1;
	vm0 =	vlt.s32 v0, v24  }
0x600: {  	v37 =	vsel vm0, v0, v24;
	v0 =	vld [tilespmem:$0x1F620];
	_ =	sdelay $0x3  }
0x601: {  	vm1 =	vlt.s32 v18, v24;
	[tilespmem:$0x1F630] =	vst v1  }
0x602: {  	v40 =	vsel vm1, v18, v24;
	vm1 =	vnez.u8 v0;
	v0 =	vld [tilespmem:$0x1F630];
	_ =	sdelay $0x3  }
0x603: {  	[tilespmem:v38+s20+$0x0] =	vst.idx.msk vm7, v7;
	v7 =	vmov v10;
	v10 =	vadd.s32 v15, v5  }
0x604: {  	vm15 =	vlt.s32 v10, v24;
	vm0 =	vnez.u8 v0  }
0x605: {  	v50 =	vadd.s32 v13, v10;
	v13 =	vsel vm15, v10, v24;
	v0 =	vld [tilespmem:$0x1F640];
	_ =	sdelay $0x4  }
0x606: {  	vm12 =	vlt.s32 v5, v24;
	[tilespmem:v13+s20+$0x0] =	vst.idx.msk vm0, v56;
	vm0 =	vnez.u8 v0  }
0x607: {  	v5 =	vsel vm12, v5, v24;
	v0 =	vld [tilespmem:$0x1F650];
	_ =	sdelay $0x4  }
0x608: {  	[tilespmem:v5+s20+$0x0] =	vst.idx.msk vm0, v55;
	vm0 =	vnez.u8 v0;
	v0 =	vld [tilespmem:$0x1F660];
	_ =	sdelay $0x3  }
0x609: {  	vm7 =	vlt.s32 v51, v24  }
0x60a: {  	v42 =	vsel vm7, v51, v24;
	vm7 =	vmmov vm0;
	vm0 =	vnez.u8 v0;
	v0 =	vld [tilespmem:$0x1F670];
	_ =	sdelay $0x1  }
0x60b: {  	v1 =	vld [tilespmem:$0x1F5E0];
	_ =	sdelay $0x1  }
0x60c: {  	vm9 =	vlt.s32 v60, v24  }
0x60d: {  	v47 =	vsel vm9, v60, v24;
	vm9 =	vmmov vm0;
	vm0 =	vnez.u8 v0;
	v0 =	vld [tilespmem:$0x1F680]  }
0x60e: {  	vm11 =	vlt.s32 v39, v24  }
0x60f: {  	v43 =	vsel vm11, v39, v24;
	vm11 =	vnez.u8 v1;
	v1 =	vld [tilespmem:$0x1F5F0];
	_ =	sdelay $0x1  }
0x610: {  	vm10 =	vlt.s32 v63, v24  }
0x611: {  	v57 =	vsel vm10, v63, v24;
	vm10 =	vmmov vm0;
	vm0 =	vnez.u8 v0  }
0x612: {  	vm13 =	vlt.s32 v41, v24;
	v0 =	vld [tilespmem:$0x1F690]  }
0x613: {  	[tilespmem:v36+s20+$0x0] =	vst.idx.msk vm8, v34;
	s26 =	sadd.s32 $0x400, s26;
	v45 =	vsel vm13, v41, v24;
	vm13 =	vnez.u8 v1;
	v1 =	vld [tilespmem:$0x1F600]  }
0x614: {  	v34 =	vld [tilespmem:s26+$0xFFFFFE00];
	_ =	sdelay $0x2  }
0x615: {  	s29 =	sadd.s32 $0x10, s29;
	vm8 =	vlt.s32 v49, v24;
	vm6 =	vlt.s32 v52, v24;
	[tilespmem:v57+s20+$0x0] =	vst.idx.msk vm0, v54;
	vm0 =	vnez.u8 v0;
	v0 =	vld [tilespmem:$0x1F6A0]  }
0x616: {  	p1 =	slt.u32 s29, $0xF0;
	v38 =	vsel vm8, v49, v24;
	v25 =	vmovc v33;
	v39 =	vsel vm6, v52, v24;
	vm6 =	vnez.u8 v1;
	v1 =	vld [tilespmem:$0x1F610]  }
.Ltmp10:
0x617: {  	v33 =	vld [tilespmem:s26+$0xFFFFFE50];
	vm14 =	vlt.s32 v44, v24;
	v30 =	vmovc v46;
	vm5 =	vlt.s32 v53, v24;
	vm8 =	vge.f32 v34, v19;
	(pc) =	sbr.rel @p1 .LBB2_19-.Ltmp10, $4  }
0x618: {  	v41 =	vsel vm14, v44, v24;
	v21 =	vmovc v32;
	v32 =	vld [tilespmem:s26+$0xFFFFFE40];
	vm3 =	vlt.s32 v61, v24;
	vm4 =	vlt.s32 v62, v24  }
0x619: {  	v44 =	vsel vm5, v53, v24;
	v20 =	vmovc v29;
	v46 =	vsel vm3, v61, v24;
	v29 =	vld [tilespmem:s26+$0xFFFFFE30];
	v48 =	vsel vm4, v62, v24  }
0x61a: {  	v11 =	vmovc v27;
	v27 =	vld [tilespmem:s26+$0xFFFFFE20];
	vm2 =	vlt.s32 v50, v8;
	vm12 =	vmmov vm0;
	vm0 =	vnez.u8 v0  }
0x61b: {  	v10 =	vld [tilespmem:s26+$0xFFFFFE10];
	v24 =	vmovc v8;
	v36 =	vsel vm2, v50, v8;
	vm14 =	vnez.u8 v1;
	vm15 =	vmmov vm0  }
0x61c: {  	_ =	sdelay $0x3  }
0x61d: {  	v1 =	vimm.s32 $0x0;
	vm0 =	vge.f32 v10, v19  }
0x61e: {  	v1 =	vsel vm0, $0xFFFFFFFF, v1  }
0x61f: {  	vm5 =	vge.f32 v27, v19;
	[tilespmem:$0x1F5D0] =	vst v1;
	v1 =	vimm.s32 $0x0  }
0x620: {  	v1 =	vsel vm5, $0xFFFFFFFF, v1  }
0x621: {  	v0 =	vsel vm8, $0x1, v4;
	vm4 =	vge.f32 v29, v19;
	v8 =	vld [tilespmem:s26+$0xFFFFFE60];
	[tilespmem:$0x1F5B0] =	vst v1;
	v1 =	vimm.s32 $0x0  }
0x622: {  	v49 =	vadd.s32 v0, v50;
	v1 =	vsel vm4, $0xFFFFFFFF, v1  }
0x623: {  	v5 =	vsel vm5, $0x1, v4;
	vm5 =	vge.f32 v32, v19;
	v50 =	vld [tilespmem:s26+$0xFFFFFE70];
	[tilespmem:$0x1F590] =	vst v1;
	v1 =	vimm.s32 $0x0  }
0x624: {  	v13 =	vld [tilespmem:s26+$0x0];
	v1 =	vsel vm5, $0xFFFFFFFF, v1  }
0x625: {  	v18 =	vsel vm4, $0x1, v4;
	vm4 =	vge.f32 v33, v19;
	v51 =	vld [tilespmem:s26+$0x10];
	[tilespmem:$0x1F570] =	vst v1;
	v1 =	vimm.s32 $0x0  }
0x626: {  	v1 =	vsel vm4, $0xFFFFFFFF, v1  }
0x627: {  	v52 =	vsel vm5, $0x1, v4;
	vm5 =	vge.f32 v8, v19;
	v53 =	vld [tilespmem:s26+$0x20];
	[tilespmem:$0x1F550] =	vst v1;
	v1 =	vimm.s32 $0x0  }
0x628: {  	v1 =	vsel vm5, $0xFFFFFFFF, v1  }
0x629: {  	v54 =	vsel vm4, $0x1, v4;
	vm4 =	vge.f32 v50, v19;
	v55 =	vld [tilespmem:s26+$0x30];
	[tilespmem:$0x1F540] =	vst v1;
	v1 =	vimm.s32 $0x0  }
0x62a: {  	v1 =	vsel vm4, $0xFFFFFFFF, v1  }
0x62b: {  	v56 =	vsel vm5, $0x1, v4;
	vm5 =	vge.f32 v13, v19;
	[tilespmem:$0x1F5C0] =	vst v1;
	v1 =	vimm.s32 $0x0  }
0x62c: {  	v1 =	vsel vm5, $0xFFFFFFFF, v1  }
0x62d: {  	v58 =	vsel vm4, $0x1, v4;
	vm4 =	vge.f32 v51, v19;
	v57 =	vld [tilespmem:s26+$0x40];
	[tilespmem:$0x1F5A0] =	vst v1;
	v1 =	vimm.s32 $0x0  }
0x62e: {  	v1 =	vsel vm4, $0xFFFFFFFF, v1  }
0x62f: {  	v60 =	vsel vm5, $0x1, v4;
	vm5 =	vge.f32 v53, v19;
	v59 =	vld [tilespmem:s26+$0x50];
	[tilespmem:$0x1F580] =	vst v1;
	v1 =	vimm.s32 $0x0  }
0x630: {  	v1 =	vsel vm5, $0xFFFFFFFF, v1  }
0x631: {  	[tilespmem:$0x1F560] =	vst v1;
	v1 =	vld [tilespmem:$0x1FB00];
	_ =	sdelay $0x3  }
0x632: {  	v62 =	vld [tilespmem:s26+$0x60]  }
0x633: {  	v9 =	vadd.s32 v1, v9;
	v1 =	vld [tilespmem:$0x1FB10]  }
0x634: {  	v15 =	vld [tilespmem:s26+$0x70]  }
0x635: {  	v14 =	vadd.s32 v14, v17  }
0x636: {  	v14 =	vxor.u32 $0x80000000, v14;
	v0 =	vsel vm0, $0x1, v4;
	v61 =	vsel vm4, $0x1, v4  }
0x637: {  	(xrf0) =	vmax.scan.msk.u32 $0xffff, v14;
	v63 =	vsel vm5, $0x1, v4;
	vm4 =	vge.f32 v55, v19;
	vm3 =	vge.f32 v57, v19  }
0x638: {  	vm2 =	vge.f32 v59, v19;
	[tilespmem:v48+s20+$0x0] =	vst.idx.msk vm6, v31;
	v9 =	vxor.u32 $0x80000000, v9;
	v35 =	vadd.s32 v1, v35  }
0x639: {  	vm5 =	vge.f32 v62, v19;
	vm0 =	vge.f32 v15, v19;
	(xrf0) =	vmax.scan.msk.u32 $0xffff, v9;
	v19 =	vxor.u32 $0x80000000, v35  }
0x63a: {  	(xrf0) =	vmax.scan.msk.u32 $0xffff, v19;
	v19 =	vld [tilespmem:$0x1F720];
	_ =	sdelay $0x1  }
0x63b: {  	v0 =	vadd.s32 v0, v49  }
0x63c: {  	v5 =	vadd.s32 v5, v0  }
0x63d: {  	v18 =	vadd.s32 v18, v5  }
0x63e: {  	v52 =	vadd.s32 v52, v18;
	vm6 =	vnez.u8 v19  }
0x63f: {  	v54 =	vadd.s32 v54, v52  }
0x640: {  	v56 =	vadd.s32 v56, v54  }
0x641: {  	v58 =	vadd.s32 v58, v56  }
0x642: {  	v60 =	vadd.s32 v60, v58  }
0x643: {  	v61 =	vadd.s32 v61, v60  }
0x644: {  	v63 =	vadd.s32 v63, v61;
	v16 =	vsel vm4, $0x1, v4;
	[tilespmem:v46+s20+$0x0] =	vst.idx.msk vm6, v28  }
0x645: {  	v16 =	vadd.s32 v16, v63;
	v17 =	vsel vm3, $0x1, v4;
	v19 =	vld [tilespmem:$0x1FB20]  }
0x646: {  	v17 =	vadd.s32 v17, v16;
	v1 =	vsel vm2, $0x1, v4  }
0x647: {  	v14 =	vsel vm5, $0x1, v4;
	v1 =	vadd.s32 v1, v17  }
0x648: {  	v9 =	vsel vm0, $0x1, v4;
	v14 =	vadd.s32 v14, v1  }
0x649: {  	v9 =	vadd.s32 v9, v14  }
0x64a: {  	vm1 =	vmmov vm1;
	v9 =	vadd.s32 v19, v9;
	v19 =	vld [tilespmem:$0x1F710];
	_ =	sdelay $0x2  }
0x64b: {  	[tilespmem:v45+s20+$0x0] =	vst.idx.msk vm14, v12  }
0x64c: {  	[tilespmem:v43+s20+$0x0] =	vst.idx.msk vm13, v30  }
0x64d: {  	[tilespmem:v44+s20+$0x0] =	vst.idx.msk vm11, v26;
	vm6 =	vnez.u8 v19  }
0x64e: {  	[tilespmem:v41+s20+$0x0] =	vst.idx.msk vm1, v23  }
0x64f: {  	[tilespmem:v39+s20+$0x0] =	vst.idx.msk vm15, v25  }
0x650: {  	vm14 =	vlt.s32 v14, v24;
	[tilespmem:v42+s20+$0x0] =	vst.idx.msk vm12, v21  }
0x651: {  	vm15 =	vlt.s32 v1, v24;
	[tilespmem:v40+s20+$0x0] =	vst.idx.msk vm10, v20;
	v43 =	vsel vm14, v14, v24  }
0x652: {  	vm10 =	vlt.s32 v16, v24;
	[tilespmem:v38+s20+$0x0] =	vst.idx.msk vm7, v7;
	v1 =	vsel vm15, v1, v24  }
0x653: {  	v7 =	vsel vm10, v16, v24;
	[tilespmem:v47+s20+$0x0] =	vst.idx.msk vm6, v22;
	vm6 =	vlt.s32 v17, v24  }
0x654: {  	[tilespmem:v37+s20+$0x0] =	vst.idx.msk vm9, v11;
	vm11 =	vlt.s32 v63, v24;
	v45 =	vsel vm6, v17, v24  }
0x655: {  	[tilespmem:v36+s20+$0x0] =	vst.idx.msk vm8, v34;
	v46 =	vsel vm11, v63, v24  }
0x656: {  	[tilespmem:v43+s20+$0x0] =	vst.idx.msk vm0, v15  }
0x657: {  	[tilespmem:v1+s20+$0x0] =	vst.idx.msk vm5, v62  }
0x658: {  	[tilespmem:v7+s20+$0x0] =	vst.idx.msk vm3, v57  }
0x659: {  	[tilespmem:v45+s20+$0x0] =	vst.idx.msk vm2, v59  }
0x65a: {  	v7 =	vld [tilespmem:$0x1F540];
	[tilespmem:v46+s20+$0x0] =	vst.idx.msk vm4, v55  }
0x65b: {  	v15 =	vld [tilespmem:$0x1F560];
	_ =	sdelay $0x4  }
0x65c: {  	vm12 =	vlt.s32 v61, v24;
	vm9 =	vnez.u8 v15  }
0x65d: {  	v47 =	vsel vm12, v61, v24;
	_ =	sdelay $0x4  }
0x65e: {  	vm13 =	vlt.s32 v60, v24;
	v12 =	vld [tilespmem:$0x1F550];
	[tilespmem:v47+s20+$0x0] =	vst.idx.msk vm9, v53  }
0x65f: {  	v48 =	vsel vm13, v60, v24;
	v60 =	vld [tilespmem:$0x1F580];
	_ =	sdelay $0x4  }
0x660: {  	vm12 =	vnez.u8 v60;
	_ =	sdelay $0x5  }
0x661: {  	v14 =	vld [tilespmem:$0x1F570];
	[tilespmem:v48+s20+$0x0] =	vst.idx.msk vm12, v51  }
0x662: {  	v61 =	vld [tilespmem:$0x1F5A0];
	_ =	sdelay $0x3  }
0x663: {  	vm6 =	vnez.u8 v7  }
0x664: {  	vm14 =	vlt.s32 v58, v24;
	vm2 =	vmmov vm6;
	vm6 =	vnez.u8 v61  }
0x665: {  	v1 =	vsel vm14, v58, v24;
	_ =	sdelay $0x3  }
0x666: {  	v9 =	vxor.u32 $0x80000000, v9  }
0x667: {  	(xrf0) =	vmax.scan.msk.u32 $0xffff, v9;
	v9 =	vld [tilespmem:$0x1F590];
	[tilespmem:v1+s20+$0x0] =	vst.idx.msk vm6, v13  }
0x668: {  	v1 =	vld [tilespmem:$0x1F5B0];
	_ =	sdelay $0x3  }
0x669: {  	vm8 =	vnez.u8 v12  }
0x66a: {  	vm3 =	vmmov vm8;
	vm8 =	vnez.u8 v1;
	v1 =	vld [tilespmem:$0x1F5C0];
	_ =	sdelay $0x2  }
0x66b: {  	v31, _, _ =	vpop (xrf0)  }
0x66c: {  	(v2sf) =	vpush v31, $0xF;
	v35, _, _ =	vpop (xrf0)  }
0x66d: {  	(v2sf) =	vpush v35, $0xF;
	v41, _, _ =	vpop (xrf0);
	vm15 =	vlt.s32 v56, v24;
	vm9 =	vnez.u8 v1  }
0x66e: {  	(v2sf) =	vpush v41, $0xF;
	v56 =	vsel vm15, v56, v24;
	v44, _, _ =	vpop (xrf0)  }
0x66f: {  	(v2sf) =	vpush v44, $0xF  }
0x670: {  	vm5 =	vlt.s32 v54, v24  }
0x671: {  	vm7 =	vlt.s32 v52, v24;
	v7 =	vsel vm5, v54, v24  }
0x672: {  	v58 =	vsel vm7, v52, v24  }
0x673: {  	[tilespmem:v56+s20+$0x0] =	vst.idx.msk vm9, v50  }
0x674: {  	v1 =	vld [tilespmem:$0x1F5D0];
	_ =	sdelay $0x1  }
0x675: {  	vm10 =	vlt.s32 v18, v24;
	vm11 =	vnez.u8 v14;
	[tilespmem:v7+s20+$0x0] =	vst.idx.msk vm2, v8  }
0x676: {  	vm13 =	vlt.s32 v5, v24;
	vm4 =	vmmov vm11;
	vm14 =	vnez.u8 v9;
	[tilespmem:v58+s20+$0x0] =	vst.idx.msk vm3, v33  }
0x677: {  	s1 =	sshll.u32 s28, $0x2;
	v5 =	vsel vm13, v5, v24;
	v59 =	vsel vm10, v18, v24;
	vm15 =	vmmov vm14;
	v8 =	vld [tilespmem:$0x1FAE0]  }
0x678: {  	s23 =	sand.u32 $0xC, s1;
	vm7 =	vlt.s32 v0, v24;
	vm1 =	vmmov vm8;
	vm11 =	vnez.u8 v1  }
0x679: {  	s1 =	sadd.s32 s4, s1;
	s29 =	sor.u32 $0x1, s23;
	v0 =	vsel vm7, v0, v24;
	vm10 =	vlt.s32 v49, v24;
	vm0 =	vmmov vm11  }
0x67a: {  	s31 =	sor.u32 $0x2, s23;
	s30 =	sor.u32 $0x3, s23;
	s0 =	spop (v2sf);
	v62 =	vlaneseq.u32;
	v7 =	vmov s23;
	v1 =	vsel vm10, v49, v24  }
0x67b: {  	s0 =	sxor.u32 $0x80000000, s0;
	s12 =	spop (v2sf);
	v63 =	vmov s31;
	s31 =	sand.u32 $0x3, s28;
	vm12 =	veq.s32 v7, v62;
	v7 =	vmov s29  }
0x67c: {  	p1 =	sne.s32 s31, $0x3;
	s26 =	spop (v2sf);
	[tilespmem:v59+s20+$0x0] =	vst.idx.msk vm4, v32;
	s29 =	sxor.u32 $0x80000000, s12;
	vm13 =	veq.s32 v7, v62;
	v8 =	vsel vm12, s0, v8  }
.Ltmp11:
0x67d: {  	s28 =	sxor.u32 $0x80000000, s26;
	vm14 =	veq.s32 v63, v62;
	[tilespmem:v5+s20+$0x0] =	vst.idx.msk vm15, v29;
	v7 =	vmov s30;
	v5 =	vsel vm13, s29, v8;
	s29 =	spop (v2sf);
	(pc) =	sbr.rel @p0 .LBB2_22-.Ltmp11, $4  }
0x67e: {  	s1 =	smul.u32 $0x2A, s1;
	[tilespmem:v0+s20+$0x0] =	vst.idx.msk vm1, v27;
	s12 =	sshll.u32 @!p1 s25, $0x3;
	vm15 =	veq.s32 v7, v62;
	v0 =	vsel vm14, s28, v5;
	s30 =	sxor.u32 $0x80000000, s29  }
0x67f: {  	s0 =	sand.u32 @!p1 $0xF0, s12;
	v7 =	vsel vm15, s30, v0;
	[tilespmem:v1+s20+$0x0] =	vst.idx.msk vm0, v10  }
0x680: {  	s31 =	sadd.s32 s3, s1;
	[tilespmem:s0+$0x9B00] =	vst @!p1 v7  }
0x681: {  	v19 =	vlaneseq.u32;
	[hbm4b:s31+s2] =	stream.linear.scatter [tilespmem:s20], [sflag:$0x4], $0x540, $0x38;
	[tilespmem:$0x9C00] =	vst v63  }
.Ltmp12:
0x682: {  	(pc) =	sbr.rel .LBB2_2-.Ltmp12, $4  }
0x683: {  	_ = 	snop  }
0x684: {  	s0 =	sshll.u32 s25, $0xC;
	v0 =	vpsel !p1, $0x0, v7  }
0x685: {  	s25 =	sadd.s32 $0x1, s25;
	s0 =	sadd.s32 s0, s9;
	[tilespmem:$0x1FFD0] =	vst v0  }
0x686: {  	v0 =	vld [tilespmem:$0x1FFF0];
	[tilespmem:s16], [sflag:$0x2] =	stream.strided.gather [hbm4b:s0+s14], $0x4000, s15, s14, $0x38  }
.LBB2_23:
0x687: {  	_ =	sfence.sel $0x180000  }
0x688: {  	[bflag:$0x0] =	sbarrier.arrive $0xFFFF  }
0x689: {  	_ =	strace $0x90000047  }
0x68a: {  	s0 =	stileid.u32;
	[bflag:$0x2] =	sbarrier.arrive $0xFFFF  }
0x68b: {  	p0 =	sne.s32 s0, $0x0;
	s0 =	rddreg [dreg:$0x1]  }
0x68c: {  	s0 =	sadd.s32 @!p0 $0x100000, s0  }
0x68d: {  	[sflag:s0] =	ssyncadd.tile.s32 @!p0 $0x1;
	_ =	shalt  }
.Lfunc_end2:
_tile_overlayer_lowered:
.L_overlay_start_2:
0x68e: {  	(tag) =	ssettag $0x2  }
0x68f: {  	s0 =	rddreg [dreg:$0x0];
	s2 =	stileid.u32  }
0x690: {  	s1 =	rddreg [dreg:$0x1];
	p0 =	sne.s32 s2, $0x0  }
0x691: {  	s3 =	rddreg [dreg:$0x2];
	[bflag:$0x3] =	sbarrier.arrive $0xFFFF;
	s2 =	simm.s32 @!p0 $0x1C05  }
0x692: {  	[timem:s3], [sflag:s2] =	dma.local @!p0 [hbm:s0], s1  }
0x693: {  	s0 =	simm.s32 @!p0 $0x5  }
0x694: {  	_ =	swait.ge @!p0 [sflag:s0], s1  }
0x695: {  	s1 =	ssub.s32 @!p0 $0x0, s1;
	[sflag:s0] =	ssyncset.done @!p0 $0x0  }
0x696: {  	[sflag:s0] =	ssyncadd.s32 @!p0 s1  }
0x697: {  	[bflag:$0x3] =	sbarrier.arrive $0xFFFF  }
0x698: {  	_ =	shalt  }

</sc_bundles>
